<compile_context>
chip_gen: v7x
topology: tpu7x:2x2x1
jax: 0.10.2.dev20260603
libtpu: 0.0.44.dev20260713+nightly
codegen_flags: <defaults>
</compile_context>

<pallas_src>
import functools

import jax
import jax.numpy as jnp
from jax import lax
from jax.experimental import pallas as pl
from jax.experimental.pallas import tpu as pltpu
from jax.experimental.pallas import tpu_sc as plsc

N = 10000
E = 320000
IN = 128
H1 = 4
C1 = 64
HC1 = H1 * C1
OUT = 64

G = 80
NTILE = 16
ROWS_PER_TILE = N // NTILE


_SC_PARAMS = pltpu.CompilerParams(
    use_tc_tiling_on_sc=False, needs_layout_passes=False)
_MESH = plsc.VectorSubcoreMesh(core_axis_name="c", subcore_axis_name="s")


def _att_kernel(P, EPT):
    NCH = EPT // G

    def body(src_r, dstf_r, as_r, ad_r, p_r,
             src_v, dst_f, as_v, ad_v, p_v):
        c = lax.axis_index("c")
        s = lax.axis_index("s")
        pltpu.sync_copy(src_r.at[c, s], src_v)
        pltpu.sync_copy(dstf_r.at[c, s], dst_f)
        pltpu.sync_copy(as_r.at[c], as_v)
        pltpu.sync_copy(ad_r.at[c], ad_v)

        def chunk(g, _):
            off = g * G
            for j in range(G // 16):
                sv = src_v[pl.ds(off + j * 16, 16)]
                dv = dst_f[pl.ds(off + j * 16, 16)]
                for h in range(P):
                    hoff = jnp.full((16,), h, jnp.int32)
                    a_s = plsc.load_gather(as_v, [sv * P + hoff])
                    a_d = plsc.load_gather(ad_v, [dv * P + hoff])
                    e = a_s + a_d
                    p = jnp.exp(jnp.maximum(e, 0.2 * e))
                    p_v[pl.ds(off * P + h * G + j * 16, 16)] = p
            return _

        lax.fori_loop(0, NCH, chunk, None)
        pltpu.sync_copy(p_v, p_r.at[c, s])

    return functools.partial(
        pl.kernel,
        mesh=_MESH,
        compiler_params=_SC_PARAMS,
        out_type=jax.ShapeDtypeStruct((2, NTILE, EPT * P), jnp.float32),
        scratch_types=[
            pltpu.VMEM((EPT,), jnp.int32),
            pltpu.VMEM((EPT,), jnp.int32),
            pltpu.VMEM((N * P,), jnp.float32),
            pltpu.VMEM((N * P,), jnp.float32),
            pltpu.VMEM((EPT * P,), jnp.float32),
        ],
    )(body)


def _msg_kernel(W, P, EPT):
    AW = W + 16
    NCH = EPT // G
    CPH = 64 // 16

    def body(rec_r, dst_r, h_r, out_r, acc, recv, dst_cv, rows, msg, zb, sem):
        c = lax.axis_index("c")
        s = lax.axis_index("s")

        zeros16 = jnp.zeros((16,), jnp.float32)
        for i in range(25):
            for j in range(AW // 16):
                zb[i, pl.ds(j * 16, 16)] = zeros16
        for k in range(ROWS_PER_TILE // 25):
            pltpu.sync_copy(zb, acc.at[pl.ds(s * ROWS_PER_TILE + k * 25, 25)])
        plsc.subcore_barrier()

        iota16 = lax.iota(jnp.int32, 16)

        def chunk(g, _):
            pltpu.sync_copy(rec_r.at[c, s, g], recv)
            pltpu.sync_copy(dst_r.at[c, s, g], dst_cv)
            cp = pltpu.async_copy(h_r.at[recv.at[pl.ds(0, G)]], rows, sem)
            cp.wait()

            def edge(i, _):
                pvec = zeros16
                for h in range(P):
                    pv = plsc.bitcast(plsc.load_gather(
                        recv, [jnp.full((16,), (1 + h) * G, jnp.int32) + i]),
                        jnp.float32)
                    pvec = pvec + jnp.where(iota16 == h, pv, 0.0)
                    for j in range(CPH):
                        col = h * 64 + j * 16
                        msg[i, pl.ds(col, 16)] = rows[i, pl.ds(col, 16)] * pv
                msg[i, pl.ds(W, 16)] = pvec
                return _

            lax.fori_loop(0, G, edge, None)
            pltpu.sync_copy(msg, acc.at[dst_cv], add=True)
            return _

        lax.fori_loop(0, NCH, chunk, None)
        plsc.subcore_barrier()
        pltpu.sync_copy(acc.at[pl.ds(s * ROWS_PER_TILE, ROWS_PER_TILE)],
                        out_r.at[c, pl.ds(s * ROWS_PER_TILE, ROWS_PER_TILE)])

    return functools.partial(
        pl.kernel,
        mesh=_MESH,
        compiler_params=_SC_PARAMS,
        out_type=jax.ShapeDtypeStruct((2, N, AW), jnp.float32),
        scratch_types=[
            pltpu.VMEM_SHARED((N, AW), jnp.float32),
            pltpu.VMEM(((1 + P) * G,), jnp.int32),
            pltpu.VMEM((G,), jnp.int32),
            pltpu.VMEM((G, W), jnp.float32),
            pltpu.VMEM((G, AW), jnp.float32),
            pltpu.VMEM((25, AW), jnp.float32),
            pltpu.SemaphoreType.DMA,
        ],
    )(body)


_att1 = _att_kernel(2, E // NTILE)
_att2 = _att_kernel(1, E // (2 * NTILE))
_msg1 = _msg_kernel(128, 2, E // NTILE)
_msg2 = _msg_kernel(64, 1, E // (2 * NTILE))


def _run_edges(att, msg, src_plain, src_off, dstf, as_t, ad_t, htab, P, EPT):
    NCH = EPT // G
    p = att(src_plain, dstf, as_t, ad_t)
    rec = jnp.concatenate(
        [src_off.reshape(2, NTILE, NCH, 1, G),
         lax.bitcast_convert_type(p, jnp.int32).reshape(2, NTILE, NCH, P, G)],
        axis=3).reshape(2, NTILE, NCH, (1 + P) * G)
    dst_c = dstf.reshape(2, NTILE, NCH, G)
    return msg(rec, dst_c, htab)


def _tc_pre(x_ref, w_ref, a_ref, h_ref, asad_ref):
    h = jnp.dot(x_ref[...], w_ref[...], preferred_element_type=jnp.float32)
    h_ref[...] = h
    asad_ref[...] = jnp.dot(h, a_ref[...], preferred_element_type=jnp.float32)


def _tc_mid(accA_ref, accB_ref, h_ref, asad_ref, w2_ref, a2_ref, b1_ref,
            h2_ref, asad2_ref):
    asad = asad_ref[...]
    p_self = jnp.exp(jax.nn.leaky_relu(asad[:, :H1] + asad[:, H1:], 0.2))
    h = h_ref[...]
    cols = []
    for hd in range(H1):
        acc = accA_ref[...] if hd < 2 else accB_ref[...]
        j = hd % 2
        ps = p_self[:, hd:hd + 1]
        num = acc[:, j * 64:(j + 1) * 64] + ps * h[:, hd * 64:(hd + 1) * 64]
        den = acc[:, 128 + j:129 + j] + ps + 1e-16
        cols.append(num / den)
    out1 = jnp.concatenate(cols, axis=1) + b1_ref[...]
    x2 = jnp.where(out1 > 0, out1, jnp.exp(jnp.minimum(out1, 0.0)) - 1.0)
    h2 = jnp.dot(x2, w2_ref[...], preferred_element_type=jnp.float32)
    h2_ref[...] = h2
    asad2_ref[...] = jnp.dot(h2, a2_ref[...], preferred_element_type=jnp.float32)


def _tc_fin(accA_ref, accB_ref, h2_ref, asad2_ref, b2_ref, out_ref):
    asad2 = asad2_ref[...]
    p_self = jnp.exp(jax.nn.leaky_relu(asad2[:, :1] + asad2[:, 1:], 0.2))
    num = accA_ref[:, :OUT] + accB_ref[:, :OUT] + p_self * h2_ref[...]
    den = accA_ref[:, OUT:OUT + 1] + accB_ref[:, OUT:OUT + 1] + p_self + 1e-16
    out_ref[...] = num / den + b2_ref[...]


_GRID = 10
_BR = N // _GRID


def _row_spec(w):
    return pl.BlockSpec((_BR, w), lambda i: (i, 0))


def _full_spec(r, c):
    return pl.BlockSpec((r, c), lambda i: (0, 0))


def kernel(x, edge_index, W1, a_src1, a_dst1, b1, W2, a_src2, a_dst2, b2):
    f32 = jnp.float32
    src = edge_index[0]
    dst = edge_index[1]

    A1 = jnp.concatenate(
        [jax.scipy.linalg.block_diag(*[a_src1[h][:, None] for h in range(H1)]),
         jax.scipy.linalg.block_diag(*[a_dst1[h][:, None] for h in range(H1)])],
        axis=1)
    A2 = jnp.concatenate([a_src2.T, a_dst2.T], axis=1)

    h1, asad1 = pl.pallas_call(
        _tc_pre,
        grid=(_GRID,),
        in_specs=[_row_spec(IN), _full_spec(IN, HC1), _full_spec(HC1, 2 * H1)],
        out_specs=[_row_spec(HC1), _row_spec(2 * H1)],
        out_shape=[jax.ShapeDtypeStruct((N, HC1), f32),
                   jax.ShapeDtypeStruct((N, 2 * H1), f32)],
    )(x, W1, A1)

    htab1 = jnp.swapaxes(h1.reshape(N, 2, 128), 0, 1).reshape(2 * N, 128)
    as1 = jnp.swapaxes(asad1[:, :H1].reshape(N, 2, 2), 0, 1).reshape(2, N * 2)
    ad1 = jnp.swapaxes(asad1[:, H1:].reshape(N, 2, 2), 0, 1).reshape(2, N * 2)
    srcr = src.reshape(NTILE, E // NTILE)
    src1p = jnp.stack([srcr, srcr])
    src1o = jnp.stack([srcr, srcr + N])
    dstfr = dst.reshape(NTILE, E // NTILE)
    dstf1 = jnp.stack([dstfr, dstfr])
    acc1 = _run_edges(_att1, _msg1, src1p, src1o, dstf1, as1, ad1, htab1,
                      2, E // NTILE)

    b1r = b1.reshape(1, HC1)
    h2, asad2 = pl.pallas_call(
        _tc_mid,
        grid=(_GRID,),
        in_specs=[_row_spec(144), _row_spec(144), _row_spec(HC1),
                  _row_spec(2 * H1), _full_spec(HC1, OUT), _full_spec(OUT, 2),
                  _full_spec(1, HC1)],
        out_specs=[_row_spec(OUT), _row_spec(2)],
        out_shape=[jax.ShapeDtypeStruct((N, OUT), f32),
                   jax.ShapeDtypeStruct((N, 2), f32)],
    )(acc1[0], acc1[1], h1, asad1, W2, A2, b1r)

    as2 = jnp.broadcast_to(asad2[:, 0], (2, N))
    ad2 = jnp.broadcast_to(asad2[:, 1], (2, N))
    src2 = src.reshape(2, NTILE, E // (2 * NTILE))
    dstf2 = dst.reshape(2, NTILE, E // (2 * NTILE))
    acc2 = _run_edges(_att2, _msg2, src2, src2, dstf2, as2, ad2, h2,
                      1, E // (2 * NTILE))

    b2r = b2.reshape(1, OUT)
    out = pl.pallas_call(
        _tc_fin,
        grid=(_GRID,),
        in_specs=[_row_spec(80), _row_spec(80), _row_spec(OUT),
                  _row_spec(2), _full_spec(1, OUT)],
        out_specs=_row_spec(OUT),
        out_shape=jax.ShapeDtypeStruct((N, OUT), f32),
    )(acc2[0], acc2[1], h2, asad2, b2r)
    return out

# --- scband reference (transcript-rebuilt; emitter-appended) ---
"""Pipeline reference for scband-pyg-gat-10282151707719 (READ-ONLY COPY).

The authoritative reference and input builder live on the scoring server;
editing this copy changes nothing except your own understanding.
"""

import jax, jax.numpy as jnp
import numpy as np

N = 10000
E = 320000
IN = 128
H1 = 4
C1 = 64
OUT = 64


def setup_inputs(seed: int = 0) -> dict:
    key = jax.random.key(seed)
    ks = jax.random.split(key, 10)
    x = jax.random.normal(ks[0], (N, IN), dtype=jnp.float32)
    edge_index = jax.random.randint(ks[1], (2, E), 0, N, dtype=jnp.int32)
    # Layer 0: GATConv(128 -> 64, heads=4, concat=True)
    W1 = jax.random.normal(ks[2], (IN, H1 * C1), dtype=jnp.float32) * (1.0 / np.sqrt(IN))
    a_src1 = jax.random.normal(ks[3], (H1, C1), dtype=jnp.float32) * (1.0 / np.sqrt(C1))
    a_dst1 = jax.random.normal(ks[4], (H1, C1), dtype=jnp.float32) * (1.0 / np.sqrt(C1))
    b1 = jnp.zeros((H1 * C1,), dtype=jnp.float32)
    # Layer 1: GATConv(256 -> 64, heads=1, concat=True)
    W2 = jax.random.normal(ks[5], (H1 * C1, 1 * OUT), dtype=jnp.float32) * (1.0 / np.sqrt(H1 * C1))
    a_src2 = jax.random.normal(ks[6], (1, OUT), dtype=jnp.float32) * (1.0 / np.sqrt(OUT))
    a_dst2 = jax.random.normal(ks[7], (1, OUT), dtype=jnp.float32) * (1.0 / np.sqrt(OUT))
    b2 = jnp.zeros((OUT,), dtype=jnp.float32)
    return {"x": x, "edge_index": edge_index, "W1": W1, "a_src1": a_src1, "a_dst1": a_dst1, "b1": b1, "W2": W2, "a_src2": a_src2, "a_dst2": a_dst2, "b2": b2}


def _gat_layer(x, src, dst, W, a_src, a_dst, b, heads, out_ch):
    # PyG GATConv: linear projection per head
    h = (x @ W).reshape(-1, heads, out_ch)
    alpha_src = jnp.sum(h * a_src[None, :, :], axis=-1)  # [N, H]
    alpha_dst = jnp.sum(h * a_dst[None, :, :], axis=-1)  # [N, H]
    e = alpha_src[src] + alpha_dst[dst]                  # [E, H]
    e = jax.nn.leaky_relu(e, negative_slope=0.2)
    # softmax over incoming edges per destination node
    m = jax.ops.segment_max(e, dst, num_segments=N)
    m = jax.lax.stop_gradient(m)
    ex = jnp.exp(e - m[dst])
    s = jax.ops.segment_sum(ex, dst, num_segments=N)
    alpha = ex / (s[dst] + 1e-16)
    msg = h[src] * alpha[:, :, None]                     # [E, H, C]
    out = jax.ops.segment_sum(msg, dst, num_segments=N)  # [N, H, C]
    return out.reshape(N, heads * out_ch) + b


def reference(x, edge_index, W1, a_src1, a_dst1, b1, W2, a_src2, a_dst2, b2):
    # PyG GATConv default add_self_loops=True
    loop = jnp.arange(N, dtype=edge_index.dtype)
    src = jnp.concatenate([edge_index[0], loop])
    dst = jnp.concatenate([edge_index[1], loop])
    # eval mode: F.dropout(p=0.6) and attention dropout are identity
    h = _gat_layer(x, src, dst, W1, a_src1, a_dst1, b1, H1, C1)
    h = jax.nn.elu(h)
    out = _gat_layer(h, src, dst, W2, a_src2, a_dst2, b2, 1, OUT)
    return out

if __name__ == "__main__":
    import jax
    _d = setup_inputs()
    print(jax.jit(kernel)(*tuple(_d.values())))

</pallas_src>

<mosaic_0001>
#map = affine_map<(d0, d1) -> (0, 0, 0, 0)>
#map1 = affine_map<(d0, d1) -> (0, 0)>
#map2 = affine_map<(d0, d1) -> (0, 0, 0)>
module attributes {stable_mosaic.version = 14 : i64} {
  func.func @body(%arg0: i32, %arg1: i32, %arg2: memref<2x16x250x240xi32, #tpu.memory_space<hbm>>, %arg3: memref<2x16x250x80xi32, #tpu.memory_space<hbm>>, %arg4: memref<20000x128xf32, #tpu.memory_space<hbm>>, %arg5: memref<2x10000x144xf32, #tpu.memory_space<hbm>>, %arg6: memref<10000x144xf32, #tpu.memory_space<vmem_shared>>, %arg7: memref<240xi32, #tpu.memory_space<vmem>>, %arg8: memref<80xi32, #tpu.memory_space<vmem>>, %arg9: memref<80x128xf32, #tpu.memory_space<vmem>>, %arg10: memref<80x144xf32, #tpu.memory_space<vmem>>, %arg11: memref<25x144xf32, #tpu.memory_space<vmem>>, %arg12: memref<!tpu.dma_semaphore, #tpu.memory_space<semaphore_mem>>) attributes {dimension_semantics = [#tpu.dimension_semantics<core_parallel>, #tpu.dimension_semantics<subcore_parallel>], iteration_bounds = array<i64: 2, 16>, scalar_prefetch = 0 : i64, scratch_operands = 7 : i64, tpu.core_type = #tpu.core_type<sc_vector_subcore>, window_params = [{transform_indices = #map}, {transform_indices = #map}, {transform_indices = #map1}, {transform_indices = #map2}]} {
    %broadcast_in_dim3A = arith.constant 0.000000e+00 : f32
    %broadcast_in_dim3A_0 = vector.broadcast %broadcast_in_dim3A : f32 to vector<16xf32>
    %swap3A = arith.constant 0 : i32
    %swap3A_1 = arith.index_cast %swap3A : i32 to index
    %swap3A_2 = arith.constant 0 : index
    %swap3A_3 = tpu.vector_load %arg11[%swap3A_1, %swap3A_2] {strides = array<i32>} : memref<25x144xf32, #tpu.memory_space<vmem>>, vector<16xf32>,
    tpu.vector_store %arg11[%swap3A_1, %swap3A_2], %broadcast_in_dim3A_0 {strides = array<i32>} : memref<25x144xf32, #tpu.memory_space<vmem>>, vector<16xf32>,
    %swap3A_4 = arith.constant 0 : i32
    %swap3A_5 = arith.index_cast %swap3A_4 : i32 to index
    %swap3A_6 = arith.constant 16 : index
    %swap3A_7 = tpu.vector_load %arg11[%swap3A_5, %swap3A_6] {strides = array<i32>} : memref<25x144xf32, #tpu.memory_space<vmem>>, vector<16xf32>,
    tpu.vector_store %arg11[%swap3A_5, %swap3A_6], %broadcast_in_dim3A_0 {strides = array<i32>} : memref<25x144xf32, #tpu.memory_space<vmem>>, vector<16xf32>,
    %swap3A_8 = arith.constant 0 : i32
    %swap3A_9 = arith.index_cast %swap3A_8 : i32 to index
    %swap3A_10 = arith.constant 32 : index
    %swap3A_11 = tpu.vector_load %arg11[%swap3A_9, %swap3A_10] {strides = array<i32>} : memref<25x144xf32, #tpu.memory_space<vmem>>, vector<16xf32>,
    tpu.vector_store %arg11[%swap3A_9, %swap3A_10], %broadcast_in_dim3A_0 {strides = array<i32>} : memref<25x144xf32, #tpu.memory_space<vmem>>, vector<16xf32>,
    %swap3A_12 = arith.constant 0 : i32
    %swap3A_13 = arith.index_cast %swap3A_12 : i32 to index
    %swap3A_14 = arith.constant 48 : index
    %swap3A_15 = tpu.vector_load %arg11[%swap3A_13, %swap3A_14] {strides = array<i32>} : memref<25x144xf32, #tpu.memory_space<vmem>>, vector<16xf32>,
    tpu.vector_store %arg11[%swap3A_13, %swap3A_14], %broadcast_in_dim3A_0 {strides = array<i32>} : memref<25x144xf32, #tpu.memory_space<vmem>>, vector<16xf32>,
    %swap3A_16 = arith.constant 0 : i32
    %swap3A_17 = arith.index_cast %swap3A_16 : i32 to index
    %swap3A_18 = arith.constant 64 : index
    %swap3A_19 = tpu.vector_load %arg11[%swap3A_17, %swap3A_18] {strides = array<i32>} : memref<25x144xf32, #tpu.memory_space<vmem>>, vector<16xf32>,
    tpu.vector_store %arg11[%swap3A_17, %swap3A_18], %broadcast_in_dim3A_0 {strides = array<i32>} : memref<25x144xf32, #tpu.memory_space<vmem>>, vector<16xf32>,
    %swap3A_20 = arith.constant 0 : i32
    %swap3A_21 = arith.index_cast %swap3A_20 : i32 to index
    %swap3A_22 = arith.constant 80 : index
    %swap3A_23 = tpu.vector_load %arg11[%swap3A_21, %swap3A_22] {strides = array<i32>} : memref<25x144xf32, #tpu.memory_space<vmem>>, vector<16xf32>,
    tpu.vector_store %arg11[%swap3A_21, %swap3A_22], %broadcast_in_dim3A_0 {strides = array<i32>} : memref<25x144xf32, #tpu.memory_space<vmem>>, vector<16xf32>,
    %swap3A_24 = arith.constant 0 : i32
    %swap3A_25 = arith.index_cast %swap3A_24 : i32 to index
    %swap3A_26 = arith.constant 96 : index
    %swap3A_27 = tpu.vector_load %arg11[%swap3A_25, %swap3A_26] {strides = array<i32>} : memref<25x144xf32, #tpu.memory_space<vmem>>, vector<16xf32>,
    tpu.vector_store %arg11[%swap3A_25, %swap3A_26], %broadcast_in_dim3A_0 {strides = array<i32>} : memref<25x144xf32, #tpu.memory_space<vmem>>, vector<16xf32>,
    %swap3A_28 = arith.constant 0 : i32
    %swap3A_29 = arith.index_cast %swap3A_28 : i32 to index
    %swap3A_30 = arith.constant 112 : index
    %swap3A_31 = tpu.vector_load %arg11[%swap3A_29, %swap3A_30] {strides = array<i32>} : memref<25x144xf32, #tpu.memory_space<vmem>>, vector<16xf32>,
    tpu.vector_store %arg11[%swap3A_29, %swap3A_30], %broadcast_in_dim3A_0 {strides = array<i32>} : memref<25x144xf32, #tpu.memory_space<vmem>>, vector<16xf32>,
    %swap3A_32 = arith.constant 0 : i32
    %swap3A_33 = arith.index_cast %swap3A_32 : i32 to index
    %swap3A_34 = arith.constant 128 : index
    %swap3A_35 = tpu.vector_load %arg11[%swap3A_33, %swap3A_34] {strides = array<i32>} : memref<25x144xf32, #tpu.memory_space<vmem>>, vector<16xf32>,
    tpu.vector_store %arg11[%swap3A_33, %swap3A_34], %broadcast_in_dim3A_0 {strides = array<i32>} : memref<25x144xf32, #tpu.memory_space<vmem>>, vector<16xf32>,
    %swap3A_36 = arith.constant 1 : i32
    %swap3A_37 = arith.index_cast %swap3A_36 : i32 to index
    %swap3A_38 = arith.constant 0 : index
    %swap3A_39 = tpu.vector_load %arg11[%swap3A_37, %swap3A_38] {strides = array<i32>} : memref<25x144xf32, #tpu.memory_space<vmem>>, vector<16xf32>,
    tpu.vector_store %arg11[%swap3A_37, %swap3A_38], %broadcast_in_dim3A_0 {strides = array<i32>} : memref<25x144xf32, #tpu.memory_space<vmem>>, vector<16xf32>,
    %swap3A_40 = arith.constant 1 : i32
    %swap3A_41 = arith.index_cast %swap3A_40 : i32 to index
    %swap3A_42 = arith.constant 16 : index
    %swap3A_43 = tpu.vector_load %arg11[%swap3A_41, %swap3A_42] {strides = array<i32>} : memref<25x144xf32, #tpu.memory_space<vmem>>, vector<16xf32>,
    tpu.vector_store %arg11[%swap3A_41, %swap3A_42], %broadcast_in_dim3A_0 {strides = array<i32>} : memref<25x144xf32, #tpu.memory_space<vmem>>, vector<16xf32>,
    %swap3A_44 = arith.constant 1 : i32
    %swap3A_45 = arith.index_cast %swap3A_44 : i32 to index
    %swap3A_46 = arith.constant 32 : index
    %swap3A_47 = tpu.vector_load %arg11[%swap3A_45, %swap3A_46] {strides = array<i32>} : memref<25x144xf32, #tpu.memory_space<vmem>>, vector<16xf32>,
    tpu.vector_store %arg11[%swap3A_45, %swap3A_46], %broadcast_in_dim3A_0 {strides = array<i32>} : memref<25x144xf32, #tpu.memory_space<vmem>>, vector<16xf32>,
    %swap3A_48 = arith.constant 1 : i32
    %swap3A_49 = arith.index_cast %swap3A_48 : i32 to index
    %swap3A_50 = arith.constant 48 : index
    %swap3A_51 = tpu.vector_load %arg11[%swap3A_49, %swap3A_50] {strides = array<i32>} : memref<25x144xf32, #tpu.memory_space<vmem>>, vector<16xf32>,
    tpu.vector_store %arg11[%swap3A_49, %swap3A_50], %broadcast_in_dim3A_0 {strides = array<i32>} : memref<25x144xf32, #tpu.memory_space<vmem>>, vector<16xf32>,
    %swap3A_52 = arith.constant 1 : i32
    %swap3A_53 = arith.index_cast %swap3A_52 : i32 to index
    %swap3A_54 = arith.constant 64 : index
    %swap3A_55 = tpu.vector_load %arg11[%swap3A_53, %swap3A_54] {strides = array<i32>} : memref<25x144xf32, #tpu.memory_space<vmem>>, vector<16xf32>,
    tpu.vector_store %arg11[%swap3A_53, %swap3A_54], %broadcast_in_dim3A_0 {strides = array<i32>} : memref<25x144xf32, #tpu.memory_space<vmem>>, vector<16xf32>,
    %swap3A_56 = arith.constant 1 : i32
    %swap3A_57 = arith.index_cast %swap3A_56 : i32 to index
    %swap3A_58 = arith.constant 80 : index
    %swap3A_59 = tpu.vector_load %arg11[%swap3A_57, %swap3A_58] {strides = array<i32>} : memref<25x144xf32, #tpu.memory_space<vmem>>, vector<16xf32>,
    tpu.vector_store %arg11[%swap3A_57, %swap3A_58], %broadcast_in_dim3A_0 {strides = array<i32>} : memref<25x144xf32, #tpu.memory_space<vmem>>, vector<16xf32>,
    %swap3A_60 = arith.constant 1 : i32
    %swap3A_61 = arith.index_cast %swap3A_60 : i32 to index
    %swap3A_62 = arith.constant 96 : index
    %swap3A_63 = tpu.vector_load %arg11[%swap3A_61, %swap3A_62] {strides = array<i32>} : memref<25x144xf32, #tpu.memory_space<vmem>>, vector<16xf32>,
    tpu.vector_store %arg11[%swap3A_61, %swap3A_62], %broadcast_in_dim3A_0 {strides = array<i32>} : memref<25x144xf32, #tpu.memory_space<vmem>>, vector<16xf32>,
    %swap3A_64 = arith.constant 1 : i32
    %swap3A_65 = arith.index_cast %swap3A_64 : i32 to index
    %swap3A_66 = arith.constant 112 : index
    %swap3A_67 = tpu.vector_load %arg11[%swap3A_65, %swap3A_66] {strides = array<i32>} : memref<25x144xf32, #tpu.memory_space<vmem>>, vector<16xf32>,
    tpu.vector_store %arg11[%swap3A_65, %swap3A_66], %broadcast_in_dim3A_0 {strides = array<i32>} : memref<25x144xf32, #tpu.memory_space<vmem>>, vector<16xf32>,
    %swap3A_68 = arith.constant 1 : i32
    %swap3A_69 = arith.index_cast %swap3A_68 : i32 to index
    %swap3A_70 = arith.constant 128 : index
    %swap3A_71 = tpu.vector_load %arg11[%swap3A_69, %swap3A_70] {strides = array<i32>} : memref<25x144xf32, #tpu.memory_space<vmem>>, vector<16xf32>,
    tpu.vector_store %arg11[%swap3A_69, %swap3A_70], %broadcast_in_dim3A_0 {strides = array<i32>} : memref<25x144xf32, #tpu.memory_space<vmem>>, vector<16xf32>,
    %swap3A_72 = arith.constant 2 : i32
    %swap3A_73 = arith.index_cast %swap3A_72 : i32 to index
    %swap3A_74 = arith.constant 0 : index
    %swap3A_75 = tpu.vector_load %arg11[%swap3A_73, %swap3A_74] {strides = array<i32>} : memref<25x144xf32, #tpu.memory_space<vmem>>, vector<16xf32>,
    tpu.vector_store %arg11[%swap3A_73, %swap3A_74], %broadcast_in_dim3A_0 {strides = array<i32>} : memref<25x144xf32, #tpu.memory_space<vmem>>, vector<16xf32>,
    %swap3A_76 = arith.constant 2 : i32
    %swap3A_77 = arith.index_cast %swap3A_76 : i32 to index
    %swap3A_78 = arith.constant 16 : index
    %swap3A_79 = tpu.vector_load %arg11[%swap3A_77, %swap3A_78] {strides = array<i32>} : memref<25x144xf32, #tpu.memory_space<vmem>>, vector<16xf32>,
    tpu.vector_store %arg11[%swap3A_77, %swap3A_78], %broadcast_in_dim3A_0 {strides = array<i32>} : memref<25x144xf32, #tpu.memory_space<vmem>>, vector<16xf32>,
    %swap3A_80 = arith.constant 2 : i32
    %swap3A_81 = arith.index_cast %swap3A_80 : i32 to index
    %swap3A_82 = arith.constant 32 : index
    %swap3A_83 = tpu.vector_load %arg11[%swap3A_81, %swap3A_82] {strides = array<i32>} : memref<25x144xf32, #tpu.memory_space<vmem>>, vector<16xf32>,
    tpu.vector_store %arg11[%swap3A_81, %swap3A_82], %broadcast_in_dim3A_0 {strides = array<i32>} : memref<25x144xf32, #tpu.memory_space<vmem>>, vector<16xf32>,
    %swap3A_84 = arith.constant 2 : i32
    %swap3A_85 = arith.index_cast %swap3A_84 : i32 to index
    %swap3A_86 = arith.constant 48 : index
    %swap3A_87 = tpu.vector_load %arg11[%swap3A_85, %swap3A_86] {strides = array<i32>} : memref<25x144xf32, #tpu.memory_space<vmem>>, vector<16xf32>,
    tpu.vector_store %arg11[%swap3A_85, %swap3A_86], %broadcast_in_dim3A_0 {strides = array<i32>} : memref<25x144xf32, #tpu.memory_space<vmem>>, vector<16xf32>,
    %swap3A_88 = arith.constant 2 : i32
    %swap3A_89 = arith.index_cast %swap3A_88 : i32 to index
    %swap3A_90 = arith.constant 64 : index
    %swap3A_91 = tpu.vector_load %arg11[%swap3A_89, %swap3A_90] {strides = array<i32>} : memref<25x144xf32, #tpu.memory_space<vmem>>, vector<16xf32>,
    tpu.vector_store %arg11[%swap3A_89, %swap3A_90], %broadcast_in_dim3A_0 {strides = array<i32>} : memref<25x144xf32, #tpu.memory_space<vmem>>, vector<16xf32>,
    %swap3A_92 = arith.constant 2 : i32
    %swap3A_93 = arith.index_cast %swap3A_92 : i32 to index
    %swap3A_94 = arith.constant 80 : index
    %swap3A_95 = tpu.vector_load %arg11[%swap3A_93, %swap3A_94] {strides = array<i32>} : memref<25x144xf32, #tpu.memory_space<vmem>>, vector<16xf32>,
    tpu.vector_store %arg11[%swap3A_93, %swap3A_94], %broadcast_in_dim3A_0 {strides = array<i32>} : memref<25x144xf32, #tpu.memory_space<vmem>>, vector<16xf32>,
    %swap3A_96 = arith.constant 2 : i32
    %swap3A_97 = arith.index_cast %swap3A_96 : i32 to index
    %swap3A_98 = arith.constant 96 : index
    %swap3A_99 = tpu.vector_load %arg11[%swap3A_97, %swap3A_98] {strides = array<i32>} : memref<25x144xf32, #tpu.memory_space<vmem>>, vector<16xf32>,
    tpu.vector_store %arg11[%swap3A_97, %swap3A_98], %broadcast_in_dim3A_0 {strides = array<i32>} : memref<25x144xf32, #tpu.memory_space<vmem>>, vector<16xf32>,
    %swap3A_100 = arith.constant 2 : i32
    %swap3A_101 = arith.index_cast %swap3A_100 : i32 to index
    %swap3A_102 = arith.constant 112 : index
    %swap3A_103 = tpu.vector_load %arg11[%swap3A_101, %swap3A_102] {strides = array<i32>} : memref<25x144xf32, #tpu.memory_space<vmem>>, vector<16xf32>,
    tpu.vector_store %arg11[%swap3A_101, %swap3A_102], %broadcast_in_dim3A_0 {strides = array<i32>} : memref<25x144xf32, #tpu.memory_space<vmem>>, vector<16xf32>,
    %swap3A_104 = arith.constant 2 : i32
    %swap3A_105 = arith.index_cast %swap3A_104 : i32 to index
    %swap3A_106 = arith.constant 128 : index
    %swap3A_107 = tpu.vector_load %arg11[%swap3A_105, %swap3A_106] {strides = array<i32>} : memref<25x144xf32, #tpu.memory_space<vmem>>, vector<16xf32>,
    tpu.vector_store %arg11[%swap3A_105, %swap3A_106], %broadcast_in_dim3A_0 {strides = array<i32>} : memref<25x144xf32, #tpu.memory_space<vmem>>, vector<16xf32>,
    %swap3A_108 = arith.constant 3 : i32
    %swap3A_109 = arith.index_cast %swap3A_108 : i32 to index
    %swap3A_110 = arith.constant 0 : index
    %swap3A_111 = tpu.vector_load %arg11[%swap3A_109, %swap3A_110] {strides = array<i32>} : memref<25x144xf32, #tpu.memory_space<vmem>>, vector<16xf32>,
    tpu.vector_store %arg11[%swap3A_109, %swap3A_110], %broadcast_in_dim3A_0 {strides = array<i32>} : memref<25x144xf32, #tpu.memory_space<vmem>>, vector<16xf32>,
    %swap3A_112 = arith.constant 3 : i32
    %swap3A_113 = arith.index_cast %swap3A_112 : i32 to index
    %swap3A_114 = arith.constant 16 : index
    %swap3A_115 = tpu.vector_load %arg11[%swap3A_113, %swap3A_114] {strides = array<i32>} : memref<25x144xf32, #tpu.memory_space<vmem>>, vector<16xf32>,
    tpu.vector_store %arg11[%swap3A_113, %swap3A_114], %broadcast_in_dim3A_0 {strides = array<i32>} : memref<25x144xf32, #tpu.memory_space<vmem>>, vector<16xf32>,
    %swap3A_116 = arith.constant 3 : i32
    %swap3A_117 = arith.index_cast %swap3A_116 : i32 to index
    %swap3A_118 = arith.constant 32 : index
    %swap3A_119 = tpu.vector_load %arg11[%swap3A_117, %swap3A_118] {strides = array<i32>} : memref<25x144xf32, #tpu.memory_space<vmem>>, vector<16xf32>,
    tpu.vector_store %arg11[%swap3A_117, %swap3A_118], %broadcast_in_dim3A_0 {strides = array<i32>} : memref<25x144xf32, #tpu.memory_space<vmem>>, vector<16xf32>,
    %swap3A_120 = arith.constant 3 : i32
    %swap3A_121 = arith.index_cast %swap3A_120 : i32 to index
    %swap3A_122 = arith.constant 48 : index
    %swap3A_123 = tpu.vector_load %arg11[%swap3A_121, %swap3A_122] {strides = array<i32>} : memref<25x144xf32, #tpu.memory_space<vmem>>, vector<16xf32>,
    tpu.vector_store %arg11[%swap3A_121, %swap3A_122], %broadcast_in_dim3A_0 {strides = array<i32>} : memref<25x144xf32, #tpu.memory_space<vmem>>, vector<16xf32>,
    %swap3A_124 = arith.constant 3 : i32
    %swap3A_125 = arith.index_cast %swap3A_124 : i32 to index
    %swap3A_126 = arith.constant 64 : index
    %swap3A_127 = tpu.vector_load %arg11[%swap3A_125, %swap3A_126] {strides = array<i32>} : memref<25x144xf32, #tpu.memory_space<vmem>>, vector<16xf32>,
    tpu.vector_store %arg11[%swap3A_125, %swap3A_126], %broadcast_in_dim3A_0 {strides = array<i32>} : memref<25x144xf32, #tpu.memory_space<vmem>>, vector<16xf32>,
    %swap3A_128 = arith.constant 3 : i32
    %swap3A_129 = arith.index_cast %swap3A_128 : i32 to index
    %swap3A_130 = arith.constant 80 : index
    %swap3A_131 = tpu.vector_load %arg11[%swap3A_129, %swap3A_130] {strides = array<i32>} : memref<25x144xf32, #tpu.memory_space<vmem>>, vector<16xf32>,
    tpu.vector_store %arg11[%swap3A_129, %swap3A_130], %broadcast_in_dim3A_0 {strides = array<i32>} : memref<25x144xf32, #tpu.memory_space<vmem>>, vector<16xf32>,
    %swap3A_132 = arith.constant 3 : i32
    %swap3A_133 = arith.index_cast %swap3A_132 : i32 to index
    %swap3A_134 = arith.constant 96 : index
    %swap3A_135 = tpu.vector_load %arg11[%swap3A_133, %swap3A_134] {strides = array<i32>} : memref<25x144xf32, #tpu.memory_space<vmem>>, vector<16xf32>,
    tpu.vector_store %arg11[%swap3A_133, %swap3A_134], %broadcast_in_dim3A_0 {strides = array<i32>} : memref<25x144xf32, #tpu.memory_space<vmem>>, vector<16xf32>,
    %swap3A_136 = arith.constant 3 : i32
    %swap3A_137 = arith.index_cast %swap3A_136 : i32 to index
    %swap3A_138 = arith.constant 112 : index
    %swap3A_139 = tpu.vector_load %arg11[%swap3A_137, %swap3A_138] {strides = array<i32>} : memref<25x144xf32, #tpu.memory_space<vmem>>, vector<16xf32>,
    tpu.vector_store %arg11[%swap3A_137, %swap3A_138], %broadcast_in_dim3A_0 {strides = array<i32>} : memref<25x144xf32, #tpu.memory_space<vmem>>, vector<16xf32>,
    %swap3A_140 = arith.constant 3 : i32
    %swap3A_141 = arith.index_cast %swap3A_140 : i32 to index
    %swap3A_142 = arith.constant 128 : index
    %swap3A_143 = tpu.vector_load %arg11[%swap3A_141, %swap3A_142] {strides = array<i32>} : memref<25x144xf32, #tpu.memory_space<vmem>>, vector<16xf32>,
    tpu.vector_store %arg11[%swap3A_141, %swap3A_142], %broadcast_in_dim3A_0 {strides = array<i32>} : memref<25x144xf32, #tpu.memory_space<vmem>>, vector<16xf32>,
    %swap3A_144 = arith.constant 4 : i32
    %swap3A_145 = arith.index_cast %swap3A_144 : i32 to index
    %swap3A_146 = arith.constant 0 : index
    %swap3A_147 = tpu.vector_load %arg11[%swap3A_145, %swap3A_146] {strides = array<i32>} : memref<25x144xf32, #tpu.memory_space<vmem>>, vector<16xf32>,
    tpu.vector_store %arg11[%swap3A_145, %swap3A_146], %broadcast_in_dim3A_0 {strides = array<i32>} : memref<25x144xf32, #tpu.memory_space<vmem>>, vector<16xf32>,
    %swap3A_148 = arith.constant 4 : i32
    %swap3A_149 = arith.index_cast %swap3A_148 : i32 to index
    %swap3A_150 = arith.constant 16 : index
    %swap3A_151 = tpu.vector_load %arg11[%swap3A_149, %swap3A_150] {strides = array<i32>} : memref<25x144xf32, #tpu.memory_space<vmem>>, vector<16xf32>,
    tpu.vector_store %arg11[%swap3A_149, %swap3A_150], %broadcast_in_dim3A_0 {strides = array<i32>} : memref<25x144xf32, #tpu.memory_space<vmem>>, vector<16xf32>,
    %swap3A_152 = arith.constant 4 : i32
    %swap3A_153 = arith.index_cast %swap3A_152 : i32 to index
    %swap3A_154 = arith.constant 32 : index
    %swap3A_155 = tpu.vector_load %arg11[%swap3A_153, %swap3A_154] {strides = array<i32>} : memref<25x144xf32, #tpu.memory_space<vmem>>, vector<16xf32>,
    tpu.vector_store %arg11[%swap3A_153, %swap3A_154], %broadcast_in_dim3A_0 {strides = array<i32>} : memref<25x144xf32, #tpu.memory_space<vmem>>, vector<16xf32>,
    %swap3A_156 = arith.constant 4 : i32
    %swap3A_157 = arith.index_cast %swap3A_156 : i32 to index
    %swap3A_158 = arith.constant 48 : index
    %swap3A_159 = tpu.vector_load %arg11[%swap3A_157, %swap3A_158] {strides = array<i32>} : memref<25x144xf32, #tpu.memory_space<vmem>>, vector<16xf32>,
    tpu.vector_store %arg11[%swap3A_157, %swap3A_158], %broadcast_in_dim3A_0 {strides = array<i32>} : memref<25x144xf32, #tpu.memory_space<vmem>>, vector<16xf32>,
    %swap3A_160 = arith.constant 4 : i32
    %swap3A_161 = arith.index_cast %swap3A_160 : i32 to index
    %swap3A_162 = arith.constant 64 : index
    %swap3A_163 = tpu.vector_load %arg11[%swap3A_161, %swap3A_162] {strides = array<i32>} : memref<25x144xf32, #tpu.memory_space<vmem>>, vector<16xf32>,
    tpu.vector_store %arg11[%swap3A_161, %swap3A_162], %broadcast_in_dim3A_0 {strides = array<i32>} : memref<25x144xf32, #tpu.memory_space<vmem>>, vector<16xf32>,
    %swap3A_164 = arith.constant 4 : i32
    %swap3A_165 = arith.index_cast %swap3A_164 : i32 to index
    %swap3A_166 = arith.constant 80 : index
    %swap3A_167 = tpu.vector_load %arg11[%swap3A_165, %swap3A_166] {strides = array<i32>} : memref<25x144xf32, #tpu.memory_space<vmem>>, vector<16xf32>,
    tpu.vector_store %arg11[%swap3A_165, %swap3A_166], %broadcast_in_dim3A_0 {strides = array<i32>} : memref<25x144xf32, #tpu.memory_space<vmem>>, vector<16xf32>,
    %swap3A_168 = arith.constant 4 : i32
    %swap3A_169 = arith.index_cast %swap3A_168 : i32 to index
    %swap3A_170 = arith.constant 96 : index
    %swap3A_171 = tpu.vector_load %arg11[%swap3A_169, %swap3A_170] {strides = array<i32>} : memref<25x144xf32, #tpu.memory_space<vmem>>, vector<16xf32>,
    tpu.vector_store %arg11[%swap3A_169, %swap3A_170], %broadcast_in_dim3A_0 {strides = array<i32>} : memref<25x144xf32, #tpu.memory_space<vmem>>, vector<16xf32>,
    %swap3A_172 = arith.constant 4 : i32
    %swap3A_173 = arith.index_cast %swap3A_172 : i32 to index
    %swap3A_174 = arith.constant 112 : index
    %swap3A_175 = tpu.vector_load %arg11[%swap3A_173, %swap3A_174] {strides = array<i32>} : memref<25x144xf32, #tpu.memory_space<vmem>>, vector<16xf32>,
    tpu.vector_store %arg11[%swap3A_173, %swap3A_174], %broadcast_in_dim3A_0 {strides = array<i32>} : memref<25x144xf32, #tpu.memory_space<vmem>>, vector<16xf32>,
    %swap3A_176 = arith.constant 4 : i32
    %swap3A_177 = arith.index_cast %swap3A_176 : i32 to index
    %swap3A_178 = arith.constant 128 : index
    %swap3A_179 = tpu.vector_load %arg11[%swap3A_177, %swap3A_178] {strides = array<i32>} : memref<25x144xf32, #tpu.memory_space<vmem>>, vector<16xf32>,
    tpu.vector_store %arg11[%swap3A_177, %swap3A_178], %broadcast_in_dim3A_0 {strides = array<i32>} : memref<25x144xf32, #tpu.memory_space<vmem>>, vector<16xf32>,
    %swap3A_180 = arith.constant 5 : i32
    %swap3A_181 = arith.index_cast %swap3A_180 : i32 to index
    %swap3A_182 = arith.constant 0 : index
    %swap3A_183 = tpu.vector_load %arg11[%swap3A_181, %swap3A_182] {strides = array<i32>} : memref<25x144xf32, #tpu.memory_space<vmem>>, vector<16xf32>,
    tpu.vector_store %arg11[%swap3A_181, %swap3A_182], %broadcast_in_dim3A_0 {strides = array<i32>} : memref<25x144xf32, #tpu.memory_space<vmem>>, vector<16xf32>,
    %swap3A_184 = arith.constant 5 : i32
    %swap3A_185 = arith.index_cast %swap3A_184 : i32 to index
    %swap3A_186 = arith.constant 16 : index
    %swap3A_187 = tpu.vector_load %arg11[%swap3A_185, %swap3A_186] {strides = array<i32>} : memref<25x144xf32, #tpu.memory_space<vmem>>, vector<16xf32>,
    tpu.vector_store %arg11[%swap3A_185, %swap3A_186], %broadcast_in_dim3A_0 {strides = array<i32>} : memref<25x144xf32, #tpu.memory_space<vmem>>, vector<16xf32>,
    %swap3A_188 = arith.constant 5 : i32
    %swap3A_189 = arith.index_cast %swap3A_188 : i32 to index
    %swap3A_190 = arith.constant 32 : index
    %swap3A_191 = tpu.vector_load %arg11[%swap3A_189, %swap3A_190] {strides = array<i32>} : memref<25x144xf32, #tpu.memory_space<vmem>>, vector<16xf32>,
    tpu.vector_store %arg11[%swap3A_189, %swap3A_190], %broadcast_in_dim3A_0 {strides = array<i32>} : memref<25x144xf32, #tpu.memory_space<vmem>>, vector<16xf32>,
    %swap3A_192 = arith.constant 5 : i32
    %swap3A_193 = arith.index_cast %swap3A_192 : i32 to index
    %swap3A_194 = arith.constant 48 : index
    %swap3A_195 = tpu.vector_load %arg11[%swap3A_193, %swap3A_194] {strides = array<i32>} : memref<25x144xf32, #tpu.memory_space<vmem>>, vector<16xf32>,
    tpu.vector_store %arg11[%swap3A_193, %swap3A_194], %broadcast_in_dim3A_0 {strides = array<i32>} : memref<25x144xf32, #tpu.memory_space<vmem>>, vector<16xf32>,
    %swap3A_196 = arith.constant 5 : i32
    %swap3A_197 = arith.index_cast %swap3A_196 : i32 to index
    %swap3A_198 = arith.constant 64 : index
    %swap3A_199 = tpu.vector_load %arg11[%swap3A_197, %swap3A_198] {strides = array<i32>} : memref<25x144xf32, #tpu.memory_space<vmem>>, vector<16xf32>,
    tpu.vector_store %arg11[%swap3A_197, %swap3A_198], %broadcast_in_dim3A_0 {strides = array<i32>} : memref<25x144xf32, #tpu.memory_space<vmem>>, vector<16xf32>,
    %swap3A_200 = arith.constant 5 : i32
    %swap3A_201 = arith.index_cast %swap3A_200 : i32 to index
    %swap3A_202 = arith.constant 80 : index
    %swap3A_203 = tpu.vector_load %arg11[%swap3A_201, %swap3A_202] {strides = array<i32>} : memref<25x144xf32, #tpu.memory_space<vmem>>, vector<16xf32>,
    tpu.vector_store %arg11[%swap3A_201, %swap3A_202], %broadcast_in_dim3A_0 {strides = array<i32>} : memref<25x144xf32, #tpu.memory_space<vmem>>, vector<16xf32>,
    %swap3A_204 = arith.constant 5 : i32
    %swap3A_205 = arith.index_cast %swap3A_204 : i32 to index
    %swap3A_206 = arith.constant 96 : index
    %swap3A_207 = tpu.vector_load %arg11[%swap3A_205, %swap3A_206] {strides = array<i32>} : memref<25x144xf32, #tpu.memory_space<vmem>>, vector<16xf32>,
    tpu.vector_store %arg11[%swap3A_205, %swap3A_206], %broadcast_in_dim3A_0 {strides = array<i32>} : memref<25x144xf32, #tpu.memory_space<vmem>>, vector<16xf32>,
    %swap3A_208 = arith.constant 5 : i32
    %swap3A_209 = arith.index_cast %swap3A_208 : i32 to index
    %swap3A_210 = arith.constant 112 : index
    %swap3A_211 = tpu.vector_load %arg11[%swap3A_209, %swap3A_210] {strides = array<i32>} : memref<25x144xf32, #tpu.memory_space<vmem>>, vector<16xf32>,
    tpu.vector_store %arg11[%swap3A_209, %swap3A_210], %broadcast_in_dim3A_0 {strides = array<i32>} : memref<25x144xf32, #tpu.memory_space<vmem>>, vector<16xf32>,
    %swap3A_212 = arith.constant 5 : i32
    %swap3A_213 = arith.index_cast %swap3A_212 : i32 to index
    %swap3A_214 = arith.constant 128 : index
    %swap3A_215 = tpu.vector_load %arg11[%swap3A_213, %swap3A_214] {strides = array<i32>} : memref<25x144xf32, #tpu.memory_space<vmem>>, vector<16xf32>,
    tpu.vector_store %arg11[%swap3A_213, %swap3A_214], %broadcast_in_dim3A_0 {strides = array<i32>} : memref<25x144xf32, #tpu.memory_space<vmem>>, vector<16xf32>,
    %swap3A_216 = arith.constant 6 : i32
    %swap3A_217 = arith.index_cast %swap3A_216 : i32 to index
    %swap3A_218 = arith.constant 0 : index
    %swap3A_219 = tpu.vector_load %arg11[%swap3A_217, %swap3A_218] {strides = array<i32>} : memref<25x144xf32, #tpu.memory_space<vmem>>, vector<16xf32>,
    tpu.vector_store %arg11[%swap3A_217, %swap3A_218], %broadcast_in_dim3A_0 {strides = array<i32>} : memref<25x144xf32, #tpu.memory_space<vmem>>, vector<16xf32>,
    %swap3A_220 = arith.constant 6 : i32
    %swap3A_221 = arith.index_cast %swap3A_220 : i32 to index
    %swap3A_222 = arith.constant 16 : index
    %swap3A_223 = tpu.vector_load %arg11[%swap3A_221, %swap3A_222] {strides = array<i32>} : memref<25x144xf32, #tpu.memory_space<vmem>>, vector<16xf32>,
    tpu.vector_store %arg11[%swap3A_221, %swap3A_222], %broadcast_in_dim3A_0 {strides = array<i32>} : memref<25x144xf32, #tpu.memory_space<vmem>>, vector<16xf32>,
    %swap3A_224 = arith.constant 6 : i32
    %swap3A_225 = arith.index_cast %swap3A_224 : i32 to index
    %swap3A_226 = arith.constant 32 : index
    %swap3A_227 = tpu.vector_load %arg11[%swap3A_225, %swap3A_226] {strides = array<i32>} : memref<25x144xf32, #tpu.memory_space<vmem>>, vector<16xf32>,
    tpu.vector_store %arg11[%swap3A_225, %swap3A_226], %broadcast_in_dim3A_0 {strides = array<i32>} : memref<25x144xf32, #tpu.memory_space<vmem>>, vector<16xf32>,
    %swap3A_228 = arith.constant 6 : i32
    %swap3A_229 = arith.index_cast %swap3A_228 : i32 to index
    %swap3A_230 = arith.constant 48 : index
    %swap3A_231 = tpu.vector_load %arg11[%swap3A_229, %swap3A_230] {strides = array<i32>} : memref<25x144xf32, #tpu.memory_space<vmem>>, vector<16xf32>,
    tpu.vector_store %arg11[%swap3A_229, %swap3A_230], %broadcast_in_dim3A_0 {strides = array<i32>} : memref<25x144xf32, #tpu.memory_space<vmem>>, vector<16xf32>,
    %swap3A_232 = arith.constant 6 : i32
    %swap3A_233 = arith.index_cast %swap3A_232 : i32 to index
    %swap3A_234 = arith.constant 64 : index
    %swap3A_235 = tpu.vector_load %arg11[%swap3A_233, %swap3A_234] {strides = array<i32>} : memref<25x144xf32, #tpu.memory_space<vmem>>, vector<16xf32>,
    tpu.vector_store %arg11[%swap3A_233, %swap3A_234], %broadcast_in_dim3A_0 {strides = array<i32>} : memref<25x144xf32, #tpu.memory_space<vmem>>, vector<16xf32>,
    %swap3A_236 = arith.constant 6 : i32
    %swap3A_237 = arith.index_cast %swap3A_236 : i32 to index
    %swap3A_238 = arith.constant 80 : index
    %swap3A_239 = tpu.vector_load %arg11[%swap3A_237, %swap3A_238] {strides = array<i32>} : memref<25x144xf32, #tpu.memory_space<vmem>>, vector<16xf32>,
    tpu.vector_store %arg11[%swap3A_237, %swap3A_238], %broadcast_in_dim3A_0 {strides = array<i32>} : memref<25x144xf32, #tpu.memory_space<vmem>>, vector<16xf32>,
    %swap3A_240 = arith.constant 6 : i32
    %swap3A_241 = arith.index_cast %swap3A_240 : i32 to index
    %swap3A_242 = arith.constant 96 : index
    %swap3A_243 = tpu.vector_load %arg11[%swap3A_241, %swap3A_242] {strides = array<i32>} : memref<25x144xf32, #tpu.memory_space<vmem>>, vector<16xf32>,
    tpu.vector_store %arg11[%swap3A_241, %swap3A_242], %broadcast_in_dim3A_0 {strides = array<i32>} : memref<25x144xf32, #tpu.memory_space<vmem>>, vector<16xf32>,
    %swap3A_244 = arith.constant 6 : i32
    %swap3A_245 = arith.index_cast %swap3A_244 : i32 to index
    %swap3A_246 = arith.constant 112 : index
    %swap3A_247 = tpu.vector_load %arg11[%swap3A_245, %swap3A_246] {strides = array<i32>} : memref<25x144xf32, #tpu.memory_space<vmem>>, vector<16xf32>,
    tpu.vector_store %arg11[%swap3A_245, %swap3A_246], %broadcast_in_dim3A_0 {strides = array<i32>} : memref<25x144xf32, #tpu.memory_space<vmem>>, vector<16xf32>,
    %swap3A_248 = arith.constant 6 : i32
    %swap3A_249 = arith.index_cast %swap3A_248 : i32 to index
    %swap3A_250 = arith.constant 128 : index
    %swap3A_251 = tpu.vector_load %arg11[%swap3A_249, %swap3A_250] {strides = array<i32>} : memref<25x144xf32, #tpu.memory_space<vmem>>, vector<16xf32>,
    tpu.vector_store %arg11[%swap3A_249, %swap3A_250], %broadcast_in_dim3A_0 {strides = array<i32>} : memref<25x144xf32, #tpu.memory_space<vmem>>, vector<16xf32>,
    %swap3A_252 = arith.constant 7 : i32
    %swap3A_253 = arith.index_cast %swap3A_252 : i32 to index
    %swap3A_254 = arith.constant 0 : index
    %swap3A_255 = tpu.vector_load %arg11[%swap3A_253, %swap3A_254] {strides = array<i32>} : memref<25x144xf32, #tpu.memory_space<vmem>>, vector<16xf32>,
    tpu.vector_store %arg11[%swap3A_253, %swap3A_254], %broadcast_in_dim3A_0 {strides = array<i32>} : memref<25x144xf32, #tpu.memory_space<vmem>>, vector<16xf32>,
    %swap3A_256 = arith.constant 7 : i32
    %swap3A_257 = arith.index_cast %swap3A_256 : i32 to index
    %swap3A_258 = arith.constant 16 : index
    %swap3A_259 = tpu.vector_load %arg11[%swap3A_257, %swap3A_258] {strides = array<i32>} : memref<25x144xf32, #tpu.memory_space<vmem>>, vector<16xf32>,
    tpu.vector_store %arg11[%swap3A_257, %swap3A_258], %broadcast_in_dim3A_0 {strides = array<i32>} : memref<25x144xf32, #tpu.memory_space<vmem>>, vector<16xf32>,
    %swap3A_260 = arith.constant 7 : i32
    %swap3A_261 = arith.index_cast %swap3A_260 : i32 to index
    %swap3A_262 = arith.constant 32 : index
    %swap3A_263 = tpu.vector_load %arg11[%swap3A_261, %swap3A_262] {strides = array<i32>} : memref<25x144xf32, #tpu.memory_space<vmem>>, vector<16xf32>,
    tpu.vector_store %arg11[%swap3A_261, %swap3A_262], %broadcast_in_dim3A_0 {strides = array<i32>} : memref<25x144xf32, #tpu.memory_space<vmem>>, vector<16xf32>,
    %swap3A_264 = arith.constant 7 : i32
    %swap3A_265 = arith.index_cast %swap3A_264 : i32 to index
    %swap3A_266 = arith.constant 48 : index
    %swap3A_267 = tpu.vector_load %arg11[%swap3A_265, %swap3A_266] {strides = array<i32>} : memref<25x144xf32, #tpu.memory_space<vmem>>, vector<16xf32>,
    tpu.vector_store %arg11[%swap3A_265, %swap3A_266], %broadcast_in_dim3A_0 {strides = array<i32>} : memref<25x144xf32, #tpu.memory_space<vmem>>, vector<16xf32>,
    %swap3A_268 = arith.constant 7 : i32
    %swap3A_269 = arith.index_cast %swap3A_268 : i32 to index
    %swap3A_270 = arith.constant 64 : index
    %swap3A_271 = tpu.vector_load %arg11[%swap3A_269, %swap3A_270] {strides = array<i32>} : memref<25x144xf32, #tpu.memory_space<vmem>>, vector<16xf32>,
    tpu.vector_store %arg11[%swap3A_269, %swap3A_270], %broadcast_in_dim3A_0 {strides = array<i32>} : memref<25x144xf32, #tpu.memory_space<vmem>>, vector<16xf32>,
    %swap3A_272 = arith.constant 7 : i32
    %swap3A_273 = arith.index_cast %swap3A_272 : i32 to index
    %swap3A_274 = arith.constant 80 : index
    %swap3A_275 = tpu.vector_load %arg11[%swap3A_273, %swap3A_274] {strides = array<i32>} : memref<25x144xf32, #tpu.memory_space<vmem>>, vector<16xf32>,
    tpu.vector_store %arg11[%swap3A_273, %swap3A_274], %broadcast_in_dim3A_0 {strides = array<i32>} : memref<25x144xf32, #tpu.memory_space<vmem>>, vector<16xf32>,
    %swap3A_276 = arith.constant 7 : i32
    %swap3A_277 = arith.index_cast %swap3A_276 : i32 to index
    %swap3A_278 = arith.constant 96 : index
    %swap3A_279 = tpu.vector_load %arg11[%swap3A_277, %swap3A_278] {strides = array<i32>} : memref<25x144xf32, #tpu.memory_space<vmem>>, vector<16xf32>,
    tpu.vector_store %arg11[%swap3A_277, %swap3A_278], %broadcast_in_dim3A_0 {strides = array<i32>} : memref<25x144xf32, #tpu.memory_space<vmem>>, vector<16xf32>,
    %swap3A_280 = arith.constant 7 : i32
    %swap3A_281 = arith.index_cast %swap3A_280 : i32 to index
    %swap3A_282 = arith.constant 112 : index
    %swap3A_283 = tpu.vector_load %arg11[%swap3A_281, %swap3A_282] {strides = array<i32>} : memref<25x144xf32, #tpu.memory_space<vmem>>, vector<16xf32>,
    tpu.vector_store %arg11[%swap3A_281, %swap3A_282], %broadcast_in_dim3A_0 {strides = array<i32>} : memref<25x144xf32, #tpu.memory_space<vmem>>, vector<16xf32>,
    %swap3A_284 = arith.constant 7 : i32
    %swap3A_285 = arith.index_cast %swap3A_284 : i32 to index
    %swap3A_286 = arith.constant 128 : index
    %swap3A_287 = tpu.vector_load %arg11[%swap3A_285, %swap3A_286] {strides = array<i32>} : memref<25x144xf32, #tpu.memory_space<vmem>>, vector<16xf32>,
    tpu.vector_store %arg11[%swap3A_285, %swap3A_286], %broadcast_in_dim3A_0 {strides = array<i32>} : memref<25x144xf32, #tpu.memory_space<vmem>>, vector<16xf32>,
    %swap3A_288 = arith.constant 8 : i32
    %swap3A_289 = arith.index_cast %swap3A_288 : i32 to index
    %swap3A_290 = arith.constant 0 : index
    %swap3A_291 = tpu.vector_load %arg11[%swap3A_289, %swap3A_290] {strides = array<i32>} : memref<25x144xf32, #tpu.memory_space<vmem>>, vector<16xf32>,
    tpu.vector_store %arg11[%swap3A_289, %swap3A_290], %broadcast_in_dim3A_0 {strides = array<i32>} : memref<25x144xf32, #tpu.memory_space<vmem>>, vector<16xf32>,
    %swap3A_292 = arith.constant 8 : i32
    %swap3A_293 = arith.index_cast %swap3A_292 : i32 to index
    %swap3A_294 = arith.constant 16 : index
    %swap3A_295 = tpu.vector_load %arg11[%swap3A_293, %swap3A_294] {strides = array<i32>} : memref<25x144xf32, #tpu.memory_space<vmem>>, vector<16xf32>,
    tpu.vector_store %arg11[%swap3A_293, %swap3A_294], %broadcast_in_dim3A_0 {strides = array<i32>} : memref<25x144xf32, #tpu.memory_space<vmem>>, vector<16xf32>,
    %swap3A_296 = arith.constant 8 : i32
    %swap3A_297 = arith.index_cast %swap3A_296 : i32 to index
    %swap3A_298 = arith.constant 32 : index
    %swap3A_299 = tpu.vector_load %arg11[%swap3A_297, %swap3A_298] {strides = array<i32>} : memref<25x144xf32, #tpu.memory_space<vmem>>, vector<16xf32>,
    tpu.vector_store %arg11[%swap3A_297, %swap3A_298], %broadcast_in_dim3A_0 {strides = array<i32>} : memref<25x144xf32, #tpu.memory_space<vmem>>, vector<16xf32>,
    %swap3A_300 = arith.constant 8 : i32
    %swap3A_301 = arith.index_cast %swap3A_300 : i32 to index
    %swap3A_302 = arith.constant 48 : index
    %swap3A_303 = tpu.vector_load %arg11[%swap3A_301, %swap3A_302] {strides = array<i32>} : memref<25x144xf32, #tpu.memory_space<vmem>>, vector<16xf32>,
    tpu.vector_store %arg11[%swap3A_301, %swap3A_302], %broadcast_in_dim3A_0 {strides = array<i32>} : memref<25x144xf32, #tpu.memory_space<vmem>>, vector<16xf32>,
    %swap3A_304 = arith.constant 8 : i32
    %swap3A_305 = arith.index_cast %swap3A_304 : i32 to index
    %swap3A_306 = arith.constant 64 : index
    %swap3A_307 = tpu.vector_load %arg11[%swap3A_305, %swap3A_306] {strides = array<i32>} : memref<25x144xf32, #tpu.memory_space<vmem>>, vector<16xf32>,
    tpu.vector_store %arg11[%swap3A_305, %swap3A_306], %broadcast_in_dim3A_0 {strides = array<i32>} : memref<25x144xf32, #tpu.memory_space<vmem>>, vector<16xf32>,
    %swap3A_308 = arith.constant 8 : i32
    %swap3A_309 = arith.index_cast %swap3A_308 : i32 to index
    %swap3A_310 = arith.constant 80 : index
    %swap3A_311 = tpu.vector_load %arg11[%swap3A_309, %swap3A_310] {strides = array<i32>} : memref<25x144xf32, #tpu.memory_space<vmem>>, vector<16xf32>,
    tpu.vector_store %arg11[%swap3A_309, %swap3A_310], %broadcast_in_dim3A_0 {strides = array<i32>} : memref<25x144xf32, #tpu.memory_space<vmem>>, vector<16xf32>,
    %swap3A_312 = arith.constant 8 : i32
    %swap3A_313 = arith.index_cast %swap3A_312 : i32 to index
    %swap3A_314 = arith.constant 96 : index
    %swap3A_315 = tpu.vector_load %arg11[%swap3A_313, %swap3A_314] {strides = array<i32>} : memref<25x144xf32, #tpu.memory_space<vmem>>, vector<16xf32>,
    tpu.vector_store %arg11[%swap3A_313, %swap3A_314], %broadcast_in_dim3A_0 {strides = array<i32>} : memref<25x144xf32, #tpu.memory_space<vmem>>, vector<16xf32>,
    %swap3A_316 = arith.constant 8 : i32
    %swap3A_317 = arith.index_cast %swap3A_316 : i32 to index
    %swap3A_318 = arith.constant 112 : index
    %swap3A_319 = tpu.vector_load %arg11[%swap3A_317, %swap3A_318] {strides = array<i32>} : memref<25x144xf32, #tpu.memory_space<vmem>>, vector<16xf32>,
    tpu.vector_store %arg11[%swap3A_317, %swap3A_318], %broadcast_in_dim3A_0 {strides = array<i32>} : memref<25x144xf32, #tpu.memory_space<vmem>>, vector<16xf32>,
    %swap3A_320 = arith.constant 8 : i32
    %swap3A_321 = arith.index_cast %swap3A_320 : i32 to index
    %swap3A_322 = arith.constant 128 : index
    %swap3A_323 = tpu.vector_load %arg11[%swap3A_321, %swap3A_322] {strides = array<i32>} : memref<25x144xf32, #tpu.memory_space<vmem>>, vector<16xf32>,
    tpu.vector_store %arg11[%swap3A_321, %swap3A_322], %broadcast_in_dim3A_0 {strides = array<i32>} : memref<25x144xf32, #tpu.memory_space<vmem>>, vector<16xf32>,
    %swap3A_324 = arith.constant 9 : i32
    %swap3A_325 = arith.index_cast %swap3A_324 : i32 to index
    %swap3A_326 = arith.constant 0 : index
    %swap3A_327 = tpu.vector_load %arg11[%swap3A_325, %swap3A_326] {strides = array<i32>} : memref<25x144xf32, #tpu.memory_space<vmem>>, vector<16xf32>,
    tpu.vector_store %arg11[%swap3A_325, %swap3A_326], %broadcast_in_dim3A_0 {strides = array<i32>} : memref<25x144xf32, #tpu.memory_space<vmem>>, vector<16xf32>,
    %swap3A_328 = arith.constant 9 : i32
    %swap3A_329 = arith.index_cast %swap3A_328 : i32 to index
    %swap3A_330 = arith.constant 16 : index
    %swap3A_331 = tpu.vector_load %arg11[%swap3A_329, %swap3A_330] {strides = array<i32>} : memref<25x144xf32, #tpu.memory_space<vmem>>, vector<16xf32>,
    tpu.vector_store %arg11[%swap3A_329, %swap3A_330], %broadcast_in_dim3A_0 {strides = array<i32>} : memref<25x144xf32, #tpu.memory_space<vmem>>, vector<16xf32>,
    %swap3A_332 = arith.constant 9 : i32
    %swap3A_333 = arith.index_cast %swap3A_332 : i32 to index
    %swap3A_334 = arith.constant 32 : index
    %swap3A_335 = tpu.vector_load %arg11[%swap3A_333, %swap3A_334] {strides = array<i32>} : memref<25x144xf32, #tpu.memory_space<vmem>>, vector<16xf32>,
    tpu.vector_store %arg11[%swap3A_333, %swap3A_334], %broadcast_in_dim3A_0 {strides = array<i32>} : memref<25x144xf32, #tpu.memory_space<vmem>>, vector<16xf32>,
    %swap3A_336 = arith.constant 9 : i32
    %swap3A_337 = arith.index_cast %swap3A_336 : i32 to index
    %swap3A_338 = arith.constant 48 : index
    %swap3A_339 = tpu.vector_load %arg11[%swap3A_337, %swap3A_338] {strides = array<i32>} : memref<25x144xf32, #tpu.memory_space<vmem>>, vector<16xf32>,
    tpu.vector_store %arg11[%swap3A_337, %swap3A_338], %broadcast_in_dim3A_0 {strides = array<i32>} : memref<25x144xf32, #tpu.memory_space<vmem>>, vector<16xf32>,
    %swap3A_340 = arith.constant 9 : i32
    %swap3A_341 = arith.index_cast %swap3A_340 : i32 to index
    %swap3A_342 = arith.constant 64 : index
    %swap3A_343 = tpu.vector_load %arg11[%swap3A_341, %swap3A_342] {strides = array<i32>} : memref<25x144xf32, #tpu.memory_space<vmem>>, vector<16xf32>,
    tpu.vector_store %arg11[%swap3A_341, %swap3A_342], %broadcast_in_dim3A_0 {strides = array<i32>} : memref<25x144xf32, #tpu.memory_space<vmem>>, vector<16xf32>,
    %swap3A_344 = arith.constant 9 : i32
    %swap3A_345 = arith.index_cast %swap3A_344 : i32 to index
    %swap3A_346 = arith.constant 80 : index
    %swap3A_347 = tpu.vector_load %arg11[%swap3A_345, %swap3A_346] {strides = array<i32>} : memref<25x144xf32, #tpu.memory_space<vmem>>, vector<16xf32>,
    tpu.vector_store %arg11[%swap3A_345, %swap3A_346], %broadcast_in_dim3A_0 {strides = array<i32>} : memref<25x144xf32, #tpu.memory_space<vmem>>, vector<16xf32>,
    %swap3A_348 = arith.constant 9 : i32
    %swap3A_349 = arith.index_cast %swap3A_348 : i32 to index
    %swap3A_350 = arith.constant 96 : index
    %swap3A_351 = tpu.vector_load %arg11[%swap3A_349, %swap3A_350] {strides = array<i32>} : memref<25x144xf32, #tpu.memory_space<vmem>>, vector<16xf32>,
    tpu.vector_store %arg11[%swap3A_349, %swap3A_350], %broadcast_in_dim3A_0 {strides = array<i32>} : memref<25x144xf32, #tpu.memory_space<vmem>>, vector<16xf32>,
    %swap3A_352 = arith.constant 9 : i32
    %swap3A_353 = arith.index_cast %swap3A_352 : i32 to index
    %swap3A_354 = arith.constant 112 : index
    %swap3A_355 = tpu.vector_load %arg11[%swap3A_353, %swap3A_354] {strides = array<i32>} : memref<25x144xf32, #tpu.memory_space<vmem>>, vector<16xf32>,
    tpu.vector_store %arg11[%swap3A_353, %swap3A_354], %broadcast_in_dim3A_0 {strides = array<i32>} : memref<25x144xf32, #tpu.memory_space<vmem>>, vector<16xf32>,
    %swap3A_356 = arith.constant 9 : i32
    %swap3A_357 = arith.index_cast %swap3A_356 : i32 to index
    %swap3A_358 = arith.constant 128 : index
    %swap3A_359 = tpu.vector_load %arg11[%swap3A_357, %swap3A_358] {strides = array<i32>} : memref<25x144xf32, #tpu.memory_space<vmem>>, vector<16xf32>,
    tpu.vector_store %arg11[%swap3A_357, %swap3A_358], %broadcast_in_dim3A_0 {strides = array<i32>} : memref<25x144xf32, #tpu.memory_space<vmem>>, vector<16xf32>,
    %swap3A_360 = arith.constant 10 : i32
    %swap3A_361 = arith.index_cast %swap3A_360 : i32 to index
    %swap3A_362 = arith.constant 0 : index
    %swap3A_363 = tpu.vector_load %arg11[%swap3A_361, %swap3A_362] {strides = array<i32>} : memref<25x144xf32, #tpu.memory_space<vmem>>, vector<16xf32>,
    tpu.vector_store %arg11[%swap3A_361, %swap3A_362], %broadcast_in_dim3A_0 {strides = array<i32>} : memref<25x144xf32, #tpu.memory_space<vmem>>, vector<16xf32>,
    %swap3A_364 = arith.constant 10 : i32
    %swap3A_365 = arith.index_cast %swap3A_364 : i32 to index
    %swap3A_366 = arith.constant 16 : index
    %swap3A_367 = tpu.vector_load %arg11[%swap3A_365, %swap3A_366] {strides = array<i32>} : memref<25x144xf32, #tpu.memory_space<vmem>>, vector<16xf32>,
    tpu.vector_store %arg11[%swap3A_365, %swap3A_366], %broadcast_in_dim3A_0 {strides = array<i32>} : memref<25x144xf32, #tpu.memory_space<vmem>>, vector<16xf32>,
    %swap3A_368 = arith.constant 10 : i32
    %swap3A_369 = arith.index_cast %swap3A_368 : i32 to index
    %swap3A_370 = arith.constant 32 : index
    %swap3A_371 = tpu.vector_load %arg11[%swap3A_369, %swap3A_370] {strides = array<i32>} : memref<25x144xf32, #tpu.memory_space<vmem>>, vector<16xf32>,
    tpu.vector_store %arg11[%swap3A_369, %swap3A_370], %broadcast_in_dim3A_0 {strides = array<i32>} : memref<25x144xf32, #tpu.memory_space<vmem>>, vector<16xf32>,
    %swap3A_372 = arith.constant 10 : i32
    %swap3A_373 = arith.index_cast %swap3A_372 : i32 to index
    %swap3A_374 = arith.constant 48 : index
    %swap3A_375 = tpu.vector_load %arg11[%swap3A_373, %swap3A_374] {strides = array<i32>} : memref<25x144xf32, #tpu.memory_space<vmem>>, vector<16xf32>,
    tpu.vector_store %arg11[%swap3A_373, %swap3A_374], %broadcast_in_dim3A_0 {strides = array<i32>} : memref<25x144xf32, #tpu.memory_space<vmem>>, vector<16xf32>,
    %swap3A_376 = arith.constant 10 : i32
    %swap3A_377 = arith.index_cast %swap3A_376 : i32 to index
    %swap3A_378 = arith.constant 64 : index
    %swap3A_379 = tpu.vector_load %arg11[%swap3A_377, %swap3A_378] {strides = array<i32>} : memref<25x144xf32, #tpu.memory_space<vmem>>, vector<16xf32>,
    tpu.vector_store %arg11[%swap3A_377, %swap3A_378], %broadcast_in_dim3A_0 {strides = array<i32>} : memref<25x144xf32, #tpu.memory_space<vmem>>, vector<16xf32>,
    %swap3A_380 = arith.constant 10 : i32
    %swap3A_381 = arith.index_cast %swap3A_380 : i32 to index
    %swap3A_382 = arith.constant 80 : index
    %swap3A_383 = tpu.vector_load %arg11[%swap3A_381, %swap3A_382] {strides = array<i32>} : memref<25x144xf32, #tpu.memory_space<vmem>>, vector<16xf32>,
    tpu.vector_store %arg11[%swap3A_381, %swap3A_382], %broadcast_in_dim3A_0 {strides = array<i32>} : memref<25x144xf32, #tpu.memory_space<vmem>>, vector<16xf32>,
    %swap3A_384 = arith.constant 10 : i32
    %swap3A_385 = arith.index_cast %swap3A_384 : i32 to index
    %swap3A_386 = arith.constant 96 : index
    %swap3A_387 = tpu.vector_load %arg11[%swap3A_385, %swap3A_386] {strides = array<i32>} : memref<25x144xf32, #tpu.memory_space<vmem>>, vector<16xf32>,
    tpu.vector_store %arg11[%swap3A_385, %swap3A_386], %broadcast_in_dim3A_0 {strides = array<i32>} : memref<25x144xf32, #tpu.memory_space<vmem>>, vector<16xf32>,
    %swap3A_388 = arith.constant 10 : i32
    %swap3A_389 = arith.index_cast %swap3A_388 : i32 to index
    %swap3A_390 = arith.constant 112 : index
    %swap3A_391 = tpu.vector_load %arg11[%swap3A_389, %swap3A_390] {strides = array<i32>} : memref<25x144xf32, #tpu.memory_space<vmem>>, vector<16xf32>,
    tpu.vector_store %arg11[%swap3A_389, %swap3A_390], %broadcast_in_dim3A_0 {strides = array<i32>} : memref<25x144xf32, #tpu.memory_space<vmem>>, vector<16xf32>,
    %swap3A_392 = arith.constant 10 : i32
    %swap3A_393 = arith.index_cast %swap3A_392 : i32 to index
    %swap3A_394 = arith.constant 128 : index
    %swap3A_395 = tpu.vector_load %arg11[%swap3A_393, %swap3A_394] {strides = array<i32>} : memref<25x144xf32, #tpu.memory_space<vmem>>, vector<16xf32>,
    tpu.vector_store %arg11[%swap3A_393, %swap3A_394], %broadcast_in_dim3A_0 {strides = array<i32>} : memref<25x144xf32, #tpu.memory_space<vmem>>, vector<16xf32>,
    %swap3A_396 = arith.constant 11 : i32
    %swap3A_397 = arith.index_cast %swap3A_396 : i32 to index
    %swap3A_398 = arith.constant 0 : index
    %swap3A_399 = tpu.vector_load %arg11[%swap3A_397, %swap3A_398] {strides = array<i32>} : memref<25x144xf32, #tpu.memory_space<vmem>>, vector<16xf32>,
    tpu.vector_store %arg11[%swap3A_397, %swap3A_398], %broadcast_in_dim3A_0 {strides = array<i32>} : memref<25x144xf32, #tpu.memory_space<vmem>>, vector<16xf32>,
    %swap3A_400 = arith.constant 11 : i32
    %swap3A_401 = arith.index_cast %swap3A_400 : i32 to index
    %swap3A_402 = arith.constant 16 : index
    %swap3A_403 = tpu.vector_load %arg11[%swap3A_401, %swap3A_402] {strides = array<i32>} : memref<25x144xf32, #tpu.memory_space<vmem>>, vector<16xf32>,
    tpu.vector_store %arg11[%swap3A_401, %swap3A_402], %broadcast_in_dim3A_0 {strides = array<i32>} : memref<25x144xf32, #tpu.memory_space<vmem>>, vector<16xf32>,
    %swap3A_404 = arith.constant 11 : i32
    %swap3A_405 = arith.index_cast %swap3A_404 : i32 to index
    %swap3A_406 = arith.constant 32 : index
    %swap3A_407 = tpu.vector_load %arg11[%swap3A_405, %swap3A_406] {strides = array<i32>} : memref<25x144xf32, #tpu.memory_space<vmem>>, vector<16xf32>,
    tpu.vector_store %arg11[%swap3A_405, %swap3A_406], %broadcast_in_dim3A_0 {strides = array<i32>} : memref<25x144xf32, #tpu.memory_space<vmem>>, vector<16xf32>,
    %swap3A_408 = arith.constant 11 : i32
    %swap3A_409 = arith.index_cast %swap3A_408 : i32 to index
    %swap3A_410 = arith.constant 48 : index
    %swap3A_411 = tpu.vector_load %arg11[%swap3A_409, %swap3A_410] {strides = array<i32>} : memref<25x144xf32, #tpu.memory_space<vmem>>, vector<16xf32>,
    tpu.vector_store %arg11[%swap3A_409, %swap3A_410], %broadcast_in_dim3A_0 {strides = array<i32>} : memref<25x144xf32, #tpu.memory_space<vmem>>, vector<16xf32>,
    %swap3A_412 = arith.constant 11 : i32
    %swap3A_413 = arith.index_cast %swap3A_412 : i32 to index
    %swap3A_414 = arith.constant 64 : index
    %swap3A_415 = tpu.vector_load %arg11[%swap3A_413, %swap3A_414] {strides = array<i32>} : memref<25x144xf32, #tpu.memory_space<vmem>>, vector<16xf32>,
    tpu.vector_store %arg11[%swap3A_413, %swap3A_414], %broadcast_in_dim3A_0 {strides = array<i32>} : memref<25x144xf32, #tpu.memory_space<vmem>>, vector<16xf32>,
    %swap3A_416 = arith.constant 11 : i32
    %swap3A_417 = arith.index_cast %swap3A_416 : i32 to index
    %swap3A_418 = arith.constant 80 : index
    %swap3A_419 = tpu.vector_load %arg11[%swap3A_417, %swap3A_418] {strides = array<i32>} : memref<25x144xf32, #tpu.memory_space<vmem>>, vector<16xf32>,
    tpu.vector_store %arg11[%swap3A_417, %swap3A_418], %broadcast_in_dim3A_0 {strides = array<i32>} : memref<25x144xf32, #tpu.memory_space<vmem>>, vector<16xf32>,
    %swap3A_420 = arith.constant 11 : i32
    %swap3A_421 = arith.index_cast %swap3A_420 : i32 to index
    %swap3A_422 = arith.constant 96 : index
    %swap3A_423 = tpu.vector_load %arg11[%swap3A_421, %swap3A_422] {strides = array<i32>} : memref<25x144xf32, #tpu.memory_space<vmem>>, vector<16xf32>,
    tpu.vector_store %arg11[%swap3A_421, %swap3A_422], %broadcast_in_dim3A_0 {strides = array<i32>} : memref<25x144xf32, #tpu.memory_space<vmem>>, vector<16xf32>,
    %swap3A_424 = arith.constant 11 : i32
    %swap3A_425 = arith.index_cast %swap3A_424 : i32 to index
    %swap3A_426 = arith.constant 112 : index
    %swap3A_427 = tpu.vector_load %arg11[%swap3A_425, %swap3A_426] {strides = array<i32>} : memref<25x144xf32, #tpu.memory_space<vmem>>, vector<16xf32>,
    tpu.vector_store %arg11[%swap3A_425, %swap3A_426], %broadcast_in_dim3A_0 {strides = array<i32>} : memref<25x144xf32, #tpu.memory_space<vmem>>, vector<16xf32>,
    %swap3A_428 = arith.constant 11 : i32
    %swap3A_429 = arith.index_cast %swap3A_428 : i32 to index
    %swap3A_430 = arith.constant 128 : index
    %swap3A_431 = tpu.vector_load %arg11[%swap3A_429, %swap3A_430] {strides = array<i32>} : memref<25x144xf32, #tpu.memory_space<vmem>>, vector<16xf32>,
    tpu.vector_store %arg11[%swap3A_429, %swap3A_430], %broadcast_in_dim3A_0 {strides = array<i32>} : memref<25x144xf32, #tpu.memory_space<vmem>>, vector<16xf32>,
    %swap3A_432 = arith.constant 12 : i32
    %swap3A_433 = arith.index_cast %swap3A_432 : i32 to index
    %swap3A_434 = arith.constant 0 : index
    %swap3A_435 = tpu.vector_load %arg11[%swap3A_433, %swap3A_434] {strides = array<i32>} : memref<25x144xf32, #tpu.memory_space<vmem>>, vector<16xf32>,
    tpu.vector_store %arg11[%swap3A_433, %swap3A_434], %broadcast_in_dim3A_0 {strides = array<i32>} : memref<25x144xf32, #tpu.memory_space<vmem>>, vector<16xf32>,
    %swap3A_436 = arith.constant 12 : i32
    %swap3A_437 = arith.index_cast %swap3A_436 : i32 to index
    %swap3A_438 = arith.constant 16 : index
    %swap3A_439 = tpu.vector_load %arg11[%swap3A_437, %swap3A_438] {strides = array<i32>} : memref<25x144xf32, #tpu.memory_space<vmem>>, vector<16xf32>,
    tpu.vector_store %arg11[%swap3A_437, %swap3A_438], %broadcast_in_dim3A_0 {strides = array<i32>} : memref<25x144xf32, #tpu.memory_space<vmem>>, vector<16xf32>,
    %swap3A_440 = arith.constant 12 : i32
    %swap3A_441 = arith.index_cast %swap3A_440 : i32 to index
    %swap3A_442 = arith.constant 32 : index
    %swap3A_443 = tpu.vector_load %arg11[%swap3A_441, %swap3A_442] {strides = array<i32>} : memref<25x144xf32, #tpu.memory_space<vmem>>, vector<16xf32>,
    tpu.vector_store %arg11[%swap3A_441, %swap3A_442], %broadcast_in_dim3A_0 {strides = array<i32>} : memref<25x144xf32, #tpu.memory_space<vmem>>, vector<16xf32>,
    %swap3A_444 = arith.constant 12 : i32
    %swap3A_445 = arith.index_cast %swap3A_444 : i32 to index
    %swap3A_446 = arith.constant 48 : index
    %swap3A_447 = tpu.vector_load %arg11[%swap3A_445, %swap3A_446] {strides = array<i32>} : memref<25x144xf32, #tpu.memory_space<vmem>>, vector<16xf32>,
    tpu.vector_store %arg11[%swap3A_445, %swap3A_446], %broadcast_in_dim3A_0 {strides = array<i32>} : memref<25x144xf32, #tpu.memory_space<vmem>>, vector<16xf32>,
    %swap3A_448 = arith.constant 12 : i32
    %swap3A_449 = arith.index_cast %swap3A_448 : i32 to index
    %swap3A_450 = arith.constant 64 : index
    %swap3A_451 = tpu.vector_load %arg11[%swap3A_449, %swap3A_450] {strides = array<i32>} : memref<25x144xf32, #tpu.memory_space<vmem>>, vector<16xf32>,
    tpu.vector_store %arg11[%swap3A_449, %swap3A_450], %broadcast_in_dim3A_0 {strides = array<i32>} : memref<25x144xf32, #tpu.memory_space<vmem>>, vector<16xf32>,
    %swap3A_452 = arith.constant 12 : i32
    %swap3A_453 = arith.index_cast %swap3A_452 : i32 to index
    %swap3A_454 = arith.constant 80 : index
    %swap3A_455 = tpu.vector_load %arg11[%swap3A_453, %swap3A_454] {strides = array<i32>} : memref<25x144xf32, #tpu.memory_space<vmem>>, vector<16xf32>,
    tpu.vector_store %arg11[%swap3A_453, %swap3A_454], %broadcast_in_dim3A_0 {strides = array<i32>} : memref<25x144xf32, #tpu.memory_space<vmem>>, vector<16xf32>,
    %swap3A_456 = arith.constant 12 : i32
    %swap3A_457 = arith.index_cast %swap3A_456 : i32 to index
    %swap3A_458 = arith.constant 96 : index
    %swap3A_459 = tpu.vector_load %arg11[%swap3A_457, %swap3A_458] {strides = array<i32>} : memref<25x144xf32, #tpu.memory_space<vmem>>, vector<16xf32>,
    tpu.vector_store %arg11[%swap3A_457, %swap3A_458], %broadcast_in_dim3A_0 {strides = array<i32>} : memref<25x144xf32, #tpu.memory_space<vmem>>, vector<16xf32>,
    %swap3A_460 = arith.constant 12 : i32
    %swap3A_461 = arith.index_cast %swap3A_460 : i32 to index
    %swap3A_462 = arith.constant 112 : index
    %swap3A_463 = tpu.vector_load %arg11[%swap3A_461, %swap3A_462] {strides = array<i32>} : memref<25x144xf32, #tpu.memory_space<vmem>>, vector<16xf32>,
    tpu.vector_store %arg11[%swap3A_461, %swap3A_462], %broadcast_in_dim3A_0 {strides = array<i32>} : memref<25x144xf32, #tpu.memory_space<vmem>>, vector<16xf32>,
    %swap3A_464 = arith.constant 12 : i32
    %swap3A_465 = arith.index_cast %swap3A_464 : i32 to index
    %swap3A_466 = arith.constant 128 : index
    %swap3A_467 = tpu.vector_load %arg11[%swap3A_465, %swap3A_466] {strides = array<i32>} : memref<25x144xf32, #tpu.memory_space<vmem>>, vector<16xf32>,
    tpu.vector_store %arg11[%swap3A_465, %swap3A_466], %broadcast_in_dim3A_0 {strides = array<i32>} : memref<25x144xf32, #tpu.memory_space<vmem>>, vector<16xf32>,
    %swap3A_468 = arith.constant 13 : i32
    %swap3A_469 = arith.index_cast %swap3A_468 : i32 to index
    %swap3A_470 = arith.constant 0 : index
    %swap3A_471 = tpu.vector_load %arg11[%swap3A_469, %swap3A_470] {strides = array<i32>} : memref<25x144xf32, #tpu.memory_space<vmem>>, vector<16xf32>,
    tpu.vector_store %arg11[%swap3A_469, %swap3A_470], %broadcast_in_dim3A_0 {strides = array<i32>} : memref<25x144xf32, #tpu.memory_space<vmem>>, vector<16xf32>,
    %swap3A_472 = arith.constant 13 : i32
    %swap3A_473 = arith.index_cast %swap3A_472 : i32 to index
    %swap3A_474 = arith.constant 16 : index
    %swap3A_475 = tpu.vector_load %arg11[%swap3A_473, %swap3A_474] {strides = array<i32>} : memref<25x144xf32, #tpu.memory_space<vmem>>, vector<16xf32>,
    tpu.vector_store %arg11[%swap3A_473, %swap3A_474], %broadcast_in_dim3A_0 {strides = array<i32>} : memref<25x144xf32, #tpu.memory_space<vmem>>, vector<16xf32>,
    %swap3A_476 = arith.constant 13 : i32
    %swap3A_477 = arith.index_cast %swap3A_476 : i32 to index
    %swap3A_478 = arith.constant 32 : index
    %swap3A_479 = tpu.vector_load %arg11[%swap3A_477, %swap3A_478] {strides = array<i32>} : memref<25x144xf32, #tpu.memory_space<vmem>>, vector<16xf32>,
    tpu.vector_store %arg11[%swap3A_477, %swap3A_478], %broadcast_in_dim3A_0 {strides = array<i32>} : memref<25x144xf32, #tpu.memory_space<vmem>>, vector<16xf32>,
    %swap3A_480 = arith.constant 13 : i32
    %swap3A_481 = arith.index_cast %swap3A_480 : i32 to index
    %swap3A_482 = arith.constant 48 : index
    %swap3A_483 = tpu.vector_load %arg11[%swap3A_481, %swap3A_482] {strides = array<i32>} : memref<25x144xf32, #tpu.memory_space<vmem>>, vector<16xf32>,
    tpu.vector_store %arg11[%swap3A_481, %swap3A_482], %broadcast_in_dim3A_0 {strides = array<i32>} : memref<25x144xf32, #tpu.memory_space<vmem>>, vector<16xf32>,
    %swap3A_484 = arith.constant 13 : i32
    %swap3A_485 = arith.index_cast %swap3A_484 : i32 to index
    %swap3A_486 = arith.constant 64 : index
    %swap3A_487 = tpu.vector_load %arg11[%swap3A_485, %swap3A_486] {strides = array<i32>} : memref<25x144xf32, #tpu.memory_space<vmem>>, vector<16xf32>,
    tpu.vector_store %arg11[%swap3A_485, %swap3A_486], %broadcast_in_dim3A_0 {strides = array<i32>} : memref<25x144xf32, #tpu.memory_space<vmem>>, vector<16xf32>,
    %swap3A_488 = arith.constant 13 : i32
    %swap3A_489 = arith.index_cast %swap3A_488 : i32 to index
    %swap3A_490 = arith.constant 80 : index
    %swap3A_491 = tpu.vector_load %arg11[%swap3A_489, %swap3A_490] {strides = array<i32>} : memref<25x144xf32, #tpu.memory_space<vmem>>, vector<16xf32>,
    tpu.vector_store %arg11[%swap3A_489, %swap3A_490], %broadcast_in_dim3A_0 {strides = array<i32>} : memref<25x144xf32, #tpu.memory_space<vmem>>, vector<16xf32>,
    %swap3A_492 = arith.constant 13 : i32
    %swap3A_493 = arith.index_cast %swap3A_492 : i32 to index
    %swap3A_494 = arith.constant 96 : index
    %swap3A_495 = tpu.vector_load %arg11[%swap3A_493, %swap3A_494] {strides = array<i32>} : memref<25x144xf32, #tpu.memory_space<vmem>>, vector<16xf32>,
    tpu.vector_store %arg11[%swap3A_493, %swap3A_494], %broadcast_in_dim3A_0 {strides = array<i32>} : memref<25x144xf32, #tpu.memory_space<vmem>>, vector<16xf32>,
    %swap3A_496 = arith.constant 13 : i32
    %swap3A_497 = arith.index_cast %swap3A_496 : i32 to index
    %swap3A_498 = arith.constant 112 : index
    %swap3A_499 = tpu.vector_load %arg11[%swap3A_497, %swap3A_498] {strides = array<i32>} : memref<25x144xf32, #tpu.memory_space<vmem>>, vector<16xf32>,
    tpu.vector_store %arg11[%swap3A_497, %swap3A_498], %broadcast_in_dim3A_0 {strides = array<i32>} : memref<25x144xf32, #tpu.memory_space<vmem>>, vector<16xf32>,
    %swap3A_500 = arith.constant 13 : i32
    %swap3A_501 = arith.index_cast %swap3A_500 : i32 to index
    %swap3A_502 = arith.constant 128 : index
    %swap3A_503 = tpu.vector_load %arg11[%swap3A_501, %swap3A_502] {strides = array<i32>} : memref<25x144xf32, #tpu.memory_space<vmem>>, vector<16xf32>,
    tpu.vector_store %arg11[%swap3A_501, %swap3A_502], %broadcast_in_dim3A_0 {strides = array<i32>} : memref<25x144xf32, #tpu.memory_space<vmem>>, vector<16xf32>,
    %swap3A_504 = arith.constant 14 : i32
    %swap3A_505 = arith.index_cast %swap3A_504 : i32 to index
    %swap3A_506 = arith.constant 0 : index
    %swap3A_507 = tpu.vector_load %arg11[%swap3A_505, %swap3A_506] {strides = array<i32>} : memref<25x144xf32, #tpu.memory_space<vmem>>, vector<16xf32>,
    tpu.vector_store %arg11[%swap3A_505, %swap3A_506], %broadcast_in_dim3A_0 {strides = array<i32>} : memref<25x144xf32, #tpu.memory_space<vmem>>, vector<16xf32>,
    %swap3A_508 = arith.constant 14 : i32
    %swap3A_509 = arith.index_cast %swap3A_508 : i32 to index
    %swap3A_510 = arith.constant 16 : index
    %swap3A_511 = tpu.vector_load %arg11[%swap3A_509, %swap3A_510] {strides = array<i32>} : memref<25x144xf32, #tpu.memory_space<vmem>>, vector<16xf32>,
    tpu.vector_store %arg11[%swap3A_509, %swap3A_510], %broadcast_in_dim3A_0 {strides = array<i32>} : memref<25x144xf32, #tpu.memory_space<vmem>>, vector<16xf32>,
    %swap3A_512 = arith.constant 14 : i32
    %swap3A_513 = arith.index_cast %swap3A_512 : i32 to index
    %swap3A_514 = arith.constant 32 : index
    %swap3A_515 = tpu.vector_load %arg11[%swap3A_513, %swap3A_514] {strides = array<i32>} : memref<25x144xf32, #tpu.memory_space<vmem>>, vector<16xf32>,
    tpu.vector_store %arg11[%swap3A_513, %swap3A_514], %broadcast_in_dim3A_0 {strides = array<i32>} : memref<25x144xf32, #tpu.memory_space<vmem>>, vector<16xf32>,
    %swap3A_516 = arith.constant 14 : i32
    %swap3A_517 = arith.index_cast %swap3A_516 : i32 to index
    %swap3A_518 = arith.constant 48 : index
    %swap3A_519 = tpu.vector_load %arg11[%swap3A_517, %swap3A_518] {strides = array<i32>} : memref<25x144xf32, #tpu.memory_space<vmem>>, vector<16xf32>,
    tpu.vector_store %arg11[%swap3A_517, %swap3A_518], %broadcast_in_dim3A_0 {strides = array<i32>} : memref<25x144xf32, #tpu.memory_space<vmem>>, vector<16xf32>,
    %swap3A_520 = arith.constant 14 : i32
    %swap3A_521 = arith.index_cast %swap3A_520 : i32 to index
    %swap3A_522 = arith.constant 64 : index
    %swap3A_523 = tpu.vector_load %arg11[%swap3A_521, %swap3A_522] {strides = array<i32>} : memref<25x144xf32, #tpu.memory_space<vmem>>, vector<16xf32>,
    tpu.vector_store %arg11[%swap3A_521, %swap3A_522], %broadcast_in_dim3A_0 {strides = array<i32>} : memref<25x144xf32, #tpu.memory_space<vmem>>, vector<16xf32>,
    %swap3A_524 = arith.constant 14 : i32
    %swap3A_525 = arith.index_cast %swap3A_524 : i32 to index
    %swap3A_526 = arith.constant 80 : index
    %swap3A_527 = tpu.vector_load %arg11[%swap3A_525, %swap3A_526] {strides = array<i32>} : memref<25x144xf32, #tpu.memory_space<vmem>>, vector<16xf32>,
    tpu.vector_store %arg11[%swap3A_525, %swap3A_526], %broadcast_in_dim3A_0 {strides = array<i32>} : memref<25x144xf32, #tpu.memory_space<vmem>>, vector<16xf32>,
    %swap3A_528 = arith.constant 14 : i32
    %swap3A_529 = arith.index_cast %swap3A_528 : i32 to index
    %swap3A_530 = arith.constant 96 : index
    %swap3A_531 = tpu.vector_load %arg11[%swap3A_529, %swap3A_530] {strides = array<i32>} : memref<25x144xf32, #tpu.memory_space<vmem>>, vector<16xf32>,
    tpu.vector_store %arg11[%swap3A_529, %swap3A_530], %broadcast_in_dim3A_0 {strides = array<i32>} : memref<25x144xf32, #tpu.memory_space<vmem>>, vector<16xf32>,
    %swap3A_532 = arith.constant 14 : i32
    %swap3A_533 = arith.index_cast %swap3A_532 : i32 to index
    %swap3A_534 = arith.constant 112 : index
    %swap3A_535 = tpu.vector_load %arg11[%swap3A_533, %swap3A_534] {strides = array<i32>} : memref<25x144xf32, #tpu.memory_space<vmem>>, vector<16xf32>,
    tpu.vector_store %arg11[%swap3A_533, %swap3A_534], %broadcast_in_dim3A_0 {strides = array<i32>} : memref<25x144xf32, #tpu.memory_space<vmem>>, vector<16xf32>,
    %swap3A_536 = arith.constant 14 : i32
    %swap3A_537 = arith.index_cast %swap3A_536 : i32 to index
    %swap3A_538 = arith.constant 128 : index
    %swap3A_539 = tpu.vector_load %arg11[%swap3A_537, %swap3A_538] {strides = array<i32>} : memref<25x144xf32, #tpu.memory_space<vmem>>, vector<16xf32>,
    tpu.vector_store %arg11[%swap3A_537, %swap3A_538], %broadcast_in_dim3A_0 {strides = array<i32>} : memref<25x144xf32, #tpu.memory_space<vmem>>, vector<16xf32>,
    %swap3A_540 = arith.constant 15 : i32
    %swap3A_541 = arith.index_cast %swap3A_540 : i32 to index
    %swap3A_542 = arith.constant 0 : index
    %swap3A_543 = tpu.vector_load %arg11[%swap3A_541, %swap3A_542] {strides = array<i32>} : memref<25x144xf32, #tpu.memory_space<vmem>>, vector<16xf32>,
    tpu.vector_store %arg11[%swap3A_541, %swap3A_542], %broadcast_in_dim3A_0 {strides = array<i32>} : memref<25x144xf32, #tpu.memory_space<vmem>>, vector<16xf32>,
    %swap3A_544 = arith.constant 15 : i32
    %swap3A_545 = arith.index_cast %swap3A_544 : i32 to index
    %swap3A_546 = arith.constant 16 : index
    %swap3A_547 = tpu.vector_load %arg11[%swap3A_545, %swap3A_546] {strides = array<i32>} : memref<25x144xf32, #tpu.memory_space<vmem>>, vector<16xf32>,
    tpu.vector_store %arg11[%swap3A_545, %swap3A_546], %broadcast_in_dim3A_0 {strides = array<i32>} : memref<25x144xf32, #tpu.memory_space<vmem>>, vector<16xf32>,
    %swap3A_548 = arith.constant 15 : i32
    %swap3A_549 = arith.index_cast %swap3A_548 : i32 to index
    %swap3A_550 = arith.constant 32 : index
    %swap3A_551 = tpu.vector_load %arg11[%swap3A_549, %swap3A_550] {strides = array<i32>} : memref<25x144xf32, #tpu.memory_space<vmem>>, vector<16xf32>,
    tpu.vector_store %arg11[%swap3A_549, %swap3A_550], %broadcast_in_dim3A_0 {strides = array<i32>} : memref<25x144xf32, #tpu.memory_space<vmem>>, vector<16xf32>,
    %swap3A_552 = arith.constant 15 : i32
    %swap3A_553 = arith.index_cast %swap3A_552 : i32 to index
    %swap3A_554 = arith.constant 48 : index
    %swap3A_555 = tpu.vector_load %arg11[%swap3A_553, %swap3A_554] {strides = array<i32>} : memref<25x144xf32, #tpu.memory_space<vmem>>, vector<16xf32>,
    tpu.vector_store %arg11[%swap3A_553, %swap3A_554], %broadcast_in_dim3A_0 {strides = array<i32>} : memref<25x144xf32, #tpu.memory_space<vmem>>, vector<16xf32>,
    %swap3A_556 = arith.constant 15 : i32
    %swap3A_557 = arith.index_cast %swap3A_556 : i32 to index
    %swap3A_558 = arith.constant 64 : index
    %swap3A_559 = tpu.vector_load %arg11[%swap3A_557, %swap3A_558] {strides = array<i32>} : memref<25x144xf32, #tpu.memory_space<vmem>>, vector<16xf32>,
    tpu.vector_store %arg11[%swap3A_557, %swap3A_558], %broadcast_in_dim3A_0 {strides = array<i32>} : memref<25x144xf32, #tpu.memory_space<vmem>>, vector<16xf32>,
    %swap3A_560 = arith.constant 15 : i32
    %swap3A_561 = arith.index_cast %swap3A_560 : i32 to index
    %swap3A_562 = arith.constant 80 : index
    %swap3A_563 = tpu.vector_load %arg11[%swap3A_561, %swap3A_562] {strides = array<i32>} : memref<25x144xf32, #tpu.memory_space<vmem>>, vector<16xf32>,
    tpu.vector_store %arg11[%swap3A_561, %swap3A_562], %broadcast_in_dim3A_0 {strides = array<i32>} : memref<25x144xf32, #tpu.memory_space<vmem>>, vector<16xf32>,
    %swap3A_564 = arith.constant 15 : i32
    %swap3A_565 = arith.index_cast %swap3A_564 : i32 to index
    %swap3A_566 = arith.constant 96 : index
    %swap3A_567 = tpu.vector_load %arg11[%swap3A_565, %swap3A_566] {strides = array<i32>} : memref<25x144xf32, #tpu.memory_space<vmem>>, vector<16xf32>,
    tpu.vector_store %arg11[%swap3A_565, %swap3A_566], %broadcast_in_dim3A_0 {strides = array<i32>} : memref<25x144xf32, #tpu.memory_space<vmem>>, vector<16xf32>,
    %swap3A_568 = arith.constant 15 : i32
    %swap3A_569 = arith.index_cast %swap3A_568 : i32 to index
    %swap3A_570 = arith.constant 112 : index
    %swap3A_571 = tpu.vector_load %arg11[%swap3A_569, %swap3A_570] {strides = array<i32>} : memref<25x144xf32, #tpu.memory_space<vmem>>, vector<16xf32>,
    tpu.vector_store %arg11[%swap3A_569, %swap3A_570], %broadcast_in_dim3A_0 {strides = array<i32>} : memref<25x144xf32, #tpu.memory_space<vmem>>, vector<16xf32>,
    %swap3A_572 = arith.constant 15 : i32
    %swap3A_573 = arith.index_cast %swap3A_572 : i32 to index
    %swap3A_574 = arith.constant 128 : index
    %swap3A_575 = tpu.vector_load %arg11[%swap3A_573, %swap3A_574] {strides = array<i32>} : memref<25x144xf32, #tpu.memory_space<vmem>>, vector<16xf32>,
    tpu.vector_store %arg11[%swap3A_573, %swap3A_574], %broadcast_in_dim3A_0 {strides = array<i32>} : memref<25x144xf32, #tpu.memory_space<vmem>>, vector<16xf32>,
    %swap3A_576 = arith.constant 16 : i32
    %swap3A_577 = arith.index_cast %swap3A_576 : i32 to index
    %swap3A_578 = arith.constant 0 : index
    %swap3A_579 = tpu.vector_load %arg11[%swap3A_577, %swap3A_578] {strides = array<i32>} : memref<25x144xf32, #tpu.memory_space<vmem>>, vector<16xf32>,
    tpu.vector_store %arg11[%swap3A_577, %swap3A_578], %broadcast_in_dim3A_0 {strides = array<i32>} : memref<25x144xf32, #tpu.memory_space<vmem>>, vector<16xf32>,
    %swap3A_580 = arith.constant 16 : i32
    %swap3A_581 = arith.index_cast %swap3A_580 : i32 to index
    %swap3A_582 = arith.constant 16 : index
    %swap3A_583 = tpu.vector_load %arg11[%swap3A_581, %swap3A_582] {strides = array<i32>} : memref<25x144xf32, #tpu.memory_space<vmem>>, vector<16xf32>,
    tpu.vector_store %arg11[%swap3A_581, %swap3A_582], %broadcast_in_dim3A_0 {strides = array<i32>} : memref<25x144xf32, #tpu.memory_space<vmem>>, vector<16xf32>,
    %swap3A_584 = arith.constant 16 : i32
    %swap3A_585 = arith.index_cast %swap3A_584 : i32 to index
    %swap3A_586 = arith.constant 32 : index
    %swap3A_587 = tpu.vector_load %arg11[%swap3A_585, %swap3A_586] {strides = array<i32>} : memref<25x144xf32, #tpu.memory_space<vmem>>, vector<16xf32>,
    tpu.vector_store %arg11[%swap3A_585, %swap3A_586], %broadcast_in_dim3A_0 {strides = array<i32>} : memref<25x144xf32, #tpu.memory_space<vmem>>, vector<16xf32>,
    %swap3A_588 = arith.constant 16 : i32
    %swap3A_589 = arith.index_cast %swap3A_588 : i32 to index
    %swap3A_590 = arith.constant 48 : index
    %swap3A_591 = tpu.vector_load %arg11[%swap3A_589, %swap3A_590] {strides = array<i32>} : memref<25x144xf32, #tpu.memory_space<vmem>>, vector<16xf32>,
    tpu.vector_store %arg11[%swap3A_589, %swap3A_590], %broadcast_in_dim3A_0 {strides = array<i32>} : memref<25x144xf32, #tpu.memory_space<vmem>>, vector<16xf32>,
    %swap3A_592 = arith.constant 16 : i32
    %swap3A_593 = arith.index_cast %swap3A_592 : i32 to index
    %swap3A_594 = arith.constant 64 : index
    %swap3A_595 = tpu.vector_load %arg11[%swap3A_593, %swap3A_594] {strides = array<i32>} : memref<25x144xf32, #tpu.memory_space<vmem>>, vector<16xf32>,
    tpu.vector_store %arg11[%swap3A_593, %swap3A_594], %broadcast_in_dim3A_0 {strides = array<i32>} : memref<25x144xf32, #tpu.memory_space<vmem>>, vector<16xf32>,
    %swap3A_596 = arith.constant 16 : i32
    %swap3A_597 = arith.index_cast %swap3A_596 : i32 to index
    %swap3A_598 = arith.constant 80 : index
    %swap3A_599 = tpu.vector_load %arg11[%swap3A_597, %swap3A_598] {strides = array<i32>} : memref<25x144xf32, #tpu.memory_space<vmem>>, vector<16xf32>,
    tpu.vector_store %arg11[%swap3A_597, %swap3A_598], %broadcast_in_dim3A_0 {strides = array<i32>} : memref<25x144xf32, #tpu.memory_space<vmem>>, vector<16xf32>,
    %swap3A_600 = arith.constant 16 : i32
    %swap3A_601 = arith.index_cast %swap3A_600 : i32 to index
    %swap3A_602 = arith.constant 96 : index
    %swap3A_603 = tpu.vector_load %arg11[%swap3A_601, %swap3A_602] {strides = array<i32>} : memref<25x144xf32, #tpu.memory_space<vmem>>, vector<16xf32>,
    tpu.vector_store %arg11[%swap3A_601, %swap3A_602], %broadcast_in_dim3A_0 {strides = array<i32>} : memref<25x144xf32, #tpu.memory_space<vmem>>, vector<16xf32>,
    %swap3A_604 = arith.constant 16 : i32
    %swap3A_605 = arith.index_cast %swap3A_604 : i32 to index
    %swap3A_606 = arith.constant 112 : index
    %swap3A_607 = tpu.vector_load %arg11[%swap3A_605, %swap3A_606] {strides = array<i32>} : memref<25x144xf32, #tpu.memory_space<vmem>>, vector<16xf32>,
    tpu.vector_store %arg11[%swap3A_605, %swap3A_606], %broadcast_in_dim3A_0 {strides = array<i32>} : memref<25x144xf32, #tpu.memory_space<vmem>>, vector<16xf32>,
    %swap3A_608 = arith.constant 16 : i32
    %swap3A_609 = arith.index_cast %swap3A_608 : i32 to index
    %swap3A_610 = arith.constant 128 : index
    %swap3A_611 = tpu.vector_load %arg11[%swap3A_609, %swap3A_610] {strides = array<i32>} : memref<25x144xf32, #tpu.memory_space<vmem>>, vector<16xf32>,
    tpu.vector_store %arg11[%swap3A_609, %swap3A_610], %broadcast_in_dim3A_0 {strides = array<i32>} : memref<25x144xf32, #tpu.memory_space<vmem>>, vector<16xf32>,
    %swap3A_612 = arith.constant 17 : i32
    %swap3A_613 = arith.index_cast %swap3A_612 : i32 to index
    %swap3A_614 = arith.constant 0 : index
    %swap3A_615 = tpu.vector_load %arg11[%swap3A_613, %swap3A_614] {strides = array<i32>} : memref<25x144xf32, #tpu.memory_space<vmem>>, vector<16xf32>,
    tpu.vector_store %arg11[%swap3A_613, %swap3A_614], %broadcast_in_dim3A_0 {strides = array<i32>} : memref<25x144xf32, #tpu.memory_space<vmem>>, vector<16xf32>,
    %swap3A_616 = arith.constant 17 : i32
    %swap3A_617 = arith.index_cast %swap3A_616 : i32 to index
    %swap3A_618 = arith.constant 16 : index
    %swap3A_619 = tpu.vector_load %arg11[%swap3A_617, %swap3A_618] {strides = array<i32>} : memref<25x144xf32, #tpu.memory_space<vmem>>, vector<16xf32>,
    tpu.vector_store %arg11[%swap3A_617, %swap3A_618], %broadcast_in_dim3A_0 {strides = array<i32>} : memref<25x144xf32, #tpu.memory_space<vmem>>, vector<16xf32>,
    %swap3A_620 = arith.constant 17 : i32
    %swap3A_621 = arith.index_cast %swap3A_620 : i32 to index
    %swap3A_622 = arith.constant 32 : index
    %swap3A_623 = tpu.vector_load %arg11[%swap3A_621, %swap3A_622] {strides = array<i32>} : memref<25x144xf32, #tpu.memory_space<vmem>>, vector<16xf32>,
    tpu.vector_store %arg11[%swap3A_621, %swap3A_622], %broadcast_in_dim3A_0 {strides = array<i32>} : memref<25x144xf32, #tpu.memory_space<vmem>>, vector<16xf32>,
    %swap3A_624 = arith.constant 17 : i32
    %swap3A_625 = arith.index_cast %swap3A_624 : i32 to index
    %swap3A_626 = arith.constant 48 : index
    %swap3A_627 = tpu.vector_load %arg11[%swap3A_625, %swap3A_626] {strides = array<i32>} : memref<25x144xf32, #tpu.memory_space<vmem>>, vector<16xf32>,
    tpu.vector_store %arg11[%swap3A_625, %swap3A_626], %broadcast_in_dim3A_0 {strides = array<i32>} : memref<25x144xf32, #tpu.memory_space<vmem>>, vector<16xf32>,
    %swap3A_628 = arith.constant 17 : i32
    %swap3A_629 = arith.index_cast %swap3A_628 : i32 to index
    %swap3A_630 = arith.constant 64 : index
    %swap3A_631 = tpu.vector_load %arg11[%swap3A_629, %swap3A_630] {strides = array<i32>} : memref<25x144xf32, #tpu.memory_space<vmem>>, vector<16xf32>,
    tpu.vector_store %arg11[%swap3A_629, %swap3A_630], %broadcast_in_dim3A_0 {strides = array<i32>} : memref<25x144xf32, #tpu.memory_space<vmem>>, vector<16xf32>,
    %swap3A_632 = arith.constant 17 : i32
    %swap3A_633 = arith.index_cast %swap3A_632 : i32 to index
    %swap3A_634 = arith.constant 80 : index
    %swap3A_635 = tpu.vector_load %arg11[%swap3A_633, %swap3A_634] {strides = array<i32>} : memref<25x144xf32, #tpu.memory_space<vmem>>, vector<16xf32>,
    tpu.vector_store %arg11[%swap3A_633, %swap3A_634], %broadcast_in_dim3A_0 {strides = array<i32>} : memref<25x144xf32, #tpu.memory_space<vmem>>, vector<16xf32>,
    %swap3A_636 = arith.constant 17 : i32
    %swap3A_637 = arith.index_cast %swap3A_636 : i32 to index
    %swap3A_638 = arith.constant 96 : index
    %swap3A_639 = tpu.vector_load %arg11[%swap3A_637, %swap3A_638] {strides = array<i32>} : memref<25x144xf32, #tpu.memory_space<vmem>>, vector<16xf32>,
    tpu.vector_store %arg11[%swap3A_637, %swap3A_638], %broadcast_in_dim3A_0 {strides = array<i32>} : memref<25x144xf32, #tpu.memory_space<vmem>>, vector<16xf32>,
    %swap3A_640 = arith.constant 17 : i32
    %swap3A_641 = arith.index_cast %swap3A_640 : i32 to index
    %swap3A_642 = arith.constant 112 : index
    %swap3A_643 = tpu.vector_load %arg11[%swap3A_641, %swap3A_642] {strides = array<i32>} : memref<25x144xf32, #tpu.memory_space<vmem>>, vector<16xf32>,
    tpu.vector_store %arg11[%swap3A_641, %swap3A_642], %broadcast_in_dim3A_0 {strides = array<i32>} : memref<25x144xf32, #tpu.memory_space<vmem>>, vector<16xf32>,
    %swap3A_644 = arith.constant 17 : i32
    %swap3A_645 = arith.index_cast %swap3A_644 : i32 to index
    %swap3A_646 = arith.constant 128 : index
    %swap3A_647 = tpu.vector_load %arg11[%swap3A_645, %swap3A_646] {strides = array<i32>} : memref<25x144xf32, #tpu.memory_space<vmem>>, vector<16xf32>,
    tpu.vector_store %arg11[%swap3A_645, %swap3A_646], %broadcast_in_dim3A_0 {strides = array<i32>} : memref<25x144xf32, #tpu.memory_space<vmem>>, vector<16xf32>,
    %swap3A_648 = arith.constant 18 : i32
    %swap3A_649 = arith.index_cast %swap3A_648 : i32 to index
    %swap3A_650 = arith.constant 0 : index
    %swap3A_651 = tpu.vector_load %arg11[%swap3A_649, %swap3A_650] {strides = array<i32>} : memref<25x144xf32, #tpu.memory_space<vmem>>, vector<16xf32>,
    tpu.vector_store %arg11[%swap3A_649, %swap3A_650], %broadcast_in_dim3A_0 {strides = array<i32>} : memref<25x144xf32, #tpu.memory_space<vmem>>, vector<16xf32>,
    %swap3A_652 = arith.constant 18 : i32
    %swap3A_653 = arith.index_cast %swap3A_652 : i32 to index
    %swap3A_654 = arith.constant 16 : index
    %swap3A_655 = tpu.vector_load %arg11[%swap3A_653, %swap3A_654] {strides = array<i32>} : memref<25x144xf32, #tpu.memory_space<vmem>>, vector<16xf32>,
    tpu.vector_store %arg11[%swap3A_653, %swap3A_654], %broadcast_in_dim3A_0 {strides = array<i32>} : memref<25x144xf32, #tpu.memory_space<vmem>>, vector<16xf32>,
    %swap3A_656 = arith.constant 18 : i32
    %swap3A_657 = arith.index_cast %swap3A_656 : i32 to index
    %swap3A_658 = arith.constant 32 : index
    %swap3A_659 = tpu.vector_load %arg11[%swap3A_657, %swap3A_658] {strides = array<i32>} : memref<25x144xf32, #tpu.memory_space<vmem>>, vector<16xf32>,
    tpu.vector_store %arg11[%swap3A_657, %swap3A_658], %broadcast_in_dim3A_0 {strides = array<i32>} : memref<25x144xf32, #tpu.memory_space<vmem>>, vector<16xf32>,
    %swap3A_660 = arith.constant 18 : i32
    %swap3A_661 = arith.index_cast %swap3A_660 : i32 to index
    %swap3A_662 = arith.constant 48 : index
    %swap3A_663 = tpu.vector_load %arg11[%swap3A_661, %swap3A_662] {strides = array<i32>} : memref<25x144xf32, #tpu.memory_space<vmem>>, vector<16xf32>,
    tpu.vector_store %arg11[%swap3A_661, %swap3A_662], %broadcast_in_dim3A_0 {strides = array<i32>} : memref<25x144xf32, #tpu.memory_space<vmem>>, vector<16xf32>,
    %swap3A_664 = arith.constant 18 : i32
    %swap3A_665 = arith.index_cast %swap3A_664 : i32 to index
    %swap3A_666 = arith.constant 64 : index
    %swap3A_667 = tpu.vector_load %arg11[%swap3A_665, %swap3A_666] {strides = array<i32>} : memref<25x144xf32, #tpu.memory_space<vmem>>, vector<16xf32>,
    tpu.vector_store %arg11[%swap3A_665, %swap3A_666], %broadcast_in_dim3A_0 {strides = array<i32>} : memref<25x144xf32, #tpu.memory_space<vmem>>, vector<16xf32>,
    %swap3A_668 = arith.constant 18 : i32
    %swap3A_669 = arith.index_cast %swap3A_668 : i32 to index
    %swap3A_670 = arith.constant 80 : index
    %swap3A_671 = tpu.vector_load %arg11[%swap3A_669, %swap3A_670] {strides = array<i32>} : memref<25x144xf32, #tpu.memory_space<vmem>>, vector<16xf32>,
    tpu.vector_store %arg11[%swap3A_669, %swap3A_670], %broadcast_in_dim3A_0 {strides = array<i32>} : memref<25x144xf32, #tpu.memory_space<vmem>>, vector<16xf32>,
    %swap3A_672 = arith.constant 18 : i32
    %swap3A_673 = arith.index_cast %swap3A_672 : i32 to index
    %swap3A_674 = arith.constant 96 : index
    %swap3A_675 = tpu.vector_load %arg11[%swap3A_673, %swap3A_674] {strides = array<i32>} : memref<25x144xf32, #tpu.memory_space<vmem>>, vector<16xf32>,
    tpu.vector_store %arg11[%swap3A_673, %swap3A_674], %broadcast_in_dim3A_0 {strides = array<i32>} : memref<25x144xf32, #tpu.memory_space<vmem>>, vector<16xf32>,
    %swap3A_676 = arith.constant 18 : i32
    %swap3A_677 = arith.index_cast %swap3A_676 : i32 to index
    %swap3A_678 = arith.constant 112 : index
    %swap3A_679 = tpu.vector_load %arg11[%swap3A_677, %swap3A_678] {strides = array<i32>} : memref<25x144xf32, #tpu.memory_space<vmem>>, vector<16xf32>,
    tpu.vector_store %arg11[%swap3A_677, %swap3A_678], %broadcast_in_dim3A_0 {strides = array<i32>} : memref<25x144xf32, #tpu.memory_space<vmem>>, vector<16xf32>,
    %swap3A_680 = arith.constant 18 : i32
    %swap3A_681 = arith.index_cast %swap3A_680 : i32 to index
    %swap3A_682 = arith.constant 128 : index
    %swap3A_683 = tpu.vector_load %arg11[%swap3A_681, %swap3A_682] {strides = array<i32>} : memref<25x144xf32, #tpu.memory_space<vmem>>, vector<16xf32>,
    tpu.vector_store %arg11[%swap3A_681, %swap3A_682], %broadcast_in_dim3A_0 {strides = array<i32>} : memref<25x144xf32, #tpu.memory_space<vmem>>, vector<16xf32>,
    %swap3A_684 = arith.constant 19 : i32
    %swap3A_685 = arith.index_cast %swap3A_684 : i32 to index
    %swap3A_686 = arith.constant 0 : index
    %swap3A_687 = tpu.vector_load %arg11[%swap3A_685, %swap3A_686] {strides = array<i32>} : memref<25x144xf32, #tpu.memory_space<vmem>>, vector<16xf32>,
    tpu.vector_store %arg11[%swap3A_685, %swap3A_686], %broadcast_in_dim3A_0 {strides = array<i32>} : memref<25x144xf32, #tpu.memory_space<vmem>>, vector<16xf32>,
    %swap3A_688 = arith.constant 19 : i32
    %swap3A_689 = arith.index_cast %swap3A_688 : i32 to index
    %swap3A_690 = arith.constant 16 : index
    %swap3A_691 = tpu.vector_load %arg11[%swap3A_689, %swap3A_690] {strides = array<i32>} : memref<25x144xf32, #tpu.memory_space<vmem>>, vector<16xf32>,
    tpu.vector_store %arg11[%swap3A_689, %swap3A_690], %broadcast_in_dim3A_0 {strides = array<i32>} : memref<25x144xf32, #tpu.memory_space<vmem>>, vector<16xf32>,
    %swap3A_692 = arith.constant 19 : i32
    %swap3A_693 = arith.index_cast %swap3A_692 : i32 to index
    %swap3A_694 = arith.constant 32 : index
    %swap3A_695 = tpu.vector_load %arg11[%swap3A_693, %swap3A_694] {strides = array<i32>} : memref<25x144xf32, #tpu.memory_space<vmem>>, vector<16xf32>,
    tpu.vector_store %arg11[%swap3A_693, %swap3A_694], %broadcast_in_dim3A_0 {strides = array<i32>} : memref<25x144xf32, #tpu.memory_space<vmem>>, vector<16xf32>,
    %swap3A_696 = arith.constant 19 : i32
    %swap3A_697 = arith.index_cast %swap3A_696 : i32 to index
    %swap3A_698 = arith.constant 48 : index
    %swap3A_699 = tpu.vector_load %arg11[%swap3A_697, %swap3A_698] {strides = array<i32>} : memref<25x144xf32, #tpu.memory_space<vmem>>, vector<16xf32>,
    tpu.vector_store %arg11[%swap3A_697, %swap3A_698], %broadcast_in_dim3A_0 {strides = array<i32>} : memref<25x144xf32, #tpu.memory_space<vmem>>, vector<16xf32>,
    %swap3A_700 = arith.constant 19 : i32
    %swap3A_701 = arith.index_cast %swap3A_700 : i32 to index
    %swap3A_702 = arith.constant 64 : index
    %swap3A_703 = tpu.vector_load %arg11[%swap3A_701, %swap3A_702] {strides = array<i32>} : memref<25x144xf32, #tpu.memory_space<vmem>>, vector<16xf32>,
    tpu.vector_store %arg11[%swap3A_701, %swap3A_702], %broadcast_in_dim3A_0 {strides = array<i32>} : memref<25x144xf32, #tpu.memory_space<vmem>>, vector<16xf32>,
    %swap3A_704 = arith.constant 19 : i32
    %swap3A_705 = arith.index_cast %swap3A_704 : i32 to index
    %swap3A_706 = arith.constant 80 : index
    %swap3A_707 = tpu.vector_load %arg11[%swap3A_705, %swap3A_706] {strides = array<i32>} : memref<25x144xf32, #tpu.memory_space<vmem>>, vector<16xf32>,
    tpu.vector_store %arg11[%swap3A_705, %swap3A_706], %broadcast_in_dim3A_0 {strides = array<i32>} : memref<25x144xf32, #tpu.memory_space<vmem>>, vector<16xf32>,
    %swap3A_708 = arith.constant 19 : i32
    %swap3A_709 = arith.index_cast %swap3A_708 : i32 to index
    %swap3A_710 = arith.constant 96 : index
    %swap3A_711 = tpu.vector_load %arg11[%swap3A_709, %swap3A_710] {strides = array<i32>} : memref<25x144xf32, #tpu.memory_space<vmem>>, vector<16xf32>,
    tpu.vector_store %arg11[%swap3A_709, %swap3A_710], %broadcast_in_dim3A_0 {strides = array<i32>} : memref<25x144xf32, #tpu.memory_space<vmem>>, vector<16xf32>,
    %swap3A_712 = arith.constant 19 : i32
    %swap3A_713 = arith.index_cast %swap3A_712 : i32 to index
    %swap3A_714 = arith.constant 112 : index
    %swap3A_715 = tpu.vector_load %arg11[%swap3A_713, %swap3A_714] {strides = array<i32>} : memref<25x144xf32, #tpu.memory_space<vmem>>, vector<16xf32>,
    tpu.vector_store %arg11[%swap3A_713, %swap3A_714], %broadcast_in_dim3A_0 {strides = array<i32>} : memref<25x144xf32, #tpu.memory_space<vmem>>, vector<16xf32>,
    %swap3A_716 = arith.constant 19 : i32
    %swap3A_717 = arith.index_cast %swap3A_716 : i32 to index
    %swap3A_718 = arith.constant 128 : index
    %swap3A_719 = tpu.vector_load %arg11[%swap3A_717, %swap3A_718] {strides = array<i32>} : memref<25x144xf32, #tpu.memory_space<vmem>>, vector<16xf32>,
    tpu.vector_store %arg11[%swap3A_717, %swap3A_718], %broadcast_in_dim3A_0 {strides = array<i32>} : memref<25x144xf32, #tpu.memory_space<vmem>>, vector<16xf32>,
    %swap3A_720 = arith.constant 20 : i32
    %swap3A_721 = arith.index_cast %swap3A_720 : i32 to index
    %swap3A_722 = arith.constant 0 : index
    %swap3A_723 = tpu.vector_load %arg11[%swap3A_721, %swap3A_722] {strides = array<i32>} : memref<25x144xf32, #tpu.memory_space<vmem>>, vector<16xf32>,
    tpu.vector_store %arg11[%swap3A_721, %swap3A_722], %broadcast_in_dim3A_0 {strides = array<i32>} : memref<25x144xf32, #tpu.memory_space<vmem>>, vector<16xf32>,
    %swap3A_724 = arith.constant 20 : i32
    %swap3A_725 = arith.index_cast %swap3A_724 : i32 to index
    %swap3A_726 = arith.constant 16 : index
    %swap3A_727 = tpu.vector_load %arg11[%swap3A_725, %swap3A_726] {strides = array<i32>} : memref<25x144xf32, #tpu.memory_space<vmem>>, vector<16xf32>,
    tpu.vector_store %arg11[%swap3A_725, %swap3A_726], %broadcast_in_dim3A_0 {strides = array<i32>} : memref<25x144xf32, #tpu.memory_space<vmem>>, vector<16xf32>,
    %swap3A_728 = arith.constant 20 : i32
    %swap3A_729 = arith.index_cast %swap3A_728 : i32 to index
    %swap3A_730 = arith.constant 32 : index
    %swap3A_731 = tpu.vector_load %arg11[%swap3A_729, %swap3A_730] {strides = array<i32>} : memref<25x144xf32, #tpu.memory_space<vmem>>, vector<16xf32>,
    tpu.vector_store %arg11[%swap3A_729, %swap3A_730], %broadcast_in_dim3A_0 {strides = array<i32>} : memref<25x144xf32, #tpu.memory_space<vmem>>, vector<16xf32>,
    %swap3A_732 = arith.constant 20 : i32
    %swap3A_733 = arith.index_cast %swap3A_732 : i32 to index
    %swap3A_734 = arith.constant 48 : index
    %swap3A_735 = tpu.vector_load %arg11[%swap3A_733, %swap3A_734] {strides = array<i32>} : memref<25x144xf32, #tpu.memory_space<vmem>>, vector<16xf32>,
    tpu.vector_store %arg11[%swap3A_733, %swap3A_734], %broadcast_in_dim3A_0 {strides = array<i32>} : memref<25x144xf32, #tpu.memory_space<vmem>>, vector<16xf32>,
    %swap3A_736 = arith.constant 20 : i32
    %swap3A_737 = arith.index_cast %swap3A_736 : i32 to index
    %swap3A_738 = arith.constant 64 : index
    %swap3A_739 = tpu.vector_load %arg11[%swap3A_737, %swap3A_738] {strides = array<i32>} : memref<25x144xf32, #tpu.memory_space<vmem>>, vector<16xf32>,
    tpu.vector_store %arg11[%swap3A_737, %swap3A_738], %broadcast_in_dim3A_0 {strides = array<i32>} : memref<25x144xf32, #tpu.memory_space<vmem>>, vector<16xf32>,
    %swap3A_740 = arith.constant 20 : i32
    %swap3A_741 = arith.index_cast %swap3A_740 : i32 to index
    %swap3A_742 = arith.constant 80 : index
    %swap3A_743 = tpu.vector_load %arg11[%swap3A_741, %swap3A_742] {strides = array<i32>} : memref<25x144xf32, #tpu.memory_space<vmem>>, vector<16xf32>,
    tpu.vector_store %arg11[%swap3A_741, %swap3A_742], %broadcast_in_dim3A_0 {strides = array<i32>} : memref<25x144xf32, #tpu.memory_space<vmem>>, vector<16xf32>,
    %swap3A_744 = arith.constant 20 : i32
    %swap3A_745 = arith.index_cast %swap3A_744 : i32 to index
    %swap3A_746 = arith.constant 96 : index
    %swap3A_747 = tpu.vector_load %arg11[%swap3A_745, %swap3A_746] {strides = array<i32>} : memref<25x144xf32, #tpu.memory_space<vmem>>, vector<16xf32>,
    tpu.vector_store %arg11[%swap3A_745, %swap3A_746], %broadcast_in_dim3A_0 {strides = array<i32>} : memref<25x144xf32, #tpu.memory_space<vmem>>, vector<16xf32>,
    %swap3A_748 = arith.constant 20 : i32
    %swap3A_749 = arith.index_cast %swap3A_748 : i32 to index
    %swap3A_750 = arith.constant 112 : index
    %swap3A_751 = tpu.vector_load %arg11[%swap3A_749, %swap3A_750] {strides = array<i32>} : memref<25x144xf32, #tpu.memory_space<vmem>>, vector<16xf32>,
    tpu.vector_store %arg11[%swap3A_749, %swap3A_750], %broadcast_in_dim3A_0 {strides = array<i32>} : memref<25x144xf32, #tpu.memory_space<vmem>>, vector<16xf32>,
    %swap3A_752 = arith.constant 20 : i32
    %swap3A_753 = arith.index_cast %swap3A_752 : i32 to index
    %swap3A_754 = arith.constant 128 : index
    %swap3A_755 = tpu.vector_load %arg11[%swap3A_753, %swap3A_754] {strides = array<i32>} : memref<25x144xf32, #tpu.memory_space<vmem>>, vector<16xf32>,
    tpu.vector_store %arg11[%swap3A_753, %swap3A_754], %broadcast_in_dim3A_0 {strides = array<i32>} : memref<25x144xf32, #tpu.memory_space<vmem>>, vector<16xf32>,
    %swap3A_756 = arith.constant 21 : i32
    %swap3A_757 = arith.index_cast %swap3A_756 : i32 to index
    %swap3A_758 = arith.constant 0 : index
    %swap3A_759 = tpu.vector_load %arg11[%swap3A_757, %swap3A_758] {strides = array<i32>} : memref<25x144xf32, #tpu.memory_space<vmem>>, vector<16xf32>,
    tpu.vector_store %arg11[%swap3A_757, %swap3A_758], %broadcast_in_dim3A_0 {strides = array<i32>} : memref<25x144xf32, #tpu.memory_space<vmem>>, vector<16xf32>,
    %swap3A_760 = arith.constant 21 : i32
    %swap3A_761 = arith.index_cast %swap3A_760 : i32 to index
    %swap3A_762 = arith.constant 16 : index
    %swap3A_763 = tpu.vector_load %arg11[%swap3A_761, %swap3A_762] {strides = array<i32>} : memref<25x144xf32, #tpu.memory_space<vmem>>, vector<16xf32>,
    tpu.vector_store %arg11[%swap3A_761, %swap3A_762], %broadcast_in_dim3A_0 {strides = array<i32>} : memref<25x144xf32, #tpu.memory_space<vmem>>, vector<16xf32>,
    %swap3A_764 = arith.constant 21 : i32
    %swap3A_765 = arith.index_cast %swap3A_764 : i32 to index
    %swap3A_766 = arith.constant 32 : index
    %swap3A_767 = tpu.vector_load %arg11[%swap3A_765, %swap3A_766] {strides = array<i32>} : memref<25x144xf32, #tpu.memory_space<vmem>>, vector<16xf32>,
    tpu.vector_store %arg11[%swap3A_765, %swap3A_766], %broadcast_in_dim3A_0 {strides = array<i32>} : memref<25x144xf32, #tpu.memory_space<vmem>>, vector<16xf32>,
    %swap3A_768 = arith.constant 21 : i32
    %swap3A_769 = arith.index_cast %swap3A_768 : i32 to index
    %swap3A_770 = arith.constant 48 : index
    %swap3A_771 = tpu.vector_load %arg11[%swap3A_769, %swap3A_770] {strides = array<i32>} : memref<25x144xf32, #tpu.memory_space<vmem>>, vector<16xf32>,
    tpu.vector_store %arg11[%swap3A_769, %swap3A_770], %broadcast_in_dim3A_0 {strides = array<i32>} : memref<25x144xf32, #tpu.memory_space<vmem>>, vector<16xf32>,
    %swap3A_772 = arith.constant 21 : i32
    %swap3A_773 = arith.index_cast %swap3A_772 : i32 to index
    %swap3A_774 = arith.constant 64 : index
    %swap3A_775 = tpu.vector_load %arg11[%swap3A_773, %swap3A_774] {strides = array<i32>} : memref<25x144xf32, #tpu.memory_space<vmem>>, vector<16xf32>,
    tpu.vector_store %arg11[%swap3A_773, %swap3A_774], %broadcast_in_dim3A_0 {strides = array<i32>} : memref<25x144xf32, #tpu.memory_space<vmem>>, vector<16xf32>,
    %swap3A_776 = arith.constant 21 : i32
    %swap3A_777 = arith.index_cast %swap3A_776 : i32 to index
    %swap3A_778 = arith.constant 80 : index
    %swap3A_779 = tpu.vector_load %arg11[%swap3A_777, %swap3A_778] {strides = array<i32>} : memref<25x144xf32, #tpu.memory_space<vmem>>, vector<16xf32>,
    tpu.vector_store %arg11[%swap3A_777, %swap3A_778], %broadcast_in_dim3A_0 {strides = array<i32>} : memref<25x144xf32, #tpu.memory_space<vmem>>, vector<16xf32>,
    %swap3A_780 = arith.constant 21 : i32
    %swap3A_781 = arith.index_cast %swap3A_780 : i32 to index
    %swap3A_782 = arith.constant 96 : index
    %swap3A_783 = tpu.vector_load %arg11[%swap3A_781, %swap3A_782] {strides = array<i32>} : memref<25x144xf32, #tpu.memory_space<vmem>>, vector<16xf32>,
    tpu.vector_store %arg11[%swap3A_781, %swap3A_782], %broadcast_in_dim3A_0 {strides = array<i32>} : memref<25x144xf32, #tpu.memory_space<vmem>>, vector<16xf32>,
    %swap3A_784 = arith.constant 21 : i32
    %swap3A_785 = arith.index_cast %swap3A_784 : i32 to index
    %swap3A_786 = arith.constant 112 : index
    %swap3A_787 = tpu.vector_load %arg11[%swap3A_785, %swap3A_786] {strides = array<i32>} : memref<25x144xf32, #tpu.memory_space<vmem>>, vector<16xf32>,
    tpu.vector_store %arg11[%swap3A_785, %swap3A_786], %broadcast_in_dim3A_0 {strides = array<i32>} : memref<25x144xf32, #tpu.memory_space<vmem>>, vector<16xf32>,
    %swap3A_788 = arith.constant 21 : i32
    %swap3A_789 = arith.index_cast %swap3A_788 : i32 to index
    %swap3A_790 = arith.constant 128 : index
    %swap3A_791 = tpu.vector_load %arg11[%swap3A_789, %swap3A_790] {strides = array<i32>} : memref<25x144xf32, #tpu.memory_space<vmem>>, vector<16xf32>,
    tpu.vector_store %arg11[%swap3A_789, %swap3A_790], %broadcast_in_dim3A_0 {strides = array<i32>} : memref<25x144xf32, #tpu.memory_space<vmem>>, vector<16xf32>,
    %swap3A_792 = arith.constant 22 : i32
    %swap3A_793 = arith.index_cast %swap3A_792 : i32 to index
    %swap3A_794 = arith.constant 0 : index
    %swap3A_795 = tpu.vector_load %arg11[%swap3A_793, %swap3A_794] {strides = array<i32>} : memref<25x144xf32, #tpu.memory_space<vmem>>, vector<16xf32>,
    tpu.vector_store %arg11[%swap3A_793, %swap3A_794], %broadcast_in_dim3A_0 {strides = array<i32>} : memref<25x144xf32, #tpu.memory_space<vmem>>, vector<16xf32>,
    %swap3A_796 = arith.constant 22 : i32
    %swap3A_797 = arith.index_cast %swap3A_796 : i32 to index
    %swap3A_798 = arith.constant 16 : index
    %swap3A_799 = tpu.vector_load %arg11[%swap3A_797, %swap3A_798] {strides = array<i32>} : memref<25x144xf32, #tpu.memory_space<vmem>>, vector<16xf32>,
    tpu.vector_store %arg11[%swap3A_797, %swap3A_798], %broadcast_in_dim3A_0 {strides = array<i32>} : memref<25x144xf32, #tpu.memory_space<vmem>>, vector<16xf32>,
    %swap3A_800 = arith.constant 22 : i32
    %swap3A_801 = arith.index_cast %swap3A_800 : i32 to index
    %swap3A_802 = arith.constant 32 : index
    %swap3A_803 = tpu.vector_load %arg11[%swap3A_801, %swap3A_802] {strides = array<i32>} : memref<25x144xf32, #tpu.memory_space<vmem>>, vector<16xf32>,
    tpu.vector_store %arg11[%swap3A_801, %swap3A_802], %broadcast_in_dim3A_0 {strides = array<i32>} : memref<25x144xf32, #tpu.memory_space<vmem>>, vector<16xf32>,
    %swap3A_804 = arith.constant 22 : i32
    %swap3A_805 = arith.index_cast %swap3A_804 : i32 to index
    %swap3A_806 = arith.constant 48 : index
    %swap3A_807 = tpu.vector_load %arg11[%swap3A_805, %swap3A_806] {strides = array<i32>} : memref<25x144xf32, #tpu.memory_space<vmem>>, vector<16xf32>,
    tpu.vector_store %arg11[%swap3A_805, %swap3A_806], %broadcast_in_dim3A_0 {strides = array<i32>} : memref<25x144xf32, #tpu.memory_space<vmem>>, vector<16xf32>,
    %swap3A_808 = arith.constant 22 : i32
    %swap3A_809 = arith.index_cast %swap3A_808 : i32 to index
    %swap3A_810 = arith.constant 64 : index
    %swap3A_811 = tpu.vector_load %arg11[%swap3A_809, %swap3A_810] {strides = array<i32>} : memref<25x144xf32, #tpu.memory_space<vmem>>, vector<16xf32>,
    tpu.vector_store %arg11[%swap3A_809, %swap3A_810], %broadcast_in_dim3A_0 {strides = array<i32>} : memref<25x144xf32, #tpu.memory_space<vmem>>, vector<16xf32>,
    %swap3A_812 = arith.constant 22 : i32
    %swap3A_813 = arith.index_cast %swap3A_812 : i32 to index
    %swap3A_814 = arith.constant 80 : index
    %swap3A_815 = tpu.vector_load %arg11[%swap3A_813, %swap3A_814] {strides = array<i32>} : memref<25x144xf32, #tpu.memory_space<vmem>>, vector<16xf32>,
    tpu.vector_store %arg11[%swap3A_813, %swap3A_814], %broadcast_in_dim3A_0 {strides = array<i32>} : memref<25x144xf32, #tpu.memory_space<vmem>>, vector<16xf32>,
    %swap3A_816 = arith.constant 22 : i32
    %swap3A_817 = arith.index_cast %swap3A_816 : i32 to index
    %swap3A_818 = arith.constant 96 : index
    %swap3A_819 = tpu.vector_load %arg11[%swap3A_817, %swap3A_818] {strides = array<i32>} : memref<25x144xf32, #tpu.memory_space<vmem>>, vector<16xf32>,
    tpu.vector_store %arg11[%swap3A_817, %swap3A_818], %broadcast_in_dim3A_0 {strides = array<i32>} : memref<25x144xf32, #tpu.memory_space<vmem>>, vector<16xf32>,
    %swap3A_820 = arith.constant 22 : i32
    %swap3A_821 = arith.index_cast %swap3A_820 : i32 to index
    %swap3A_822 = arith.constant 112 : index
    %swap3A_823 = tpu.vector_load %arg11[%swap3A_821, %swap3A_822] {strides = array<i32>} : memref<25x144xf32, #tpu.memory_space<vmem>>, vector<16xf32>,
    tpu.vector_store %arg11[%swap3A_821, %swap3A_822], %broadcast_in_dim3A_0 {strides = array<i32>} : memref<25x144xf32, #tpu.memory_space<vmem>>, vector<16xf32>,
    %swap3A_824 = arith.constant 22 : i32
    %swap3A_825 = arith.index_cast %swap3A_824 : i32 to index
    %swap3A_826 = arith.constant 128 : index
    %swap3A_827 = tpu.vector_load %arg11[%swap3A_825, %swap3A_826] {strides = array<i32>} : memref<25x144xf32, #tpu.memory_space<vmem>>, vector<16xf32>,
    tpu.vector_store %arg11[%swap3A_825, %swap3A_826], %broadcast_in_dim3A_0 {strides = array<i32>} : memref<25x144xf32, #tpu.memory_space<vmem>>, vector<16xf32>,
    %swap3A_828 = arith.constant 23 : i32
    %swap3A_829 = arith.index_cast %swap3A_828 : i32 to index
    %swap3A_830 = arith.constant 0 : index
    %swap3A_831 = tpu.vector_load %arg11[%swap3A_829, %swap3A_830] {strides = array<i32>} : memref<25x144xf32, #tpu.memory_space<vmem>>, vector<16xf32>,
    tpu.vector_store %arg11[%swap3A_829, %swap3A_830], %broadcast_in_dim3A_0 {strides = array<i32>} : memref<25x144xf32, #tpu.memory_space<vmem>>, vector<16xf32>,
    %swap3A_832 = arith.constant 23 : i32
    %swap3A_833 = arith.index_cast %swap3A_832 : i32 to index
    %swap3A_834 = arith.constant 16 : index
    %swap3A_835 = tpu.vector_load %arg11[%swap3A_833, %swap3A_834] {strides = array<i32>} : memref<25x144xf32, #tpu.memory_space<vmem>>, vector<16xf32>,
    tpu.vector_store %arg11[%swap3A_833, %swap3A_834], %broadcast_in_dim3A_0 {strides = array<i32>} : memref<25x144xf32, #tpu.memory_space<vmem>>, vector<16xf32>,
    %swap3A_836 = arith.constant 23 : i32
    %swap3A_837 = arith.index_cast %swap3A_836 : i32 to index
    %swap3A_838 = arith.constant 32 : index
    %swap3A_839 = tpu.vector_load %arg11[%swap3A_837, %swap3A_838] {strides = array<i32>} : memref<25x144xf32, #tpu.memory_space<vmem>>, vector<16xf32>,
    tpu.vector_store %arg11[%swap3A_837, %swap3A_838], %broadcast_in_dim3A_0 {strides = array<i32>} : memref<25x144xf32, #tpu.memory_space<vmem>>, vector<16xf32>,
    %swap3A_840 = arith.constant 23 : i32
    %swap3A_841 = arith.index_cast %swap3A_840 : i32 to index
    %swap3A_842 = arith.constant 48 : index
    %swap3A_843 = tpu.vector_load %arg11[%swap3A_841, %swap3A_842] {strides = array<i32>} : memref<25x144xf32, #tpu.memory_space<vmem>>, vector<16xf32>,
    tpu.vector_store %arg11[%swap3A_841, %swap3A_842], %broadcast_in_dim3A_0 {strides = array<i32>} : memref<25x144xf32, #tpu.memory_space<vmem>>, vector<16xf32>,
    %swap3A_844 = arith.constant 23 : i32
    %swap3A_845 = arith.index_cast %swap3A_844 : i32 to index
    %swap3A_846 = arith.constant 64 : index
    %swap3A_847 = tpu.vector_load %arg11[%swap3A_845, %swap3A_846] {strides = array<i32>} : memref<25x144xf32, #tpu.memory_space<vmem>>, vector<16xf32>,
    tpu.vector_store %arg11[%swap3A_845, %swap3A_846], %broadcast_in_dim3A_0 {strides = array<i32>} : memref<25x144xf32, #tpu.memory_space<vmem>>, vector<16xf32>,
    %swap3A_848 = arith.constant 23 : i32
    %swap3A_849 = arith.index_cast %swap3A_848 : i32 to index
    %swap3A_850 = arith.constant 80 : index
    %swap3A_851 = tpu.vector_load %arg11[%swap3A_849, %swap3A_850] {strides = array<i32>} : memref<25x144xf32, #tpu.memory_space<vmem>>, vector<16xf32>,
    tpu.vector_store %arg11[%swap3A_849, %swap3A_850], %broadcast_in_dim3A_0 {strides = array<i32>} : memref<25x144xf32, #tpu.memory_space<vmem>>, vector<16xf32>,
    %swap3A_852 = arith.constant 23 : i32
    %swap3A_853 = arith.index_cast %swap3A_852 : i32 to index
    %swap3A_854 = arith.constant 96 : index
    %swap3A_855 = tpu.vector_load %arg11[%swap3A_853, %swap3A_854] {strides = array<i32>} : memref<25x144xf32, #tpu.memory_space<vmem>>, vector<16xf32>,
    tpu.vector_store %arg11[%swap3A_853, %swap3A_854], %broadcast_in_dim3A_0 {strides = array<i32>} : memref<25x144xf32, #tpu.memory_space<vmem>>, vector<16xf32>,
    %swap3A_856 = arith.constant 23 : i32
    %swap3A_857 = arith.index_cast %swap3A_856 : i32 to index
    %swap3A_858 = arith.constant 112 : index
    %swap3A_859 = tpu.vector_load %arg11[%swap3A_857, %swap3A_858] {strides = array<i32>} : memref<25x144xf32, #tpu.memory_space<vmem>>, vector<16xf32>,
    tpu.vector_store %arg11[%swap3A_857, %swap3A_858], %broadcast_in_dim3A_0 {strides = array<i32>} : memref<25x144xf32, #tpu.memory_space<vmem>>, vector<16xf32>,
    %swap3A_860 = arith.constant 23 : i32
    %swap3A_861 = arith.index_cast %swap3A_860 : i32 to index
    %swap3A_862 = arith.constant 128 : index
    %swap3A_863 = tpu.vector_load %arg11[%swap3A_861, %swap3A_862] {strides = array<i32>} : memref<25x144xf32, #tpu.memory_space<vmem>>, vector<16xf32>,
    tpu.vector_store %arg11[%swap3A_861, %swap3A_862], %broadcast_in_dim3A_0 {strides = array<i32>} : memref<25x144xf32, #tpu.memory_space<vmem>>, vector<16xf32>,
    %swap3A_864 = arith.constant 24 : i32
    %swap3A_865 = arith.index_cast %swap3A_864 : i32 to index
    %swap3A_866 = arith.constant 0 : index
    %swap3A_867 = tpu.vector_load %arg11[%swap3A_865, %swap3A_866] {strides = array<i32>} : memref<25x144xf32, #tpu.memory_space<vmem>>, vector<16xf32>,
    tpu.vector_store %arg11[%swap3A_865, %swap3A_866], %broadcast_in_dim3A_0 {strides = array<i32>} : memref<25x144xf32, #tpu.memory_space<vmem>>, vector<16xf32>,
    %swap3A_868 = arith.constant 24 : i32
    %swap3A_869 = arith.index_cast %swap3A_868 : i32 to index
    %swap3A_870 = arith.constant 16 : index
    %swap3A_871 = tpu.vector_load %arg11[%swap3A_869, %swap3A_870] {strides = array<i32>} : memref<25x144xf32, #tpu.memory_space<vmem>>, vector<16xf32>,
    tpu.vector_store %arg11[%swap3A_869, %swap3A_870], %broadcast_in_dim3A_0 {strides = array<i32>} : memref<25x144xf32, #tpu.memory_space<vmem>>, vector<16xf32>,
    %swap3A_872 = arith.constant 24 : i32
    %swap3A_873 = arith.index_cast %swap3A_872 : i32 to index
    %swap3A_874 = arith.constant 32 : index
    %swap3A_875 = tpu.vector_load %arg11[%swap3A_873, %swap3A_874] {strides = array<i32>} : memref<25x144xf32, #tpu.memory_space<vmem>>, vector<16xf32>,
    tpu.vector_store %arg11[%swap3A_873, %swap3A_874], %broadcast_in_dim3A_0 {strides = array<i32>} : memref<25x144xf32, #tpu.memory_space<vmem>>, vector<16xf32>,
    %swap3A_876 = arith.constant 24 : i32
    %swap3A_877 = arith.index_cast %swap3A_876 : i32 to index
    %swap3A_878 = arith.constant 48 : index
    %swap3A_879 = tpu.vector_load %arg11[%swap3A_877, %swap3A_878] {strides = array<i32>} : memref<25x144xf32, #tpu.memory_space<vmem>>, vector<16xf32>,
    tpu.vector_store %arg11[%swap3A_877, %swap3A_878], %broadcast_in_dim3A_0 {strides = array<i32>} : memref<25x144xf32, #tpu.memory_space<vmem>>, vector<16xf32>,
    %swap3A_880 = arith.constant 24 : i32
    %swap3A_881 = arith.index_cast %swap3A_880 : i32 to index
    %swap3A_882 = arith.constant 64 : index
    %swap3A_883 = tpu.vector_load %arg11[%swap3A_881, %swap3A_882] {strides = array<i32>} : memref<25x144xf32, #tpu.memory_space<vmem>>, vector<16xf32>,
    tpu.vector_store %arg11[%swap3A_881, %swap3A_882], %broadcast_in_dim3A_0 {strides = array<i32>} : memref<25x144xf32, #tpu.memory_space<vmem>>, vector<16xf32>,
    %swap3A_884 = arith.constant 24 : i32
    %swap3A_885 = arith.index_cast %swap3A_884 : i32 to index
    %swap3A_886 = arith.constant 80 : index
    %swap3A_887 = tpu.vector_load %arg11[%swap3A_885, %swap3A_886] {strides = array<i32>} : memref<25x144xf32, #tpu.memory_space<vmem>>, vector<16xf32>,
    tpu.vector_store %arg11[%swap3A_885, %swap3A_886], %broadcast_in_dim3A_0 {strides = array<i32>} : memref<25x144xf32, #tpu.memory_space<vmem>>, vector<16xf32>,
    %swap3A_888 = arith.constant 24 : i32
    %swap3A_889 = arith.index_cast %swap3A_888 : i32 to index
    %swap3A_890 = arith.constant 96 : index
    %swap3A_891 = tpu.vector_load %arg11[%swap3A_889, %swap3A_890] {strides = array<i32>} : memref<25x144xf32, #tpu.memory_space<vmem>>, vector<16xf32>,
    tpu.vector_store %arg11[%swap3A_889, %swap3A_890], %broadcast_in_dim3A_0 {strides = array<i32>} : memref<25x144xf32, #tpu.memory_space<vmem>>, vector<16xf32>,
    %swap3A_892 = arith.constant 24 : i32
    %swap3A_893 = arith.index_cast %swap3A_892 : i32 to index
    %swap3A_894 = arith.constant 112 : index
    %swap3A_895 = tpu.vector_load %arg11[%swap3A_893, %swap3A_894] {strides = array<i32>} : memref<25x144xf32, #tpu.memory_space<vmem>>, vector<16xf32>,
    tpu.vector_store %arg11[%swap3A_893, %swap3A_894], %broadcast_in_dim3A_0 {strides = array<i32>} : memref<25x144xf32, #tpu.memory_space<vmem>>, vector<16xf32>,
    %swap3A_896 = arith.constant 24 : i32
    %swap3A_897 = arith.index_cast %swap3A_896 : i32 to index
    %swap3A_898 = arith.constant 128 : index
    %swap3A_899 = tpu.vector_load %arg11[%swap3A_897, %swap3A_898] {strides = array<i32>} : memref<25x144xf32, #tpu.memory_space<vmem>>, vector<16xf32>,
    tpu.vector_store %arg11[%swap3A_897, %swap3A_898], %broadcast_in_dim3A_0 {strides = array<i32>} : memref<25x144xf32, #tpu.memory_space<vmem>>, vector<16xf32>,
    %mul3A = arith.constant 625 : i32
    %mul3A_900 = arith.muli %arg1, %mul3A : i32
    %add3A = arith.constant 0 : i32
    %add3A_901 = arith.addi %mul3A_900, %add3A : i32
    "tpu.region"() ({
      %run_scoped3A = tpu.sem_alloc : memref<!tpu.dma_semaphore, #tpu.memory_space<semaphore_mem>>
      %dma_start3A = arith.constant 0 : i32
      %dma_start3A_1007 = tpu.memref_slice %arg6[%add3A_901, %dma_start3A] : memref<10000x144xf32, #tpu.memory_space<vmem_shared>> -> memref<25x144xf32, #tpu.memory_space<vmem_shared>>
      %dma_start3A_1008 = arith.constant 0 : i32
      %dma_start3A_1009 = tpu.memref_slice %arg6[%add3A_901, %dma_start3A_1008] : memref<10000x144xf32, #tpu.memory_space<vmem_shared>> -> memref<25x144xf32, #tpu.memory_space<vmem_shared>>
      tpu.enqueue_dma source(%arg11 : memref<25x144xf32, #tpu.memory_space<vmem>>) target(%dma_start3A_1009 : memref<25x144xf32, #tpu.memory_space<vmem_shared>>) target_semaphore(%run_scoped3A : memref<!tpu.dma_semaphore, #tpu.memory_space<semaphore_mem>>)
      %dma_wait3A = arith.constant 0 : i32
      %dma_wait3A_1010 = tpu.memref_slice %arg6[%add3A_901, %dma_wait3A] : memref<10000x144xf32, #tpu.memory_space<vmem_shared>> -> memref<25x144xf32, #tpu.memory_space<vmem_shared>>
      %dma_wait3A_1011 = arith.constant 0 : i32
      %dma_wait3A_1012 = tpu.memref_slice %arg6[%add3A_901, %dma_wait3A_1011] : memref<10000x144xf32, #tpu.memory_space<vmem_shared>> -> memref<25x144xf32, #tpu.memory_space<vmem_shared>>
      tpu.wait_dma2 semaphore(%run_scoped3A : memref<!tpu.dma_semaphore, #tpu.memory_space<semaphore_mem>>) src(%arg11 : memref<25x144xf32, #tpu.memory_space<vmem>>) dst(%dma_wait3A_1012 : memref<25x144xf32, #tpu.memory_space<vmem_shared>>)
      tpu.yield
    }) : () -> ()
    %mul3A_902 = arith.constant 625 : i32
    %mul3A_903 = arith.muli %arg1, %mul3A_902 : i32
    %add3A_904 = arith.constant 25 : i32
    %add3A_905 = arith.addi %mul3A_903, %add3A_904 : i32
    "tpu.region"() ({
      %run_scoped3A = tpu.sem_alloc : memref<!tpu.dma_semaphore, #tpu.memory_space<semaphore_mem>>
      %dma_start3A = arith.constant 0 : i32
      %dma_start3A_1007 = tpu.memref_slice %arg6[%add3A_905, %dma_start3A] : memref<10000x144xf32, #tpu.memory_space<vmem_shared>> -> memref<25x144xf32, #tpu.memory_space<vmem_shared>>
      %dma_start3A_1008 = arith.constant 0 : i32
      %dma_start3A_1009 = tpu.memref_slice %arg6[%add3A_905, %dma_start3A_1008] : memref<10000x144xf32, #tpu.memory_space<vmem_shared>> -> memref<25x144xf32, #tpu.memory_space<vmem_shared>>
      tpu.enqueue_dma source(%arg11 : memref<25x144xf32, #tpu.memory_space<vmem>>) target(%dma_start3A_1009 : memref<25x144xf32, #tpu.memory_space<vmem_shared>>) target_semaphore(%run_scoped3A : memref<!tpu.dma_semaphore, #tpu.memory_space<semaphore_mem>>)
      %dma_wait3A = arith.constant 0 : i32
      %dma_wait3A_1010 = tpu.memref_slice %arg6[%add3A_905, %dma_wait3A] : memref<10000x144xf32, #tpu.memory_space<vmem_shared>> -> memref<25x144xf32, #tpu.memory_space<vmem_shared>>
      %dma_wait3A_1011 = arith.constant 0 : i32
      %dma_wait3A_1012 = tpu.memref_slice %arg6[%add3A_905, %dma_wait3A_1011] : memref<10000x144xf32, #tpu.memory_space<vmem_shared>> -> memref<25x144xf32, #tpu.memory_space<vmem_shared>>
      tpu.wait_dma2 semaphore(%run_scoped3A : memref<!tpu.dma_semaphore, #tpu.memory_space<semaphore_mem>>) src(%arg11 : memref<25x144xf32, #tpu.memory_space<vmem>>) dst(%dma_wait3A_1012 : memref<25x144xf32, #tpu.memory_space<vmem_shared>>)
      tpu.yield
    }) : () -> ()
    %mul3A_906 = arith.constant 625 : i32
    %mul3A_907 = arith.muli %arg1, %mul3A_906 : i32
    %add3A_908 = arith.constant 50 : i32
    %add3A_909 = arith.addi %mul3A_907, %add3A_908 : i32
    "tpu.region"() ({
      %run_scoped3A = tpu.sem_alloc : memref<!tpu.dma_semaphore, #tpu.memory_space<semaphore_mem>>
      %dma_start3A = arith.constant 0 : i32
      %dma_start3A_1007 = tpu.memref_slice %arg6[%add3A_909, %dma_start3A] : memref<10000x144xf32, #tpu.memory_space<vmem_shared>> -> memref<25x144xf32, #tpu.memory_space<vmem_shared>>
      %dma_start3A_1008 = arith.constant 0 : i32
      %dma_start3A_1009 = tpu.memref_slice %arg6[%add3A_909, %dma_start3A_1008] : memref<10000x144xf32, #tpu.memory_space<vmem_shared>> -> memref<25x144xf32, #tpu.memory_space<vmem_shared>>
      tpu.enqueue_dma source(%arg11 : memref<25x144xf32, #tpu.memory_space<vmem>>) target(%dma_start3A_1009 : memref<25x144xf32, #tpu.memory_space<vmem_shared>>) target_semaphore(%run_scoped3A : memref<!tpu.dma_semaphore, #tpu.memory_space<semaphore_mem>>)
      %dma_wait3A = arith.constant 0 : i32
      %dma_wait3A_1010 = tpu.memref_slice %arg6[%add3A_909, %dma_wait3A] : memref<10000x144xf32, #tpu.memory_space<vmem_shared>> -> memref<25x144xf32, #tpu.memory_space<vmem_shared>>
      %dma_wait3A_1011 = arith.constant 0 : i32
      %dma_wait3A_1012 = tpu.memref_slice %arg6[%add3A_909, %dma_wait3A_1011] : memref<10000x144xf32, #tpu.memory_space<vmem_shared>> -> memref<25x144xf32, #tpu.memory_space<vmem_shared>>
      tpu.wait_dma2 semaphore(%run_scoped3A : memref<!tpu.dma_semaphore, #tpu.memory_space<semaphore_mem>>) src(%arg11 : memref<25x144xf32, #tpu.memory_space<vmem>>) dst(%dma_wait3A_1012 : memref<25x144xf32, #tpu.memory_space<vmem_shared>>)
      tpu.yield
    }) : () -> ()
    %mul3A_910 = arith.constant 625 : i32
    %mul3A_911 = arith.muli %arg1, %mul3A_910 : i32
    %add3A_912 = arith.constant 75 : i32
    %add3A_913 = arith.addi %mul3A_911, %add3A_912 : i32
    "tpu.region"() ({
      %run_scoped3A = tpu.sem_alloc : memref<!tpu.dma_semaphore, #tpu.memory_space<semaphore_mem>>
      %dma_start3A = arith.constant 0 : i32
      %dma_start3A_1007 = tpu.memref_slice %arg6[%add3A_913, %dma_start3A] : memref<10000x144xf32, #tpu.memory_space<vmem_shared>> -> memref<25x144xf32, #tpu.memory_space<vmem_shared>>
      %dma_start3A_1008 = arith.constant 0 : i32
      %dma_start3A_1009 = tpu.memref_slice %arg6[%add3A_913, %dma_start3A_1008] : memref<10000x144xf32, #tpu.memory_space<vmem_shared>> -> memref<25x144xf32, #tpu.memory_space<vmem_shared>>
      tpu.enqueue_dma source(%arg11 : memref<25x144xf32, #tpu.memory_space<vmem>>) target(%dma_start3A_1009 : memref<25x144xf32, #tpu.memory_space<vmem_shared>>) target_semaphore(%run_scoped3A : memref<!tpu.dma_semaphore, #tpu.memory_space<semaphore_mem>>)
      %dma_wait3A = arith.constant 0 : i32
      %dma_wait3A_1010 = tpu.memref_slice %arg6[%add3A_913, %dma_wait3A] : memref<10000x144xf32, #tpu.memory_space<vmem_shared>> -> memref<25x144xf32, #tpu.memory_space<vmem_shared>>
      %dma_wait3A_1011 = arith.constant 0 : i32
      %dma_wait3A_1012 = tpu.memref_slice %arg6[%add3A_913, %dma_wait3A_1011] : memref<10000x144xf32, #tpu.memory_space<vmem_shared>> -> memref<25x144xf32, #tpu.memory_space<vmem_shared>>
      tpu.wait_dma2 semaphore(%run_scoped3A : memref<!tpu.dma_semaphore, #tpu.memory_space<semaphore_mem>>) src(%arg11 : memref<25x144xf32, #tpu.memory_space<vmem>>) dst(%dma_wait3A_1012 : memref<25x144xf32, #tpu.memory_space<vmem_shared>>)
      tpu.yield
    }) : () -> ()
    %mul3A_914 = arith.constant 625 : i32
    %mul3A_915 = arith.muli %arg1, %mul3A_914 : i32
    %add3A_916 = arith.constant 100 : i32
    %add3A_917 = arith.addi %mul3A_915, %add3A_916 : i32
    "tpu.region"() ({
      %run_scoped3A = tpu.sem_alloc : memref<!tpu.dma_semaphore, #tpu.memory_space<semaphore_mem>>
      %dma_start3A = arith.constant 0 : i32
      %dma_start3A_1007 = tpu.memref_slice %arg6[%add3A_917, %dma_start3A] : memref<10000x144xf32, #tpu.memory_space<vmem_shared>> -> memref<25x144xf32, #tpu.memory_space<vmem_shared>>
      %dma_start3A_1008 = arith.constant 0 : i32
      %dma_start3A_1009 = tpu.memref_slice %arg6[%add3A_917, %dma_start3A_1008] : memref<10000x144xf32, #tpu.memory_space<vmem_shared>> -> memref<25x144xf32, #tpu.memory_space<vmem_shared>>
      tpu.enqueue_dma source(%arg11 : memref<25x144xf32, #tpu.memory_space<vmem>>) target(%dma_start3A_1009 : memref<25x144xf32, #tpu.memory_space<vmem_shared>>) target_semaphore(%run_scoped3A : memref<!tpu.dma_semaphore, #tpu.memory_space<semaphore_mem>>)
      %dma_wait3A = arith.constant 0 : i32
      %dma_wait3A_1010 = tpu.memref_slice %arg6[%add3A_917, %dma_wait3A] : memref<10000x144xf32, #tpu.memory_space<vmem_shared>> -> memref<25x144xf32, #tpu.memory_space<vmem_shared>>
      %dma_wait3A_1011 = arith.constant 0 : i32
      %dma_wait3A_1012 = tpu.memref_slice %arg6[%add3A_917, %dma_wait3A_1011] : memref<10000x144xf32, #tpu.memory_space<vmem_shared>> -> memref<25x144xf32, #tpu.memory_space<vmem_shared>>
      tpu.wait_dma2 semaphore(%run_scoped3A : memref<!tpu.dma_semaphore, #tpu.memory_space<semaphore_mem>>) src(%arg11 : memref<25x144xf32, #tpu.memory_space<vmem>>) dst(%dma_wait3A_1012 : memref<25x144xf32, #tpu.memory_space<vmem_shared>>)
      tpu.yield
    }) : () -> ()
    %mul3A_918 = arith.constant 625 : i32
    %mul3A_919 = arith.muli %arg1, %mul3A_918 : i32
    %add3A_920 = arith.constant 125 : i32
    %add3A_921 = arith.addi %mul3A_919, %add3A_920 : i32
    "tpu.region"() ({
      %run_scoped3A = tpu.sem_alloc : memref<!tpu.dma_semaphore, #tpu.memory_space<semaphore_mem>>
      %dma_start3A = arith.constant 0 : i32
      %dma_start3A_1007 = tpu.memref_slice %arg6[%add3A_921, %dma_start3A] : memref<10000x144xf32, #tpu.memory_space<vmem_shared>> -> memref<25x144xf32, #tpu.memory_space<vmem_shared>>
      %dma_start3A_1008 = arith.constant 0 : i32
      %dma_start3A_1009 = tpu.memref_slice %arg6[%add3A_921, %dma_start3A_1008] : memref<10000x144xf32, #tpu.memory_space<vmem_shared>> -> memref<25x144xf32, #tpu.memory_space<vmem_shared>>
      tpu.enqueue_dma source(%arg11 : memref<25x144xf32, #tpu.memory_space<vmem>>) target(%dma_start3A_1009 : memref<25x144xf32, #tpu.memory_space<vmem_shared>>) target_semaphore(%run_scoped3A : memref<!tpu.dma_semaphore, #tpu.memory_space<semaphore_mem>>)
      %dma_wait3A = arith.constant 0 : i32
      %dma_wait3A_1010 = tpu.memref_slice %arg6[%add3A_921, %dma_wait3A] : memref<10000x144xf32, #tpu.memory_space<vmem_shared>> -> memref<25x144xf32, #tpu.memory_space<vmem_shared>>
      %dma_wait3A_1011 = arith.constant 0 : i32
      %dma_wait3A_1012 = tpu.memref_slice %arg6[%add3A_921, %dma_wait3A_1011] : memref<10000x144xf32, #tpu.memory_space<vmem_shared>> -> memref<25x144xf32, #tpu.memory_space<vmem_shared>>
      tpu.wait_dma2 semaphore(%run_scoped3A : memref<!tpu.dma_semaphore, #tpu.memory_space<semaphore_mem>>) src(%arg11 : memref<25x144xf32, #tpu.memory_space<vmem>>) dst(%dma_wait3A_1012 : memref<25x144xf32, #tpu.memory_space<vmem_shared>>)
      tpu.yield
    }) : () -> ()
    %mul3A_922 = arith.constant 625 : i32
    %mul3A_923 = arith.muli %arg1, %mul3A_922 : i32
    %add3A_924 = arith.constant 150 : i32
    %add3A_925 = arith.addi %mul3A_923, %add3A_924 : i32
    "tpu.region"() ({
      %run_scoped3A = tpu.sem_alloc : memref<!tpu.dma_semaphore, #tpu.memory_space<semaphore_mem>>
      %dma_start3A = arith.constant 0 : i32
      %dma_start3A_1007 = tpu.memref_slice %arg6[%add3A_925, %dma_start3A] : memref<10000x144xf32, #tpu.memory_space<vmem_shared>> -> memref<25x144xf32, #tpu.memory_space<vmem_shared>>
      %dma_start3A_1008 = arith.constant 0 : i32
      %dma_start3A_1009 = tpu.memref_slice %arg6[%add3A_925, %dma_start3A_1008] : memref<10000x144xf32, #tpu.memory_space<vmem_shared>> -> memref<25x144xf32, #tpu.memory_space<vmem_shared>>
      tpu.enqueue_dma source(%arg11 : memref<25x144xf32, #tpu.memory_space<vmem>>) target(%dma_start3A_1009 : memref<25x144xf32, #tpu.memory_space<vmem_shared>>) target_semaphore(%run_scoped3A : memref<!tpu.dma_semaphore, #tpu.memory_space<semaphore_mem>>)
      %dma_wait3A = arith.constant 0 : i32
      %dma_wait3A_1010 = tpu.memref_slice %arg6[%add3A_925, %dma_wait3A] : memref<10000x144xf32, #tpu.memory_space<vmem_shared>> -> memref<25x144xf32, #tpu.memory_space<vmem_shared>>
      %dma_wait3A_1011 = arith.constant 0 : i32
      %dma_wait3A_1012 = tpu.memref_slice %arg6[%add3A_925, %dma_wait3A_1011] : memref<10000x144xf32, #tpu.memory_space<vmem_shared>> -> memref<25x144xf32, #tpu.memory_space<vmem_shared>>
      tpu.wait_dma2 semaphore(%run_scoped3A : memref<!tpu.dma_semaphore, #tpu.memory_space<semaphore_mem>>) src(%arg11 : memref<25x144xf32, #tpu.memory_space<vmem>>) dst(%dma_wait3A_1012 : memref<25x144xf32, #tpu.memory_space<vmem_shared>>)
      tpu.yield
    }) : () -> ()
    %mul3A_926 = arith.constant 625 : i32
    %mul3A_927 = arith.muli %arg1, %mul3A_926 : i32
    %add3A_928 = arith.constant 175 : i32
    %add3A_929 = arith.addi %mul3A_927, %add3A_928 : i32
    "tpu.region"() ({
      %run_scoped3A = tpu.sem_alloc : memref<!tpu.dma_semaphore, #tpu.memory_space<semaphore_mem>>
      %dma_start3A = arith.constant 0 : i32
      %dma_start3A_1007 = tpu.memref_slice %arg6[%add3A_929, %dma_start3A] : memref<10000x144xf32, #tpu.memory_space<vmem_shared>> -> memref<25x144xf32, #tpu.memory_space<vmem_shared>>
      %dma_start3A_1008 = arith.constant 0 : i32
      %dma_start3A_1009 = tpu.memref_slice %arg6[%add3A_929, %dma_start3A_1008] : memref<10000x144xf32, #tpu.memory_space<vmem_shared>> -> memref<25x144xf32, #tpu.memory_space<vmem_shared>>
      tpu.enqueue_dma source(%arg11 : memref<25x144xf32, #tpu.memory_space<vmem>>) target(%dma_start3A_1009 : memref<25x144xf32, #tpu.memory_space<vmem_shared>>) target_semaphore(%run_scoped3A : memref<!tpu.dma_semaphore, #tpu.memory_space<semaphore_mem>>)
      %dma_wait3A = arith.constant 0 : i32
      %dma_wait3A_1010 = tpu.memref_slice %arg6[%add3A_929, %dma_wait3A] : memref<10000x144xf32, #tpu.memory_space<vmem_shared>> -> memref<25x144xf32, #tpu.memory_space<vmem_shared>>
      %dma_wait3A_1011 = arith.constant 0 : i32
      %dma_wait3A_1012 = tpu.memref_slice %arg6[%add3A_929, %dma_wait3A_1011] : memref<10000x144xf32, #tpu.memory_space<vmem_shared>> -> memref<25x144xf32, #tpu.memory_space<vmem_shared>>
      tpu.wait_dma2 semaphore(%run_scoped3A : memref<!tpu.dma_semaphore, #tpu.memory_space<semaphore_mem>>) src(%arg11 : memref<25x144xf32, #tpu.memory_space<vmem>>) dst(%dma_wait3A_1012 : memref<25x144xf32, #tpu.memory_space<vmem_shared>>)
      tpu.yield
    }) : () -> ()
    %mul3A_930 = arith.constant 625 : i32
    %mul3A_931 = arith.muli %arg1, %mul3A_930 : i32
    %add3A_932 = arith.constant 200 : i32
    %add3A_933 = arith.addi %mul3A_931, %add3A_932 : i32
    "tpu.region"() ({
      %run_scoped3A = tpu.sem_alloc : memref<!tpu.dma_semaphore, #tpu.memory_space<semaphore_mem>>
      %dma_start3A = arith.constant 0 : i32
      %dma_start3A_1007 = tpu.memref_slice %arg6[%add3A_933, %dma_start3A] : memref<10000x144xf32, #tpu.memory_space<vmem_shared>> -> memref<25x144xf32, #tpu.memory_space<vmem_shared>>
      %dma_start3A_1008 = arith.constant 0 : i32
      %dma_start3A_1009 = tpu.memref_slice %arg6[%add3A_933, %dma_start3A_1008] : memref<10000x144xf32, #tpu.memory_space<vmem_shared>> -> memref<25x144xf32, #tpu.memory_space<vmem_shared>>
      tpu.enqueue_dma source(%arg11 : memref<25x144xf32, #tpu.memory_space<vmem>>) target(%dma_start3A_1009 : memref<25x144xf32, #tpu.memory_space<vmem_shared>>) target_semaphore(%run_scoped3A : memref<!tpu.dma_semaphore, #tpu.memory_space<semaphore_mem>>)
      %dma_wait3A = arith.constant 0 : i32
      %dma_wait3A_1010 = tpu.memref_slice %arg6[%add3A_933, %dma_wait3A] : memref<10000x144xf32, #tpu.memory_space<vmem_shared>> -> memref<25x144xf32, #tpu.memory_space<vmem_shared>>
      %dma_wait3A_1011 = arith.constant 0 : i32
      %dma_wait3A_1012 = tpu.memref_slice %arg6[%add3A_933, %dma_wait3A_1011] : memref<10000x144xf32, #tpu.memory_space<vmem_shared>> -> memref<25x144xf32, #tpu.memory_space<vmem_shared>>
      tpu.wait_dma2 semaphore(%run_scoped3A : memref<!tpu.dma_semaphore, #tpu.memory_space<semaphore_mem>>) src(%arg11 : memref<25x144xf32, #tpu.memory_space<vmem>>) dst(%dma_wait3A_1012 : memref<25x144xf32, #tpu.memory_space<vmem_shared>>)
      tpu.yield
    }) : () -> ()
    %mul3A_934 = arith.constant 625 : i32
    %mul3A_935 = arith.muli %arg1, %mul3A_934 : i32
    %add3A_936 = arith.constant 225 : i32
    %add3A_937 = arith.addi %mul3A_935, %add3A_936 : i32
    "tpu.region"() ({
      %run_scoped3A = tpu.sem_alloc : memref<!tpu.dma_semaphore, #tpu.memory_space<semaphore_mem>>
      %dma_start3A = arith.constant 0 : i32
      %dma_start3A_1007 = tpu.memref_slice %arg6[%add3A_937, %dma_start3A] : memref<10000x144xf32, #tpu.memory_space<vmem_shared>> -> memref<25x144xf32, #tpu.memory_space<vmem_shared>>
      %dma_start3A_1008 = arith.constant 0 : i32
      %dma_start3A_1009 = tpu.memref_slice %arg6[%add3A_937, %dma_start3A_1008] : memref<10000x144xf32, #tpu.memory_space<vmem_shared>> -> memref<25x144xf32, #tpu.memory_space<vmem_shared>>
      tpu.enqueue_dma source(%arg11 : memref<25x144xf32, #tpu.memory_space<vmem>>) target(%dma_start3A_1009 : memref<25x144xf32, #tpu.memory_space<vmem_shared>>) target_semaphore(%run_scoped3A : memref<!tpu.dma_semaphore, #tpu.memory_space<semaphore_mem>>)
      %dma_wait3A = arith.constant 0 : i32
      %dma_wait3A_1010 = tpu.memref_slice %arg6[%add3A_937, %dma_wait3A] : memref<10000x144xf32, #tpu.memory_space<vmem_shared>> -> memref<25x144xf32, #tpu.memory_space<vmem_shared>>
      %dma_wait3A_1011 = arith.constant 0 : i32
      %dma_wait3A_1012 = tpu.memref_slice %arg6[%add3A_937, %dma_wait3A_1011] : memref<10000x144xf32, #tpu.memory_space<vmem_shared>> -> memref<25x144xf32, #tpu.memory_space<vmem_shared>>
      tpu.wait_dma2 semaphore(%run_scoped3A : memref<!tpu.dma_semaphore, #tpu.memory_space<semaphore_mem>>) src(%arg11 : memref<25x144xf32, #tpu.memory_space<vmem>>) dst(%dma_wait3A_1012 : memref<25x144xf32, #tpu.memory_space<vmem_shared>>)
      tpu.yield
    }) : () -> ()
    %mul3A_938 = arith.constant 625 : i32
    %mul3A_939 = arith.muli %arg1, %mul3A_938 : i32
    %add3A_940 = arith.constant 250 : i32
    %add3A_941 = arith.addi %mul3A_939, %add3A_940 : i32
    "tpu.region"() ({
      %run_scoped3A = tpu.sem_alloc : memref<!tpu.dma_semaphore, #tpu.memory_space<semaphore_mem>>
      %dma_start3A = arith.constant 0 : i32
      %dma_start3A_1007 = tpu.memref_slice %arg6[%add3A_941, %dma_start3A] : memref<10000x144xf32, #tpu.memory_space<vmem_shared>> -> memref<25x144xf32, #tpu.memory_space<vmem_shared>>
      %dma_start3A_1008 = arith.constant 0 : i32
      %dma_start3A_1009 = tpu.memref_slice %arg6[%add3A_941, %dma_start3A_1008] : memref<10000x144xf32, #tpu.memory_space<vmem_shared>> -> memref<25x144xf32, #tpu.memory_space<vmem_shared>>
      tpu.enqueue_dma source(%arg11 : memref<25x144xf32, #tpu.memory_space<vmem>>) target(%dma_start3A_1009 : memref<25x144xf32, #tpu.memory_space<vmem_shared>>) target_semaphore(%run_scoped3A : memref<!tpu.dma_semaphore, #tpu.memory_space<semaphore_mem>>)
      %dma_wait3A = arith.constant 0 : i32
      %dma_wait3A_1010 = tpu.memref_slice %arg6[%add3A_941, %dma_wait3A] : memref<10000x144xf32, #tpu.memory_space<vmem_shared>> -> memref<25x144xf32, #tpu.memory_space<vmem_shared>>
      %dma_wait3A_1011 = arith.constant 0 : i32
      %dma_wait3A_1012 = tpu.memref_slice %arg6[%add3A_941, %dma_wait3A_1011] : memref<10000x144xf32, #tpu.memory_space<vmem_shared>> -> memref<25x144xf32, #tpu.memory_space<vmem_shared>>
      tpu.wait_dma2 semaphore(%run_scoped3A : memref<!tpu.dma_semaphore, #tpu.memory_space<semaphore_mem>>) src(%arg11 : memref<25x144xf32, #tpu.memory_space<vmem>>) dst(%dma_wait3A_1012 : memref<25x144xf32, #tpu.memory_space<vmem_shared>>)
      tpu.yield
    }) : () -> ()
    %mul3A_942 = arith.constant 625 : i32
    %mul3A_943 = arith.muli %arg1, %mul3A_942 : i32
    %add3A_944 = arith.constant 275 : i32
    %add3A_945 = arith.addi %mul3A_943, %add3A_944 : i32
    "tpu.region"() ({
      %run_scoped3A = tpu.sem_alloc : memref<!tpu.dma_semaphore, #tpu.memory_space<semaphore_mem>>
      %dma_start3A = arith.constant 0 : i32
      %dma_start3A_1007 = tpu.memref_slice %arg6[%add3A_945, %dma_start3A] : memref<10000x144xf32, #tpu.memory_space<vmem_shared>> -> memref<25x144xf32, #tpu.memory_space<vmem_shared>>
      %dma_start3A_1008 = arith.constant 0 : i32
      %dma_start3A_1009 = tpu.memref_slice %arg6[%add3A_945, %dma_start3A_1008] : memref<10000x144xf32, #tpu.memory_space<vmem_shared>> -> memref<25x144xf32, #tpu.memory_space<vmem_shared>>
      tpu.enqueue_dma source(%arg11 : memref<25x144xf32, #tpu.memory_space<vmem>>) target(%dma_start3A_1009 : memref<25x144xf32, #tpu.memory_space<vmem_shared>>) target_semaphore(%run_scoped3A : memref<!tpu.dma_semaphore, #tpu.memory_space<semaphore_mem>>)
      %dma_wait3A = arith.constant 0 : i32
      %dma_wait3A_1010 = tpu.memref_slice %arg6[%add3A_945, %dma_wait3A] : memref<10000x144xf32, #tpu.memory_space<vmem_shared>> -> memref<25x144xf32, #tpu.memory_space<vmem_shared>>
      %dma_wait3A_1011 = arith.constant 0 : i32
      %dma_wait3A_1012 = tpu.memref_slice %arg6[%add3A_945, %dma_wait3A_1011] : memref<10000x144xf32, #tpu.memory_space<vmem_shared>> -> memref<25x144xf32, #tpu.memory_space<vmem_shared>>
      tpu.wait_dma2 semaphore(%run_scoped3A : memref<!tpu.dma_semaphore, #tpu.memory_space<semaphore_mem>>) src(%arg11 : memref<25x144xf32, #tpu.memory_space<vmem>>) dst(%dma_wait3A_1012 : memref<25x144xf32, #tpu.memory_space<vmem_shared>>)
      tpu.yield
    }) : () -> ()
    %mul3A_946 = arith.constant 625 : i32
    %mul3A_947 = arith.muli %arg1, %mul3A_946 : i32
    %add3A_948 = arith.constant 300 : i32
    %add3A_949 = arith.addi %mul3A_947, %add3A_948 : i32
    "tpu.region"() ({
      %run_scoped3A = tpu.sem_alloc : memref<!tpu.dma_semaphore, #tpu.memory_space<semaphore_mem>>
      %dma_start3A = arith.constant 0 : i32
      %dma_start3A_1007 = tpu.memref_slice %arg6[%add3A_949, %dma_start3A] : memref<10000x144xf32, #tpu.memory_space<vmem_shared>> -> memref<25x144xf32, #tpu.memory_space<vmem_shared>>
      %dma_start3A_1008 = arith.constant 0 : i32
      %dma_start3A_1009 = tpu.memref_slice %arg6[%add3A_949, %dma_start3A_1008] : memref<10000x144xf32, #tpu.memory_space<vmem_shared>> -> memref<25x144xf32, #tpu.memory_space<vmem_shared>>
      tpu.enqueue_dma source(%arg11 : memref<25x144xf32, #tpu.memory_space<vmem>>) target(%dma_start3A_1009 : memref<25x144xf32, #tpu.memory_space<vmem_shared>>) target_semaphore(%run_scoped3A : memref<!tpu.dma_semaphore, #tpu.memory_space<semaphore_mem>>)
      %dma_wait3A = arith.constant 0 : i32
      %dma_wait3A_1010 = tpu.memref_slice %arg6[%add3A_949, %dma_wait3A] : memref<10000x144xf32, #tpu.memory_space<vmem_shared>> -> memref<25x144xf32, #tpu.memory_space<vmem_shared>>
      %dma_wait3A_1011 = arith.constant 0 : i32
      %dma_wait3A_1012 = tpu.memref_slice %arg6[%add3A_949, %dma_wait3A_1011] : memref<10000x144xf32, #tpu.memory_space<vmem_shared>> -> memref<25x144xf32, #tpu.memory_space<vmem_shared>>
      tpu.wait_dma2 semaphore(%run_scoped3A : memref<!tpu.dma_semaphore, #tpu.memory_space<semaphore_mem>>) src(%arg11 : memref<25x144xf32, #tpu.memory_space<vmem>>) dst(%dma_wait3A_1012 : memref<25x144xf32, #tpu.memory_space<vmem_shared>>)
      tpu.yield
    }) : () -> ()
    %mul3A_950 = arith.constant 625 : i32
    %mul3A_951 = arith.muli %arg1, %mul3A_950 : i32
    %add3A_952 = arith.constant 325 : i32
    %add3A_953 = arith.addi %mul3A_951, %add3A_952 : i32
    "tpu.region"() ({
      %run_scoped3A = tpu.sem_alloc : memref<!tpu.dma_semaphore, #tpu.memory_space<semaphore_mem>>
      %dma_start3A = arith.constant 0 : i32
      %dma_start3A_1007 = tpu.memref_slice %arg6[%add3A_953, %dma_start3A] : memref<10000x144xf32, #tpu.memory_space<vmem_shared>> -> memref<25x144xf32, #tpu.memory_space<vmem_shared>>
      %dma_start3A_1008 = arith.constant 0 : i32
      %dma_start3A_1009 = tpu.memref_slice %arg6[%add3A_953, %dma_start3A_1008] : memref<10000x144xf32, #tpu.memory_space<vmem_shared>> -> memref<25x144xf32, #tpu.memory_space<vmem_shared>>
      tpu.enqueue_dma source(%arg11 : memref<25x144xf32, #tpu.memory_space<vmem>>) target(%dma_start3A_1009 : memref<25x144xf32, #tpu.memory_space<vmem_shared>>) target_semaphore(%run_scoped3A : memref<!tpu.dma_semaphore, #tpu.memory_space<semaphore_mem>>)
      %dma_wait3A = arith.constant 0 : i32
      %dma_wait3A_1010 = tpu.memref_slice %arg6[%add3A_953, %dma_wait3A] : memref<10000x144xf32, #tpu.memory_space<vmem_shared>> -> memref<25x144xf32, #tpu.memory_space<vmem_shared>>
      %dma_wait3A_1011 = arith.constant 0 : i32
      %dma_wait3A_1012 = tpu.memref_slice %arg6[%add3A_953, %dma_wait3A_1011] : memref<10000x144xf32, #tpu.memory_space<vmem_shared>> -> memref<25x144xf32, #tpu.memory_space<vmem_shared>>
      tpu.wait_dma2 semaphore(%run_scoped3A : memref<!tpu.dma_semaphore, #tpu.memory_space<semaphore_mem>>) src(%arg11 : memref<25x144xf32, #tpu.memory_space<vmem>>) dst(%dma_wait3A_1012 : memref<25x144xf32, #tpu.memory_space<vmem_shared>>)
      tpu.yield
    }) : () -> ()
    %mul3A_954 = arith.constant 625 : i32
    %mul3A_955 = arith.muli %arg1, %mul3A_954 : i32
    %add3A_956 = arith.constant 350 : i32
    %add3A_957 = arith.addi %mul3A_955, %add3A_956 : i32
    "tpu.region"() ({
      %run_scoped3A = tpu.sem_alloc : memref<!tpu.dma_semaphore, #tpu.memory_space<semaphore_mem>>
      %dma_start3A = arith.constant 0 : i32
      %dma_start3A_1007 = tpu.memref_slice %arg6[%add3A_957, %dma_start3A] : memref<10000x144xf32, #tpu.memory_space<vmem_shared>> -> memref<25x144xf32, #tpu.memory_space<vmem_shared>>
      %dma_start3A_1008 = arith.constant 0 : i32
      %dma_start3A_1009 = tpu.memref_slice %arg6[%add3A_957, %dma_start3A_1008] : memref<10000x144xf32, #tpu.memory_space<vmem_shared>> -> memref<25x144xf32, #tpu.memory_space<vmem_shared>>
      tpu.enqueue_dma source(%arg11 : memref<25x144xf32, #tpu.memory_space<vmem>>) target(%dma_start3A_1009 : memref<25x144xf32, #tpu.memory_space<vmem_shared>>) target_semaphore(%run_scoped3A : memref<!tpu.dma_semaphore, #tpu.memory_space<semaphore_mem>>)
      %dma_wait3A = arith.constant 0 : i32
      %dma_wait3A_1010 = tpu.memref_slice %arg6[%add3A_957, %dma_wait3A] : memref<10000x144xf32, #tpu.memory_space<vmem_shared>> -> memref<25x144xf32, #tpu.memory_space<vmem_shared>>
      %dma_wait3A_1011 = arith.constant 0 : i32
      %dma_wait3A_1012 = tpu.memref_slice %arg6[%add3A_957, %dma_wait3A_1011] : memref<10000x144xf32, #tpu.memory_space<vmem_shared>> -> memref<25x144xf32, #tpu.memory_space<vmem_shared>>
      tpu.wait_dma2 semaphore(%run_scoped3A : memref<!tpu.dma_semaphore, #tpu.memory_space<semaphore_mem>>) src(%arg11 : memref<25x144xf32, #tpu.memory_space<vmem>>) dst(%dma_wait3A_1012 : memref<25x144xf32, #tpu.memory_space<vmem_shared>>)
      tpu.yield
    }) : () -> ()
    %mul3A_958 = arith.constant 625 : i32
    %mul3A_959 = arith.muli %arg1, %mul3A_958 : i32
    %add3A_960 = arith.constant 375 : i32
    %add3A_961 = arith.addi %mul3A_959, %add3A_960 : i32
    "tpu.region"() ({
      %run_scoped3A = tpu.sem_alloc : memref<!tpu.dma_semaphore, #tpu.memory_space<semaphore_mem>>
      %dma_start3A = arith.constant 0 : i32
      %dma_start3A_1007 = tpu.memref_slice %arg6[%add3A_961, %dma_start3A] : memref<10000x144xf32, #tpu.memory_space<vmem_shared>> -> memref<25x144xf32, #tpu.memory_space<vmem_shared>>
      %dma_start3A_1008 = arith.constant 0 : i32
      %dma_start3A_1009 = tpu.memref_slice %arg6[%add3A_961, %dma_start3A_1008] : memref<10000x144xf32, #tpu.memory_space<vmem_shared>> -> memref<25x144xf32, #tpu.memory_space<vmem_shared>>
      tpu.enqueue_dma source(%arg11 : memref<25x144xf32, #tpu.memory_space<vmem>>) target(%dma_start3A_1009 : memref<25x144xf32, #tpu.memory_space<vmem_shared>>) target_semaphore(%run_scoped3A : memref<!tpu.dma_semaphore, #tpu.memory_space<semaphore_mem>>)
      %dma_wait3A = arith.constant 0 : i32
      %dma_wait3A_1010 = tpu.memref_slice %arg6[%add3A_961, %dma_wait3A] : memref<10000x144xf32, #tpu.memory_space<vmem_shared>> -> memref<25x144xf32, #tpu.memory_space<vmem_shared>>
      %dma_wait3A_1011 = arith.constant 0 : i32
      %dma_wait3A_1012 = tpu.memref_slice %arg6[%add3A_961, %dma_wait3A_1011] : memref<10000x144xf32, #tpu.memory_space<vmem_shared>> -> memref<25x144xf32, #tpu.memory_space<vmem_shared>>
      tpu.wait_dma2 semaphore(%run_scoped3A : memref<!tpu.dma_semaphore, #tpu.memory_space<semaphore_mem>>) src(%arg11 : memref<25x144xf32, #tpu.memory_space<vmem>>) dst(%dma_wait3A_1012 : memref<25x144xf32, #tpu.memory_space<vmem_shared>>)
      tpu.yield
    }) : () -> ()
    %mul3A_962 = arith.constant 625 : i32
    %mul3A_963 = arith.muli %arg1, %mul3A_962 : i32
    %add3A_964 = arith.constant 400 : i32
    %add3A_965 = arith.addi %mul3A_963, %add3A_964 : i32
    "tpu.region"() ({
      %run_scoped3A = tpu.sem_alloc : memref<!tpu.dma_semaphore, #tpu.memory_space<semaphore_mem>>
      %dma_start3A = arith.constant 0 : i32
      %dma_start3A_1007 = tpu.memref_slice %arg6[%add3A_965, %dma_start3A] : memref<10000x144xf32, #tpu.memory_space<vmem_shared>> -> memref<25x144xf32, #tpu.memory_space<vmem_shared>>
      %dma_start3A_1008 = arith.constant 0 : i32
      %dma_start3A_1009 = tpu.memref_slice %arg6[%add3A_965, %dma_start3A_1008] : memref<10000x144xf32, #tpu.memory_space<vmem_shared>> -> memref<25x144xf32, #tpu.memory_space<vmem_shared>>
      tpu.enqueue_dma source(%arg11 : memref<25x144xf32, #tpu.memory_space<vmem>>) target(%dma_start3A_1009 : memref<25x144xf32, #tpu.memory_space<vmem_shared>>) target_semaphore(%run_scoped3A : memref<!tpu.dma_semaphore, #tpu.memory_space<semaphore_mem>>)
      %dma_wait3A = arith.constant 0 : i32
      %dma_wait3A_1010 = tpu.memref_slice %arg6[%add3A_965, %dma_wait3A] : memref<10000x144xf32, #tpu.memory_space<vmem_shared>> -> memref<25x144xf32, #tpu.memory_space<vmem_shared>>
      %dma_wait3A_1011 = arith.constant 0 : i32
      %dma_wait3A_1012 = tpu.memref_slice %arg6[%add3A_965, %dma_wait3A_1011] : memref<10000x144xf32, #tpu.memory_space<vmem_shared>> -> memref<25x144xf32, #tpu.memory_space<vmem_shared>>
      tpu.wait_dma2 semaphore(%run_scoped3A : memref<!tpu.dma_semaphore, #tpu.memory_space<semaphore_mem>>) src(%arg11 : memref<25x144xf32, #tpu.memory_space<vmem>>) dst(%dma_wait3A_1012 : memref<25x144xf32, #tpu.memory_space<vmem_shared>>)
      tpu.yield
    }) : () -> ()
    %mul3A_966 = arith.constant 625 : i32
    %mul3A_967 = arith.muli %arg1, %mul3A_966 : i32
    %add3A_968 = arith.constant 425 : i32
    %add3A_969 = arith.addi %mul3A_967, %add3A_968 : i32
    "tpu.region"() ({
      %run_scoped3A = tpu.sem_alloc : memref<!tpu.dma_semaphore, #tpu.memory_space<semaphore_mem>>
      %dma_start3A = arith.constant 0 : i32
      %dma_start3A_1007 = tpu.memref_slice %arg6[%add3A_969, %dma_start3A] : memref<10000x144xf32, #tpu.memory_space<vmem_shared>> -> memref<25x144xf32, #tpu.memory_space<vmem_shared>>
      %dma_start3A_1008 = arith.constant 0 : i32
      %dma_start3A_1009 = tpu.memref_slice %arg6[%add3A_969, %dma_start3A_1008] : memref<10000x144xf32, #tpu.memory_space<vmem_shared>> -> memref<25x144xf32, #tpu.memory_space<vmem_shared>>
      tpu.enqueue_dma source(%arg11 : memref<25x144xf32, #tpu.memory_space<vmem>>) target(%dma_start3A_1009 : memref<25x144xf32, #tpu.memory_space<vmem_shared>>) target_semaphore(%run_scoped3A : memref<!tpu.dma_semaphore, #tpu.memory_space<semaphore_mem>>)
      %dma_wait3A = arith.constant 0 : i32
      %dma_wait3A_1010 = tpu.memref_slice %arg6[%add3A_969, %dma_wait3A] : memref<10000x144xf32, #tpu.memory_space<vmem_shared>> -> memref<25x144xf32, #tpu.memory_space<vmem_shared>>
      %dma_wait3A_1011 = arith.constant 0 : i32
      %dma_wait3A_1012 = tpu.memref_slice %arg6[%add3A_969, %dma_wait3A_1011] : memref<10000x144xf32, #tpu.memory_space<vmem_shared>> -> memref<25x144xf32, #tpu.memory_space<vmem_shared>>
      tpu.wait_dma2 semaphore(%run_scoped3A : memref<!tpu.dma_semaphore, #tpu.memory_space<semaphore_mem>>) src(%arg11 : memref<25x144xf32, #tpu.memory_space<vmem>>) dst(%dma_wait3A_1012 : memref<25x144xf32, #tpu.memory_space<vmem_shared>>)
      tpu.yield
    }) : () -> ()
    %mul3A_970 = arith.constant 625 : i32
    %mul3A_971 = arith.muli %arg1, %mul3A_970 : i32
    %add3A_972 = arith.constant 450 : i32
    %add3A_973 = arith.addi %mul3A_971, %add3A_972 : i32
    "tpu.region"() ({
      %run_scoped3A = tpu.sem_alloc : memref<!tpu.dma_semaphore, #tpu.memory_space<semaphore_mem>>
      %dma_start3A = arith.constant 0 : i32
      %dma_start3A_1007 = tpu.memref_slice %arg6[%add3A_973, %dma_start3A] : memref<10000x144xf32, #tpu.memory_space<vmem_shared>> -> memref<25x144xf32, #tpu.memory_space<vmem_shared>>
      %dma_start3A_1008 = arith.constant 0 : i32
      %dma_start3A_1009 = tpu.memref_slice %arg6[%add3A_973, %dma_start3A_1008] : memref<10000x144xf32, #tpu.memory_space<vmem_shared>> -> memref<25x144xf32, #tpu.memory_space<vmem_shared>>
      tpu.enqueue_dma source(%arg11 : memref<25x144xf32, #tpu.memory_space<vmem>>) target(%dma_start3A_1009 : memref<25x144xf32, #tpu.memory_space<vmem_shared>>) target_semaphore(%run_scoped3A : memref<!tpu.dma_semaphore, #tpu.memory_space<semaphore_mem>>)
      %dma_wait3A = arith.constant 0 : i32
      %dma_wait3A_1010 = tpu.memref_slice %arg6[%add3A_973, %dma_wait3A] : memref<10000x144xf32, #tpu.memory_space<vmem_shared>> -> memref<25x144xf32, #tpu.memory_space<vmem_shared>>
      %dma_wait3A_1011 = arith.constant 0 : i32
      %dma_wait3A_1012 = tpu.memref_slice %arg6[%add3A_973, %dma_wait3A_1011] : memref<10000x144xf32, #tpu.memory_space<vmem_shared>> -> memref<25x144xf32, #tpu.memory_space<vmem_shared>>
      tpu.wait_dma2 semaphore(%run_scoped3A : memref<!tpu.dma_semaphore, #tpu.memory_space<semaphore_mem>>) src(%arg11 : memref<25x144xf32, #tpu.memory_space<vmem>>) dst(%dma_wait3A_1012 : memref<25x144xf32, #tpu.memory_space<vmem_shared>>)
      tpu.yield
    }) : () -> ()
    %mul3A_974 = arith.constant 625 : i32
    %mul3A_975 = arith.muli %arg1, %mul3A_974 : i32
    %add3A_976 = arith.constant 475 : i32
    %add3A_977 = arith.addi %mul3A_975, %add3A_976 : i32
    "tpu.region"() ({
      %run_scoped3A = tpu.sem_alloc : memref<!tpu.dma_semaphore, #tpu.memory_space<semaphore_mem>>
      %dma_start3A = arith.constant 0 : i32
      %dma_start3A_1007 = tpu.memref_slice %arg6[%add3A_977, %dma_start3A] : memref<10000x144xf32, #tpu.memory_space<vmem_shared>> -> memref<25x144xf32, #tpu.memory_space<vmem_shared>>
      %dma_start3A_1008 = arith.constant 0 : i32
      %dma_start3A_1009 = tpu.memref_slice %arg6[%add3A_977, %dma_start3A_1008] : memref<10000x144xf32, #tpu.memory_space<vmem_shared>> -> memref<25x144xf32, #tpu.memory_space<vmem_shared>>
      tpu.enqueue_dma source(%arg11 : memref<25x144xf32, #tpu.memory_space<vmem>>) target(%dma_start3A_1009 : memref<25x144xf32, #tpu.memory_space<vmem_shared>>) target_semaphore(%run_scoped3A : memref<!tpu.dma_semaphore, #tpu.memory_space<semaphore_mem>>)
      %dma_wait3A = arith.constant 0 : i32
      %dma_wait3A_1010 = tpu.memref_slice %arg6[%add3A_977, %dma_wait3A] : memref<10000x144xf32, #tpu.memory_space<vmem_shared>> -> memref<25x144xf32, #tpu.memory_space<vmem_shared>>
      %dma_wait3A_1011 = arith.constant 0 : i32
      %dma_wait3A_1012 = tpu.memref_slice %arg6[%add3A_977, %dma_wait3A_1011] : memref<10000x144xf32, #tpu.memory_space<vmem_shared>> -> memref<25x144xf32, #tpu.memory_space<vmem_shared>>
      tpu.wait_dma2 semaphore(%run_scoped3A : memref<!tpu.dma_semaphore, #tpu.memory_space<semaphore_mem>>) src(%arg11 : memref<25x144xf32, #tpu.memory_space<vmem>>) dst(%dma_wait3A_1012 : memref<25x144xf32, #tpu.memory_space<vmem_shared>>)
      tpu.yield
    }) : () -> ()
    %mul3A_978 = arith.constant 625 : i32
    %mul3A_979 = arith.muli %arg1, %mul3A_978 : i32
    %add3A_980 = arith.constant 500 : i32
    %add3A_981 = arith.addi %mul3A_979, %add3A_980 : i32
    "tpu.region"() ({
      %run_scoped3A = tpu.sem_alloc : memref<!tpu.dma_semaphore, #tpu.memory_space<semaphore_mem>>
      %dma_start3A = arith.constant 0 : i32
      %dma_start3A_1007 = tpu.memref_slice %arg6[%add3A_981, %dma_start3A] : memref<10000x144xf32, #tpu.memory_space<vmem_shared>> -> memref<25x144xf32, #tpu.memory_space<vmem_shared>>
      %dma_start3A_1008 = arith.constant 0 : i32
      %dma_start3A_1009 = tpu.memref_slice %arg6[%add3A_981, %dma_start3A_1008] : memref<10000x144xf32, #tpu.memory_space<vmem_shared>> -> memref<25x144xf32, #tpu.memory_space<vmem_shared>>
      tpu.enqueue_dma source(%arg11 : memref<25x144xf32, #tpu.memory_space<vmem>>) target(%dma_start3A_1009 : memref<25x144xf32, #tpu.memory_space<vmem_shared>>) target_semaphore(%run_scoped3A : memref<!tpu.dma_semaphore, #tpu.memory_space<semaphore_mem>>)
      %dma_wait3A = arith.constant 0 : i32
      %dma_wait3A_1010 = tpu.memref_slice %arg6[%add3A_981, %dma_wait3A] : memref<10000x144xf32, #tpu.memory_space<vmem_shared>> -> memref<25x144xf32, #tpu.memory_space<vmem_shared>>
      %dma_wait3A_1011 = arith.constant 0 : i32
      %dma_wait3A_1012 = tpu.memref_slice %arg6[%add3A_981, %dma_wait3A_1011] : memref<10000x144xf32, #tpu.memory_space<vmem_shared>> -> memref<25x144xf32, #tpu.memory_space<vmem_shared>>
      tpu.wait_dma2 semaphore(%run_scoped3A : memref<!tpu.dma_semaphore, #tpu.memory_space<semaphore_mem>>) src(%arg11 : memref<25x144xf32, #tpu.memory_space<vmem>>) dst(%dma_wait3A_1012 : memref<25x144xf32, #tpu.memory_space<vmem_shared>>)
      tpu.yield
    }) : () -> ()
    %mul3A_982 = arith.constant 625 : i32
    %mul3A_983 = arith.muli %arg1, %mul3A_982 : i32
    %add3A_984 = arith.constant 525 : i32
    %add3A_985 = arith.addi %mul3A_983, %add3A_984 : i32
    "tpu.region"() ({
      %run_scoped3A = tpu.sem_alloc : memref<!tpu.dma_semaphore, #tpu.memory_space<semaphore_mem>>
      %dma_start3A = arith.constant 0 : i32
      %dma_start3A_1007 = tpu.memref_slice %arg6[%add3A_985, %dma_start3A] : memref<10000x144xf32, #tpu.memory_space<vmem_shared>> -> memref<25x144xf32, #tpu.memory_space<vmem_shared>>
      %dma_start3A_1008 = arith.constant 0 : i32
      %dma_start3A_1009 = tpu.memref_slice %arg6[%add3A_985, %dma_start3A_1008] : memref<10000x144xf32, #tpu.memory_space<vmem_shared>> -> memref<25x144xf32, #tpu.memory_space<vmem_shared>>
      tpu.enqueue_dma source(%arg11 : memref<25x144xf32, #tpu.memory_space<vmem>>) target(%dma_start3A_1009 : memref<25x144xf32, #tpu.memory_space<vmem_shared>>) target_semaphore(%run_scoped3A : memref<!tpu.dma_semaphore, #tpu.memory_space<semaphore_mem>>)
      %dma_wait3A = arith.constant 0 : i32
      %dma_wait3A_1010 = tpu.memref_slice %arg6[%add3A_985, %dma_wait3A] : memref<10000x144xf32, #tpu.memory_space<vmem_shared>> -> memref<25x144xf32, #tpu.memory_space<vmem_shared>>
      %dma_wait3A_1011 = arith.constant 0 : i32
      %dma_wait3A_1012 = tpu.memref_slice %arg6[%add3A_985, %dma_wait3A_1011] : memref<10000x144xf32, #tpu.memory_space<vmem_shared>> -> memref<25x144xf32, #tpu.memory_space<vmem_shared>>
      tpu.wait_dma2 semaphore(%run_scoped3A : memref<!tpu.dma_semaphore, #tpu.memory_space<semaphore_mem>>) src(%arg11 : memref<25x144xf32, #tpu.memory_space<vmem>>) dst(%dma_wait3A_1012 : memref<25x144xf32, #tpu.memory_space<vmem_shared>>)
      tpu.yield
    }) : () -> ()
    %mul3A_986 = arith.constant 625 : i32
    %mul3A_987 = arith.muli %arg1, %mul3A_986 : i32
    %add3A_988 = arith.constant 550 : i32
    %add3A_989 = arith.addi %mul3A_987, %add3A_988 : i32
    "tpu.region"() ({
      %run_scoped3A = tpu.sem_alloc : memref<!tpu.dma_semaphore, #tpu.memory_space<semaphore_mem>>
      %dma_start3A = arith.constant 0 : i32
      %dma_start3A_1007 = tpu.memref_slice %arg6[%add3A_989, %dma_start3A] : memref<10000x144xf32, #tpu.memory_space<vmem_shared>> -> memref<25x144xf32, #tpu.memory_space<vmem_shared>>
      %dma_start3A_1008 = arith.constant 0 : i32
      %dma_start3A_1009 = tpu.memref_slice %arg6[%add3A_989, %dma_start3A_1008] : memref<10000x144xf32, #tpu.memory_space<vmem_shared>> -> memref<25x144xf32, #tpu.memory_space<vmem_shared>>
      tpu.enqueue_dma source(%arg11 : memref<25x144xf32, #tpu.memory_space<vmem>>) target(%dma_start3A_1009 : memref<25x144xf32, #tpu.memory_space<vmem_shared>>) target_semaphore(%run_scoped3A : memref<!tpu.dma_semaphore, #tpu.memory_space<semaphore_mem>>)
      %dma_wait3A = arith.constant 0 : i32
      %dma_wait3A_1010 = tpu.memref_slice %arg6[%add3A_989, %dma_wait3A] : memref<10000x144xf32, #tpu.memory_space<vmem_shared>> -> memref<25x144xf32, #tpu.memory_space<vmem_shared>>
      %dma_wait3A_1011 = arith.constant 0 : i32
      %dma_wait3A_1012 = tpu.memref_slice %arg6[%add3A_989, %dma_wait3A_1011] : memref<10000x144xf32, #tpu.memory_space<vmem_shared>> -> memref<25x144xf32, #tpu.memory_space<vmem_shared>>
      tpu.wait_dma2 semaphore(%run_scoped3A : memref<!tpu.dma_semaphore, #tpu.memory_space<semaphore_mem>>) src(%arg11 : memref<25x144xf32, #tpu.memory_space<vmem>>) dst(%dma_wait3A_1012 : memref<25x144xf32, #tpu.memory_space<vmem_shared>>)
      tpu.yield
    }) : () -> ()
    %mul3A_990 = arith.constant 625 : i32
    %mul3A_991 = arith.muli %arg1, %mul3A_990 : i32
    %add3A_992 = arith.constant 575 : i32
    %add3A_993 = arith.addi %mul3A_991, %add3A_992 : i32
    "tpu.region"() ({
      %run_scoped3A = tpu.sem_alloc : memref<!tpu.dma_semaphore, #tpu.memory_space<semaphore_mem>>
      %dma_start3A = arith.constant 0 : i32
      %dma_start3A_1007 = tpu.memref_slice %arg6[%add3A_993, %dma_start3A] : memref<10000x144xf32, #tpu.memory_space<vmem_shared>> -> memref<25x144xf32, #tpu.memory_space<vmem_shared>>
      %dma_start3A_1008 = arith.constant 0 : i32
      %dma_start3A_1009 = tpu.memref_slice %arg6[%add3A_993, %dma_start3A_1008] : memref<10000x144xf32, #tpu.memory_space<vmem_shared>> -> memref<25x144xf32, #tpu.memory_space<vmem_shared>>
      tpu.enqueue_dma source(%arg11 : memref<25x144xf32, #tpu.memory_space<vmem>>) target(%dma_start3A_1009 : memref<25x144xf32, #tpu.memory_space<vmem_shared>>) target_semaphore(%run_scoped3A : memref<!tpu.dma_semaphore, #tpu.memory_space<semaphore_mem>>)
      %dma_wait3A = arith.constant 0 : i32
      %dma_wait3A_1010 = tpu.memref_slice %arg6[%add3A_993, %dma_wait3A] : memref<10000x144xf32, #tpu.memory_space<vmem_shared>> -> memref<25x144xf32, #tpu.memory_space<vmem_shared>>
      %dma_wait3A_1011 = arith.constant 0 : i32
      %dma_wait3A_1012 = tpu.memref_slice %arg6[%add3A_993, %dma_wait3A_1011] : memref<10000x144xf32, #tpu.memory_space<vmem_shared>> -> memref<25x144xf32, #tpu.memory_space<vmem_shared>>
      tpu.wait_dma2 semaphore(%run_scoped3A : memref<!tpu.dma_semaphore, #tpu.memory_space<semaphore_mem>>) src(%arg11 : memref<25x144xf32, #tpu.memory_space<vmem>>) dst(%dma_wait3A_1012 : memref<25x144xf32, #tpu.memory_space<vmem_shared>>)
      tpu.yield
    }) : () -> ()
    %mul3A_994 = arith.constant 625 : i32
    %mul3A_995 = arith.muli %arg1, %mul3A_994 : i32
    %add3A_996 = arith.constant 600 : i32
    %add3A_997 = arith.addi %mul3A_995, %add3A_996 : i32
    "tpu.region"() ({
      %run_scoped3A = tpu.sem_alloc : memref<!tpu.dma_semaphore, #tpu.memory_space<semaphore_mem>>
      %dma_start3A = arith.constant 0 : i32
      %dma_start3A_1007 = tpu.memref_slice %arg6[%add3A_997, %dma_start3A] : memref<10000x144xf32, #tpu.memory_space<vmem_shared>> -> memref<25x144xf32, #tpu.memory_space<vmem_shared>>
      %dma_start3A_1008 = arith.constant 0 : i32
      %dma_start3A_1009 = tpu.memref_slice %arg6[%add3A_997, %dma_start3A_1008] : memref<10000x144xf32, #tpu.memory_space<vmem_shared>> -> memref<25x144xf32, #tpu.memory_space<vmem_shared>>
      tpu.enqueue_dma source(%arg11 : memref<25x144xf32, #tpu.memory_space<vmem>>) target(%dma_start3A_1009 : memref<25x144xf32, #tpu.memory_space<vmem_shared>>) target_semaphore(%run_scoped3A : memref<!tpu.dma_semaphore, #tpu.memory_space<semaphore_mem>>)
      %dma_wait3A = arith.constant 0 : i32
      %dma_wait3A_1010 = tpu.memref_slice %arg6[%add3A_997, %dma_wait3A] : memref<10000x144xf32, #tpu.memory_space<vmem_shared>> -> memref<25x144xf32, #tpu.memory_space<vmem_shared>>
      %dma_wait3A_1011 = arith.constant 0 : i32
      %dma_wait3A_1012 = tpu.memref_slice %arg6[%add3A_997, %dma_wait3A_1011] : memref<10000x144xf32, #tpu.memory_space<vmem_shared>> -> memref<25x144xf32, #tpu.memory_space<vmem_shared>>
      tpu.wait_dma2 semaphore(%run_scoped3A : memref<!tpu.dma_semaphore, #tpu.memory_space<semaphore_mem>>) src(%arg11 : memref<25x144xf32, #tpu.memory_space<vmem>>) dst(%dma_wait3A_1012 : memref<25x144xf32, #tpu.memory_space<vmem_shared>>)
      tpu.yield
    }) : () -> ()
    %barrier3A = arith.constant 0 : index
    tpu.barrier barrier_id(%barrier3A)
    %iota3A = tpu.iota {dimensions = array<i32: 0>} : vector<16xi32>
    %scan3A = arith.constant 0 : i32
    %scan3A_998 = arith.constant 250 : i32
    %scan3A_999 = arith.addi %scan3A, %scan3A_998 : i32
    %scan3A_1000 = arith.constant 1 : i32
    scf.for %scan3A_1007 = %scan3A to %scan3A_999 step %scan3A_1000  : i32 {
      "tpu.region"() ({
        %run_scoped3A = tpu.sem_alloc : memref<!tpu.dma_semaphore, #tpu.memory_space<semaphore_mem>>
        %dma_start3A_1021 = arith.constant 0 : i32
        %dma_start3A_1022 = tpu.memref_slice %arg2[%arg0, %arg1, %scan3A_1007, %dma_start3A_1021] : memref<2x16x250x240xi32, #tpu.memory_space<hbm>> -> memref<1x1x1x240xi32, #tpu.memory_space<hbm>>
        %dma_start3A_1023 = tpu.memref_squeeze %dma_start3A_1022 : memref<1x1x1x240xi32, #tpu.memory_space<hbm>> -> memref<240xi32, #tpu.memory_space<hbm>>
        %dma_start3A_1024 = arith.constant 0 : i32
        %dma_start3A_1025 = tpu.memref_slice %arg2[%arg0, %arg1, %scan3A_1007, %dma_start3A_1024] : memref<2x16x250x240xi32, #tpu.memory_space<hbm>> -> memref<1x1x1x240xi32, #tpu.memory_space<hbm>>
        %dma_start3A_1026 = tpu.memref_squeeze %dma_start3A_1025 : memref<1x1x1x240xi32, #tpu.memory_space<hbm>> -> memref<240xi32, #tpu.memory_space<hbm>>
        tpu.enqueue_dma source(%dma_start3A_1026 : memref<240xi32, #tpu.memory_space<hbm>>) target(%arg7 : memref<240xi32, #tpu.memory_space<vmem>>) target_semaphore(%run_scoped3A : memref<!tpu.dma_semaphore, #tpu.memory_space<semaphore_mem>>)
        %dma_wait3A_1027 = arith.constant 0 : i32
        %dma_wait3A_1028 = tpu.memref_slice %arg2[%arg0, %arg1, %scan3A_1007, %dma_wait3A_1027] : memref<2x16x250x240xi32, #tpu.memory_space<hbm>> -> memref<1x1x1x240xi32, #tpu.memory_space<hbm>>
        %dma_wait3A_1029 = tpu.memref_squeeze %dma_wait3A_1028 : memref<1x1x1x240xi32, #tpu.memory_space<hbm>> -> memref<240xi32, #tpu.memory_space<hbm>>
        %dma_wait3A_1030 = arith.constant 0 : i32
        %dma_wait3A_1031 = tpu.memref_slice %arg2[%arg0, %arg1, %scan3A_1007, %dma_wait3A_1030] : memref<2x16x250x240xi32, #tpu.memory_space<hbm>> -> memref<1x1x1x240xi32, #tpu.memory_space<hbm>>
        %dma_wait3A_1032 = tpu.memref_squeeze %dma_wait3A_1031 : memref<1x1x1x240xi32, #tpu.memory_space<hbm>> -> memref<240xi32, #tpu.memory_space<hbm>>
        tpu.wait_dma2 semaphore(%run_scoped3A : memref<!tpu.dma_semaphore, #tpu.memory_space<semaphore_mem>>) src(%dma_wait3A_1032 : memref<240xi32, #tpu.memory_space<hbm>>) dst(%arg7 : memref<240xi32, #tpu.memory_space<vmem>>)
        tpu.yield
      }) : () -> ()
      "tpu.region"() ({
        %run_scoped3A = tpu.sem_alloc : memref<!tpu.dma_semaphore, #tpu.memory_space<semaphore_mem>>
        %dma_start3A_1021 = arith.constant 0 : i32
        %dma_start3A_1022 = tpu.memref_slice %arg3[%arg0, %arg1, %scan3A_1007, %dma_start3A_1021] : memref<2x16x250x80xi32, #tpu.memory_space<hbm>> -> memref<1x1x1x80xi32, #tpu.memory_space<hbm>>
        %dma_start3A_1023 = tpu.memref_squeeze %dma_start3A_1022 : memref<1x1x1x80xi32, #tpu.memory_space<hbm>> -> memref<80xi32, #tpu.memory_space<hbm>>
        %dma_start3A_1024 = arith.constant 0 : i32
        %dma_start3A_1025 = tpu.memref_slice %arg3[%arg0, %arg1, %scan3A_1007, %dma_start3A_1024] : memref<2x16x250x80xi32, #tpu.memory_space<hbm>> -> memref<1x1x1x80xi32, #tpu.memory_space<hbm>>
        %dma_start3A_1026 = tpu.memref_squeeze %dma_start3A_1025 : memref<1x1x1x80xi32, #tpu.memory_space<hbm>> -> memref<80xi32, #tpu.memory_space<hbm>>
        tpu.enqueue_dma source(%dma_start3A_1026 : memref<80xi32, #tpu.memory_space<hbm>>) target(%arg8 : memref<80xi32, #tpu.memory_space<vmem>>) target_semaphore(%run_scoped3A : memref<!tpu.dma_semaphore, #tpu.memory_space<semaphore_mem>>)
        %dma_wait3A_1027 = arith.constant 0 : i32
        %dma_wait3A_1028 = tpu.memref_slice %arg3[%arg0, %arg1, %scan3A_1007, %dma_wait3A_1027] : memref<2x16x250x80xi32, #tpu.memory_space<hbm>> -> memref<1x1x1x80xi32, #tpu.memory_space<hbm>>
        %dma_wait3A_1029 = tpu.memref_squeeze %dma_wait3A_1028 : memref<1x1x1x80xi32, #tpu.memory_space<hbm>> -> memref<80xi32, #tpu.memory_space<hbm>>
        %dma_wait3A_1030 = arith.constant 0 : i32
        %dma_wait3A_1031 = tpu.memref_slice %arg3[%arg0, %arg1, %scan3A_1007, %dma_wait3A_1030] : memref<2x16x250x80xi32, #tpu.memory_space<hbm>> -> memref<1x1x1x80xi32, #tpu.memory_space<hbm>>
        %dma_wait3A_1032 = tpu.memref_squeeze %dma_wait3A_1031 : memref<1x1x1x80xi32, #tpu.memory_space<hbm>> -> memref<80xi32, #tpu.memory_space<hbm>>
        tpu.wait_dma2 semaphore(%run_scoped3A : memref<!tpu.dma_semaphore, #tpu.memory_space<semaphore_mem>>) src(%dma_wait3A_1032 : memref<80xi32, #tpu.memory_space<hbm>>) dst(%arg8 : memref<80xi32, #tpu.memory_space<vmem>>)
        tpu.yield
      }) : () -> ()
      %dma_start3A = arith.constant 0 : i32
      %dma_start3A_1008 = tpu.memref_slice %arg7[%dma_start3A] : memref<240xi32, #tpu.memory_space<vmem>> -> memref<80xi32, #tpu.memory_space<vmem>>
      %dma_start3A_1009 = arith.constant 0 : i32
      %dma_start3A_1010 = arith.constant 0 : i32
      %dma_start3A_1011 = tpu.memref_slice %arg4[%dma_start3A_1009, %dma_start3A_1010] : memref<20000x128xf32, #tpu.memory_space<hbm>> -> memref<20000x128xf32, #tpu.memory_space<hbm>>
      tpu.enqueue_indirect_dma source(%dma_start3A_1011 : memref<20000x128xf32, #tpu.memory_space<hbm>>) target(%arg9 : memref<80x128xf32, #tpu.memory_space<vmem>>) offsets(%dma_start3A_1008 : memref<80xi32, #tpu.memory_space<vmem>>) semaphore(%arg12 : memref<!tpu.dma_semaphore, #tpu.memory_space<semaphore_mem>>)
      %dma_wait3A = arith.constant 0 : i32
      %dma_wait3A_1012 = tpu.memref_slice %arg7[%dma_wait3A] : memref<240xi32, #tpu.memory_space<vmem>> -> memref<80xi32, #tpu.memory_space<vmem>>
      %dma_wait3A_1013 = arith.constant 0 : i32
      %dma_wait3A_1014 = arith.constant 0 : i32
      %dma_wait3A_1015 = tpu.memref_slice %arg4[%dma_wait3A_1013, %dma_wait3A_1014] : memref<20000x128xf32, #tpu.memory_space<hbm>> -> memref<20000x128xf32, #tpu.memory_space<hbm>>
      tpu.wait_indirect_dma semaphore(%arg12 : memref<!tpu.dma_semaphore, #tpu.memory_space<semaphore_mem>>) src(%dma_wait3A_1015 : memref<20000x128xf32, #tpu.memory_space<hbm>>) dst(%arg9 : memref<80x128xf32, #tpu.memory_space<vmem>>)
      %scan3A_1016 = arith.constant 0 : i32
      %scan3A_1017 = arith.constant 80 : i32
      %scan3A_1018 = arith.addi %scan3A_1016, %scan3A_1017 : i32
      %scan3A_1019 = arith.constant 1 : i32
      scf.for %scan3A_1021 = %scan3A_1016 to %scan3A_1018 step %scan3A_1019  : i32 {
        %broadcast_in_dim3A_1022 = arith.constant 80 : i32
        %broadcast_in_dim3A_1023 = vector.broadcast %broadcast_in_dim3A_1022 : i32 to vector<16xi32>
        %add3A_1024 = vector.broadcast %scan3A_1021 : i32 to vector<16xi32>
        %add3A_1025 = arith.addi %broadcast_in_dim3A_1023, %add3A_1024 : vector<16xi32>
        %gather3A = tpu.vector_load_idx %arg7[%add3A_1025] : memref<240xi32, #tpu.memory_space<vmem>>[vector<16xi32>], vector<16xi32>,
        %bitcast3A = vector.bitcast %gather3A : vector<16xi32> to vector<16xf32>
        %eq3A = arith.constant 0 : i32
        %eq3A_1026 = vector.broadcast %eq3A : i32 to vector<16xi32>
        %eq3A_1027 = arith.cmpi eq, %iota3A, %eq3A_1026 : vector<16xi32>
        %jit3A = arith.constant 0.000000e+00 : f32
        %broadcast_in_dim3A_1028 = vector.broadcast %jit3A : f32 to vector<16xf32>
        %select_n3A = arith.select %eq3A_1027, %bitcast3A, %broadcast_in_dim3A_1028 : vector<16xi1>, vector<16xf32>
        %add3A_1029 = arith.addf %broadcast_in_dim3A_0, %select_n3A : vector<16xf32>
        %get3A = arith.index_cast %scan3A_1021 : i32 to index
        %get3A_1030 = arith.constant 0 : index
        %get3A_1031 = tpu.vector_load %arg9[%get3A, %get3A_1030] {strides = array<i32>} : memref<80x128xf32, #tpu.memory_space<vmem>>, vector<16xf32>,
        %mul3A_1032 = arith.mulf %get3A_1031, %bitcast3A : vector<16xf32>
        %swap3A_1033 = arith.index_cast %scan3A_1021 : i32 to index
        %swap3A_1034 = arith.constant 0 : index
        %swap3A_1035 = tpu.vector_load %arg10[%swap3A_1033, %swap3A_1034] {strides = array<i32>} : memref<80x144xf32, #tpu.memory_space<vmem>>, vector<16xf32>,
        tpu.vector_store %arg10[%swap3A_1033, %swap3A_1034], %mul3A_1032 {strides = array<i32>} : memref<80x144xf32, #tpu.memory_space<vmem>>, vector<16xf32>,
        %get3A_1036 = arith.index_cast %scan3A_1021 : i32 to index
        %get3A_1037 = arith.constant 16 : index
        %get3A_1038 = tpu.vector_load %arg9[%get3A_1036, %get3A_1037] {strides = array<i32>} : memref<80x128xf32, #tpu.memory_space<vmem>>, vector<16xf32>,
        %mul3A_1039 = arith.mulf %get3A_1038, %bitcast3A : vector<16xf32>
        %swap3A_1040 = arith.index_cast %scan3A_1021 : i32 to index
        %swap3A_1041 = arith.constant 16 : index
        %swap3A_1042 = tpu.vector_load %arg10[%swap3A_1040, %swap3A_1041] {strides = array<i32>} : memref<80x144xf32, #tpu.memory_space<vmem>>, vector<16xf32>,
        tpu.vector_store %arg10[%swap3A_1040, %swap3A_1041], %mul3A_1039 {strides = array<i32>} : memref<80x144xf32, #tpu.memory_space<vmem>>, vector<16xf32>,
        %get3A_1043 = arith.index_cast %scan3A_1021 : i32 to index
        %get3A_1044 = arith.constant 32 : index
        %get3A_1045 = tpu.vector_load %arg9[%get3A_1043, %get3A_1044] {strides = array<i32>} : memref<80x128xf32, #tpu.memory_space<vmem>>, vector<16xf32>,
        %mul3A_1046 = arith.mulf %get3A_1045, %bitcast3A : vector<16xf32>
        %swap3A_1047 = arith.index_cast %scan3A_1021 : i32 to index
        %swap3A_1048 = arith.constant 32 : index
        %swap3A_1049 = tpu.vector_load %arg10[%swap3A_1047, %swap3A_1048] {strides = array<i32>} : memref<80x144xf32, #tpu.memory_space<vmem>>, vector<16xf32>,
        tpu.vector_store %arg10[%swap3A_1047, %swap3A_1048], %mul3A_1046 {strides = array<i32>} : memref<80x144xf32, #tpu.memory_space<vmem>>, vector<16xf32>,
        %get3A_1050 = arith.index_cast %scan3A_1021 : i32 to index
        %get3A_1051 = arith.constant 48 : index
        %get3A_1052 = tpu.vector_load %arg9[%get3A_1050, %get3A_1051] {strides = array<i32>} : memref<80x128xf32, #tpu.memory_space<vmem>>, vector<16xf32>,
        %mul3A_1053 = arith.mulf %get3A_1052, %bitcast3A : vector<16xf32>
        %swap3A_1054 = arith.index_cast %scan3A_1021 : i32 to index
        %swap3A_1055 = arith.constant 48 : index
        %swap3A_1056 = tpu.vector_load %arg10[%swap3A_1054, %swap3A_1055] {strides = array<i32>} : memref<80x144xf32, #tpu.memory_space<vmem>>, vector<16xf32>,
        tpu.vector_store %arg10[%swap3A_1054, %swap3A_1055], %mul3A_1053 {strides = array<i32>} : memref<80x144xf32, #tpu.memory_space<vmem>>, vector<16xf32>,
        %broadcast_in_dim3A_1057 = arith.constant 160 : i32
        %broadcast_in_dim3A_1058 = vector.broadcast %broadcast_in_dim3A_1057 : i32 to vector<16xi32>
        %add3A_1059 = vector.broadcast %scan3A_1021 : i32 to vector<16xi32>
        %add3A_1060 = arith.addi %broadcast_in_dim3A_1058, %add3A_1059 : vector<16xi32>
        %gather3A_1061 = tpu.vector_load_idx %arg7[%add3A_1060] : memref<240xi32, #tpu.memory_space<vmem>>[vector<16xi32>], vector<16xi32>,
        %bitcast3A_1062 = vector.bitcast %gather3A_1061 : vector<16xi32> to vector<16xf32>
        %eq3A_1063 = arith.constant 1 : i32
        %eq3A_1064 = vector.broadcast %eq3A_1063 : i32 to vector<16xi32>
        %eq3A_1065 = arith.cmpi eq, %iota3A, %eq3A_1064 : vector<16xi32>
        %jit3A_1066 = arith.constant 0.000000e+00 : f32
        %broadcast_in_dim3A_1067 = vector.broadcast %jit3A_1066 : f32 to vector<16xf32>
        %select_n3A_1068 = arith.select %eq3A_1065, %bitcast3A_1062, %broadcast_in_dim3A_1067 : vector<16xi1>, vector<16xf32>
        %add3A_1069 = arith.addf %add3A_1029, %select_n3A_1068 : vector<16xf32>
        %get3A_1070 = arith.index_cast %scan3A_1021 : i32 to index
        %get3A_1071 = arith.constant 64 : index
        %get3A_1072 = tpu.vector_load %arg9[%get3A_1070, %get3A_1071] {strides = array<i32>} : memref<80x128xf32, #tpu.memory_space<vmem>>, vector<16xf32>,
        %mul3A_1073 = arith.mulf %get3A_1072, %bitcast3A_1062 : vector<16xf32>
        %swap3A_1074 = arith.index_cast %scan3A_1021 : i32 to index
        %swap3A_1075 = arith.constant 64 : index
        %swap3A_1076 = tpu.vector_load %arg10[%swap3A_1074, %swap3A_1075] {strides = array<i32>} : memref<80x144xf32, #tpu.memory_space<vmem>>, vector<16xf32>,
        tpu.vector_store %arg10[%swap3A_1074, %swap3A_1075], %mul3A_1073 {strides = array<i32>} : memref<80x144xf32, #tpu.memory_space<vmem>>, vector<16xf32>,
        %get3A_1077 = arith.index_cast %scan3A_1021 : i32 to index
        %get3A_1078 = arith.constant 80 : index
        %get3A_1079 = tpu.vector_load %arg9[%get3A_1077, %get3A_1078] {strides = array<i32>} : memref<80x128xf32, #tpu.memory_space<vmem>>, vector<16xf32>,
        %mul3A_1080 = arith.mulf %get3A_1079, %bitcast3A_1062 : vector<16xf32>
        %swap3A_1081 = arith.index_cast %scan3A_1021 : i32 to index
        %swap3A_1082 = arith.constant 80 : index
        %swap3A_1083 = tpu.vector_load %arg10[%swap3A_1081, %swap3A_1082] {strides = array<i32>} : memref<80x144xf32, #tpu.memory_space<vmem>>, vector<16xf32>,
        tpu.vector_store %arg10[%swap3A_1081, %swap3A_1082], %mul3A_1080 {strides = array<i32>} : memref<80x144xf32, #tpu.memory_space<vmem>>, vector<16xf32>,
        %get3A_1084 = arith.index_cast %scan3A_1021 : i32 to index
        %get3A_1085 = arith.constant 96 : index
        %get3A_1086 = tpu.vector_load %arg9[%get3A_1084, %get3A_1085] {strides = array<i32>} : memref<80x128xf32, #tpu.memory_space<vmem>>, vector<16xf32>,
        %mul3A_1087 = arith.mulf %get3A_1086, %bitcast3A_1062 : vector<16xf32>
        %swap3A_1088 = arith.index_cast %scan3A_1021 : i32 to index
        %swap3A_1089 = arith.constant 96 : index
        %swap3A_1090 = tpu.vector_load %arg10[%swap3A_1088, %swap3A_1089] {strides = array<i32>} : memref<80x144xf32, #tpu.memory_space<vmem>>, vector<16xf32>,
        tpu.vector_store %arg10[%swap3A_1088, %swap3A_1089], %mul3A_1087 {strides = array<i32>} : memref<80x144xf32, #tpu.memory_space<vmem>>, vector<16xf32>,
        %get3A_1091 = arith.index_cast %scan3A_1021 : i32 to index
        %get3A_1092 = arith.constant 112 : index
        %get3A_1093 = tpu.vector_load %arg9[%get3A_1091, %get3A_1092] {strides = array<i32>} : memref<80x128xf32, #tpu.memory_space<vmem>>, vector<16xf32>,
        %mul3A_1094 = arith.mulf %get3A_1093, %bitcast3A_1062 : vector<16xf32>
        %swap3A_1095 = arith.index_cast %scan3A_1021 : i32 to index
        %swap3A_1096 = arith.constant 112 : index
        %swap3A_1097 = tpu.vector_load %arg10[%swap3A_1095, %swap3A_1096] {strides = array<i32>} : memref<80x144xf32, #tpu.memory_space<vmem>>, vector<16xf32>,
        tpu.vector_store %arg10[%swap3A_1095, %swap3A_1096], %mul3A_1094 {strides = array<i32>} : memref<80x144xf32, #tpu.memory_space<vmem>>, vector<16xf32>,
        %swap3A_1098 = arith.index_cast %scan3A_1021 : i32 to index
        %swap3A_1099 = arith.constant 128 : index
        %swap3A_1100 = tpu.vector_load %arg10[%swap3A_1098, %swap3A_1099] {strides = array<i32>} : memref<80x144xf32, #tpu.memory_space<vmem>>, vector<16xf32>,
        tpu.vector_store %arg10[%swap3A_1098, %swap3A_1099], %add3A_1069 {strides = array<i32>} : memref<80x144xf32, #tpu.memory_space<vmem>>, vector<16xf32>,
      }
      %scan3A_1020 = arith.constant 80 : i32
      "tpu.region"() ({
        %run_scoped3A = tpu.sem_alloc : memref<!tpu.dma_semaphore, #tpu.memory_space<semaphore_mem>>
        %dma_start3A_1021 = arith.constant 0 : i32
        %dma_start3A_1022 = arith.constant 0 : i32
        %dma_start3A_1023 = tpu.memref_slice %arg6[%dma_start3A_1021, %dma_start3A_1022] : memref<10000x144xf32, #tpu.memory_space<vmem_shared>> -> memref<10000x144xf32, #tpu.memory_space<vmem_shared>>
        tpu.enqueue_indirect_dma source(%arg10 : memref<80x144xf32, #tpu.memory_space<vmem>>) target(%dma_start3A_1023 : memref<10000x144xf32, #tpu.memory_space<vmem_shared>>) offsets(%arg8 : memref<80xi32, #tpu.memory_space<vmem>>) semaphore(%run_scoped3A : memref<!tpu.dma_semaphore, #tpu.memory_space<semaphore_mem>>) {add = true}
        %dma_wait3A_1024 = arith.constant 0 : i32
        %dma_wait3A_1025 = arith.constant 0 : i32
        %dma_wait3A_1026 = tpu.memref_slice %arg6[%dma_wait3A_1024, %dma_wait3A_1025] : memref<10000x144xf32, #tpu.memory_space<vmem_shared>> -> memref<10000x144xf32, #tpu.memory_space<vmem_shared>>
        tpu.wait_indirect_dma semaphore(%run_scoped3A : memref<!tpu.dma_semaphore, #tpu.memory_space<semaphore_mem>>) src(%arg10 : memref<80x144xf32, #tpu.memory_space<vmem>>) dst(%dma_wait3A_1026 : memref<10000x144xf32, #tpu.memory_space<vmem_shared>>)
        tpu.yield
      }) : () -> ()
    }
    %scan3A_1001 = arith.constant 250 : i32
    %barrier3A_1002 = arith.constant 0 : index
    tpu.barrier barrier_id(%barrier3A_1002)
    %mul3A_1003 = arith.constant 625 : i32
    %mul3A_1004 = arith.muli %arg1, %mul3A_1003 : i32
    %mul3A_1005 = arith.constant 625 : i32
    %mul3A_1006 = arith.muli %arg1, %mul3A_1005 : i32
    "tpu.region"() ({
      %run_scoped3A = tpu.sem_alloc : memref<!tpu.dma_semaphore, #tpu.memory_space<semaphore_mem>>
      %dma_start3A = arith.constant 0 : i32
      %dma_start3A_1007 = tpu.memref_slice %arg5[%arg0, %mul3A_1006, %dma_start3A] : memref<2x10000x144xf32, #tpu.memory_space<hbm>> -> memref<1x625x144xf32, #tpu.memory_space<hbm>>
      %dma_start3A_1008 = tpu.memref_squeeze %dma_start3A_1007 : memref<1x625x144xf32, #tpu.memory_space<hbm>> -> memref<625x144xf32, #tpu.memory_space<hbm>>
      %dma_start3A_1009 = arith.constant 0 : i32
      %dma_start3A_1010 = tpu.memref_slice %arg6[%mul3A_1004, %dma_start3A_1009] : memref<10000x144xf32, #tpu.memory_space<vmem_shared>> -> memref<625x144xf32, #tpu.memory_space<vmem_shared>>
      tpu.enqueue_dma source(%dma_start3A_1010 : memref<625x144xf32, #tpu.memory_space<vmem_shared>>) target(%dma_start3A_1008 : memref<625x144xf32, #tpu.memory_space<hbm>>) target_semaphore(%run_scoped3A : memref<!tpu.dma_semaphore, #tpu.memory_space<semaphore_mem>>)
      %dma_wait3A = arith.constant 0 : i32
      %dma_wait3A_1011 = tpu.memref_slice %arg5[%arg0, %mul3A_1006, %dma_wait3A] : memref<2x10000x144xf32, #tpu.memory_space<hbm>> -> memref<1x625x144xf32, #tpu.memory_space<hbm>>
      %dma_wait3A_1012 = tpu.memref_squeeze %dma_wait3A_1011 : memref<1x625x144xf32, #tpu.memory_space<hbm>> -> memref<625x144xf32, #tpu.memory_space<hbm>>
      %dma_wait3A_1013 = arith.constant 0 : i32
      %dma_wait3A_1014 = tpu.memref_slice %arg6[%mul3A_1004, %dma_wait3A_1013] : memref<10000x144xf32, #tpu.memory_space<vmem_shared>> -> memref<625x144xf32, #tpu.memory_space<vmem_shared>>
      tpu.wait_dma2 semaphore(%run_scoped3A : memref<!tpu.dma_semaphore, #tpu.memory_space<semaphore_mem>>) src(%dma_wait3A_1014 : memref<625x144xf32, #tpu.memory_space<vmem_shared>>) dst(%dma_wait3A_1012 : memref<625x144xf32, #tpu.memory_space<hbm>>)
      tpu.yield
    }) : () -> ()
    return
  }
}

#map = affine_map<(d0, d1) -> (0, 0, 0)>
#map1 = affine_map<(d0, d1) -> (0, 0)>
module attributes {stable_mosaic.version = 14 : i64} {
  func.func @body(%arg0: i32, %arg1: i32, %arg2: memref<2x16x20000xi32, #tpu.memory_space<hbm>>, %arg3: memref<2x16x20000xi32, #tpu.memory_space<hbm>>, %arg4: memref<2x20000xf32, #tpu.memory_space<hbm>>, %arg5: memref<2x20000xf32, #tpu.memory_space<hbm>>, %arg6: memref<2x16x40000xf32, #tpu.memory_space<hbm>>, %arg7: memref<20000xi32, #tpu.memory_space<vmem>>, %arg8: memref<20000xi32, #tpu.memory_space<vmem>>, %arg9: memref<20000xf32, #tpu.memory_space<vmem>>, %arg10: memref<20000xf32, #tpu.memory_space<vmem>>, %arg11: memref<40000xf32, #tpu.memory_space<vmem>>) attributes {dimension_semantics = [#tpu.dimension_semantics<core_parallel>, #tpu.dimension_semantics<subcore_parallel>], iteration_bounds = array<i64: 2, 16>, scalar_prefetch = 0 : i64, scratch_operands = 5 : i64, tpu.core_type = #tpu.core_type<sc_vector_subcore>, window_params = [{transform_indices = #map}, {transform_indices = #map}, {transform_indices = #map1}, {transform_indices = #map1}, {transform_indices = #map}]} {
    "tpu.region"() ({
      %run_scoped3A = tpu.sem_alloc : memref<!tpu.dma_semaphore, #tpu.memory_space<semaphore_mem>>
      %dma_start3A = arith.constant 0 : i32
      %dma_start3A_4 = tpu.memref_slice %arg2[%arg0, %arg1, %dma_start3A] : memref<2x16x20000xi32, #tpu.memory_space<hbm>> -> memref<1x1x20000xi32, #tpu.memory_space<hbm>>
      %dma_start3A_5 = tpu.memref_squeeze %dma_start3A_4 : memref<1x1x20000xi32, #tpu.memory_space<hbm>> -> memref<20000xi32, #tpu.memory_space<hbm>>
      %dma_start3A_6 = arith.constant 0 : i32
      %dma_start3A_7 = tpu.memref_slice %arg2[%arg0, %arg1, %dma_start3A_6] : memref<2x16x20000xi32, #tpu.memory_space<hbm>> -> memref<1x1x20000xi32, #tpu.memory_space<hbm>>
      %dma_start3A_8 = tpu.memref_squeeze %dma_start3A_7 : memref<1x1x20000xi32, #tpu.memory_space<hbm>> -> memref<20000xi32, #tpu.memory_space<hbm>>
      tpu.enqueue_dma source(%dma_start3A_8 : memref<20000xi32, #tpu.memory_space<hbm>>) target(%arg7 : memref<20000xi32, #tpu.memory_space<vmem>>) target_semaphore(%run_scoped3A : memref<!tpu.dma_semaphore, #tpu.memory_space<semaphore_mem>>)
      %dma_wait3A = arith.constant 0 : i32
      %dma_wait3A_9 = tpu.memref_slice %arg2[%arg0, %arg1, %dma_wait3A] : memref<2x16x20000xi32, #tpu.memory_space<hbm>> -> memref<1x1x20000xi32, #tpu.memory_space<hbm>>
      %dma_wait3A_10 = tpu.memref_squeeze %dma_wait3A_9 : memref<1x1x20000xi32, #tpu.memory_space<hbm>> -> memref<20000xi32, #tpu.memory_space<hbm>>
      %dma_wait3A_11 = arith.constant 0 : i32
      %dma_wait3A_12 = tpu.memref_slice %arg2[%arg0, %arg1, %dma_wait3A_11] : memref<2x16x20000xi32, #tpu.memory_space<hbm>> -> memref<1x1x20000xi32, #tpu.memory_space<hbm>>
      %dma_wait3A_13 = tpu.memref_squeeze %dma_wait3A_12 : memref<1x1x20000xi32, #tpu.memory_space<hbm>> -> memref<20000xi32, #tpu.memory_space<hbm>>
      tpu.wait_dma2 semaphore(%run_scoped3A : memref<!tpu.dma_semaphore, #tpu.memory_space<semaphore_mem>>) src(%dma_wait3A_13 : memref<20000xi32, #tpu.memory_space<hbm>>) dst(%arg7 : memref<20000xi32, #tpu.memory_space<vmem>>)
      tpu.yield
    }) : () -> ()
    "tpu.region"() ({
      %run_scoped3A = tpu.sem_alloc : memref<!tpu.dma_semaphore, #tpu.memory_space<semaphore_mem>>
      %dma_start3A = arith.constant 0 : i32
      %dma_start3A_4 = tpu.memref_slice %arg3[%arg0, %arg1, %dma_start3A] : memref<2x16x20000xi32, #tpu.memory_space<hbm>> -> memref<1x1x20000xi32, #tpu.memory_space<hbm>>
      %dma_start3A_5 = tpu.memref_squeeze %dma_start3A_4 : memref<1x1x20000xi32, #tpu.memory_space<hbm>> -> memref<20000xi32, #tpu.memory_space<hbm>>
      %dma_start3A_6 = arith.constant 0 : i32
      %dma_start3A_7 = tpu.memref_slice %arg3[%arg0, %arg1, %dma_start3A_6] : memref<2x16x20000xi32, #tpu.memory_space<hbm>> -> memref<1x1x20000xi32, #tpu.memory_space<hbm>>
      %dma_start3A_8 = tpu.memref_squeeze %dma_start3A_7 : memref<1x1x20000xi32, #tpu.memory_space<hbm>> -> memref<20000xi32, #tpu.memory_space<hbm>>
      tpu.enqueue_dma source(%dma_start3A_8 : memref<20000xi32, #tpu.memory_space<hbm>>) target(%arg8 : memref<20000xi32, #tpu.memory_space<vmem>>) target_semaphore(%run_scoped3A : memref<!tpu.dma_semaphore, #tpu.memory_space<semaphore_mem>>)
      %dma_wait3A = arith.constant 0 : i32
      %dma_wait3A_9 = tpu.memref_slice %arg3[%arg0, %arg1, %dma_wait3A] : memref<2x16x20000xi32, #tpu.memory_space<hbm>> -> memref<1x1x20000xi32, #tpu.memory_space<hbm>>
      %dma_wait3A_10 = tpu.memref_squeeze %dma_wait3A_9 : memref<1x1x20000xi32, #tpu.memory_space<hbm>> -> memref<20000xi32, #tpu.memory_space<hbm>>
      %dma_wait3A_11 = arith.constant 0 : i32
      %dma_wait3A_12 = tpu.memref_slice %arg3[%arg0, %arg1, %dma_wait3A_11] : memref<2x16x20000xi32, #tpu.memory_space<hbm>> -> memref<1x1x20000xi32, #tpu.memory_space<hbm>>
      %dma_wait3A_13 = tpu.memref_squeeze %dma_wait3A_12 : memref<1x1x20000xi32, #tpu.memory_space<hbm>> -> memref<20000xi32, #tpu.memory_space<hbm>>
      tpu.wait_dma2 semaphore(%run_scoped3A : memref<!tpu.dma_semaphore, #tpu.memory_space<semaphore_mem>>) src(%dma_wait3A_13 : memref<20000xi32, #tpu.memory_space<hbm>>) dst(%arg8 : memref<20000xi32, #tpu.memory_space<vmem>>)
      tpu.yield
    }) : () -> ()
    "tpu.region"() ({
      %run_scoped3A = tpu.sem_alloc : memref<!tpu.dma_semaphore, #tpu.memory_space<semaphore_mem>>
      %dma_start3A = arith.constant 0 : i32
      %dma_start3A_4 = tpu.memref_slice %arg4[%arg0, %dma_start3A] : memref<2x20000xf32, #tpu.memory_space<hbm>> -> memref<1x20000xf32, #tpu.memory_space<hbm>>
      %dma_start3A_5 = tpu.memref_squeeze %dma_start3A_4 : memref<1x20000xf32, #tpu.memory_space<hbm>> -> memref<20000xf32, #tpu.memory_space<hbm>>
      %dma_start3A_6 = arith.constant 0 : i32
      %dma_start3A_7 = tpu.memref_slice %arg4[%arg0, %dma_start3A_6] : memref<2x20000xf32, #tpu.memory_space<hbm>> -> memref<1x20000xf32, #tpu.memory_space<hbm>>
      %dma_start3A_8 = tpu.memref_squeeze %dma_start3A_7 : memref<1x20000xf32, #tpu.memory_space<hbm>> -> memref<20000xf32, #tpu.memory_space<hbm>>
      tpu.enqueue_dma source(%dma_start3A_8 : memref<20000xf32, #tpu.memory_space<hbm>>) target(%arg9 : memref<20000xf32, #tpu.memory_space<vmem>>) target_semaphore(%run_scoped3A : memref<!tpu.dma_semaphore, #tpu.memory_space<semaphore_mem>>)
      %dma_wait3A = arith.constant 0 : i32
      %dma_wait3A_9 = tpu.memref_slice %arg4[%arg0, %dma_wait3A] : memref<2x20000xf32, #tpu.memory_space<hbm>> -> memref<1x20000xf32, #tpu.memory_space<hbm>>
      %dma_wait3A_10 = tpu.memref_squeeze %dma_wait3A_9 : memref<1x20000xf32, #tpu.memory_space<hbm>> -> memref<20000xf32, #tpu.memory_space<hbm>>
      %dma_wait3A_11 = arith.constant 0 : i32
      %dma_wait3A_12 = tpu.memref_slice %arg4[%arg0, %dma_wait3A_11] : memref<2x20000xf32, #tpu.memory_space<hbm>> -> memref<1x20000xf32, #tpu.memory_space<hbm>>
      %dma_wait3A_13 = tpu.memref_squeeze %dma_wait3A_12 : memref<1x20000xf32, #tpu.memory_space<hbm>> -> memref<20000xf32, #tpu.memory_space<hbm>>
      tpu.wait_dma2 semaphore(%run_scoped3A : memref<!tpu.dma_semaphore, #tpu.memory_space<semaphore_mem>>) src(%dma_wait3A_13 : memref<20000xf32, #tpu.memory_space<hbm>>) dst(%arg9 : memref<20000xf32, #tpu.memory_space<vmem>>)
      tpu.yield
    }) : () -> ()
    "tpu.region"() ({
      %run_scoped3A = tpu.sem_alloc : memref<!tpu.dma_semaphore, #tpu.memory_space<semaphore_mem>>
      %dma_start3A = arith.constant 0 : i32
      %dma_start3A_4 = tpu.memref_slice %arg5[%arg0, %dma_start3A] : memref<2x20000xf32, #tpu.memory_space<hbm>> -> memref<1x20000xf32, #tpu.memory_space<hbm>>
      %dma_start3A_5 = tpu.memref_squeeze %dma_start3A_4 : memref<1x20000xf32, #tpu.memory_space<hbm>> -> memref<20000xf32, #tpu.memory_space<hbm>>
      %dma_start3A_6 = arith.constant 0 : i32
      %dma_start3A_7 = tpu.memref_slice %arg5[%arg0, %dma_start3A_6] : memref<2x20000xf32, #tpu.memory_space<hbm>> -> memref<1x20000xf32, #tpu.memory_space<hbm>>
      %dma_start3A_8 = tpu.memref_squeeze %dma_start3A_7 : memref<1x20000xf32, #tpu.memory_space<hbm>> -> memref<20000xf32, #tpu.memory_space<hbm>>
      tpu.enqueue_dma source(%dma_start3A_8 : memref<20000xf32, #tpu.memory_space<hbm>>) target(%arg10 : memref<20000xf32, #tpu.memory_space<vmem>>) target_semaphore(%run_scoped3A : memref<!tpu.dma_semaphore, #tpu.memory_space<semaphore_mem>>)
      %dma_wait3A = arith.constant 0 : i32
      %dma_wait3A_9 = tpu.memref_slice %arg5[%arg0, %dma_wait3A] : memref<2x20000xf32, #tpu.memory_space<hbm>> -> memref<1x20000xf32, #tpu.memory_space<hbm>>
      %dma_wait3A_10 = tpu.memref_squeeze %dma_wait3A_9 : memref<1x20000xf32, #tpu.memory_space<hbm>> -> memref<20000xf32, #tpu.memory_space<hbm>>
      %dma_wait3A_11 = arith.constant 0 : i32
      %dma_wait3A_12 = tpu.memref_slice %arg5[%arg0, %dma_wait3A_11] : memref<2x20000xf32, #tpu.memory_space<hbm>> -> memref<1x20000xf32, #tpu.memory_space<hbm>>
      %dma_wait3A_13 = tpu.memref_squeeze %dma_wait3A_12 : memref<1x20000xf32, #tpu.memory_space<hbm>> -> memref<20000xf32, #tpu.memory_space<hbm>>
      tpu.wait_dma2 semaphore(%run_scoped3A : memref<!tpu.dma_semaphore, #tpu.memory_space<semaphore_mem>>) src(%dma_wait3A_13 : memref<20000xf32, #tpu.memory_space<hbm>>) dst(%arg10 : memref<20000xf32, #tpu.memory_space<vmem>>)
      tpu.yield
    }) : () -> ()
    %scan3A = arith.constant 0 : i32
    %scan3A_0 = arith.constant 250 : i32
    %scan3A_1 = arith.addi %scan3A, %scan3A_0 : i32
    %scan3A_2 = arith.constant 1 : i32
    scf.for %scan3A_4 = %scan3A to %scan3A_1 step %scan3A_2  : i32 {
      %mul3A = arith.constant 80 : i32
      %mul3A_5 = arith.muli %scan3A_4, %mul3A : i32
      %add3A = arith.constant 0 : i32
      %add3A_6 = arith.addi %mul3A_5, %add3A : i32
      %get3A = arith.index_cast %add3A_6 : i32 to index
      %get3A_7 = tpu.vector_load %arg7[%get3A] {strides = array<i32>} : memref<20000xi32, #tpu.memory_space<vmem>>, vector<16xi32>,
      %add3A_8 = arith.constant 0 : i32
      %add3A_9 = arith.addi %mul3A_5, %add3A_8 : i32
      %get3A_10 = arith.index_cast %add3A_9 : i32 to index
      %get3A_11 = tpu.vector_load %arg8[%get3A_10] {strides = array<i32>} : memref<20000xi32, #tpu.memory_space<vmem>>, vector<16xi32>,
      %broadcast_in_dim3A = arith.constant 0 : i32
      %broadcast_in_dim3A_12 = vector.broadcast %broadcast_in_dim3A : i32 to vector<16xi32>
      %mul3A_13 = arith.constant 2 : i32
      %mul3A_14 = vector.broadcast %mul3A_13 : i32 to vector<16xi32>
      %mul3A_15 = arith.muli %get3A_7, %mul3A_14 : vector<16xi32>
      %add3A_16 = arith.addi %mul3A_15, %broadcast_in_dim3A_12 : vector<16xi32>
      %gather3A = tpu.vector_load_idx %arg9[%add3A_16] : memref<20000xf32, #tpu.memory_space<vmem>>[vector<16xi32>], vector<16xf32>,
      %mul3A_17 = arith.constant 2 : i32
      %mul3A_18 = vector.broadcast %mul3A_17 : i32 to vector<16xi32>
      %mul3A_19 = arith.muli %get3A_11, %mul3A_18 : vector<16xi32>
      %add3A_20 = arith.addi %mul3A_19, %broadcast_in_dim3A_12 : vector<16xi32>
      %gather3A_21 = tpu.vector_load_idx %arg10[%add3A_20] : memref<20000xf32, #tpu.memory_space<vmem>>[vector<16xi32>], vector<16xf32>,
      %add3A_22 = arith.addf %gather3A, %gather3A_21 : vector<16xf32>
      %mul3A_23 = arith.constant 2.000000e-01 : f32
      %mul3A_24 = vector.broadcast %mul3A_23 : f32 to vector<16xf32>
      %mul3A_25 = arith.mulf %mul3A_24, %add3A_22 : vector<16xf32>
      %max3A = arith.maximumf %add3A_22, %mul3A_25 : vector<16xf32>
      %exp3A = math.exp %max3A : vector<16xf32>
      %mul3A_26 = arith.constant 2 : i32
      %mul3A_27 = arith.muli %mul3A_5, %mul3A_26 : i32
      %add3A_28 = arith.constant 0 : i32
      %add3A_29 = arith.addi %mul3A_27, %add3A_28 : i32
      %add3A_30 = arith.constant 0 : i32
      %add3A_31 = arith.addi %add3A_29, %add3A_30 : i32
      %swap3A = arith.index_cast %add3A_31 : i32 to index
      %swap3A_32 = tpu.vector_load %arg11[%swap3A] {strides = array<i32>} : memref<40000xf32, #tpu.memory_space<vmem>>, vector<16xf32>,
      tpu.vector_store %arg11[%swap3A], %exp3A {strides = array<i32>} : memref<40000xf32, #tpu.memory_space<vmem>>, vector<16xf32>,
      %broadcast_in_dim3A_33 = arith.constant 1 : i32
      %broadcast_in_dim3A_34 = vector.broadcast %broadcast_in_dim3A_33 : i32 to vector<16xi32>
      %mul3A_35 = arith.constant 2 : i32
      %mul3A_36 = vector.broadcast %mul3A_35 : i32 to vector<16xi32>
      %mul3A_37 = arith.muli %get3A_7, %mul3A_36 : vector<16xi32>
      %add3A_38 = arith.addi %mul3A_37, %broadcast_in_dim3A_34 : vector<16xi32>
      %gather3A_39 = tpu.vector_load_idx %arg9[%add3A_38] : memref<20000xf32, #tpu.memory_space<vmem>>[vector<16xi32>], vector<16xf32>,
      %mul3A_40 = arith.constant 2 : i32
      %mul3A_41 = vector.broadcast %mul3A_40 : i32 to vector<16xi32>
      %mul3A_42 = arith.muli %get3A_11, %mul3A_41 : vector<16xi32>
      %add3A_43 = arith.addi %mul3A_42, %broadcast_in_dim3A_34 : vector<16xi32>
      %gather3A_44 = tpu.vector_load_idx %arg10[%add3A_43] : memref<20000xf32, #tpu.memory_space<vmem>>[vector<16xi32>], vector<16xf32>,
      %add3A_45 = arith.addf %gather3A_39, %gather3A_44 : vector<16xf32>
      %mul3A_46 = arith.constant 2.000000e-01 : f32
      %mul3A_47 = vector.broadcast %mul3A_46 : f32 to vector<16xf32>
      %mul3A_48 = arith.mulf %mul3A_47, %add3A_45 : vector<16xf32>
      %max3A_49 = arith.maximumf %add3A_45, %mul3A_48 : vector<16xf32>
      %exp3A_50 = math.exp %max3A_49 : vector<16xf32>
      %mul3A_51 = arith.constant 2 : i32
      %mul3A_52 = arith.muli %mul3A_5, %mul3A_51 : i32
      %add3A_53 = arith.constant 80 : i32
      %add3A_54 = arith.addi %mul3A_52, %add3A_53 : i32
      %add3A_55 = arith.constant 0 : i32
      %add3A_56 = arith.addi %add3A_54, %add3A_55 : i32
      %swap3A_57 = arith.index_cast %add3A_56 : i32 to index
      %swap3A_58 = tpu.vector_load %arg11[%swap3A_57] {strides = array<i32>} : memref<40000xf32, #tpu.memory_space<vmem>>, vector<16xf32>,
      tpu.vector_store %arg11[%swap3A_57], %exp3A_50 {strides = array<i32>} : memref<40000xf32, #tpu.memory_space<vmem>>, vector<16xf32>,
      %add3A_59 = arith.constant 16 : i32
      %add3A_60 = arith.addi %mul3A_5, %add3A_59 : i32
      %get3A_61 = arith.index_cast %add3A_60 : i32 to index
      %get3A_62 = tpu.vector_load %arg7[%get3A_61] {strides = array<i32>} : memref<20000xi32, #tpu.memory_space<vmem>>, vector<16xi32>,
      %add3A_63 = arith.constant 16 : i32
      %add3A_64 = arith.addi %mul3A_5, %add3A_63 : i32
      %get3A_65 = arith.index_cast %add3A_64 : i32 to index
      %get3A_66 = tpu.vector_load %arg8[%get3A_65] {strides = array<i32>} : memref<20000xi32, #tpu.memory_space<vmem>>, vector<16xi32>,
      %broadcast_in_dim3A_67 = arith.constant 0 : i32
      %broadcast_in_dim3A_68 = vector.broadcast %broadcast_in_dim3A_67 : i32 to vector<16xi32>
      %mul3A_69 = arith.constant 2 : i32
      %mul3A_70 = vector.broadcast %mul3A_69 : i32 to vector<16xi32>
      %mul3A_71 = arith.muli %get3A_62, %mul3A_70 : vector<16xi32>
      %add3A_72 = arith.addi %mul3A_71, %broadcast_in_dim3A_68 : vector<16xi32>
      %gather3A_73 = tpu.vector_load_idx %arg9[%add3A_72] : memref<20000xf32, #tpu.memory_space<vmem>>[vector<16xi32>], vector<16xf32>,
      %mul3A_74 = arith.constant 2 : i32
      %mul3A_75 = vector.broadcast %mul3A_74 : i32 to vector<16xi32>
      %mul3A_76 = arith.muli %get3A_66, %mul3A_75 : vector<16xi32>
      %add3A_77 = arith.addi %mul3A_76, %broadcast_in_dim3A_68 : vector<16xi32>
      %gather3A_78 = tpu.vector_load_idx %arg10[%add3A_77] : memref<20000xf32, #tpu.memory_space<vmem>>[vector<16xi32>], vector<16xf32>,
      %add3A_79 = arith.addf %gather3A_73, %gather3A_78 : vector<16xf32>
      %mul3A_80 = arith.constant 2.000000e-01 : f32
      %mul3A_81 = vector.broadcast %mul3A_80 : f32 to vector<16xf32>
      %mul3A_82 = arith.mulf %mul3A_81, %add3A_79 : vector<16xf32>
      %max3A_83 = arith.maximumf %add3A_79, %mul3A_82 : vector<16xf32>
      %exp3A_84 = math.exp %max3A_83 : vector<16xf32>
      %mul3A_85 = arith.constant 2 : i32
      %mul3A_86 = arith.muli %mul3A_5, %mul3A_85 : i32
      %add3A_87 = arith.constant 0 : i32
      %add3A_88 = arith.addi %mul3A_86, %add3A_87 : i32
      %add3A_89 = arith.constant 16 : i32
      %add3A_90 = arith.addi %add3A_88, %add3A_89 : i32
      %swap3A_91 = arith.index_cast %add3A_90 : i32 to index
      %swap3A_92 = tpu.vector_load %arg11[%swap3A_91] {strides = array<i32>} : memref<40000xf32, #tpu.memory_space<vmem>>, vector<16xf32>,
      tpu.vector_store %arg11[%swap3A_91], %exp3A_84 {strides = array<i32>} : memref<40000xf32, #tpu.memory_space<vmem>>, vector<16xf32>,
      %broadcast_in_dim3A_93 = arith.constant 1 : i32
      %broadcast_in_dim3A_94 = vector.broadcast %broadcast_in_dim3A_93 : i32 to vector<16xi32>
      %mul3A_95 = arith.constant 2 : i32
      %mul3A_96 = vector.broadcast %mul3A_95 : i32 to vector<16xi32>
      %mul3A_97 = arith.muli %get3A_62, %mul3A_96 : vector<16xi32>
      %add3A_98 = arith.addi %mul3A_97, %broadcast_in_dim3A_94 : vector<16xi32>
      %gather3A_99 = tpu.vector_load_idx %arg9[%add3A_98] : memref<20000xf32, #tpu.memory_space<vmem>>[vector<16xi32>], vector<16xf32>,
      %mul3A_100 = arith.constant 2 : i32
      %mul3A_101 = vector.broadcast %mul3A_100 : i32 to vector<16xi32>
      %mul3A_102 = arith.muli %get3A_66, %mul3A_101 : vector<16xi32>
      %add3A_103 = arith.addi %mul3A_102, %broadcast_in_dim3A_94 : vector<16xi32>
      %gather3A_104 = tpu.vector_load_idx %arg10[%add3A_103] : memref<20000xf32, #tpu.memory_space<vmem>>[vector<16xi32>], vector<16xf32>,
      %add3A_105 = arith.addf %gather3A_99, %gather3A_104 : vector<16xf32>
      %mul3A_106 = arith.constant 2.000000e-01 : f32
      %mul3A_107 = vector.broadcast %mul3A_106 : f32 to vector<16xf32>
      %mul3A_108 = arith.mulf %mul3A_107, %add3A_105 : vector<16xf32>
      %max3A_109 = arith.maximumf %add3A_105, %mul3A_108 : vector<16xf32>
      %exp3A_110 = math.exp %max3A_109 : vector<16xf32>
      %mul3A_111 = arith.constant 2 : i32
      %mul3A_112 = arith.muli %mul3A_5, %mul3A_111 : i32
      %add3A_113 = arith.constant 80 : i32
      %add3A_114 = arith.addi %mul3A_112, %add3A_113 : i32
      %add3A_115 = arith.constant 16 : i32
      %add3A_116 = arith.addi %add3A_114, %add3A_115 : i32
      %swap3A_117 = arith.index_cast %add3A_116 : i32 to index
      %swap3A_118 = tpu.vector_load %arg11[%swap3A_117] {strides = array<i32>} : memref<40000xf32, #tpu.memory_space<vmem>>, vector<16xf32>,
      tpu.vector_store %arg11[%swap3A_117], %exp3A_110 {strides = array<i32>} : memref<40000xf32, #tpu.memory_space<vmem>>, vector<16xf32>,
      %add3A_119 = arith.constant 32 : i32
      %add3A_120 = arith.addi %mul3A_5, %add3A_119 : i32
      %get3A_121 = arith.index_cast %add3A_120 : i32 to index
      %get3A_122 = tpu.vector_load %arg7[%get3A_121] {strides = array<i32>} : memref<20000xi32, #tpu.memory_space<vmem>>, vector<16xi32>,
      %add3A_123 = arith.constant 32 : i32
      %add3A_124 = arith.addi %mul3A_5, %add3A_123 : i32
      %get3A_125 = arith.index_cast %add3A_124 : i32 to index
      %get3A_126 = tpu.vector_load %arg8[%get3A_125] {strides = array<i32>} : memref<20000xi32, #tpu.memory_space<vmem>>, vector<16xi32>,
      %broadcast_in_dim3A_127 = arith.constant 0 : i32
      %broadcast_in_dim3A_128 = vector.broadcast %broadcast_in_dim3A_127 : i32 to vector<16xi32>
      %mul3A_129 = arith.constant 2 : i32
      %mul3A_130 = vector.broadcast %mul3A_129 : i32 to vector<16xi32>
      %mul3A_131 = arith.muli %get3A_122, %mul3A_130 : vector<16xi32>
      %add3A_132 = arith.addi %mul3A_131, %broadcast_in_dim3A_128 : vector<16xi32>
      %gather3A_133 = tpu.vector_load_idx %arg9[%add3A_132] : memref<20000xf32, #tpu.memory_space<vmem>>[vector<16xi32>], vector<16xf32>,
      %mul3A_134 = arith.constant 2 : i32
      %mul3A_135 = vector.broadcast %mul3A_134 : i32 to vector<16xi32>
      %mul3A_136 = arith.muli %get3A_126, %mul3A_135 : vector<16xi32>
      %add3A_137 = arith.addi %mul3A_136, %broadcast_in_dim3A_128 : vector<16xi32>
      %gather3A_138 = tpu.vector_load_idx %arg10[%add3A_137] : memref<20000xf32, #tpu.memory_space<vmem>>[vector<16xi32>], vector<16xf32>,
      %add3A_139 = arith.addf %gather3A_133, %gather3A_138 : vector<16xf32>
      %mul3A_140 = arith.constant 2.000000e-01 : f32
      %mul3A_141 = vector.broadcast %mul3A_140 : f32 to vector<16xf32>
      %mul3A_142 = arith.mulf %mul3A_141, %add3A_139 : vector<16xf32>
      %max3A_143 = arith.maximumf %add3A_139, %mul3A_142 : vector<16xf32>
      %exp3A_144 = math.exp %max3A_143 : vector<16xf32>
      %mul3A_145 = arith.constant 2 : i32
      %mul3A_146 = arith.muli %mul3A_5, %mul3A_145 : i32
      %add3A_147 = arith.constant 0 : i32
      %add3A_148 = arith.addi %mul3A_146, %add3A_147 : i32
      %add3A_149 = arith.constant 32 : i32
      %add3A_150 = arith.addi %add3A_148, %add3A_149 : i32
      %swap3A_151 = arith.index_cast %add3A_150 : i32 to index
      %swap3A_152 = tpu.vector_load %arg11[%swap3A_151] {strides = array<i32>} : memref<40000xf32, #tpu.memory_space<vmem>>, vector<16xf32>,
      tpu.vector_store %arg11[%swap3A_151], %exp3A_144 {strides = array<i32>} : memref<40000xf32, #tpu.memory_space<vmem>>, vector<16xf32>,
      %broadcast_in_dim3A_153 = arith.constant 1 : i32
      %broadcast_in_dim3A_154 = vector.broadcast %broadcast_in_dim3A_153 : i32 to vector<16xi32>
      %mul3A_155 = arith.constant 2 : i32
      %mul3A_156 = vector.broadcast %mul3A_155 : i32 to vector<16xi32>
      %mul3A_157 = arith.muli %get3A_122, %mul3A_156 : vector<16xi32>
      %add3A_158 = arith.addi %mul3A_157, %broadcast_in_dim3A_154 : vector<16xi32>
      %gather3A_159 = tpu.vector_load_idx %arg9[%add3A_158] : memref<20000xf32, #tpu.memory_space<vmem>>[vector<16xi32>], vector<16xf32>,
      %mul3A_160 = arith.constant 2 : i32
      %mul3A_161 = vector.broadcast %mul3A_160 : i32 to vector<16xi32>
      %mul3A_162 = arith.muli %get3A_126, %mul3A_161 : vector<16xi32>
      %add3A_163 = arith.addi %mul3A_162, %broadcast_in_dim3A_154 : vector<16xi32>
      %gather3A_164 = tpu.vector_load_idx %arg10[%add3A_163] : memref<20000xf32, #tpu.memory_space<vmem>>[vector<16xi32>], vector<16xf32>,
      %add3A_165 = arith.addf %gather3A_159, %gather3A_164 : vector<16xf32>
      %mul3A_166 = arith.constant 2.000000e-01 : f32
      %mul3A_167 = vector.broadcast %mul3A_166 : f32 to vector<16xf32>
      %mul3A_168 = arith.mulf %mul3A_167, %add3A_165 : vector<16xf32>
      %max3A_169 = arith.maximumf %add3A_165, %mul3A_168 : vector<16xf32>
      %exp3A_170 = math.exp %max3A_169 : vector<16xf32>
      %mul3A_171 = arith.constant 2 : i32
      %mul3A_172 = arith.muli %mul3A_5, %mul3A_171 : i32
      %add3A_173 = arith.constant 80 : i32
      %add3A_174 = arith.addi %mul3A_172, %add3A_173 : i32
      %add3A_175 = arith.constant 32 : i32
      %add3A_176 = arith.addi %add3A_174, %add3A_175 : i32
      %swap3A_177 = arith.index_cast %add3A_176 : i32 to index
      %swap3A_178 = tpu.vector_load %arg11[%swap3A_177] {strides = array<i32>} : memref<40000xf32, #tpu.memory_space<vmem>>, vector<16xf32>,
      tpu.vector_store %arg11[%swap3A_177], %exp3A_170 {strides = array<i32>} : memref<40000xf32, #tpu.memory_space<vmem>>, vector<16xf32>,
      %add3A_179 = arith.constant 48 : i32
      %add3A_180 = arith.addi %mul3A_5, %add3A_179 : i32
      %get3A_181 = arith.index_cast %add3A_180 : i32 to index
      %get3A_182 = tpu.vector_load %arg7[%get3A_181] {strides = array<i32>} : memref<20000xi32, #tpu.memory_space<vmem>>, vector<16xi32>,
      %add3A_183 = arith.constant 48 : i32
      %add3A_184 = arith.addi %mul3A_5, %add3A_183 : i32
      %get3A_185 = arith.index_cast %add3A_184 : i32 to index
      %get3A_186 = tpu.vector_load %arg8[%get3A_185] {strides = array<i32>} : memref<20000xi32, #tpu.memory_space<vmem>>, vector<16xi32>,
      %broadcast_in_dim3A_187 = arith.constant 0 : i32
      %broadcast_in_dim3A_188 = vector.broadcast %broadcast_in_dim3A_187 : i32 to vector<16xi32>
      %mul3A_189 = arith.constant 2 : i32
      %mul3A_190 = vector.broadcast %mul3A_189 : i32 to vector<16xi32>
      %mul3A_191 = arith.muli %get3A_182, %mul3A_190 : vector<16xi32>
      %add3A_192 = arith.addi %mul3A_191, %broadcast_in_dim3A_188 : vector<16xi32>
      %gather3A_193 = tpu.vector_load_idx %arg9[%add3A_192] : memref<20000xf32, #tpu.memory_space<vmem>>[vector<16xi32>], vector<16xf32>,
      %mul3A_194 = arith.constant 2 : i32
      %mul3A_195 = vector.broadcast %mul3A_194 : i32 to vector<16xi32>
      %mul3A_196 = arith.muli %get3A_186, %mul3A_195 : vector<16xi32>
      %add3A_197 = arith.addi %mul3A_196, %broadcast_in_dim3A_188 : vector<16xi32>
      %gather3A_198 = tpu.vector_load_idx %arg10[%add3A_197] : memref<20000xf32, #tpu.memory_space<vmem>>[vector<16xi32>], vector<16xf32>,
      %add3A_199 = arith.addf %gather3A_193, %gather3A_198 : vector<16xf32>
      %mul3A_200 = arith.constant 2.000000e-01 : f32
      %mul3A_201 = vector.broadcast %mul3A_200 : f32 to vector<16xf32>
      %mul3A_202 = arith.mulf %mul3A_201, %add3A_199 : vector<16xf32>
      %max3A_203 = arith.maximumf %add3A_199, %mul3A_202 : vector<16xf32>
      %exp3A_204 = math.exp %max3A_203 : vector<16xf32>
      %mul3A_205 = arith.constant 2 : i32
      %mul3A_206 = arith.muli %mul3A_5, %mul3A_205 : i32
      %add3A_207 = arith.constant 0 : i32
      %add3A_208 = arith.addi %mul3A_206, %add3A_207 : i32
      %add3A_209 = arith.constant 48 : i32
      %add3A_210 = arith.addi %add3A_208, %add3A_209 : i32
      %swap3A_211 = arith.index_cast %add3A_210 : i32 to index
      %swap3A_212 = tpu.vector_load %arg11[%swap3A_211] {strides = array<i32>} : memref<40000xf32, #tpu.memory_space<vmem>>, vector<16xf32>,
      tpu.vector_store %arg11[%swap3A_211], %exp3A_204 {strides = array<i32>} : memref<40000xf32, #tpu.memory_space<vmem>>, vector<16xf32>,
      %broadcast_in_dim3A_213 = arith.constant 1 : i32
      %broadcast_in_dim3A_214 = vector.broadcast %broadcast_in_dim3A_213 : i32 to vector<16xi32>
      %mul3A_215 = arith.constant 2 : i32
      %mul3A_216 = vector.broadcast %mul3A_215 : i32 to vector<16xi32>
      %mul3A_217 = arith.muli %get3A_182, %mul3A_216 : vector<16xi32>
      %add3A_218 = arith.addi %mul3A_217, %broadcast_in_dim3A_214 : vector<16xi32>
      %gather3A_219 = tpu.vector_load_idx %arg9[%add3A_218] : memref<20000xf32, #tpu.memory_space<vmem>>[vector<16xi32>], vector<16xf32>,
      %mul3A_220 = arith.constant 2 : i32
      %mul3A_221 = vector.broadcast %mul3A_220 : i32 to vector<16xi32>
      %mul3A_222 = arith.muli %get3A_186, %mul3A_221 : vector<16xi32>
      %add3A_223 = arith.addi %mul3A_222, %broadcast_in_dim3A_214 : vector<16xi32>
      %gather3A_224 = tpu.vector_load_idx %arg10[%add3A_223] : memref<20000xf32, #tpu.memory_space<vmem>>[vector<16xi32>], vector<16xf32>,
      %add3A_225 = arith.addf %gather3A_219, %gather3A_224 : vector<16xf32>
      %mul3A_226 = arith.constant 2.000000e-01 : f32
      %mul3A_227 = vector.broadcast %mul3A_226 : f32 to vector<16xf32>
      %mul3A_228 = arith.mulf %mul3A_227, %add3A_225 : vector<16xf32>
      %max3A_229 = arith.maximumf %add3A_225, %mul3A_228 : vector<16xf32>
      %exp3A_230 = math.exp %max3A_229 : vector<16xf32>
      %mul3A_231 = arith.constant 2 : i32
      %mul3A_232 = arith.muli %mul3A_5, %mul3A_231 : i32
      %add3A_233 = arith.constant 80 : i32
      %add3A_234 = arith.addi %mul3A_232, %add3A_233 : i32
      %add3A_235 = arith.constant 48 : i32
      %add3A_236 = arith.addi %add3A_234, %add3A_235 : i32
      %swap3A_237 = arith.index_cast %add3A_236 : i32 to index
      %swap3A_238 = tpu.vector_load %arg11[%swap3A_237] {strides = array<i32>} : memref<40000xf32, #tpu.memory_space<vmem>>, vector<16xf32>,
      tpu.vector_store %arg11[%swap3A_237], %exp3A_230 {strides = array<i32>} : memref<40000xf32, #tpu.memory_space<vmem>>, vector<16xf32>,
      %add3A_239 = arith.constant 64 : i32
      %add3A_240 = arith.addi %mul3A_5, %add3A_239 : i32
      %get3A_241 = arith.index_cast %add3A_240 : i32 to index
      %get3A_242 = tpu.vector_load %arg7[%get3A_241] {strides = array<i32>} : memref<20000xi32, #tpu.memory_space<vmem>>, vector<16xi32>,
      %add3A_243 = arith.constant 64 : i32
      %add3A_244 = arith.addi %mul3A_5, %add3A_243 : i32
      %get3A_245 = arith.index_cast %add3A_244 : i32 to index
      %get3A_246 = tpu.vector_load %arg8[%get3A_245] {strides = array<i32>} : memref<20000xi32, #tpu.memory_space<vmem>>, vector<16xi32>,
      %broadcast_in_dim3A_247 = arith.constant 0 : i32
      %broadcast_in_dim3A_248 = vector.broadcast %broadcast_in_dim3A_247 : i32 to vector<16xi32>
      %mul3A_249 = arith.constant 2 : i32
      %mul3A_250 = vector.broadcast %mul3A_249 : i32 to vector<16xi32>
      %mul3A_251 = arith.muli %get3A_242, %mul3A_250 : vector<16xi32>
      %add3A_252 = arith.addi %mul3A_251, %broadcast_in_dim3A_248 : vector<16xi32>
      %gather3A_253 = tpu.vector_load_idx %arg9[%add3A_252] : memref<20000xf32, #tpu.memory_space<vmem>>[vector<16xi32>], vector<16xf32>,
      %mul3A_254 = arith.constant 2 : i32
      %mul3A_255 = vector.broadcast %mul3A_254 : i32 to vector<16xi32>
      %mul3A_256 = arith.muli %get3A_246, %mul3A_255 : vector<16xi32>
      %add3A_257 = arith.addi %mul3A_256, %broadcast_in_dim3A_248 : vector<16xi32>
      %gather3A_258 = tpu.vector_load_idx %arg10[%add3A_257] : memref<20000xf32, #tpu.memory_space<vmem>>[vector<16xi32>], vector<16xf32>,
      %add3A_259 = arith.addf %gather3A_253, %gather3A_258 : vector<16xf32>
      %mul3A_260 = arith.constant 2.000000e-01 : f32
      %mul3A_261 = vector.broadcast %mul3A_260 : f32 to vector<16xf32>
      %mul3A_262 = arith.mulf %mul3A_261, %add3A_259 : vector<16xf32>
      %max3A_263 = arith.maximumf %add3A_259, %mul3A_262 : vector<16xf32>
      %exp3A_264 = math.exp %max3A_263 : vector<16xf32>
      %mul3A_265 = arith.constant 2 : i32
      %mul3A_266 = arith.muli %mul3A_5, %mul3A_265 : i32
      %add3A_267 = arith.constant 0 : i32
      %add3A_268 = arith.addi %mul3A_266, %add3A_267 : i32
      %add3A_269 = arith.constant 64 : i32
      %add3A_270 = arith.addi %add3A_268, %add3A_269 : i32
      %swap3A_271 = arith.index_cast %add3A_270 : i32 to index
      %swap3A_272 = tpu.vector_load %arg11[%swap3A_271] {strides = array<i32>} : memref<40000xf32, #tpu.memory_space<vmem>>, vector<16xf32>,
      tpu.vector_store %arg11[%swap3A_271], %exp3A_264 {strides = array<i32>} : memref<40000xf32, #tpu.memory_space<vmem>>, vector<16xf32>,
      %broadcast_in_dim3A_273 = arith.constant 1 : i32
      %broadcast_in_dim3A_274 = vector.broadcast %broadcast_in_dim3A_273 : i32 to vector<16xi32>
      %mul3A_275 = arith.constant 2 : i32
      %mul3A_276 = vector.broadcast %mul3A_275 : i32 to vector<16xi32>
      %mul3A_277 = arith.muli %get3A_242, %mul3A_276 : vector<16xi32>
      %add3A_278 = arith.addi %mul3A_277, %broadcast_in_dim3A_274 : vector<16xi32>
      %gather3A_279 = tpu.vector_load_idx %arg9[%add3A_278] : memref<20000xf32, #tpu.memory_space<vmem>>[vector<16xi32>], vector<16xf32>,
      %mul3A_280 = arith.constant 2 : i32
      %mul3A_281 = vector.broadcast %mul3A_280 : i32 to vector<16xi32>
      %mul3A_282 = arith.muli %get3A_246, %mul3A_281 : vector<16xi32>
      %add3A_283 = arith.addi %mul3A_282, %broadcast_in_dim3A_274 : vector<16xi32>
      %gather3A_284 = tpu.vector_load_idx %arg10[%add3A_283] : memref<20000xf32, #tpu.memory_space<vmem>>[vector<16xi32>], vector<16xf32>,
      %add3A_285 = arith.addf %gather3A_279, %gather3A_284 : vector<16xf32>
      %mul3A_286 = arith.constant 2.000000e-01 : f32
      %mul3A_287 = vector.broadcast %mul3A_286 : f32 to vector<16xf32>
      %mul3A_288 = arith.mulf %mul3A_287, %add3A_285 : vector<16xf32>
      %max3A_289 = arith.maximumf %add3A_285, %mul3A_288 : vector<16xf32>
      %exp3A_290 = math.exp %max3A_289 : vector<16xf32>
      %mul3A_291 = arith.constant 2 : i32
      %mul3A_292 = arith.muli %mul3A_5, %mul3A_291 : i32
      %add3A_293 = arith.constant 80 : i32
      %add3A_294 = arith.addi %mul3A_292, %add3A_293 : i32
      %add3A_295 = arith.constant 64 : i32
      %add3A_296 = arith.addi %add3A_294, %add3A_295 : i32
      %swap3A_297 = arith.index_cast %add3A_296 : i32 to index
      %swap3A_298 = tpu.vector_load %arg11[%swap3A_297] {strides = array<i32>} : memref<40000xf32, #tpu.memory_space<vmem>>, vector<16xf32>,
      tpu.vector_store %arg11[%swap3A_297], %exp3A_290 {strides = array<i32>} : memref<40000xf32, #tpu.memory_space<vmem>>, vector<16xf32>,
    }
    %scan3A_3 = arith.constant 250 : i32
    "tpu.region"() ({
      %run_scoped3A = tpu.sem_alloc : memref<!tpu.dma_semaphore, #tpu.memory_space<semaphore_mem>>
      %dma_start3A = arith.constant 0 : i32
      %dma_start3A_4 = tpu.memref_slice %arg6[%arg0, %arg1, %dma_start3A] : memref<2x16x40000xf32, #tpu.memory_space<hbm>> -> memref<1x1x40000xf32, #tpu.memory_space<hbm>>
      %dma_start3A_5 = tpu.memref_squeeze %dma_start3A_4 : memref<1x1x40000xf32, #tpu.memory_space<hbm>> -> memref<40000xf32, #tpu.memory_space<hbm>>
      %dma_start3A_6 = arith.constant 0 : i32
      %dma_start3A_7 = tpu.memref_slice %arg6[%arg0, %arg1, %dma_start3A_6] : memref<2x16x40000xf32, #tpu.memory_space<hbm>> -> memref<1x1x40000xf32, #tpu.memory_space<hbm>>
      %dma_start3A_8 = tpu.memref_squeeze %dma_start3A_7 : memref<1x1x40000xf32, #tpu.memory_space<hbm>> -> memref<40000xf32, #tpu.memory_space<hbm>>
      tpu.enqueue_dma source(%arg11 : memref<40000xf32, #tpu.memory_space<vmem>>) target(%dma_start3A_8 : memref<40000xf32, #tpu.memory_space<hbm>>) target_semaphore(%run_scoped3A : memref<!tpu.dma_semaphore, #tpu.memory_space<semaphore_mem>>)
      %dma_wait3A = arith.constant 0 : i32
      %dma_wait3A_9 = tpu.memref_slice %arg6[%arg0, %arg1, %dma_wait3A] : memref<2x16x40000xf32, #tpu.memory_space<hbm>> -> memref<1x1x40000xf32, #tpu.memory_space<hbm>>
      %dma_wait3A_10 = tpu.memref_squeeze %dma_wait3A_9 : memref<1x1x40000xf32, #tpu.memory_space<hbm>> -> memref<40000xf32, #tpu.memory_space<hbm>>
      %dma_wait3A_11 = arith.constant 0 : i32
      %dma_wait3A_12 = tpu.memref_slice %arg6[%arg0, %arg1, %dma_wait3A_11] : memref<2x16x40000xf32, #tpu.memory_space<hbm>> -> memref<1x1x40000xf32, #tpu.memory_space<hbm>>
      %dma_wait3A_13 = tpu.memref_squeeze %dma_wait3A_12 : memref<1x1x40000xf32, #tpu.memory_space<hbm>> -> memref<40000xf32, #tpu.memory_space<hbm>>
      tpu.wait_dma2 semaphore(%run_scoped3A : memref<!tpu.dma_semaphore, #tpu.memory_space<semaphore_mem>>) src(%arg11 : memref<40000xf32, #tpu.memory_space<vmem>>) dst(%dma_wait3A_13 : memref<40000xf32, #tpu.memory_space<hbm>>)
      tpu.yield
    }) : () -> ()
    return
  }
}

#map = affine_map<(d0, d1) -> (0, 0, 0, 0)>
#map1 = affine_map<(d0, d1) -> (0, 0)>
#map2 = affine_map<(d0, d1) -> (0, 0, 0)>
module attributes {stable_mosaic.version = 14 : i64} {
  func.func @body(%arg0: i32, %arg1: i32, %arg2: memref<2x16x125x160xi32, #tpu.memory_space<hbm>>, %arg3: memref<2x16x125x80xi32, #tpu.memory_space<hbm>>, %arg4: memref<10000x64xf32, #tpu.memory_space<hbm>>, %arg5: memref<2x10000x80xf32, #tpu.memory_space<hbm>>, %arg6: memref<10000x80xf32, #tpu.memory_space<vmem_shared>>, %arg7: memref<160xi32, #tpu.memory_space<vmem>>, %arg8: memref<80xi32, #tpu.memory_space<vmem>>, %arg9: memref<80x64xf32, #tpu.memory_space<vmem>>, %arg10: memref<80x80xf32, #tpu.memory_space<vmem>>, %arg11: memref<25x80xf32, #tpu.memory_space<vmem>>, %arg12: memref<!tpu.dma_semaphore, #tpu.memory_space<semaphore_mem>>) attributes {dimension_semantics = [#tpu.dimension_semantics<core_parallel>, #tpu.dimension_semantics<subcore_parallel>], iteration_bounds = array<i64: 2, 16>, scalar_prefetch = 0 : i64, scratch_operands = 7 : i64, tpu.core_type = #tpu.core_type<sc_vector_subcore>, window_params = [{transform_indices = #map}, {transform_indices = #map}, {transform_indices = #map1}, {transform_indices = #map2}]} {
    %broadcast_in_dim3A = arith.constant 0.000000e+00 : f32
    %broadcast_in_dim3A_0 = vector.broadcast %broadcast_in_dim3A : f32 to vector<16xf32>
    %swap3A = arith.constant 0 : i32
    %swap3A_1 = arith.index_cast %swap3A : i32 to index
    %swap3A_2 = arith.constant 0 : index
    %swap3A_3 = tpu.vector_load %arg11[%swap3A_1, %swap3A_2] {strides = array<i32>} : memref<25x80xf32, #tpu.memory_space<vmem>>, vector<16xf32>,
    tpu.vector_store %arg11[%swap3A_1, %swap3A_2], %broadcast_in_dim3A_0 {strides = array<i32>} : memref<25x80xf32, #tpu.memory_space<vmem>>, vector<16xf32>,
    %swap3A_4 = arith.constant 0 : i32
    %swap3A_5 = arith.index_cast %swap3A_4 : i32 to index
    %swap3A_6 = arith.constant 16 : index
    %swap3A_7 = tpu.vector_load %arg11[%swap3A_5, %swap3A_6] {strides = array<i32>} : memref<25x80xf32, #tpu.memory_space<vmem>>, vector<16xf32>,
    tpu.vector_store %arg11[%swap3A_5, %swap3A_6], %broadcast_in_dim3A_0 {strides = array<i32>} : memref<25x80xf32, #tpu.memory_space<vmem>>, vector<16xf32>,
    %swap3A_8 = arith.constant 0 : i32
    %swap3A_9 = arith.index_cast %swap3A_8 : i32 to index
    %swap3A_10 = arith.constant 32 : index
    %swap3A_11 = tpu.vector_load %arg11[%swap3A_9, %swap3A_10] {strides = array<i32>} : memref<25x80xf32, #tpu.memory_space<vmem>>, vector<16xf32>,
    tpu.vector_store %arg11[%swap3A_9, %swap3A_10], %broadcast_in_dim3A_0 {strides = array<i32>} : memref<25x80xf32, #tpu.memory_space<vmem>>, vector<16xf32>,
    %swap3A_12 = arith.constant 0 : i32
    %swap3A_13 = arith.index_cast %swap3A_12 : i32 to index
    %swap3A_14 = arith.constant 48 : index
    %swap3A_15 = tpu.vector_load %arg11[%swap3A_13, %swap3A_14] {strides = array<i32>} : memref<25x80xf32, #tpu.memory_space<vmem>>, vector<16xf32>,
    tpu.vector_store %arg11[%swap3A_13, %swap3A_14], %broadcast_in_dim3A_0 {strides = array<i32>} : memref<25x80xf32, #tpu.memory_space<vmem>>, vector<16xf32>,
    %swap3A_16 = arith.constant 0 : i32
    %swap3A_17 = arith.index_cast %swap3A_16 : i32 to index
    %swap3A_18 = arith.constant 64 : index
    %swap3A_19 = tpu.vector_load %arg11[%swap3A_17, %swap3A_18] {strides = array<i32>} : memref<25x80xf32, #tpu.memory_space<vmem>>, vector<16xf32>,
    tpu.vector_store %arg11[%swap3A_17, %swap3A_18], %broadcast_in_dim3A_0 {strides = array<i32>} : memref<25x80xf32, #tpu.memory_space<vmem>>, vector<16xf32>,
    %swap3A_20 = arith.constant 1 : i32
    %swap3A_21 = arith.index_cast %swap3A_20 : i32 to index
    %swap3A_22 = arith.constant 0 : index
    %swap3A_23 = tpu.vector_load %arg11[%swap3A_21, %swap3A_22] {strides = array<i32>} : memref<25x80xf32, #tpu.memory_space<vmem>>, vector<16xf32>,
    tpu.vector_store %arg11[%swap3A_21, %swap3A_22], %broadcast_in_dim3A_0 {strides = array<i32>} : memref<25x80xf32, #tpu.memory_space<vmem>>, vector<16xf32>,
    %swap3A_24 = arith.constant 1 : i32
    %swap3A_25 = arith.index_cast %swap3A_24 : i32 to index
    %swap3A_26 = arith.constant 16 : index
    %swap3A_27 = tpu.vector_load %arg11[%swap3A_25, %swap3A_26] {strides = array<i32>} : memref<25x80xf32, #tpu.memory_space<vmem>>, vector<16xf32>,
    tpu.vector_store %arg11[%swap3A_25, %swap3A_26], %broadcast_in_dim3A_0 {strides = array<i32>} : memref<25x80xf32, #tpu.memory_space<vmem>>, vector<16xf32>,
    %swap3A_28 = arith.constant 1 : i32
    %swap3A_29 = arith.index_cast %swap3A_28 : i32 to index
    %swap3A_30 = arith.constant 32 : index
    %swap3A_31 = tpu.vector_load %arg11[%swap3A_29, %swap3A_30] {strides = array<i32>} : memref<25x80xf32, #tpu.memory_space<vmem>>, vector<16xf32>,
    tpu.vector_store %arg11[%swap3A_29, %swap3A_30], %broadcast_in_dim3A_0 {strides = array<i32>} : memref<25x80xf32, #tpu.memory_space<vmem>>, vector<16xf32>,
    %swap3A_32 = arith.constant 1 : i32
    %swap3A_33 = arith.index_cast %swap3A_32 : i32 to index
    %swap3A_34 = arith.constant 48 : index
    %swap3A_35 = tpu.vector_load %arg11[%swap3A_33, %swap3A_34] {strides = array<i32>} : memref<25x80xf32, #tpu.memory_space<vmem>>, vector<16xf32>,
    tpu.vector_store %arg11[%swap3A_33, %swap3A_34], %broadcast_in_dim3A_0 {strides = array<i32>} : memref<25x80xf32, #tpu.memory_space<vmem>>, vector<16xf32>,
    %swap3A_36 = arith.constant 1 : i32
    %swap3A_37 = arith.index_cast %swap3A_36 : i32 to index
    %swap3A_38 = arith.constant 64 : index
    %swap3A_39 = tpu.vector_load %arg11[%swap3A_37, %swap3A_38] {strides = array<i32>} : memref<25x80xf32, #tpu.memory_space<vmem>>, vector<16xf32>,
    tpu.vector_store %arg11[%swap3A_37, %swap3A_38], %broadcast_in_dim3A_0 {strides = array<i32>} : memref<25x80xf32, #tpu.memory_space<vmem>>, vector<16xf32>,
    %swap3A_40 = arith.constant 2 : i32
    %swap3A_41 = arith.index_cast %swap3A_40 : i32 to index
    %swap3A_42 = arith.constant 0 : index
    %swap3A_43 = tpu.vector_load %arg11[%swap3A_41, %swap3A_42] {strides = array<i32>} : memref<25x80xf32, #tpu.memory_space<vmem>>, vector<16xf32>,
    tpu.vector_store %arg11[%swap3A_41, %swap3A_42], %broadcast_in_dim3A_0 {strides = array<i32>} : memref<25x80xf32, #tpu.memory_space<vmem>>, vector<16xf32>,
    %swap3A_44 = arith.constant 2 : i32
    %swap3A_45 = arith.index_cast %swap3A_44 : i32 to index
    %swap3A_46 = arith.constant 16 : index
    %swap3A_47 = tpu.vector_load %arg11[%swap3A_45, %swap3A_46] {strides = array<i32>} : memref<25x80xf32, #tpu.memory_space<vmem>>, vector<16xf32>,
    tpu.vector_store %arg11[%swap3A_45, %swap3A_46], %broadcast_in_dim3A_0 {strides = array<i32>} : memref<25x80xf32, #tpu.memory_space<vmem>>, vector<16xf32>,
    %swap3A_48 = arith.constant 2 : i32
    %swap3A_49 = arith.index_cast %swap3A_48 : i32 to index
    %swap3A_50 = arith.constant 32 : index
    %swap3A_51 = tpu.vector_load %arg11[%swap3A_49, %swap3A_50] {strides = array<i32>} : memref<25x80xf32, #tpu.memory_space<vmem>>, vector<16xf32>,
    tpu.vector_store %arg11[%swap3A_49, %swap3A_50], %broadcast_in_dim3A_0 {strides = array<i32>} : memref<25x80xf32, #tpu.memory_space<vmem>>, vector<16xf32>,
    %swap3A_52 = arith.constant 2 : i32
    %swap3A_53 = arith.index_cast %swap3A_52 : i32 to index
    %swap3A_54 = arith.constant 48 : index
    %swap3A_55 = tpu.vector_load %arg11[%swap3A_53, %swap3A_54] {strides = array<i32>} : memref<25x80xf32, #tpu.memory_space<vmem>>, vector<16xf32>,
    tpu.vector_store %arg11[%swap3A_53, %swap3A_54], %broadcast_in_dim3A_0 {strides = array<i32>} : memref<25x80xf32, #tpu.memory_space<vmem>>, vector<16xf32>,
    %swap3A_56 = arith.constant 2 : i32
    %swap3A_57 = arith.index_cast %swap3A_56 : i32 to index
    %swap3A_58 = arith.constant 64 : index
    %swap3A_59 = tpu.vector_load %arg11[%swap3A_57, %swap3A_58] {strides = array<i32>} : memref<25x80xf32, #tpu.memory_space<vmem>>, vector<16xf32>,
    tpu.vector_store %arg11[%swap3A_57, %swap3A_58], %broadcast_in_dim3A_0 {strides = array<i32>} : memref<25x80xf32, #tpu.memory_space<vmem>>, vector<16xf32>,
    %swap3A_60 = arith.constant 3 : i32
    %swap3A_61 = arith.index_cast %swap3A_60 : i32 to index
    %swap3A_62 = arith.constant 0 : index
    %swap3A_63 = tpu.vector_load %arg11[%swap3A_61, %swap3A_62] {strides = array<i32>} : memref<25x80xf32, #tpu.memory_space<vmem>>, vector<16xf32>,
    tpu.vector_store %arg11[%swap3A_61, %swap3A_62], %broadcast_in_dim3A_0 {strides = array<i32>} : memref<25x80xf32, #tpu.memory_space<vmem>>, vector<16xf32>,
    %swap3A_64 = arith.constant 3 : i32
    %swap3A_65 = arith.index_cast %swap3A_64 : i32 to index
    %swap3A_66 = arith.constant 16 : index
    %swap3A_67 = tpu.vector_load %arg11[%swap3A_65, %swap3A_66] {strides = array<i32>} : memref<25x80xf32, #tpu.memory_space<vmem>>, vector<16xf32>,
    tpu.vector_store %arg11[%swap3A_65, %swap3A_66], %broadcast_in_dim3A_0 {strides = array<i32>} : memref<25x80xf32, #tpu.memory_space<vmem>>, vector<16xf32>,
    %swap3A_68 = arith.constant 3 : i32
    %swap3A_69 = arith.index_cast %swap3A_68 : i32 to index
    %swap3A_70 = arith.constant 32 : index
    %swap3A_71 = tpu.vector_load %arg11[%swap3A_69, %swap3A_70] {strides = array<i32>} : memref<25x80xf32, #tpu.memory_space<vmem>>, vector<16xf32>,
    tpu.vector_store %arg11[%swap3A_69, %swap3A_70], %broadcast_in_dim3A_0 {strides = array<i32>} : memref<25x80xf32, #tpu.memory_space<vmem>>, vector<16xf32>,
    %swap3A_72 = arith.constant 3 : i32
    %swap3A_73 = arith.index_cast %swap3A_72 : i32 to index
    %swap3A_74 = arith.constant 48 : index
    %swap3A_75 = tpu.vector_load %arg11[%swap3A_73, %swap3A_74] {strides = array<i32>} : memref<25x80xf32, #tpu.memory_space<vmem>>, vector<16xf32>,
    tpu.vector_store %arg11[%swap3A_73, %swap3A_74], %broadcast_in_dim3A_0 {strides = array<i32>} : memref<25x80xf32, #tpu.memory_space<vmem>>, vector<16xf32>,
    %swap3A_76 = arith.constant 3 : i32
    %swap3A_77 = arith.index_cast %swap3A_76 : i32 to index
    %swap3A_78 = arith.constant 64 : index
    %swap3A_79 = tpu.vector_load %arg11[%swap3A_77, %swap3A_78] {strides = array<i32>} : memref<25x80xf32, #tpu.memory_space<vmem>>, vector<16xf32>,
    tpu.vector_store %arg11[%swap3A_77, %swap3A_78], %broadcast_in_dim3A_0 {strides = array<i32>} : memref<25x80xf32, #tpu.memory_space<vmem>>, vector<16xf32>,
    %swap3A_80 = arith.constant 4 : i32
    %swap3A_81 = arith.index_cast %swap3A_80 : i32 to index
    %swap3A_82 = arith.constant 0 : index
    %swap3A_83 = tpu.vector_load %arg11[%swap3A_81, %swap3A_82] {strides = array<i32>} : memref<25x80xf32, #tpu.memory_space<vmem>>, vector<16xf32>,
    tpu.vector_store %arg11[%swap3A_81, %swap3A_82], %broadcast_in_dim3A_0 {strides = array<i32>} : memref<25x80xf32, #tpu.memory_space<vmem>>, vector<16xf32>,
    %swap3A_84 = arith.constant 4 : i32
    %swap3A_85 = arith.index_cast %swap3A_84 : i32 to index
    %swap3A_86 = arith.constant 16 : index
    %swap3A_87 = tpu.vector_load %arg11[%swap3A_85, %swap3A_86] {strides = array<i32>} : memref<25x80xf32, #tpu.memory_space<vmem>>, vector<16xf32>,
    tpu.vector_store %arg11[%swap3A_85, %swap3A_86], %broadcast_in_dim3A_0 {strides = array<i32>} : memref<25x80xf32, #tpu.memory_space<vmem>>, vector<16xf32>,
    %swap3A_88 = arith.constant 4 : i32
    %swap3A_89 = arith.index_cast %swap3A_88 : i32 to index
    %swap3A_90 = arith.constant 32 : index
    %swap3A_91 = tpu.vector_load %arg11[%swap3A_89, %swap3A_90] {strides = array<i32>} : memref<25x80xf32, #tpu.memory_space<vmem>>, vector<16xf32>,
    tpu.vector_store %arg11[%swap3A_89, %swap3A_90], %broadcast_in_dim3A_0 {strides = array<i32>} : memref<25x80xf32, #tpu.memory_space<vmem>>, vector<16xf32>,
    %swap3A_92 = arith.constant 4 : i32
    %swap3A_93 = arith.index_cast %swap3A_92 : i32 to index
    %swap3A_94 = arith.constant 48 : index
    %swap3A_95 = tpu.vector_load %arg11[%swap3A_93, %swap3A_94] {strides = array<i32>} : memref<25x80xf32, #tpu.memory_space<vmem>>, vector<16xf32>,
    tpu.vector_store %arg11[%swap3A_93, %swap3A_94], %broadcast_in_dim3A_0 {strides = array<i32>} : memref<25x80xf32, #tpu.memory_space<vmem>>, vector<16xf32>,
    %swap3A_96 = arith.constant 4 : i32
    %swap3A_97 = arith.index_cast %swap3A_96 : i32 to index
    %swap3A_98 = arith.constant 64 : index
    %swap3A_99 = tpu.vector_load %arg11[%swap3A_97, %swap3A_98] {strides = array<i32>} : memref<25x80xf32, #tpu.memory_space<vmem>>, vector<16xf32>,
    tpu.vector_store %arg11[%swap3A_97, %swap3A_98], %broadcast_in_dim3A_0 {strides = array<i32>} : memref<25x80xf32, #tpu.memory_space<vmem>>, vector<16xf32>,
    %swap3A_100 = arith.constant 5 : i32
    %swap3A_101 = arith.index_cast %swap3A_100 : i32 to index
    %swap3A_102 = arith.constant 0 : index
    %swap3A_103 = tpu.vector_load %arg11[%swap3A_101, %swap3A_102] {strides = array<i32>} : memref<25x80xf32, #tpu.memory_space<vmem>>, vector<16xf32>,
    tpu.vector_store %arg11[%swap3A_101, %swap3A_102], %broadcast_in_dim3A_0 {strides = array<i32>} : memref<25x80xf32, #tpu.memory_space<vmem>>, vector<16xf32>,
    %swap3A_104 = arith.constant 5 : i32
    %swap3A_105 = arith.index_cast %swap3A_104 : i32 to index
    %swap3A_106 = arith.constant 16 : index
    %swap3A_107 = tpu.vector_load %arg11[%swap3A_105, %swap3A_106] {strides = array<i32>} : memref<25x80xf32, #tpu.memory_space<vmem>>, vector<16xf32>,
    tpu.vector_store %arg11[%swap3A_105, %swap3A_106], %broadcast_in_dim3A_0 {strides = array<i32>} : memref<25x80xf32, #tpu.memory_space<vmem>>, vector<16xf32>,
    %swap3A_108 = arith.constant 5 : i32
    %swap3A_109 = arith.index_cast %swap3A_108 : i32 to index
    %swap3A_110 = arith.constant 32 : index
    %swap3A_111 = tpu.vector_load %arg11[%swap3A_109, %swap3A_110] {strides = array<i32>} : memref<25x80xf32, #tpu.memory_space<vmem>>, vector<16xf32>,
    tpu.vector_store %arg11[%swap3A_109, %swap3A_110], %broadcast_in_dim3A_0 {strides = array<i32>} : memref<25x80xf32, #tpu.memory_space<vmem>>, vector<16xf32>,
    %swap3A_112 = arith.constant 5 : i32
    %swap3A_113 = arith.index_cast %swap3A_112 : i32 to index
    %swap3A_114 = arith.constant 48 : index
    %swap3A_115 = tpu.vector_load %arg11[%swap3A_113, %swap3A_114] {strides = array<i32>} : memref<25x80xf32, #tpu.memory_space<vmem>>, vector<16xf32>,
    tpu.vector_store %arg11[%swap3A_113, %swap3A_114], %broadcast_in_dim3A_0 {strides = array<i32>} : memref<25x80xf32, #tpu.memory_space<vmem>>, vector<16xf32>,
    %swap3A_116 = arith.constant 5 : i32
    %swap3A_117 = arith.index_cast %swap3A_116 : i32 to index
    %swap3A_118 = arith.constant 64 : index
    %swap3A_119 = tpu.vector_load %arg11[%swap3A_117, %swap3A_118] {strides = array<i32>} : memref<25x80xf32, #tpu.memory_space<vmem>>, vector<16xf32>,
    tpu.vector_store %arg11[%swap3A_117, %swap3A_118], %broadcast_in_dim3A_0 {strides = array<i32>} : memref<25x80xf32, #tpu.memory_space<vmem>>, vector<16xf32>,
    %swap3A_120 = arith.constant 6 : i32
    %swap3A_121 = arith.index_cast %swap3A_120 : i32 to index
    %swap3A_122 = arith.constant 0 : index
    %swap3A_123 = tpu.vector_load %arg11[%swap3A_121, %swap3A_122] {strides = array<i32>} : memref<25x80xf32, #tpu.memory_space<vmem>>, vector<16xf32>,
    tpu.vector_store %arg11[%swap3A_121, %swap3A_122], %broadcast_in_dim3A_0 {strides = array<i32>} : memref<25x80xf32, #tpu.memory_space<vmem>>, vector<16xf32>,
    %swap3A_124 = arith.constant 6 : i32
    %swap3A_125 = arith.index_cast %swap3A_124 : i32 to index
    %swap3A_126 = arith.constant 16 : index
    %swap3A_127 = tpu.vector_load %arg11[%swap3A_125, %swap3A_126] {strides = array<i32>} : memref<25x80xf32, #tpu.memory_space<vmem>>, vector<16xf32>,
    tpu.vector_store %arg11[%swap3A_125, %swap3A_126], %broadcast_in_dim3A_0 {strides = array<i32>} : memref<25x80xf32, #tpu.memory_space<vmem>>, vector<16xf32>,
    %swap3A_128 = arith.constant 6 : i32
    %swap3A_129 = arith.index_cast %swap3A_128 : i32 to index
    %swap3A_130 = arith.constant 32 : index
    %swap3A_131 = tpu.vector_load %arg11[%swap3A_129, %swap3A_130] {strides = array<i32>} : memref<25x80xf32, #tpu.memory_space<vmem>>, vector<16xf32>,
    tpu.vector_store %arg11[%swap3A_129, %swap3A_130], %broadcast_in_dim3A_0 {strides = array<i32>} : memref<25x80xf32, #tpu.memory_space<vmem>>, vector<16xf32>,
    %swap3A_132 = arith.constant 6 : i32
    %swap3A_133 = arith.index_cast %swap3A_132 : i32 to index
    %swap3A_134 = arith.constant 48 : index
    %swap3A_135 = tpu.vector_load %arg11[%swap3A_133, %swap3A_134] {strides = array<i32>} : memref<25x80xf32, #tpu.memory_space<vmem>>, vector<16xf32>,
    tpu.vector_store %arg11[%swap3A_133, %swap3A_134], %broadcast_in_dim3A_0 {strides = array<i32>} : memref<25x80xf32, #tpu.memory_space<vmem>>, vector<16xf32>,
    %swap3A_136 = arith.constant 6 : i32
    %swap3A_137 = arith.index_cast %swap3A_136 : i32 to index
    %swap3A_138 = arith.constant 64 : index
    %swap3A_139 = tpu.vector_load %arg11[%swap3A_137, %swap3A_138] {strides = array<i32>} : memref<25x80xf32, #tpu.memory_space<vmem>>, vector<16xf32>,
    tpu.vector_store %arg11[%swap3A_137, %swap3A_138], %broadcast_in_dim3A_0 {strides = array<i32>} : memref<25x80xf32, #tpu.memory_space<vmem>>, vector<16xf32>,
    %swap3A_140 = arith.constant 7 : i32
    %swap3A_141 = arith.index_cast %swap3A_140 : i32 to index
    %swap3A_142 = arith.constant 0 : index
    %swap3A_143 = tpu.vector_load %arg11[%swap3A_141, %swap3A_142] {strides = array<i32>} : memref<25x80xf32, #tpu.memory_space<vmem>>, vector<16xf32>,
    tpu.vector_store %arg11[%swap3A_141, %swap3A_142], %broadcast_in_dim3A_0 {strides = array<i32>} : memref<25x80xf32, #tpu.memory_space<vmem>>, vector<16xf32>,
    %swap3A_144 = arith.constant 7 : i32
    %swap3A_145 = arith.index_cast %swap3A_144 : i32 to index
    %swap3A_146 = arith.constant 16 : index
    %swap3A_147 = tpu.vector_load %arg11[%swap3A_145, %swap3A_146] {strides = array<i32>} : memref<25x80xf32, #tpu.memory_space<vmem>>, vector<16xf32>,
    tpu.vector_store %arg11[%swap3A_145, %swap3A_146], %broadcast_in_dim3A_0 {strides = array<i32>} : memref<25x80xf32, #tpu.memory_space<vmem>>, vector<16xf32>,
    %swap3A_148 = arith.constant 7 : i32
    %swap3A_149 = arith.index_cast %swap3A_148 : i32 to index
    %swap3A_150 = arith.constant 32 : index
    %swap3A_151 = tpu.vector_load %arg11[%swap3A_149, %swap3A_150] {strides = array<i32>} : memref<25x80xf32, #tpu.memory_space<vmem>>, vector<16xf32>,
    tpu.vector_store %arg11[%swap3A_149, %swap3A_150], %broadcast_in_dim3A_0 {strides = array<i32>} : memref<25x80xf32, #tpu.memory_space<vmem>>, vector<16xf32>,
    %swap3A_152 = arith.constant 7 : i32
    %swap3A_153 = arith.index_cast %swap3A_152 : i32 to index
    %swap3A_154 = arith.constant 48 : index
    %swap3A_155 = tpu.vector_load %arg11[%swap3A_153, %swap3A_154] {strides = array<i32>} : memref<25x80xf32, #tpu.memory_space<vmem>>, vector<16xf32>,
    tpu.vector_store %arg11[%swap3A_153, %swap3A_154], %broadcast_in_dim3A_0 {strides = array<i32>} : memref<25x80xf32, #tpu.memory_space<vmem>>, vector<16xf32>,
    %swap3A_156 = arith.constant 7 : i32
    %swap3A_157 = arith.index_cast %swap3A_156 : i32 to index
    %swap3A_158 = arith.constant 64 : index
    %swap3A_159 = tpu.vector_load %arg11[%swap3A_157, %swap3A_158] {strides = array<i32>} : memref<25x80xf32, #tpu.memory_space<vmem>>, vector<16xf32>,
    tpu.vector_store %arg11[%swap3A_157, %swap3A_158], %broadcast_in_dim3A_0 {strides = array<i32>} : memref<25x80xf32, #tpu.memory_space<vmem>>, vector<16xf32>,
    %swap3A_160 = arith.constant 8 : i32
    %swap3A_161 = arith.index_cast %swap3A_160 : i32 to index
    %swap3A_162 = arith.constant 0 : index
    %swap3A_163 = tpu.vector_load %arg11[%swap3A_161, %swap3A_162] {strides = array<i32>} : memref<25x80xf32, #tpu.memory_space<vmem>>, vector<16xf32>,
    tpu.vector_store %arg11[%swap3A_161, %swap3A_162], %broadcast_in_dim3A_0 {strides = array<i32>} : memref<25x80xf32, #tpu.memory_space<vmem>>, vector<16xf32>,
    %swap3A_164 = arith.constant 8 : i32
    %swap3A_165 = arith.index_cast %swap3A_164 : i32 to index
    %swap3A_166 = arith.constant 16 : index
    %swap3A_167 = tpu.vector_load %arg11[%swap3A_165, %swap3A_166] {strides = array<i32>} : memref<25x80xf32, #tpu.memory_space<vmem>>, vector<16xf32>,
    tpu.vector_store %arg11[%swap3A_165, %swap3A_166], %broadcast_in_dim3A_0 {strides = array<i32>} : memref<25x80xf32, #tpu.memory_space<vmem>>, vector<16xf32>,
    %swap3A_168 = arith.constant 8 : i32
    %swap3A_169 = arith.index_cast %swap3A_168 : i32 to index
    %swap3A_170 = arith.constant 32 : index
    %swap3A_171 = tpu.vector_load %arg11[%swap3A_169, %swap3A_170] {strides = array<i32>} : memref<25x80xf32, #tpu.memory_space<vmem>>, vector<16xf32>,
    tpu.vector_store %arg11[%swap3A_169, %swap3A_170], %broadcast_in_dim3A_0 {strides = array<i32>} : memref<25x80xf32, #tpu.memory_space<vmem>>, vector<16xf32>,
    %swap3A_172 = arith.constant 8 : i32
    %swap3A_173 = arith.index_cast %swap3A_172 : i32 to index
    %swap3A_174 = arith.constant 48 : index
    %swap3A_175 = tpu.vector_load %arg11[%swap3A_173, %swap3A_174] {strides = array<i32>} : memref<25x80xf32, #tpu.memory_space<vmem>>, vector<16xf32>,
    tpu.vector_store %arg11[%swap3A_173, %swap3A_174], %broadcast_in_dim3A_0 {strides = array<i32>} : memref<25x80xf32, #tpu.memory_space<vmem>>, vector<16xf32>,
    %swap3A_176 = arith.constant 8 : i32
    %swap3A_177 = arith.index_cast %swap3A_176 : i32 to index
    %swap3A_178 = arith.constant 64 : index
    %swap3A_179 = tpu.vector_load %arg11[%swap3A_177, %swap3A_178] {strides = array<i32>} : memref<25x80xf32, #tpu.memory_space<vmem>>, vector<16xf32>,
    tpu.vector_store %arg11[%swap3A_177, %swap3A_178], %broadcast_in_dim3A_0 {strides = array<i32>} : memref<25x80xf32, #tpu.memory_space<vmem>>, vector<16xf32>,
    %swap3A_180 = arith.constant 9 : i32
    %swap3A_181 = arith.index_cast %swap3A_180 : i32 to index
    %swap3A_182 = arith.constant 0 : index
    %swap3A_183 = tpu.vector_load %arg11[%swap3A_181, %swap3A_182] {strides = array<i32>} : memref<25x80xf32, #tpu.memory_space<vmem>>, vector<16xf32>,
    tpu.vector_store %arg11[%swap3A_181, %swap3A_182], %broadcast_in_dim3A_0 {strides = array<i32>} : memref<25x80xf32, #tpu.memory_space<vmem>>, vector<16xf32>,
    %swap3A_184 = arith.constant 9 : i32
    %swap3A_185 = arith.index_cast %swap3A_184 : i32 to index
    %swap3A_186 = arith.constant 16 : index
    %swap3A_187 = tpu.vector_load %arg11[%swap3A_185, %swap3A_186] {strides = array<i32>} : memref<25x80xf32, #tpu.memory_space<vmem>>, vector<16xf32>,
    tpu.vector_store %arg11[%swap3A_185, %swap3A_186], %broadcast_in_dim3A_0 {strides = array<i32>} : memref<25x80xf32, #tpu.memory_space<vmem>>, vector<16xf32>,
    %swap3A_188 = arith.constant 9 : i32
    %swap3A_189 = arith.index_cast %swap3A_188 : i32 to index
    %swap3A_190 = arith.constant 32 : index
    %swap3A_191 = tpu.vector_load %arg11[%swap3A_189, %swap3A_190] {strides = array<i32>} : memref<25x80xf32, #tpu.memory_space<vmem>>, vector<16xf32>,
    tpu.vector_store %arg11[%swap3A_189, %swap3A_190], %broadcast_in_dim3A_0 {strides = array<i32>} : memref<25x80xf32, #tpu.memory_space<vmem>>, vector<16xf32>,
    %swap3A_192 = arith.constant 9 : i32
    %swap3A_193 = arith.index_cast %swap3A_192 : i32 to index
    %swap3A_194 = arith.constant 48 : index
    %swap3A_195 = tpu.vector_load %arg11[%swap3A_193, %swap3A_194] {strides = array<i32>} : memref<25x80xf32, #tpu.memory_space<vmem>>, vector<16xf32>,
    tpu.vector_store %arg11[%swap3A_193, %swap3A_194], %broadcast_in_dim3A_0 {strides = array<i32>} : memref<25x80xf32, #tpu.memory_space<vmem>>, vector<16xf32>,
    %swap3A_196 = arith.constant 9 : i32
    %swap3A_197 = arith.index_cast %swap3A_196 : i32 to index
    %swap3A_198 = arith.constant 64 : index
    %swap3A_199 = tpu.vector_load %arg11[%swap3A_197, %swap3A_198] {strides = array<i32>} : memref<25x80xf32, #tpu.memory_space<vmem>>, vector<16xf32>,
    tpu.vector_store %arg11[%swap3A_197, %swap3A_198], %broadcast_in_dim3A_0 {strides = array<i32>} : memref<25x80xf32, #tpu.memory_space<vmem>>, vector<16xf32>,
    %swap3A_200 = arith.constant 10 : i32
    %swap3A_201 = arith.index_cast %swap3A_200 : i32 to index
    %swap3A_202 = arith.constant 0 : index
    %swap3A_203 = tpu.vector_load %arg11[%swap3A_201, %swap3A_202] {strides = array<i32>} : memref<25x80xf32, #tpu.memory_space<vmem>>, vector<16xf32>,
    tpu.vector_store %arg11[%swap3A_201, %swap3A_202], %broadcast_in_dim3A_0 {strides = array<i32>} : memref<25x80xf32, #tpu.memory_space<vmem>>, vector<16xf32>,
    %swap3A_204 = arith.constant 10 : i32
    %swap3A_205 = arith.index_cast %swap3A_204 : i32 to index
    %swap3A_206 = arith.constant 16 : index
    %swap3A_207 = tpu.vector_load %arg11[%swap3A_205, %swap3A_206] {strides = array<i32>} : memref<25x80xf32, #tpu.memory_space<vmem>>, vector<16xf32>,
    tpu.vector_store %arg11[%swap3A_205, %swap3A_206], %broadcast_in_dim3A_0 {strides = array<i32>} : memref<25x80xf32, #tpu.memory_space<vmem>>, vector<16xf32>,
    %swap3A_208 = arith.constant 10 : i32
    %swap3A_209 = arith.index_cast %swap3A_208 : i32 to index
    %swap3A_210 = arith.constant 32 : index
    %swap3A_211 = tpu.vector_load %arg11[%swap3A_209, %swap3A_210] {strides = array<i32>} : memref<25x80xf32, #tpu.memory_space<vmem>>, vector<16xf32>,
    tpu.vector_store %arg11[%swap3A_209, %swap3A_210], %broadcast_in_dim3A_0 {strides = array<i32>} : memref<25x80xf32, #tpu.memory_space<vmem>>, vector<16xf32>,
    %swap3A_212 = arith.constant 10 : i32
    %swap3A_213 = arith.index_cast %swap3A_212 : i32 to index
    %swap3A_214 = arith.constant 48 : index
    %swap3A_215 = tpu.vector_load %arg11[%swap3A_213, %swap3A_214] {strides = array<i32>} : memref<25x80xf32, #tpu.memory_space<vmem>>, vector<16xf32>,
    tpu.vector_store %arg11[%swap3A_213, %swap3A_214], %broadcast_in_dim3A_0 {strides = array<i32>} : memref<25x80xf32, #tpu.memory_space<vmem>>, vector<16xf32>,
    %swap3A_216 = arith.constant 10 : i32
    %swap3A_217 = arith.index_cast %swap3A_216 : i32 to index
    %swap3A_218 = arith.constant 64 : index
    %swap3A_219 = tpu.vector_load %arg11[%swap3A_217, %swap3A_218] {strides = array<i32>} : memref<25x80xf32, #tpu.memory_space<vmem>>, vector<16xf32>,
    tpu.vector_store %arg11[%swap3A_217, %swap3A_218], %broadcast_in_dim3A_0 {strides = array<i32>} : memref<25x80xf32, #tpu.memory_space<vmem>>, vector<16xf32>,
    %swap3A_220 = arith.constant 11 : i32
    %swap3A_221 = arith.index_cast %swap3A_220 : i32 to index
    %swap3A_222 = arith.constant 0 : index
    %swap3A_223 = tpu.vector_load %arg11[%swap3A_221, %swap3A_222] {strides = array<i32>} : memref<25x80xf32, #tpu.memory_space<vmem>>, vector<16xf32>,
    tpu.vector_store %arg11[%swap3A_221, %swap3A_222], %broadcast_in_dim3A_0 {strides = array<i32>} : memref<25x80xf32, #tpu.memory_space<vmem>>, vector<16xf32>,
    %swap3A_224 = arith.constant 11 : i32
    %swap3A_225 = arith.index_cast %swap3A_224 : i32 to index
    %swap3A_226 = arith.constant 16 : index
    %swap3A_227 = tpu.vector_load %arg11[%swap3A_225, %swap3A_226] {strides = array<i32>} : memref<25x80xf32, #tpu.memory_space<vmem>>, vector<16xf32>,
    tpu.vector_store %arg11[%swap3A_225, %swap3A_226], %broadcast_in_dim3A_0 {strides = array<i32>} : memref<25x80xf32, #tpu.memory_space<vmem>>, vector<16xf32>,
    %swap3A_228 = arith.constant 11 : i32
    %swap3A_229 = arith.index_cast %swap3A_228 : i32 to index
    %swap3A_230 = arith.constant 32 : index
    %swap3A_231 = tpu.vector_load %arg11[%swap3A_229, %swap3A_230] {strides = array<i32>} : memref<25x80xf32, #tpu.memory_space<vmem>>, vector<16xf32>,
    tpu.vector_store %arg11[%swap3A_229, %swap3A_230], %broadcast_in_dim3A_0 {strides = array<i32>} : memref<25x80xf32, #tpu.memory_space<vmem>>, vector<16xf32>,
    %swap3A_232 = arith.constant 11 : i32
    %swap3A_233 = arith.index_cast %swap3A_232 : i32 to index
    %swap3A_234 = arith.constant 48 : index
    %swap3A_235 = tpu.vector_load %arg11[%swap3A_233, %swap3A_234] {strides = array<i32>} : memref<25x80xf32, #tpu.memory_space<vmem>>, vector<16xf32>,
    tpu.vector_store %arg11[%swap3A_233, %swap3A_234], %broadcast_in_dim3A_0 {strides = array<i32>} : memref<25x80xf32, #tpu.memory_space<vmem>>, vector<16xf32>,
    %swap3A_236 = arith.constant 11 : i32
    %swap3A_237 = arith.index_cast %swap3A_236 : i32 to index
    %swap3A_238 = arith.constant 64 : index
    %swap3A_239 = tpu.vector_load %arg11[%swap3A_237, %swap3A_238] {strides = array<i32>} : memref<25x80xf32, #tpu.memory_space<vmem>>, vector<16xf32>,
    tpu.vector_store %arg11[%swap3A_237, %swap3A_238], %broadcast_in_dim3A_0 {strides = array<i32>} : memref<25x80xf32, #tpu.memory_space<vmem>>, vector<16xf32>,
    %swap3A_240 = arith.constant 12 : i32
    %swap3A_241 = arith.index_cast %swap3A_240 : i32 to index
    %swap3A_242 = arith.constant 0 : index
    %swap3A_243 = tpu.vector_load %arg11[%swap3A_241, %swap3A_242] {strides = array<i32>} : memref<25x80xf32, #tpu.memory_space<vmem>>, vector<16xf32>,
    tpu.vector_store %arg11[%swap3A_241, %swap3A_242], %broadcast_in_dim3A_0 {strides = array<i32>} : memref<25x80xf32, #tpu.memory_space<vmem>>, vector<16xf32>,
    %swap3A_244 = arith.constant 12 : i32
    %swap3A_245 = arith.index_cast %swap3A_244 : i32 to index
    %swap3A_246 = arith.constant 16 : index
    %swap3A_247 = tpu.vector_load %arg11[%swap3A_245, %swap3A_246] {strides = array<i32>} : memref<25x80xf32, #tpu.memory_space<vmem>>, vector<16xf32>,
    tpu.vector_store %arg11[%swap3A_245, %swap3A_246], %broadcast_in_dim3A_0 {strides = array<i32>} : memref<25x80xf32, #tpu.memory_space<vmem>>, vector<16xf32>,
    %swap3A_248 = arith.constant 12 : i32
    %swap3A_249 = arith.index_cast %swap3A_248 : i32 to index
    %swap3A_250 = arith.constant 32 : index
    %swap3A_251 = tpu.vector_load %arg11[%swap3A_249, %swap3A_250] {strides = array<i32>} : memref<25x80xf32, #tpu.memory_space<vmem>>, vector<16xf32>,
    tpu.vector_store %arg11[%swap3A_249, %swap3A_250], %broadcast_in_dim3A_0 {strides = array<i32>} : memref<25x80xf32, #tpu.memory_space<vmem>>, vector<16xf32>,
    %swap3A_252 = arith.constant 12 : i32
    %swap3A_253 = arith.index_cast %swap3A_252 : i32 to index
    %swap3A_254 = arith.constant 48 : index
    %swap3A_255 = tpu.vector_load %arg11[%swap3A_253, %swap3A_254] {strides = array<i32>} : memref<25x80xf32, #tpu.memory_space<vmem>>, vector<16xf32>,
    tpu.vector_store %arg11[%swap3A_253, %swap3A_254], %broadcast_in_dim3A_0 {strides = array<i32>} : memref<25x80xf32, #tpu.memory_space<vmem>>, vector<16xf32>,
    %swap3A_256 = arith.constant 12 : i32
    %swap3A_257 = arith.index_cast %swap3A_256 : i32 to index
    %swap3A_258 = arith.constant 64 : index
    %swap3A_259 = tpu.vector_load %arg11[%swap3A_257, %swap3A_258] {strides = array<i32>} : memref<25x80xf32, #tpu.memory_space<vmem>>, vector<16xf32>,
    tpu.vector_store %arg11[%swap3A_257, %swap3A_258], %broadcast_in_dim3A_0 {strides = array<i32>} : memref<25x80xf32, #tpu.memory_space<vmem>>, vector<16xf32>,
    %swap3A_260 = arith.constant 13 : i32
    %swap3A_261 = arith.index_cast %swap3A_260 : i32 to index
    %swap3A_262 = arith.constant 0 : index
    %swap3A_263 = tpu.vector_load %arg11[%swap3A_261, %swap3A_262] {strides = array<i32>} : memref<25x80xf32, #tpu.memory_space<vmem>>, vector<16xf32>,
    tpu.vector_store %arg11[%swap3A_261, %swap3A_262], %broadcast_in_dim3A_0 {strides = array<i32>} : memref<25x80xf32, #tpu.memory_space<vmem>>, vector<16xf32>,
    %swap3A_264 = arith.constant 13 : i32
    %swap3A_265 = arith.index_cast %swap3A_264 : i32 to index
    %swap3A_266 = arith.constant 16 : index
    %swap3A_267 = tpu.vector_load %arg11[%swap3A_265, %swap3A_266] {strides = array<i32>} : memref<25x80xf32, #tpu.memory_space<vmem>>, vector<16xf32>,
    tpu.vector_store %arg11[%swap3A_265, %swap3A_266], %broadcast_in_dim3A_0 {strides = array<i32>} : memref<25x80xf32, #tpu.memory_space<vmem>>, vector<16xf32>,
    %swap3A_268 = arith.constant 13 : i32
    %swap3A_269 = arith.index_cast %swap3A_268 : i32 to index
    %swap3A_270 = arith.constant 32 : index
    %swap3A_271 = tpu.vector_load %arg11[%swap3A_269, %swap3A_270] {strides = array<i32>} : memref<25x80xf32, #tpu.memory_space<vmem>>, vector<16xf32>,
    tpu.vector_store %arg11[%swap3A_269, %swap3A_270], %broadcast_in_dim3A_0 {strides = array<i32>} : memref<25x80xf32, #tpu.memory_space<vmem>>, vector<16xf32>,
    %swap3A_272 = arith.constant 13 : i32
    %swap3A_273 = arith.index_cast %swap3A_272 : i32 to index
    %swap3A_274 = arith.constant 48 : index
    %swap3A_275 = tpu.vector_load %arg11[%swap3A_273, %swap3A_274] {strides = array<i32>} : memref<25x80xf32, #tpu.memory_space<vmem>>, vector<16xf32>,
    tpu.vector_store %arg11[%swap3A_273, %swap3A_274], %broadcast_in_dim3A_0 {strides = array<i32>} : memref<25x80xf32, #tpu.memory_space<vmem>>, vector<16xf32>,
    %swap3A_276 = arith.constant 13 : i32
    %swap3A_277 = arith.index_cast %swap3A_276 : i32 to index
    %swap3A_278 = arith.constant 64 : index
    %swap3A_279 = tpu.vector_load %arg11[%swap3A_277, %swap3A_278] {strides = array<i32>} : memref<25x80xf32, #tpu.memory_space<vmem>>, vector<16xf32>,
    tpu.vector_store %arg11[%swap3A_277, %swap3A_278], %broadcast_in_dim3A_0 {strides = array<i32>} : memref<25x80xf32, #tpu.memory_space<vmem>>, vector<16xf32>,
    %swap3A_280 = arith.constant 14 : i32
    %swap3A_281 = arith.index_cast %swap3A_280 : i32 to index
    %swap3A_282 = arith.constant 0 : index
    %swap3A_283 = tpu.vector_load %arg11[%swap3A_281, %swap3A_282] {strides = array<i32>} : memref<25x80xf32, #tpu.memory_space<vmem>>, vector<16xf32>,
    tpu.vector_store %arg11[%swap3A_281, %swap3A_282], %broadcast_in_dim3A_0 {strides = array<i32>} : memref<25x80xf32, #tpu.memory_space<vmem>>, vector<16xf32>,
    %swap3A_284 = arith.constant 14 : i32
    %swap3A_285 = arith.index_cast %swap3A_284 : i32 to index
    %swap3A_286 = arith.constant 16 : index
    %swap3A_287 = tpu.vector_load %arg11[%swap3A_285, %swap3A_286] {strides = array<i32>} : memref<25x80xf32, #tpu.memory_space<vmem>>, vector<16xf32>,
    tpu.vector_store %arg11[%swap3A_285, %swap3A_286], %broadcast_in_dim3A_0 {strides = array<i32>} : memref<25x80xf32, #tpu.memory_space<vmem>>, vector<16xf32>,
    %swap3A_288 = arith.constant 14 : i32
    %swap3A_289 = arith.index_cast %swap3A_288 : i32 to index
    %swap3A_290 = arith.constant 32 : index
    %swap3A_291 = tpu.vector_load %arg11[%swap3A_289, %swap3A_290] {strides = array<i32>} : memref<25x80xf32, #tpu.memory_space<vmem>>, vector<16xf32>,
    tpu.vector_store %arg11[%swap3A_289, %swap3A_290], %broadcast_in_dim3A_0 {strides = array<i32>} : memref<25x80xf32, #tpu.memory_space<vmem>>, vector<16xf32>,
    %swap3A_292 = arith.constant 14 : i32
    %swap3A_293 = arith.index_cast %swap3A_292 : i32 to index
    %swap3A_294 = arith.constant 48 : index
    %swap3A_295 = tpu.vector_load %arg11[%swap3A_293, %swap3A_294] {strides = array<i32>} : memref<25x80xf32, #tpu.memory_space<vmem>>, vector<16xf32>,
    tpu.vector_store %arg11[%swap3A_293, %swap3A_294], %broadcast_in_dim3A_0 {strides = array<i32>} : memref<25x80xf32, #tpu.memory_space<vmem>>, vector<16xf32>,
    %swap3A_296 = arith.constant 14 : i32
    %swap3A_297 = arith.index_cast %swap3A_296 : i32 to index
    %swap3A_298 = arith.constant 64 : index
    %swap3A_299 = tpu.vector_load %arg11[%swap3A_297, %swap3A_298] {strides = array<i32>} : memref<25x80xf32, #tpu.memory_space<vmem>>, vector<16xf32>,
    tpu.vector_store %arg11[%swap3A_297, %swap3A_298], %broadcast_in_dim3A_0 {strides = array<i32>} : memref<25x80xf32, #tpu.memory_space<vmem>>, vector<16xf32>,
    %swap3A_300 = arith.constant 15 : i32
    %swap3A_301 = arith.index_cast %swap3A_300 : i32 to index
    %swap3A_302 = arith.constant 0 : index
    %swap3A_303 = tpu.vector_load %arg11[%swap3A_301, %swap3A_302] {strides = array<i32>} : memref<25x80xf32, #tpu.memory_space<vmem>>, vector<16xf32>,
    tpu.vector_store %arg11[%swap3A_301, %swap3A_302], %broadcast_in_dim3A_0 {strides = array<i32>} : memref<25x80xf32, #tpu.memory_space<vmem>>, vector<16xf32>,
    %swap3A_304 = arith.constant 15 : i32
    %swap3A_305 = arith.index_cast %swap3A_304 : i32 to index
    %swap3A_306 = arith.constant 16 : index
    %swap3A_307 = tpu.vector_load %arg11[%swap3A_305, %swap3A_306] {strides = array<i32>} : memref<25x80xf32, #tpu.memory_space<vmem>>, vector<16xf32>,
    tpu.vector_store %arg11[%swap3A_305, %swap3A_306], %broadcast_in_dim3A_0 {strides = array<i32>} : memref<25x80xf32, #tpu.memory_space<vmem>>, vector<16xf32>,
    %swap3A_308 = arith.constant 15 : i32
    %swap3A_309 = arith.index_cast %swap3A_308 : i32 to index
    %swap3A_310 = arith.constant 32 : index
    %swap3A_311 = tpu.vector_load %arg11[%swap3A_309, %swap3A_310] {strides = array<i32>} : memref<25x80xf32, #tpu.memory_space<vmem>>, vector<16xf32>,
    tpu.vector_store %arg11[%swap3A_309, %swap3A_310], %broadcast_in_dim3A_0 {strides = array<i32>} : memref<25x80xf32, #tpu.memory_space<vmem>>, vector<16xf32>,
    %swap3A_312 = arith.constant 15 : i32
    %swap3A_313 = arith.index_cast %swap3A_312 : i32 to index
    %swap3A_314 = arith.constant 48 : index
    %swap3A_315 = tpu.vector_load %arg11[%swap3A_313, %swap3A_314] {strides = array<i32>} : memref<25x80xf32, #tpu.memory_space<vmem>>, vector<16xf32>,
    tpu.vector_store %arg11[%swap3A_313, %swap3A_314], %broadcast_in_dim3A_0 {strides = array<i32>} : memref<25x80xf32, #tpu.memory_space<vmem>>, vector<16xf32>,
    %swap3A_316 = arith.constant 15 : i32
    %swap3A_317 = arith.index_cast %swap3A_316 : i32 to index
    %swap3A_318 = arith.constant 64 : index
    %swap3A_319 = tpu.vector_load %arg11[%swap3A_317, %swap3A_318] {strides = array<i32>} : memref<25x80xf32, #tpu.memory_space<vmem>>, vector<16xf32>,
    tpu.vector_store %arg11[%swap3A_317, %swap3A_318], %broadcast_in_dim3A_0 {strides = array<i32>} : memref<25x80xf32, #tpu.memory_space<vmem>>, vector<16xf32>,
    %swap3A_320 = arith.constant 16 : i32
    %swap3A_321 = arith.index_cast %swap3A_320 : i32 to index
    %swap3A_322 = arith.constant 0 : index
    %swap3A_323 = tpu.vector_load %arg11[%swap3A_321, %swap3A_322] {strides = array<i32>} : memref<25x80xf32, #tpu.memory_space<vmem>>, vector<16xf32>,
    tpu.vector_store %arg11[%swap3A_321, %swap3A_322], %broadcast_in_dim3A_0 {strides = array<i32>} : memref<25x80xf32, #tpu.memory_space<vmem>>, vector<16xf32>,
    %swap3A_324 = arith.constant 16 : i32
    %swap3A_325 = arith.index_cast %swap3A_324 : i32 to index
    %swap3A_326 = arith.constant 16 : index
    %swap3A_327 = tpu.vector_load %arg11[%swap3A_325, %swap3A_326] {strides = array<i32>} : memref<25x80xf32, #tpu.memory_space<vmem>>, vector<16xf32>,
    tpu.vector_store %arg11[%swap3A_325, %swap3A_326], %broadcast_in_dim3A_0 {strides = array<i32>} : memref<25x80xf32, #tpu.memory_space<vmem>>, vector<16xf32>,
    %swap3A_328 = arith.constant 16 : i32
    %swap3A_329 = arith.index_cast %swap3A_328 : i32 to index
    %swap3A_330 = arith.constant 32 : index
    %swap3A_331 = tpu.vector_load %arg11[%swap3A_329, %swap3A_330] {strides = array<i32>} : memref<25x80xf32, #tpu.memory_space<vmem>>, vector<16xf32>,
    tpu.vector_store %arg11[%swap3A_329, %swap3A_330], %broadcast_in_dim3A_0 {strides = array<i32>} : memref<25x80xf32, #tpu.memory_space<vmem>>, vector<16xf32>,
    %swap3A_332 = arith.constant 16 : i32
    %swap3A_333 = arith.index_cast %swap3A_332 : i32 to index
    %swap3A_334 = arith.constant 48 : index
    %swap3A_335 = tpu.vector_load %arg11[%swap3A_333, %swap3A_334] {strides = array<i32>} : memref<25x80xf32, #tpu.memory_space<vmem>>, vector<16xf32>,
    tpu.vector_store %arg11[%swap3A_333, %swap3A_334], %broadcast_in_dim3A_0 {strides = array<i32>} : memref<25x80xf32, #tpu.memory_space<vmem>>, vector<16xf32>,
    %swap3A_336 = arith.constant 16 : i32
    %swap3A_337 = arith.index_cast %swap3A_336 : i32 to index
    %swap3A_338 = arith.constant 64 : index
    %swap3A_339 = tpu.vector_load %arg11[%swap3A_337, %swap3A_338] {strides = array<i32>} : memref<25x80xf32, #tpu.memory_space<vmem>>, vector<16xf32>,
    tpu.vector_store %arg11[%swap3A_337, %swap3A_338], %broadcast_in_dim3A_0 {strides = array<i32>} : memref<25x80xf32, #tpu.memory_space<vmem>>, vector<16xf32>,
    %swap3A_340 = arith.constant 17 : i32
    %swap3A_341 = arith.index_cast %swap3A_340 : i32 to index
    %swap3A_342 = arith.constant 0 : index
    %swap3A_343 = tpu.vector_load %arg11[%swap3A_341, %swap3A_342] {strides = array<i32>} : memref<25x80xf32, #tpu.memory_space<vmem>>, vector<16xf32>,
    tpu.vector_store %arg11[%swap3A_341, %swap3A_342], %broadcast_in_dim3A_0 {strides = array<i32>} : memref<25x80xf32, #tpu.memory_space<vmem>>, vector<16xf32>,
    %swap3A_344 = arith.constant 17 : i32
    %swap3A_345 = arith.index_cast %swap3A_344 : i32 to index
    %swap3A_346 = arith.constant 16 : index
    %swap3A_347 = tpu.vector_load %arg11[%swap3A_345, %swap3A_346] {strides = array<i32>} : memref<25x80xf32, #tpu.memory_space<vmem>>, vector<16xf32>,
    tpu.vector_store %arg11[%swap3A_345, %swap3A_346], %broadcast_in_dim3A_0 {strides = array<i32>} : memref<25x80xf32, #tpu.memory_space<vmem>>, vector<16xf32>,
    %swap3A_348 = arith.constant 17 : i32
    %swap3A_349 = arith.index_cast %swap3A_348 : i32 to index
    %swap3A_350 = arith.constant 32 : index
    %swap3A_351 = tpu.vector_load %arg11[%swap3A_349, %swap3A_350] {strides = array<i32>} : memref<25x80xf32, #tpu.memory_space<vmem>>, vector<16xf32>,
    tpu.vector_store %arg11[%swap3A_349, %swap3A_350], %broadcast_in_dim3A_0 {strides = array<i32>} : memref<25x80xf32, #tpu.memory_space<vmem>>, vector<16xf32>,
    %swap3A_352 = arith.constant 17 : i32
    %swap3A_353 = arith.index_cast %swap3A_352 : i32 to index
    %swap3A_354 = arith.constant 48 : index
    %swap3A_355 = tpu.vector_load %arg11[%swap3A_353, %swap3A_354] {strides = array<i32>} : memref<25x80xf32, #tpu.memory_space<vmem>>, vector<16xf32>,
    tpu.vector_store %arg11[%swap3A_353, %swap3A_354], %broadcast_in_dim3A_0 {strides = array<i32>} : memref<25x80xf32, #tpu.memory_space<vmem>>, vector<16xf32>,
    %swap3A_356 = arith.constant 17 : i32
    %swap3A_357 = arith.index_cast %swap3A_356 : i32 to index
    %swap3A_358 = arith.constant 64 : index
    %swap3A_359 = tpu.vector_load %arg11[%swap3A_357, %swap3A_358] {strides = array<i32>} : memref<25x80xf32, #tpu.memory_space<vmem>>, vector<16xf32>,
    tpu.vector_store %arg11[%swap3A_357, %swap3A_358], %broadcast_in_dim3A_0 {strides = array<i32>} : memref<25x80xf32, #tpu.memory_space<vmem>>, vector<16xf32>,
    %swap3A_360 = arith.constant 18 : i32
    %swap3A_361 = arith.index_cast %swap3A_360 : i32 to index
    %swap3A_362 = arith.constant 0 : index
    %swap3A_363 = tpu.vector_load %arg11[%swap3A_361, %swap3A_362] {strides = array<i32>} : memref<25x80xf32, #tpu.memory_space<vmem>>, vector<16xf32>,
    tpu.vector_store %arg11[%swap3A_361, %swap3A_362], %broadcast_in_dim3A_0 {strides = array<i32>} : memref<25x80xf32, #tpu.memory_space<vmem>>, vector<16xf32>,
    %swap3A_364 = arith.constant 18 : i32
    %swap3A_365 = arith.index_cast %swap3A_364 : i32 to index
    %swap3A_366 = arith.constant 16 : index
    %swap3A_367 = tpu.vector_load %arg11[%swap3A_365, %swap3A_366] {strides = array<i32>} : memref<25x80xf32, #tpu.memory_space<vmem>>, vector<16xf32>,
    tpu.vector_store %arg11[%swap3A_365, %swap3A_366], %broadcast_in_dim3A_0 {strides = array<i32>} : memref<25x80xf32, #tpu.memory_space<vmem>>, vector<16xf32>,
    %swap3A_368 = arith.constant 18 : i32
    %swap3A_369 = arith.index_cast %swap3A_368 : i32 to index
    %swap3A_370 = arith.constant 32 : index
    %swap3A_371 = tpu.vector_load %arg11[%swap3A_369, %swap3A_370] {strides = array<i32>} : memref<25x80xf32, #tpu.memory_space<vmem>>, vector<16xf32>,
    tpu.vector_store %arg11[%swap3A_369, %swap3A_370], %broadcast_in_dim3A_0 {strides = array<i32>} : memref<25x80xf32, #tpu.memory_space<vmem>>, vector<16xf32>,
    %swap3A_372 = arith.constant 18 : i32
    %swap3A_373 = arith.index_cast %swap3A_372 : i32 to index
    %swap3A_374 = arith.constant 48 : index
    %swap3A_375 = tpu.vector_load %arg11[%swap3A_373, %swap3A_374] {strides = array<i32>} : memref<25x80xf32, #tpu.memory_space<vmem>>, vector<16xf32>,
    tpu.vector_store %arg11[%swap3A_373, %swap3A_374], %broadcast_in_dim3A_0 {strides = array<i32>} : memref<25x80xf32, #tpu.memory_space<vmem>>, vector<16xf32>,
    %swap3A_376 = arith.constant 18 : i32
    %swap3A_377 = arith.index_cast %swap3A_376 : i32 to index
    %swap3A_378 = arith.constant 64 : index
    %swap3A_379 = tpu.vector_load %arg11[%swap3A_377, %swap3A_378] {strides = array<i32>} : memref<25x80xf32, #tpu.memory_space<vmem>>, vector<16xf32>,
    tpu.vector_store %arg11[%swap3A_377, %swap3A_378], %broadcast_in_dim3A_0 {strides = array<i32>} : memref<25x80xf32, #tpu.memory_space<vmem>>, vector<16xf32>,
    %swap3A_380 = arith.constant 19 : i32
    %swap3A_381 = arith.index_cast %swap3A_380 : i32 to index
    %swap3A_382 = arith.constant 0 : index
    %swap3A_383 = tpu.vector_load %arg11[%swap3A_381, %swap3A_382] {strides = array<i32>} : memref<25x80xf32, #tpu.memory_space<vmem>>, vector<16xf32>,
    tpu.vector_store %arg11[%swap3A_381, %swap3A_382], %broadcast_in_dim3A_0 {strides = array<i32>} : memref<25x80xf32, #tpu.memory_space<vmem>>, vector<16xf32>,
    %swap3A_384 = arith.constant 19 : i32
    %swap3A_385 = arith.index_cast %swap3A_384 : i32 to index
    %swap3A_386 = arith.constant 16 : index
    %swap3A_387 = tpu.vector_load %arg11[%swap3A_385, %swap3A_386] {strides = array<i32>} : memref<25x80xf32, #tpu.memory_space<vmem>>, vector<16xf32>,
    tpu.vector_store %arg11[%swap3A_385, %swap3A_386], %broadcast_in_dim3A_0 {strides = array<i32>} : memref<25x80xf32, #tpu.memory_space<vmem>>, vector<16xf32>,
    %swap3A_388 = arith.constant 19 : i32
    %swap3A_389 = arith.index_cast %swap3A_388 : i32 to index
    %swap3A_390 = arith.constant 32 : index
    %swap3A_391 = tpu.vector_load %arg11[%swap3A_389, %swap3A_390] {strides = array<i32>} : memref<25x80xf32, #tpu.memory_space<vmem>>, vector<16xf32>,
    tpu.vector_store %arg11[%swap3A_389, %swap3A_390], %broadcast_in_dim3A_0 {strides = array<i32>} : memref<25x80xf32, #tpu.memory_space<vmem>>, vector<16xf32>,
    %swap3A_392 = arith.constant 19 : i32
    %swap3A_393 = arith.index_cast %swap3A_392 : i32 to index
    %swap3A_394 = arith.constant 48 : index
    %swap3A_395 = tpu.vector_load %arg11[%swap3A_393, %swap3A_394] {strides = array<i32>} : memref<25x80xf32, #tpu.memory_space<vmem>>, vector<16xf32>,
    tpu.vector_store %arg11[%swap3A_393, %swap3A_394], %broadcast_in_dim3A_0 {strides = array<i32>} : memref<25x80xf32, #tpu.memory_space<vmem>>, vector<16xf32>,
    %swap3A_396 = arith.constant 19 : i32
    %swap3A_397 = arith.index_cast %swap3A_396 : i32 to index
    %swap3A_398 = arith.constant 64 : index
    %swap3A_399 = tpu.vector_load %arg11[%swap3A_397, %swap3A_398] {strides = array<i32>} : memref<25x80xf32, #tpu.memory_space<vmem>>, vector<16xf32>,
    tpu.vector_store %arg11[%swap3A_397, %swap3A_398], %broadcast_in_dim3A_0 {strides = array<i32>} : memref<25x80xf32, #tpu.memory_space<vmem>>, vector<16xf32>,
    %swap3A_400 = arith.constant 20 : i32
    %swap3A_401 = arith.index_cast %swap3A_400 : i32 to index
    %swap3A_402 = arith.constant 0 : index
    %swap3A_403 = tpu.vector_load %arg11[%swap3A_401, %swap3A_402] {strides = array<i32>} : memref<25x80xf32, #tpu.memory_space<vmem>>, vector<16xf32>,
    tpu.vector_store %arg11[%swap3A_401, %swap3A_402], %broadcast_in_dim3A_0 {strides = array<i32>} : memref<25x80xf32, #tpu.memory_space<vmem>>, vector<16xf32>,
    %swap3A_404 = arith.constant 20 : i32
    %swap3A_405 = arith.index_cast %swap3A_404 : i32 to index
    %swap3A_406 = arith.constant 16 : index
    %swap3A_407 = tpu.vector_load %arg11[%swap3A_405, %swap3A_406] {strides = array<i32>} : memref<25x80xf32, #tpu.memory_space<vmem>>, vector<16xf32>,
    tpu.vector_store %arg11[%swap3A_405, %swap3A_406], %broadcast_in_dim3A_0 {strides = array<i32>} : memref<25x80xf32, #tpu.memory_space<vmem>>, vector<16xf32>,
    %swap3A_408 = arith.constant 20 : i32
    %swap3A_409 = arith.index_cast %swap3A_408 : i32 to index
    %swap3A_410 = arith.constant 32 : index
    %swap3A_411 = tpu.vector_load %arg11[%swap3A_409, %swap3A_410] {strides = array<i32>} : memref<25x80xf32, #tpu.memory_space<vmem>>, vector<16xf32>,
    tpu.vector_store %arg11[%swap3A_409, %swap3A_410], %broadcast_in_dim3A_0 {strides = array<i32>} : memref<25x80xf32, #tpu.memory_space<vmem>>, vector<16xf32>,
    %swap3A_412 = arith.constant 20 : i32
    %swap3A_413 = arith.index_cast %swap3A_412 : i32 to index
    %swap3A_414 = arith.constant 48 : index
    %swap3A_415 = tpu.vector_load %arg11[%swap3A_413, %swap3A_414] {strides = array<i32>} : memref<25x80xf32, #tpu.memory_space<vmem>>, vector<16xf32>,
    tpu.vector_store %arg11[%swap3A_413, %swap3A_414], %broadcast_in_dim3A_0 {strides = array<i32>} : memref<25x80xf32, #tpu.memory_space<vmem>>, vector<16xf32>,
    %swap3A_416 = arith.constant 20 : i32
    %swap3A_417 = arith.index_cast %swap3A_416 : i32 to index
    %swap3A_418 = arith.constant 64 : index
    %swap3A_419 = tpu.vector_load %arg11[%swap3A_417, %swap3A_418] {strides = array<i32>} : memref<25x80xf32, #tpu.memory_space<vmem>>, vector<16xf32>,
    tpu.vector_store %arg11[%swap3A_417, %swap3A_418], %broadcast_in_dim3A_0 {strides = array<i32>} : memref<25x80xf32, #tpu.memory_space<vmem>>, vector<16xf32>,
    %swap3A_420 = arith.constant 21 : i32
    %swap3A_421 = arith.index_cast %swap3A_420 : i32 to index
    %swap3A_422 = arith.constant 0 : index
    %swap3A_423 = tpu.vector_load %arg11[%swap3A_421, %swap3A_422] {strides = array<i32>} : memref<25x80xf32, #tpu.memory_space<vmem>>, vector<16xf32>,
    tpu.vector_store %arg11[%swap3A_421, %swap3A_422], %broadcast_in_dim3A_0 {strides = array<i32>} : memref<25x80xf32, #tpu.memory_space<vmem>>, vector<16xf32>,
    %swap3A_424 = arith.constant 21 : i32
    %swap3A_425 = arith.index_cast %swap3A_424 : i32 to index
    %swap3A_426 = arith.constant 16 : index
    %swap3A_427 = tpu.vector_load %arg11[%swap3A_425, %swap3A_426] {strides = array<i32>} : memref<25x80xf32, #tpu.memory_space<vmem>>, vector<16xf32>,
    tpu.vector_store %arg11[%swap3A_425, %swap3A_426], %broadcast_in_dim3A_0 {strides = array<i32>} : memref<25x80xf32, #tpu.memory_space<vmem>>, vector<16xf32>,
    %swap3A_428 = arith.constant 21 : i32
    %swap3A_429 = arith.index_cast %swap3A_428 : i32 to index
    %swap3A_430 = arith.constant 32 : index
    %swap3A_431 = tpu.vector_load %arg11[%swap3A_429, %swap3A_430] {strides = array<i32>} : memref<25x80xf32, #tpu.memory_space<vmem>>, vector<16xf32>,
    tpu.vector_store %arg11[%swap3A_429, %swap3A_430], %broadcast_in_dim3A_0 {strides = array<i32>} : memref<25x80xf32, #tpu.memory_space<vmem>>, vector<16xf32>,
    %swap3A_432 = arith.constant 21 : i32
    %swap3A_433 = arith.index_cast %swap3A_432 : i32 to index
    %swap3A_434 = arith.constant 48 : index
    %swap3A_435 = tpu.vector_load %arg11[%swap3A_433, %swap3A_434] {strides = array<i32>} : memref<25x80xf32, #tpu.memory_space<vmem>>, vector<16xf32>,
    tpu.vector_store %arg11[%swap3A_433, %swap3A_434], %broadcast_in_dim3A_0 {strides = array<i32>} : memref<25x80xf32, #tpu.memory_space<vmem>>, vector<16xf32>,
    %swap3A_436 = arith.constant 21 : i32
    %swap3A_437 = arith.index_cast %swap3A_436 : i32 to index
    %swap3A_438 = arith.constant 64 : index
    %swap3A_439 = tpu.vector_load %arg11[%swap3A_437, %swap3A_438] {strides = array<i32>} : memref<25x80xf32, #tpu.memory_space<vmem>>, vector<16xf32>,
    tpu.vector_store %arg11[%swap3A_437, %swap3A_438], %broadcast_in_dim3A_0 {strides = array<i32>} : memref<25x80xf32, #tpu.memory_space<vmem>>, vector<16xf32>,
    %swap3A_440 = arith.constant 22 : i32
    %swap3A_441 = arith.index_cast %swap3A_440 : i32 to index
    %swap3A_442 = arith.constant 0 : index
    %swap3A_443 = tpu.vector_load %arg11[%swap3A_441, %swap3A_442] {strides = array<i32>} : memref<25x80xf32, #tpu.memory_space<vmem>>, vector<16xf32>,
    tpu.vector_store %arg11[%swap3A_441, %swap3A_442], %broadcast_in_dim3A_0 {strides = array<i32>} : memref<25x80xf32, #tpu.memory_space<vmem>>, vector<16xf32>,
    %swap3A_444 = arith.constant 22 : i32
    %swap3A_445 = arith.index_cast %swap3A_444 : i32 to index
    %swap3A_446 = arith.constant 16 : index
    %swap3A_447 = tpu.vector_load %arg11[%swap3A_445, %swap3A_446] {strides = array<i32>} : memref<25x80xf32, #tpu.memory_space<vmem>>, vector<16xf32>,
    tpu.vector_store %arg11[%swap3A_445, %swap3A_446], %broadcast_in_dim3A_0 {strides = array<i32>} : memref<25x80xf32, #tpu.memory_space<vmem>>, vector<16xf32>,
    %swap3A_448 = arith.constant 22 : i32
    %swap3A_449 = arith.index_cast %swap3A_448 : i32 to index
    %swap3A_450 = arith.constant 32 : index
    %swap3A_451 = tpu.vector_load %arg11[%swap3A_449, %swap3A_450] {strides = array<i32>} : memref<25x80xf32, #tpu.memory_space<vmem>>, vector<16xf32>,
    tpu.vector_store %arg11[%swap3A_449, %swap3A_450], %broadcast_in_dim3A_0 {strides = array<i32>} : memref<25x80xf32, #tpu.memory_space<vmem>>, vector<16xf32>,
    %swap3A_452 = arith.constant 22 : i32
    %swap3A_453 = arith.index_cast %swap3A_452 : i32 to index
    %swap3A_454 = arith.constant 48 : index
    %swap3A_455 = tpu.vector_load %arg11[%swap3A_453, %swap3A_454] {strides = array<i32>} : memref<25x80xf32, #tpu.memory_space<vmem>>, vector<16xf32>,
    tpu.vector_store %arg11[%swap3A_453, %swap3A_454], %broadcast_in_dim3A_0 {strides = array<i32>} : memref<25x80xf32, #tpu.memory_space<vmem>>, vector<16xf32>,
    %swap3A_456 = arith.constant 22 : i32
    %swap3A_457 = arith.index_cast %swap3A_456 : i32 to index
    %swap3A_458 = arith.constant 64 : index
    %swap3A_459 = tpu.vector_load %arg11[%swap3A_457, %swap3A_458] {strides = array<i32>} : memref<25x80xf32, #tpu.memory_space<vmem>>, vector<16xf32>,
    tpu.vector_store %arg11[%swap3A_457, %swap3A_458], %broadcast_in_dim3A_0 {strides = array<i32>} : memref<25x80xf32, #tpu.memory_space<vmem>>, vector<16xf32>,
    %swap3A_460 = arith.constant 23 : i32
    %swap3A_461 = arith.index_cast %swap3A_460 : i32 to index
    %swap3A_462 = arith.constant 0 : index
    %swap3A_463 = tpu.vector_load %arg11[%swap3A_461, %swap3A_462] {strides = array<i32>} : memref<25x80xf32, #tpu.memory_space<vmem>>, vector<16xf32>,
    tpu.vector_store %arg11[%swap3A_461, %swap3A_462], %broadcast_in_dim3A_0 {strides = array<i32>} : memref<25x80xf32, #tpu.memory_space<vmem>>, vector<16xf32>,
    %swap3A_464 = arith.constant 23 : i32
    %swap3A_465 = arith.index_cast %swap3A_464 : i32 to index
    %swap3A_466 = arith.constant 16 : index
    %swap3A_467 = tpu.vector_load %arg11[%swap3A_465, %swap3A_466] {strides = array<i32>} : memref<25x80xf32, #tpu.memory_space<vmem>>, vector<16xf32>,
    tpu.vector_store %arg11[%swap3A_465, %swap3A_466], %broadcast_in_dim3A_0 {strides = array<i32>} : memref<25x80xf32, #tpu.memory_space<vmem>>, vector<16xf32>,
    %swap3A_468 = arith.constant 23 : i32
    %swap3A_469 = arith.index_cast %swap3A_468 : i32 to index
    %swap3A_470 = arith.constant 32 : index
    %swap3A_471 = tpu.vector_load %arg11[%swap3A_469, %swap3A_470] {strides = array<i32>} : memref<25x80xf32, #tpu.memory_space<vmem>>, vector<16xf32>,
    tpu.vector_store %arg11[%swap3A_469, %swap3A_470], %broadcast_in_dim3A_0 {strides = array<i32>} : memref<25x80xf32, #tpu.memory_space<vmem>>, vector<16xf32>,
    %swap3A_472 = arith.constant 23 : i32
    %swap3A_473 = arith.index_cast %swap3A_472 : i32 to index
    %swap3A_474 = arith.constant 48 : index
    %swap3A_475 = tpu.vector_load %arg11[%swap3A_473, %swap3A_474] {strides = array<i32>} : memref<25x80xf32, #tpu.memory_space<vmem>>, vector<16xf32>,
    tpu.vector_store %arg11[%swap3A_473, %swap3A_474], %broadcast_in_dim3A_0 {strides = array<i32>} : memref<25x80xf32, #tpu.memory_space<vmem>>, vector<16xf32>,
    %swap3A_476 = arith.constant 23 : i32
    %swap3A_477 = arith.index_cast %swap3A_476 : i32 to index
    %swap3A_478 = arith.constant 64 : index
    %swap3A_479 = tpu.vector_load %arg11[%swap3A_477, %swap3A_478] {strides = array<i32>} : memref<25x80xf32, #tpu.memory_space<vmem>>, vector<16xf32>,
    tpu.vector_store %arg11[%swap3A_477, %swap3A_478], %broadcast_in_dim3A_0 {strides = array<i32>} : memref<25x80xf32, #tpu.memory_space<vmem>>, vector<16xf32>,
    %swap3A_480 = arith.constant 24 : i32
    %swap3A_481 = arith.index_cast %swap3A_480 : i32 to index
    %swap3A_482 = arith.constant 0 : index
    %swap3A_483 = tpu.vector_load %arg11[%swap3A_481, %swap3A_482] {strides = array<i32>} : memref<25x80xf32, #tpu.memory_space<vmem>>, vector<16xf32>,
    tpu.vector_store %arg11[%swap3A_481, %swap3A_482], %broadcast_in_dim3A_0 {strides = array<i32>} : memref<25x80xf32, #tpu.memory_space<vmem>>, vector<16xf32>,
    %swap3A_484 = arith.constant 24 : i32
    %swap3A_485 = arith.index_cast %swap3A_484 : i32 to index
    %swap3A_486 = arith.constant 16 : index
    %swap3A_487 = tpu.vector_load %arg11[%swap3A_485, %swap3A_486] {strides = array<i32>} : memref<25x80xf32, #tpu.memory_space<vmem>>, vector<16xf32>,
    tpu.vector_store %arg11[%swap3A_485, %swap3A_486], %broadcast_in_dim3A_0 {strides = array<i32>} : memref<25x80xf32, #tpu.memory_space<vmem>>, vector<16xf32>,
    %swap3A_488 = arith.constant 24 : i32
    %swap3A_489 = arith.index_cast %swap3A_488 : i32 to index
    %swap3A_490 = arith.constant 32 : index
    %swap3A_491 = tpu.vector_load %arg11[%swap3A_489, %swap3A_490] {strides = array<i32>} : memref<25x80xf32, #tpu.memory_space<vmem>>, vector<16xf32>,
    tpu.vector_store %arg11[%swap3A_489, %swap3A_490], %broadcast_in_dim3A_0 {strides = array<i32>} : memref<25x80xf32, #tpu.memory_space<vmem>>, vector<16xf32>,
    %swap3A_492 = arith.constant 24 : i32
    %swap3A_493 = arith.index_cast %swap3A_492 : i32 to index
    %swap3A_494 = arith.constant 48 : index
    %swap3A_495 = tpu.vector_load %arg11[%swap3A_493, %swap3A_494] {strides = array<i32>} : memref<25x80xf32, #tpu.memory_space<vmem>>, vector<16xf32>,
    tpu.vector_store %arg11[%swap3A_493, %swap3A_494], %broadcast_in_dim3A_0 {strides = array<i32>} : memref<25x80xf32, #tpu.memory_space<vmem>>, vector<16xf32>,
    %swap3A_496 = arith.constant 24 : i32
    %swap3A_497 = arith.index_cast %swap3A_496 : i32 to index
    %swap3A_498 = arith.constant 64 : index
    %swap3A_499 = tpu.vector_load %arg11[%swap3A_497, %swap3A_498] {strides = array<i32>} : memref<25x80xf32, #tpu.memory_space<vmem>>, vector<16xf32>,
    tpu.vector_store %arg11[%swap3A_497, %swap3A_498], %broadcast_in_dim3A_0 {strides = array<i32>} : memref<25x80xf32, #tpu.memory_space<vmem>>, vector<16xf32>,
    %mul3A = arith.constant 625 : i32
    %mul3A_500 = arith.muli %arg1, %mul3A : i32
    %add3A = arith.constant 0 : i32
    %add3A_501 = arith.addi %mul3A_500, %add3A : i32
    "tpu.region"() ({
      %run_scoped3A = tpu.sem_alloc : memref<!tpu.dma_semaphore, #tpu.memory_space<semaphore_mem>>
      %dma_start3A = arith.constant 0 : i32
      %dma_start3A_607 = tpu.memref_slice %arg6[%add3A_501, %dma_start3A] : memref<10000x80xf32, #tpu.memory_space<vmem_shared>> -> memref<25x80xf32, #tpu.memory_space<vmem_shared>>
      %dma_start3A_608 = arith.constant 0 : i32
      %dma_start3A_609 = tpu.memref_slice %arg6[%add3A_501, %dma_start3A_608] : memref<10000x80xf32, #tpu.memory_space<vmem_shared>> -> memref<25x80xf32, #tpu.memory_space<vmem_shared>>
      tpu.enqueue_dma source(%arg11 : memref<25x80xf32, #tpu.memory_space<vmem>>) target(%dma_start3A_609 : memref<25x80xf32, #tpu.memory_space<vmem_shared>>) target_semaphore(%run_scoped3A : memref<!tpu.dma_semaphore, #tpu.memory_space<semaphore_mem>>)
      %dma_wait3A = arith.constant 0 : i32
      %dma_wait3A_610 = tpu.memref_slice %arg6[%add3A_501, %dma_wait3A] : memref<10000x80xf32, #tpu.memory_space<vmem_shared>> -> memref<25x80xf32, #tpu.memory_space<vmem_shared>>
      %dma_wait3A_611 = arith.constant 0 : i32
      %dma_wait3A_612 = tpu.memref_slice %arg6[%add3A_501, %dma_wait3A_611] : memref<10000x80xf32, #tpu.memory_space<vmem_shared>> -> memref<25x80xf32, #tpu.memory_space<vmem_shared>>
      tpu.wait_dma2 semaphore(%run_scoped3A : memref<!tpu.dma_semaphore, #tpu.memory_space<semaphore_mem>>) src(%arg11 : memref<25x80xf32, #tpu.memory_space<vmem>>) dst(%dma_wait3A_612 : memref<25x80xf32, #tpu.memory_space<vmem_shared>>)
      tpu.yield
    }) : () -> ()
    %mul3A_502 = arith.constant 625 : i32
    %mul3A_503 = arith.muli %arg1, %mul3A_502 : i32
    %add3A_504 = arith.constant 25 : i32
    %add3A_505 = arith.addi %mul3A_503, %add3A_504 : i32
    "tpu.region"() ({
      %run_scoped3A = tpu.sem_alloc : memref<!tpu.dma_semaphore, #tpu.memory_space<semaphore_mem>>
      %dma_start3A = arith.constant 0 : i32
      %dma_start3A_607 = tpu.memref_slice %arg6[%add3A_505, %dma_start3A] : memref<10000x80xf32, #tpu.memory_space<vmem_shared>> -> memref<25x80xf32, #tpu.memory_space<vmem_shared>>
      %dma_start3A_608 = arith.constant 0 : i32
      %dma_start3A_609 = tpu.memref_slice %arg6[%add3A_505, %dma_start3A_608] : memref<10000x80xf32, #tpu.memory_space<vmem_shared>> -> memref<25x80xf32, #tpu.memory_space<vmem_shared>>
      tpu.enqueue_dma source(%arg11 : memref<25x80xf32, #tpu.memory_space<vmem>>) target(%dma_start3A_609 : memref<25x80xf32, #tpu.memory_space<vmem_shared>>) target_semaphore(%run_scoped3A : memref<!tpu.dma_semaphore, #tpu.memory_space<semaphore_mem>>)
      %dma_wait3A = arith.constant 0 : i32
      %dma_wait3A_610 = tpu.memref_slice %arg6[%add3A_505, %dma_wait3A] : memref<10000x80xf32, #tpu.memory_space<vmem_shared>> -> memref<25x80xf32, #tpu.memory_space<vmem_shared>>
      %dma_wait3A_611 = arith.constant 0 : i32
      %dma_wait3A_612 = tpu.memref_slice %arg6[%add3A_505, %dma_wait3A_611] : memref<10000x80xf32, #tpu.memory_space<vmem_shared>> -> memref<25x80xf32, #tpu.memory_space<vmem_shared>>
      tpu.wait_dma2 semaphore(%run_scoped3A : memref<!tpu.dma_semaphore, #tpu.memory_space<semaphore_mem>>) src(%arg11 : memref<25x80xf32, #tpu.memory_space<vmem>>) dst(%dma_wait3A_612 : memref<25x80xf32, #tpu.memory_space<vmem_shared>>)
      tpu.yield
    }) : () -> ()
    %mul3A_506 = arith.constant 625 : i32
    %mul3A_507 = arith.muli %arg1, %mul3A_506 : i32
    %add3A_508 = arith.constant 50 : i32
    %add3A_509 = arith.addi %mul3A_507, %add3A_508 : i32
    "tpu.region"() ({
      %run_scoped3A = tpu.sem_alloc : memref<!tpu.dma_semaphore, #tpu.memory_space<semaphore_mem>>
      %dma_start3A = arith.constant 0 : i32
      %dma_start3A_607 = tpu.memref_slice %arg6[%add3A_509, %dma_start3A] : memref<10000x80xf32, #tpu.memory_space<vmem_shared>> -> memref<25x80xf32, #tpu.memory_space<vmem_shared>>
      %dma_start3A_608 = arith.constant 0 : i32
      %dma_start3A_609 = tpu.memref_slice %arg6[%add3A_509, %dma_start3A_608] : memref<10000x80xf32, #tpu.memory_space<vmem_shared>> -> memref<25x80xf32, #tpu.memory_space<vmem_shared>>
      tpu.enqueue_dma source(%arg11 : memref<25x80xf32, #tpu.memory_space<vmem>>) target(%dma_start3A_609 : memref<25x80xf32, #tpu.memory_space<vmem_shared>>) target_semaphore(%run_scoped3A : memref<!tpu.dma_semaphore, #tpu.memory_space<semaphore_mem>>)
      %dma_wait3A = arith.constant 0 : i32
      %dma_wait3A_610 = tpu.memref_slice %arg6[%add3A_509, %dma_wait3A] : memref<10000x80xf32, #tpu.memory_space<vmem_shared>> -> memref<25x80xf32, #tpu.memory_space<vmem_shared>>
      %dma_wait3A_611 = arith.constant 0 : i32
      %dma_wait3A_612 = tpu.memref_slice %arg6[%add3A_509, %dma_wait3A_611] : memref<10000x80xf32, #tpu.memory_space<vmem_shared>> -> memref<25x80xf32, #tpu.memory_space<vmem_shared>>
      tpu.wait_dma2 semaphore(%run_scoped3A : memref<!tpu.dma_semaphore, #tpu.memory_space<semaphore_mem>>) src(%arg11 : memref<25x80xf32, #tpu.memory_space<vmem>>) dst(%dma_wait3A_612 : memref<25x80xf32, #tpu.memory_space<vmem_shared>>)
      tpu.yield
    }) : () -> ()
    %mul3A_510 = arith.constant 625 : i32
    %mul3A_511 = arith.muli %arg1, %mul3A_510 : i32
    %add3A_512 = arith.constant 75 : i32
    %add3A_513 = arith.addi %mul3A_511, %add3A_512 : i32
    "tpu.region"() ({
      %run_scoped3A = tpu.sem_alloc : memref<!tpu.dma_semaphore, #tpu.memory_space<semaphore_mem>>
      %dma_start3A = arith.constant 0 : i32
      %dma_start3A_607 = tpu.memref_slice %arg6[%add3A_513, %dma_start3A] : memref<10000x80xf32, #tpu.memory_space<vmem_shared>> -> memref<25x80xf32, #tpu.memory_space<vmem_shared>>
      %dma_start3A_608 = arith.constant 0 : i32
      %dma_start3A_609 = tpu.memref_slice %arg6[%add3A_513, %dma_start3A_608] : memref<10000x80xf32, #tpu.memory_space<vmem_shared>> -> memref<25x80xf32, #tpu.memory_space<vmem_shared>>
      tpu.enqueue_dma source(%arg11 : memref<25x80xf32, #tpu.memory_space<vmem>>) target(%dma_start3A_609 : memref<25x80xf32, #tpu.memory_space<vmem_shared>>) target_semaphore(%run_scoped3A : memref<!tpu.dma_semaphore, #tpu.memory_space<semaphore_mem>>)
      %dma_wait3A = arith.constant 0 : i32
      %dma_wait3A_610 = tpu.memref_slice %arg6[%add3A_513, %dma_wait3A] : memref<10000x80xf32, #tpu.memory_space<vmem_shared>> -> memref<25x80xf32, #tpu.memory_space<vmem_shared>>
      %dma_wait3A_611 = arith.constant 0 : i32
      %dma_wait3A_612 = tpu.memref_slice %arg6[%add3A_513, %dma_wait3A_611] : memref<10000x80xf32, #tpu.memory_space<vmem_shared>> -> memref<25x80xf32, #tpu.memory_space<vmem_shared>>
      tpu.wait_dma2 semaphore(%run_scoped3A : memref<!tpu.dma_semaphore, #tpu.memory_space<semaphore_mem>>) src(%arg11 : memref<25x80xf32, #tpu.memory_space<vmem>>) dst(%dma_wait3A_612 : memref<25x80xf32, #tpu.memory_space<vmem_shared>>)
      tpu.yield
    }) : () -> ()
    %mul3A_514 = arith.constant 625 : i32
    %mul3A_515 = arith.muli %arg1, %mul3A_514 : i32
    %add3A_516 = arith.constant 100 : i32
    %add3A_517 = arith.addi %mul3A_515, %add3A_516 : i32
    "tpu.region"() ({
      %run_scoped3A = tpu.sem_alloc : memref<!tpu.dma_semaphore, #tpu.memory_space<semaphore_mem>>
      %dma_start3A = arith.constant 0 : i32
      %dma_start3A_607 = tpu.memref_slice %arg6[%add3A_517, %dma_start3A] : memref<10000x80xf32, #tpu.memory_space<vmem_shared>> -> memref<25x80xf32, #tpu.memory_space<vmem_shared>>
      %dma_start3A_608 = arith.constant 0 : i32
      %dma_start3A_609 = tpu.memref_slice %arg6[%add3A_517, %dma_start3A_608] : memref<10000x80xf32, #tpu.memory_space<vmem_shared>> -> memref<25x80xf32, #tpu.memory_space<vmem_shared>>
      tpu.enqueue_dma source(%arg11 : memref<25x80xf32, #tpu.memory_space<vmem>>) target(%dma_start3A_609 : memref<25x80xf32, #tpu.memory_space<vmem_shared>>) target_semaphore(%run_scoped3A : memref<!tpu.dma_semaphore, #tpu.memory_space<semaphore_mem>>)
      %dma_wait3A = arith.constant 0 : i32
      %dma_wait3A_610 = tpu.memref_slice %arg6[%add3A_517, %dma_wait3A] : memref<10000x80xf32, #tpu.memory_space<vmem_shared>> -> memref<25x80xf32, #tpu.memory_space<vmem_shared>>
      %dma_wait3A_611 = arith.constant 0 : i32
      %dma_wait3A_612 = tpu.memref_slice %arg6[%add3A_517, %dma_wait3A_611] : memref<10000x80xf32, #tpu.memory_space<vmem_shared>> -> memref<25x80xf32, #tpu.memory_space<vmem_shared>>
      tpu.wait_dma2 semaphore(%run_scoped3A : memref<!tpu.dma_semaphore, #tpu.memory_space<semaphore_mem>>) src(%arg11 : memref<25x80xf32, #tpu.memory_space<vmem>>) dst(%dma_wait3A_612 : memref<25x80xf32, #tpu.memory_space<vmem_shared>>)
      tpu.yield
    }) : () -> ()
    %mul3A_518 = arith.constant 625 : i32
    %mul3A_519 = arith.muli %arg1, %mul3A_518 : i32
    %add3A_520 = arith.constant 125 : i32
    %add3A_521 = arith.addi %mul3A_519, %add3A_520 : i32
    "tpu.region"() ({
      %run_scoped3A = tpu.sem_alloc : memref<!tpu.dma_semaphore, #tpu.memory_space<semaphore_mem>>
      %dma_start3A = arith.constant 0 : i32
      %dma_start3A_607 = tpu.memref_slice %arg6[%add3A_521, %dma_start3A] : memref<10000x80xf32, #tpu.memory_space<vmem_shared>> -> memref<25x80xf32, #tpu.memory_space<vmem_shared>>
      %dma_start3A_608 = arith.constant 0 : i32
      %dma_start3A_609 = tpu.memref_slice %arg6[%add3A_521, %dma_start3A_608] : memref<10000x80xf32, #tpu.memory_space<vmem_shared>> -> memref<25x80xf32, #tpu.memory_space<vmem_shared>>
      tpu.enqueue_dma source(%arg11 : memref<25x80xf32, #tpu.memory_space<vmem>>) target(%dma_start3A_609 : memref<25x80xf32, #tpu.memory_space<vmem_shared>>) target_semaphore(%run_scoped3A : memref<!tpu.dma_semaphore, #tpu.memory_space<semaphore_mem>>)
      %dma_wait3A = arith.constant 0 : i32
      %dma_wait3A_610 = tpu.memref_slice %arg6[%add3A_521, %dma_wait3A] : memref<10000x80xf32, #tpu.memory_space<vmem_shared>> -> memref<25x80xf32, #tpu.memory_space<vmem_shared>>
      %dma_wait3A_611 = arith.constant 0 : i32
      %dma_wait3A_612 = tpu.memref_slice %arg6[%add3A_521, %dma_wait3A_611] : memref<10000x80xf32, #tpu.memory_space<vmem_shared>> -> memref<25x80xf32, #tpu.memory_space<vmem_shared>>
      tpu.wait_dma2 semaphore(%run_scoped3A : memref<!tpu.dma_semaphore, #tpu.memory_space<semaphore_mem>>) src(%arg11 : memref<25x80xf32, #tpu.memory_space<vmem>>) dst(%dma_wait3A_612 : memref<25x80xf32, #tpu.memory_space<vmem_shared>>)
      tpu.yield
    }) : () -> ()
    %mul3A_522 = arith.constant 625 : i32
    %mul3A_523 = arith.muli %arg1, %mul3A_522 : i32
    %add3A_524 = arith.constant 150 : i32
    %add3A_525 = arith.addi %mul3A_523, %add3A_524 : i32
    "tpu.region"() ({
      %run_scoped3A = tpu.sem_alloc : memref<!tpu.dma_semaphore, #tpu.memory_space<semaphore_mem>>
      %dma_start3A = arith.constant 0 : i32
      %dma_start3A_607 = tpu.memref_slice %arg6[%add3A_525, %dma_start3A] : memref<10000x80xf32, #tpu.memory_space<vmem_shared>> -> memref<25x80xf32, #tpu.memory_space<vmem_shared>>
      %dma_start3A_608 = arith.constant 0 : i32
      %dma_start3A_609 = tpu.memref_slice %arg6[%add3A_525, %dma_start3A_608] : memref<10000x80xf32, #tpu.memory_space<vmem_shared>> -> memref<25x80xf32, #tpu.memory_space<vmem_shared>>
      tpu.enqueue_dma source(%arg11 : memref<25x80xf32, #tpu.memory_space<vmem>>) target(%dma_start3A_609 : memref<25x80xf32, #tpu.memory_space<vmem_shared>>) target_semaphore(%run_scoped3A : memref<!tpu.dma_semaphore, #tpu.memory_space<semaphore_mem>>)
      %dma_wait3A = arith.constant 0 : i32
      %dma_wait3A_610 = tpu.memref_slice %arg6[%add3A_525, %dma_wait3A] : memref<10000x80xf32, #tpu.memory_space<vmem_shared>> -> memref<25x80xf32, #tpu.memory_space<vmem_shared>>
      %dma_wait3A_611 = arith.constant 0 : i32
      %dma_wait3A_612 = tpu.memref_slice %arg6[%add3A_525, %dma_wait3A_611] : memref<10000x80xf32, #tpu.memory_space<vmem_shared>> -> memref<25x80xf32, #tpu.memory_space<vmem_shared>>
      tpu.wait_dma2 semaphore(%run_scoped3A : memref<!tpu.dma_semaphore, #tpu.memory_space<semaphore_mem>>) src(%arg11 : memref<25x80xf32, #tpu.memory_space<vmem>>) dst(%dma_wait3A_612 : memref<25x80xf32, #tpu.memory_space<vmem_shared>>)
      tpu.yield
    }) : () -> ()
    %mul3A_526 = arith.constant 625 : i32
    %mul3A_527 = arith.muli %arg1, %mul3A_526 : i32
    %add3A_528 = arith.constant 175 : i32
    %add3A_529 = arith.addi %mul3A_527, %add3A_528 : i32
    "tpu.region"() ({
      %run_scoped3A = tpu.sem_alloc : memref<!tpu.dma_semaphore, #tpu.memory_space<semaphore_mem>>
      %dma_start3A = arith.constant 0 : i32
      %dma_start3A_607 = tpu.memref_slice %arg6[%add3A_529, %dma_start3A] : memref<10000x80xf32, #tpu.memory_space<vmem_shared>> -> memref<25x80xf32, #tpu.memory_space<vmem_shared>>
      %dma_start3A_608 = arith.constant 0 : i32
      %dma_start3A_609 = tpu.memref_slice %arg6[%add3A_529, %dma_start3A_608] : memref<10000x80xf32, #tpu.memory_space<vmem_shared>> -> memref<25x80xf32, #tpu.memory_space<vmem_shared>>
      tpu.enqueue_dma source(%arg11 : memref<25x80xf32, #tpu.memory_space<vmem>>) target(%dma_start3A_609 : memref<25x80xf32, #tpu.memory_space<vmem_shared>>) target_semaphore(%run_scoped3A : memref<!tpu.dma_semaphore, #tpu.memory_space<semaphore_mem>>)
      %dma_wait3A = arith.constant 0 : i32
      %dma_wait3A_610 = tpu.memref_slice %arg6[%add3A_529, %dma_wait3A] : memref<10000x80xf32, #tpu.memory_space<vmem_shared>> -> memref<25x80xf32, #tpu.memory_space<vmem_shared>>
      %dma_wait3A_611 = arith.constant 0 : i32
      %dma_wait3A_612 = tpu.memref_slice %arg6[%add3A_529, %dma_wait3A_611] : memref<10000x80xf32, #tpu.memory_space<vmem_shared>> -> memref<25x80xf32, #tpu.memory_space<vmem_shared>>
      tpu.wait_dma2 semaphore(%run_scoped3A : memref<!tpu.dma_semaphore, #tpu.memory_space<semaphore_mem>>) src(%arg11 : memref<25x80xf32, #tpu.memory_space<vmem>>) dst(%dma_wait3A_612 : memref<25x80xf32, #tpu.memory_space<vmem_shared>>)
      tpu.yield
    }) : () -> ()
    %mul3A_530 = arith.constant 625 : i32
    %mul3A_531 = arith.muli %arg1, %mul3A_530 : i32
    %add3A_532 = arith.constant 200 : i32
    %add3A_533 = arith.addi %mul3A_531, %add3A_532 : i32
    "tpu.region"() ({
      %run_scoped3A = tpu.sem_alloc : memref<!tpu.dma_semaphore, #tpu.memory_space<semaphore_mem>>
      %dma_start3A = arith.constant 0 : i32
      %dma_start3A_607 = tpu.memref_slice %arg6[%add3A_533, %dma_start3A] : memref<10000x80xf32, #tpu.memory_space<vmem_shared>> -> memref<25x80xf32, #tpu.memory_space<vmem_shared>>
      %dma_start3A_608 = arith.constant 0 : i32
      %dma_start3A_609 = tpu.memref_slice %arg6[%add3A_533, %dma_start3A_608] : memref<10000x80xf32, #tpu.memory_space<vmem_shared>> -> memref<25x80xf32, #tpu.memory_space<vmem_shared>>
      tpu.enqueue_dma source(%arg11 : memref<25x80xf32, #tpu.memory_space<vmem>>) target(%dma_start3A_609 : memref<25x80xf32, #tpu.memory_space<vmem_shared>>) target_semaphore(%run_scoped3A : memref<!tpu.dma_semaphore, #tpu.memory_space<semaphore_mem>>)
      %dma_wait3A = arith.constant 0 : i32
      %dma_wait3A_610 = tpu.memref_slice %arg6[%add3A_533, %dma_wait3A] : memref<10000x80xf32, #tpu.memory_space<vmem_shared>> -> memref<25x80xf32, #tpu.memory_space<vmem_shared>>
      %dma_wait3A_611 = arith.constant 0 : i32
      %dma_wait3A_612 = tpu.memref_slice %arg6[%add3A_533, %dma_wait3A_611] : memref<10000x80xf32, #tpu.memory_space<vmem_shared>> -> memref<25x80xf32, #tpu.memory_space<vmem_shared>>
      tpu.wait_dma2 semaphore(%run_scoped3A : memref<!tpu.dma_semaphore, #tpu.memory_space<semaphore_mem>>) src(%arg11 : memref<25x80xf32, #tpu.memory_space<vmem>>) dst(%dma_wait3A_612 : memref<25x80xf32, #tpu.memory_space<vmem_shared>>)
      tpu.yield
    }) : () -> ()
    %mul3A_534 = arith.constant 625 : i32
    %mul3A_535 = arith.muli %arg1, %mul3A_534 : i32
    %add3A_536 = arith.constant 225 : i32
    %add3A_537 = arith.addi %mul3A_535, %add3A_536 : i32
    "tpu.region"() ({
      %run_scoped3A = tpu.sem_alloc : memref<!tpu.dma_semaphore, #tpu.memory_space<semaphore_mem>>
      %dma_start3A = arith.constant 0 : i32
      %dma_start3A_607 = tpu.memref_slice %arg6[%add3A_537, %dma_start3A] : memref<10000x80xf32, #tpu.memory_space<vmem_shared>> -> memref<25x80xf32, #tpu.memory_space<vmem_shared>>
      %dma_start3A_608 = arith.constant 0 : i32
      %dma_start3A_609 = tpu.memref_slice %arg6[%add3A_537, %dma_start3A_608] : memref<10000x80xf32, #tpu.memory_space<vmem_shared>> -> memref<25x80xf32, #tpu.memory_space<vmem_shared>>
      tpu.enqueue_dma source(%arg11 : memref<25x80xf32, #tpu.memory_space<vmem>>) target(%dma_start3A_609 : memref<25x80xf32, #tpu.memory_space<vmem_shared>>) target_semaphore(%run_scoped3A : memref<!tpu.dma_semaphore, #tpu.memory_space<semaphore_mem>>)
      %dma_wait3A = arith.constant 0 : i32
      %dma_wait3A_610 = tpu.memref_slice %arg6[%add3A_537, %dma_wait3A] : memref<10000x80xf32, #tpu.memory_space<vmem_shared>> -> memref<25x80xf32, #tpu.memory_space<vmem_shared>>
      %dma_wait3A_611 = arith.constant 0 : i32
      %dma_wait3A_612 = tpu.memref_slice %arg6[%add3A_537, %dma_wait3A_611] : memref<10000x80xf32, #tpu.memory_space<vmem_shared>> -> memref<25x80xf32, #tpu.memory_space<vmem_shared>>
      tpu.wait_dma2 semaphore(%run_scoped3A : memref<!tpu.dma_semaphore, #tpu.memory_space<semaphore_mem>>) src(%arg11 : memref<25x80xf32, #tpu.memory_space<vmem>>) dst(%dma_wait3A_612 : memref<25x80xf32, #tpu.memory_space<vmem_shared>>)
      tpu.yield
    }) : () -> ()
    %mul3A_538 = arith.constant 625 : i32
    %mul3A_539 = arith.muli %arg1, %mul3A_538 : i32
    %add3A_540 = arith.constant 250 : i32
    %add3A_541 = arith.addi %mul3A_539, %add3A_540 : i32
    "tpu.region"() ({
      %run_scoped3A = tpu.sem_alloc : memref<!tpu.dma_semaphore, #tpu.memory_space<semaphore_mem>>
      %dma_start3A = arith.constant 0 : i32
      %dma_start3A_607 = tpu.memref_slice %arg6[%add3A_541, %dma_start3A] : memref<10000x80xf32, #tpu.memory_space<vmem_shared>> -> memref<25x80xf32, #tpu.memory_space<vmem_shared>>
      %dma_start3A_608 = arith.constant 0 : i32
      %dma_start3A_609 = tpu.memref_slice %arg6[%add3A_541, %dma_start3A_608] : memref<10000x80xf32, #tpu.memory_space<vmem_shared>> -> memref<25x80xf32, #tpu.memory_space<vmem_shared>>
      tpu.enqueue_dma source(%arg11 : memref<25x80xf32, #tpu.memory_space<vmem>>) target(%dma_start3A_609 : memref<25x80xf32, #tpu.memory_space<vmem_shared>>) target_semaphore(%run_scoped3A : memref<!tpu.dma_semaphore, #tpu.memory_space<semaphore_mem>>)
      %dma_wait3A = arith.constant 0 : i32
      %dma_wait3A_610 = tpu.memref_slice %arg6[%add3A_541, %dma_wait3A] : memref<10000x80xf32, #tpu.memory_space<vmem_shared>> -> memref<25x80xf32, #tpu.memory_space<vmem_shared>>
      %dma_wait3A_611 = arith.constant 0 : i32
      %dma_wait3A_612 = tpu.memref_slice %arg6[%add3A_541, %dma_wait3A_611] : memref<10000x80xf32, #tpu.memory_space<vmem_shared>> -> memref<25x80xf32, #tpu.memory_space<vmem_shared>>
      tpu.wait_dma2 semaphore(%run_scoped3A : memref<!tpu.dma_semaphore, #tpu.memory_space<semaphore_mem>>) src(%arg11 : memref<25x80xf32, #tpu.memory_space<vmem>>) dst(%dma_wait3A_612 : memref<25x80xf32, #tpu.memory_space<vmem_shared>>)
      tpu.yield
    }) : () -> ()
    %mul3A_542 = arith.constant 625 : i32
    %mul3A_543 = arith.muli %arg1, %mul3A_542 : i32
    %add3A_544 = arith.constant 275 : i32
    %add3A_545 = arith.addi %mul3A_543, %add3A_544 : i32
    "tpu.region"() ({
      %run_scoped3A = tpu.sem_alloc : memref<!tpu.dma_semaphore, #tpu.memory_space<semaphore_mem>>
      %dma_start3A = arith.constant 0 : i32
      %dma_start3A_607 = tpu.memref_slice %arg6[%add3A_545, %dma_start3A] : memref<10000x80xf32, #tpu.memory_space<vmem_shared>> -> memref<25x80xf32, #tpu.memory_space<vmem_shared>>
      %dma_start3A_608 = arith.constant 0 : i32
      %dma_start3A_609 = tpu.memref_slice %arg6[%add3A_545, %dma_start3A_608] : memref<10000x80xf32, #tpu.memory_space<vmem_shared>> -> memref<25x80xf32, #tpu.memory_space<vmem_shared>>
      tpu.enqueue_dma source(%arg11 : memref<25x80xf32, #tpu.memory_space<vmem>>) target(%dma_start3A_609 : memref<25x80xf32, #tpu.memory_space<vmem_shared>>) target_semaphore(%run_scoped3A : memref<!tpu.dma_semaphore, #tpu.memory_space<semaphore_mem>>)
      %dma_wait3A = arith.constant 0 : i32
      %dma_wait3A_610 = tpu.memref_slice %arg6[%add3A_545, %dma_wait3A] : memref<10000x80xf32, #tpu.memory_space<vmem_shared>> -> memref<25x80xf32, #tpu.memory_space<vmem_shared>>
      %dma_wait3A_611 = arith.constant 0 : i32
      %dma_wait3A_612 = tpu.memref_slice %arg6[%add3A_545, %dma_wait3A_611] : memref<10000x80xf32, #tpu.memory_space<vmem_shared>> -> memref<25x80xf32, #tpu.memory_space<vmem_shared>>
      tpu.wait_dma2 semaphore(%run_scoped3A : memref<!tpu.dma_semaphore, #tpu.memory_space<semaphore_mem>>) src(%arg11 : memref<25x80xf32, #tpu.memory_space<vmem>>) dst(%dma_wait3A_612 : memref<25x80xf32, #tpu.memory_space<vmem_shared>>)
      tpu.yield
    }) : () -> ()
    %mul3A_546 = arith.constant 625 : i32
    %mul3A_547 = arith.muli %arg1, %mul3A_546 : i32
    %add3A_548 = arith.constant 300 : i32
    %add3A_549 = arith.addi %mul3A_547, %add3A_548 : i32
    "tpu.region"() ({
      %run_scoped3A = tpu.sem_alloc : memref<!tpu.dma_semaphore, #tpu.memory_space<semaphore_mem>>
      %dma_start3A = arith.constant 0 : i32
      %dma_start3A_607 = tpu.memref_slice %arg6[%add3A_549, %dma_start3A] : memref<10000x80xf32, #tpu.memory_space<vmem_shared>> -> memref<25x80xf32, #tpu.memory_space<vmem_shared>>
      %dma_start3A_608 = arith.constant 0 : i32
      %dma_start3A_609 = tpu.memref_slice %arg6[%add3A_549, %dma_start3A_608] : memref<10000x80xf32, #tpu.memory_space<vmem_shared>> -> memref<25x80xf32, #tpu.memory_space<vmem_shared>>
      tpu.enqueue_dma source(%arg11 : memref<25x80xf32, #tpu.memory_space<vmem>>) target(%dma_start3A_609 : memref<25x80xf32, #tpu.memory_space<vmem_shared>>) target_semaphore(%run_scoped3A : memref<!tpu.dma_semaphore, #tpu.memory_space<semaphore_mem>>)
      %dma_wait3A = arith.constant 0 : i32
      %dma_wait3A_610 = tpu.memref_slice %arg6[%add3A_549, %dma_wait3A] : memref<10000x80xf32, #tpu.memory_space<vmem_shared>> -> memref<25x80xf32, #tpu.memory_space<vmem_shared>>
      %dma_wait3A_611 = arith.constant 0 : i32
      %dma_wait3A_612 = tpu.memref_slice %arg6[%add3A_549, %dma_wait3A_611] : memref<10000x80xf32, #tpu.memory_space<vmem_shared>> -> memref<25x80xf32, #tpu.memory_space<vmem_shared>>
      tpu.wait_dma2 semaphore(%run_scoped3A : memref<!tpu.dma_semaphore, #tpu.memory_space<semaphore_mem>>) src(%arg11 : memref<25x80xf32, #tpu.memory_space<vmem>>) dst(%dma_wait3A_612 : memref<25x80xf32, #tpu.memory_space<vmem_shared>>)
      tpu.yield
    }) : () -> ()
    %mul3A_550 = arith.constant 625 : i32
    %mul3A_551 = arith.muli %arg1, %mul3A_550 : i32
    %add3A_552 = arith.constant 325 : i32
    %add3A_553 = arith.addi %mul3A_551, %add3A_552 : i32
    "tpu.region"() ({
      %run_scoped3A = tpu.sem_alloc : memref<!tpu.dma_semaphore, #tpu.memory_space<semaphore_mem>>
      %dma_start3A = arith.constant 0 : i32
      %dma_start3A_607 = tpu.memref_slice %arg6[%add3A_553, %dma_start3A] : memref<10000x80xf32, #tpu.memory_space<vmem_shared>> -> memref<25x80xf32, #tpu.memory_space<vmem_shared>>
      %dma_start3A_608 = arith.constant 0 : i32
      %dma_start3A_609 = tpu.memref_slice %arg6[%add3A_553, %dma_start3A_608] : memref<10000x80xf32, #tpu.memory_space<vmem_shared>> -> memref<25x80xf32, #tpu.memory_space<vmem_shared>>
      tpu.enqueue_dma source(%arg11 : memref<25x80xf32, #tpu.memory_space<vmem>>) target(%dma_start3A_609 : memref<25x80xf32, #tpu.memory_space<vmem_shared>>) target_semaphore(%run_scoped3A : memref<!tpu.dma_semaphore, #tpu.memory_space<semaphore_mem>>)
      %dma_wait3A = arith.constant 0 : i32
      %dma_wait3A_610 = tpu.memref_slice %arg6[%add3A_553, %dma_wait3A] : memref<10000x80xf32, #tpu.memory_space<vmem_shared>> -> memref<25x80xf32, #tpu.memory_space<vmem_shared>>
      %dma_wait3A_611 = arith.constant 0 : i32
      %dma_wait3A_612 = tpu.memref_slice %arg6[%add3A_553, %dma_wait3A_611] : memref<10000x80xf32, #tpu.memory_space<vmem_shared>> -> memref<25x80xf32, #tpu.memory_space<vmem_shared>>
      tpu.wait_dma2 semaphore(%run_scoped3A : memref<!tpu.dma_semaphore, #tpu.memory_space<semaphore_mem>>) src(%arg11 : memref<25x80xf32, #tpu.memory_space<vmem>>) dst(%dma_wait3A_612 : memref<25x80xf32, #tpu.memory_space<vmem_shared>>)
      tpu.yield
    }) : () -> ()
    %mul3A_554 = arith.constant 625 : i32
    %mul3A_555 = arith.muli %arg1, %mul3A_554 : i32
    %add3A_556 = arith.constant 350 : i32
    %add3A_557 = arith.addi %mul3A_555, %add3A_556 : i32
    "tpu.region"() ({
      %run_scoped3A = tpu.sem_alloc : memref<!tpu.dma_semaphore, #tpu.memory_space<semaphore_mem>>
      %dma_start3A = arith.constant 0 : i32
      %dma_start3A_607 = tpu.memref_slice %arg6[%add3A_557, %dma_start3A] : memref<10000x80xf32, #tpu.memory_space<vmem_shared>> -> memref<25x80xf32, #tpu.memory_space<vmem_shared>>
      %dma_start3A_608 = arith.constant 0 : i32
      %dma_start3A_609 = tpu.memref_slice %arg6[%add3A_557, %dma_start3A_608] : memref<10000x80xf32, #tpu.memory_space<vmem_shared>> -> memref<25x80xf32, #tpu.memory_space<vmem_shared>>
      tpu.enqueue_dma source(%arg11 : memref<25x80xf32, #tpu.memory_space<vmem>>) target(%dma_start3A_609 : memref<25x80xf32, #tpu.memory_space<vmem_shared>>) target_semaphore(%run_scoped3A : memref<!tpu.dma_semaphore, #tpu.memory_space<semaphore_mem>>)
      %dma_wait3A = arith.constant 0 : i32
      %dma_wait3A_610 = tpu.memref_slice %arg6[%add3A_557, %dma_wait3A] : memref<10000x80xf32, #tpu.memory_space<vmem_shared>> -> memref<25x80xf32, #tpu.memory_space<vmem_shared>>
      %dma_wait3A_611 = arith.constant 0 : i32
      %dma_wait3A_612 = tpu.memref_slice %arg6[%add3A_557, %dma_wait3A_611] : memref<10000x80xf32, #tpu.memory_space<vmem_shared>> -> memref<25x80xf32, #tpu.memory_space<vmem_shared>>
      tpu.wait_dma2 semaphore(%run_scoped3A : memref<!tpu.dma_semaphore, #tpu.memory_space<semaphore_mem>>) src(%arg11 : memref<25x80xf32, #tpu.memory_space<vmem>>) dst(%dma_wait3A_612 : memref<25x80xf32, #tpu.memory_space<vmem_shared>>)
      tpu.yield
    }) : () -> ()
    %mul3A_558 = arith.constant 625 : i32
    %mul3A_559 = arith.muli %arg1, %mul3A_558 : i32
    %add3A_560 = arith.constant 375 : i32
    %add3A_561 = arith.addi %mul3A_559, %add3A_560 : i32
    "tpu.region"() ({
      %run_scoped3A = tpu.sem_alloc : memref<!tpu.dma_semaphore, #tpu.memory_space<semaphore_mem>>
      %dma_start3A = arith.constant 0 : i32
      %dma_start3A_607 = tpu.memref_slice %arg6[%add3A_561, %dma_start3A] : memref<10000x80xf32, #tpu.memory_space<vmem_shared>> -> memref<25x80xf32, #tpu.memory_space<vmem_shared>>
      %dma_start3A_608 = arith.constant 0 : i32
      %dma_start3A_609 = tpu.memref_slice %arg6[%add3A_561, %dma_start3A_608] : memref<10000x80xf32, #tpu.memory_space<vmem_shared>> -> memref<25x80xf32, #tpu.memory_space<vmem_shared>>
      tpu.enqueue_dma source(%arg11 : memref<25x80xf32, #tpu.memory_space<vmem>>) target(%dma_start3A_609 : memref<25x80xf32, #tpu.memory_space<vmem_shared>>) target_semaphore(%run_scoped3A : memref<!tpu.dma_semaphore, #tpu.memory_space<semaphore_mem>>)
      %dma_wait3A = arith.constant 0 : i32
      %dma_wait3A_610 = tpu.memref_slice %arg6[%add3A_561, %dma_wait3A] : memref<10000x80xf32, #tpu.memory_space<vmem_shared>> -> memref<25x80xf32, #tpu.memory_space<vmem_shared>>
      %dma_wait3A_611 = arith.constant 0 : i32
      %dma_wait3A_612 = tpu.memref_slice %arg6[%add3A_561, %dma_wait3A_611] : memref<10000x80xf32, #tpu.memory_space<vmem_shared>> -> memref<25x80xf32, #tpu.memory_space<vmem_shared>>
      tpu.wait_dma2 semaphore(%run_scoped3A : memref<!tpu.dma_semaphore, #tpu.memory_space<semaphore_mem>>) src(%arg11 : memref<25x80xf32, #tpu.memory_space<vmem>>) dst(%dma_wait3A_612 : memref<25x80xf32, #tpu.memory_space<vmem_shared>>)
      tpu.yield
    }) : () -> ()
    %mul3A_562 = arith.constant 625 : i32
    %mul3A_563 = arith.muli %arg1, %mul3A_562 : i32
    %add3A_564 = arith.constant 400 : i32
    %add3A_565 = arith.addi %mul3A_563, %add3A_564 : i32
    "tpu.region"() ({
      %run_scoped3A = tpu.sem_alloc : memref<!tpu.dma_semaphore, #tpu.memory_space<semaphore_mem>>
      %dma_start3A = arith.constant 0 : i32
      %dma_start3A_607 = tpu.memref_slice %arg6[%add3A_565, %dma_start3A] : memref<10000x80xf32, #tpu.memory_space<vmem_shared>> -> memref<25x80xf32, #tpu.memory_space<vmem_shared>>
      %dma_start3A_608 = arith.constant 0 : i32
      %dma_start3A_609 = tpu.memref_slice %arg6[%add3A_565, %dma_start3A_608] : memref<10000x80xf32, #tpu.memory_space<vmem_shared>> -> memref<25x80xf32, #tpu.memory_space<vmem_shared>>
      tpu.enqueue_dma source(%arg11 : memref<25x80xf32, #tpu.memory_space<vmem>>) target(%dma_start3A_609 : memref<25x80xf32, #tpu.memory_space<vmem_shared>>) target_semaphore(%run_scoped3A : memref<!tpu.dma_semaphore, #tpu.memory_space<semaphore_mem>>)
      %dma_wait3A = arith.constant 0 : i32
      %dma_wait3A_610 = tpu.memref_slice %arg6[%add3A_565, %dma_wait3A] : memref<10000x80xf32, #tpu.memory_space<vmem_shared>> -> memref<25x80xf32, #tpu.memory_space<vmem_shared>>
      %dma_wait3A_611 = arith.constant 0 : i32
      %dma_wait3A_612 = tpu.memref_slice %arg6[%add3A_565, %dma_wait3A_611] : memref<10000x80xf32, #tpu.memory_space<vmem_shared>> -> memref<25x80xf32, #tpu.memory_space<vmem_shared>>
      tpu.wait_dma2 semaphore(%run_scoped3A : memref<!tpu.dma_semaphore, #tpu.memory_space<semaphore_mem>>) src(%arg11 : memref<25x80xf32, #tpu.memory_space<vmem>>) dst(%dma_wait3A_612 : memref<25x80xf32, #tpu.memory_space<vmem_shared>>)
      tpu.yield
    }) : () -> ()
    %mul3A_566 = arith.constant 625 : i32
    %mul3A_567 = arith.muli %arg1, %mul3A_566 : i32
    %add3A_568 = arith.constant 425 : i32
    %add3A_569 = arith.addi %mul3A_567, %add3A_568 : i32
    "tpu.region"() ({
      %run_scoped3A = tpu.sem_alloc : memref<!tpu.dma_semaphore, #tpu.memory_space<semaphore_mem>>
      %dma_start3A = arith.constant 0 : i32
      %dma_start3A_607 = tpu.memref_slice %arg6[%add3A_569, %dma_start3A] : memref<10000x80xf32, #tpu.memory_space<vmem_shared>> -> memref<25x80xf32, #tpu.memory_space<vmem_shared>>
      %dma_start3A_608 = arith.constant 0 : i32
      %dma_start3A_609 = tpu.memref_slice %arg6[%add3A_569, %dma_start3A_608] : memref<10000x80xf32, #tpu.memory_space<vmem_shared>> -> memref<25x80xf32, #tpu.memory_space<vmem_shared>>
      tpu.enqueue_dma source(%arg11 : memref<25x80xf32, #tpu.memory_space<vmem>>) target(%dma_start3A_609 : memref<25x80xf32, #tpu.memory_space<vmem_shared>>) target_semaphore(%run_scoped3A : memref<!tpu.dma_semaphore, #tpu.memory_space<semaphore_mem>>)
      %dma_wait3A = arith.constant 0 : i32
      %dma_wait3A_610 = tpu.memref_slice %arg6[%add3A_569, %dma_wait3A] : memref<10000x80xf32, #tpu.memory_space<vmem_shared>> -> memref<25x80xf32, #tpu.memory_space<vmem_shared>>
      %dma_wait3A_611 = arith.constant 0 : i32
      %dma_wait3A_612 = tpu.memref_slice %arg6[%add3A_569, %dma_wait3A_611] : memref<10000x80xf32, #tpu.memory_space<vmem_shared>> -> memref<25x80xf32, #tpu.memory_space<vmem_shared>>
      tpu.wait_dma2 semaphore(%run_scoped3A : memref<!tpu.dma_semaphore, #tpu.memory_space<semaphore_mem>>) src(%arg11 : memref<25x80xf32, #tpu.memory_space<vmem>>) dst(%dma_wait3A_612 : memref<25x80xf32, #tpu.memory_space<vmem_shared>>)
      tpu.yield
    }) : () -> ()
    %mul3A_570 = arith.constant 625 : i32
    %mul3A_571 = arith.muli %arg1, %mul3A_570 : i32
    %add3A_572 = arith.constant 450 : i32
    %add3A_573 = arith.addi %mul3A_571, %add3A_572 : i32
    "tpu.region"() ({
      %run_scoped3A = tpu.sem_alloc : memref<!tpu.dma_semaphore, #tpu.memory_space<semaphore_mem>>
      %dma_start3A = arith.constant 0 : i32
      %dma_start3A_607 = tpu.memref_slice %arg6[%add3A_573, %dma_start3A] : memref<10000x80xf32, #tpu.memory_space<vmem_shared>> -> memref<25x80xf32, #tpu.memory_space<vmem_shared>>
      %dma_start3A_608 = arith.constant 0 : i32
      %dma_start3A_609 = tpu.memref_slice %arg6[%add3A_573, %dma_start3A_608] : memref<10000x80xf32, #tpu.memory_space<vmem_shared>> -> memref<25x80xf32, #tpu.memory_space<vmem_shared>>
      tpu.enqueue_dma source(%arg11 : memref<25x80xf32, #tpu.memory_space<vmem>>) target(%dma_start3A_609 : memref<25x80xf32, #tpu.memory_space<vmem_shared>>) target_semaphore(%run_scoped3A : memref<!tpu.dma_semaphore, #tpu.memory_space<semaphore_mem>>)
      %dma_wait3A = arith.constant 0 : i32
      %dma_wait3A_610 = tpu.memref_slice %arg6[%add3A_573, %dma_wait3A] : memref<10000x80xf32, #tpu.memory_space<vmem_shared>> -> memref<25x80xf32, #tpu.memory_space<vmem_shared>>
      %dma_wait3A_611 = arith.constant 0 : i32
      %dma_wait3A_612 = tpu.memref_slice %arg6[%add3A_573, %dma_wait3A_611] : memref<10000x80xf32, #tpu.memory_space<vmem_shared>> -> memref<25x80xf32, #tpu.memory_space<vmem_shared>>
      tpu.wait_dma2 semaphore(%run_scoped3A : memref<!tpu.dma_semaphore, #tpu.memory_space<semaphore_mem>>) src(%arg11 : memref<25x80xf32, #tpu.memory_space<vmem>>) dst(%dma_wait3A_612 : memref<25x80xf32, #tpu.memory_space<vmem_shared>>)
      tpu.yield
    }) : () -> ()
    %mul3A_574 = arith.constant 625 : i32
    %mul3A_575 = arith.muli %arg1, %mul3A_574 : i32
    %add3A_576 = arith.constant 475 : i32
    %add3A_577 = arith.addi %mul3A_575, %add3A_576 : i32
    "tpu.region"() ({
      %run_scoped3A = tpu.sem_alloc : memref<!tpu.dma_semaphore, #tpu.memory_space<semaphore_mem>>
      %dma_start3A = arith.constant 0 : i32
      %dma_start3A_607 = tpu.memref_slice %arg6[%add3A_577, %dma_start3A] : memref<10000x80xf32, #tpu.memory_space<vmem_shared>> -> memref<25x80xf32, #tpu.memory_space<vmem_shared>>
      %dma_start3A_608 = arith.constant 0 : i32
      %dma_start3A_609 = tpu.memref_slice %arg6[%add3A_577, %dma_start3A_608] : memref<10000x80xf32, #tpu.memory_space<vmem_shared>> -> memref<25x80xf32, #tpu.memory_space<vmem_shared>>
      tpu.enqueue_dma source(%arg11 : memref<25x80xf32, #tpu.memory_space<vmem>>) target(%dma_start3A_609 : memref<25x80xf32, #tpu.memory_space<vmem_shared>>) target_semaphore(%run_scoped3A : memref<!tpu.dma_semaphore, #tpu.memory_space<semaphore_mem>>)
      %dma_wait3A = arith.constant 0 : i32
      %dma_wait3A_610 = tpu.memref_slice %arg6[%add3A_577, %dma_wait3A] : memref<10000x80xf32, #tpu.memory_space<vmem_shared>> -> memref<25x80xf32, #tpu.memory_space<vmem_shared>>
      %dma_wait3A_611 = arith.constant 0 : i32
      %dma_wait3A_612 = tpu.memref_slice %arg6[%add3A_577, %dma_wait3A_611] : memref<10000x80xf32, #tpu.memory_space<vmem_shared>> -> memref<25x80xf32, #tpu.memory_space<vmem_shared>>
      tpu.wait_dma2 semaphore(%run_scoped3A : memref<!tpu.dma_semaphore, #tpu.memory_space<semaphore_mem>>) src(%arg11 : memref<25x80xf32, #tpu.memory_space<vmem>>) dst(%dma_wait3A_612 : memref<25x80xf32, #tpu.memory_space<vmem_shared>>)
      tpu.yield
    }) : () -> ()
    %mul3A_578 = arith.constant 625 : i32
    %mul3A_579 = arith.muli %arg1, %mul3A_578 : i32
    %add3A_580 = arith.constant 500 : i32
    %add3A_581 = arith.addi %mul3A_579, %add3A_580 : i32
    "tpu.region"() ({
      %run_scoped3A = tpu.sem_alloc : memref<!tpu.dma_semaphore, #tpu.memory_space<semaphore_mem>>
      %dma_start3A = arith.constant 0 : i32
      %dma_start3A_607 = tpu.memref_slice %arg6[%add3A_581, %dma_start3A] : memref<10000x80xf32, #tpu.memory_space<vmem_shared>> -> memref<25x80xf32, #tpu.memory_space<vmem_shared>>
      %dma_start3A_608 = arith.constant 0 : i32
      %dma_start3A_609 = tpu.memref_slice %arg6[%add3A_581, %dma_start3A_608] : memref<10000x80xf32, #tpu.memory_space<vmem_shared>> -> memref<25x80xf32, #tpu.memory_space<vmem_shared>>
      tpu.enqueue_dma source(%arg11 : memref<25x80xf32, #tpu.memory_space<vmem>>) target(%dma_start3A_609 : memref<25x80xf32, #tpu.memory_space<vmem_shared>>) target_semaphore(%run_scoped3A : memref<!tpu.dma_semaphore, #tpu.memory_space<semaphore_mem>>)
      %dma_wait3A = arith.constant 0 : i32
      %dma_wait3A_610 = tpu.memref_slice %arg6[%add3A_581, %dma_wait3A] : memref<10000x80xf32, #tpu.memory_space<vmem_shared>> -> memref<25x80xf32, #tpu.memory_space<vmem_shared>>
      %dma_wait3A_611 = arith.constant 0 : i32
      %dma_wait3A_612 = tpu.memref_slice %arg6[%add3A_581, %dma_wait3A_611] : memref<10000x80xf32, #tpu.memory_space<vmem_shared>> -> memref<25x80xf32, #tpu.memory_space<vmem_shared>>
      tpu.wait_dma2 semaphore(%run_scoped3A : memref<!tpu.dma_semaphore, #tpu.memory_space<semaphore_mem>>) src(%arg11 : memref<25x80xf32, #tpu.memory_space<vmem>>) dst(%dma_wait3A_612 : memref<25x80xf32, #tpu.memory_space<vmem_shared>>)
      tpu.yield
    }) : () -> ()
    %mul3A_582 = arith.constant 625 : i32
    %mul3A_583 = arith.muli %arg1, %mul3A_582 : i32
    %add3A_584 = arith.constant 525 : i32
    %add3A_585 = arith.addi %mul3A_583, %add3A_584 : i32
    "tpu.region"() ({
      %run_scoped3A = tpu.sem_alloc : memref<!tpu.dma_semaphore, #tpu.memory_space<semaphore_mem>>
      %dma_start3A = arith.constant 0 : i32
      %dma_start3A_607 = tpu.memref_slice %arg6[%add3A_585, %dma_start3A] : memref<10000x80xf32, #tpu.memory_space<vmem_shared>> -> memref<25x80xf32, #tpu.memory_space<vmem_shared>>
      %dma_start3A_608 = arith.constant 0 : i32
      %dma_start3A_609 = tpu.memref_slice %arg6[%add3A_585, %dma_start3A_608] : memref<10000x80xf32, #tpu.memory_space<vmem_shared>> -> memref<25x80xf32, #tpu.memory_space<vmem_shared>>
      tpu.enqueue_dma source(%arg11 : memref<25x80xf32, #tpu.memory_space<vmem>>) target(%dma_start3A_609 : memref<25x80xf32, #tpu.memory_space<vmem_shared>>) target_semaphore(%run_scoped3A : memref<!tpu.dma_semaphore, #tpu.memory_space<semaphore_mem>>)
      %dma_wait3A = arith.constant 0 : i32
      %dma_wait3A_610 = tpu.memref_slice %arg6[%add3A_585, %dma_wait3A] : memref<10000x80xf32, #tpu.memory_space<vmem_shared>> -> memref<25x80xf32, #tpu.memory_space<vmem_shared>>
      %dma_wait3A_611 = arith.constant 0 : i32
      %dma_wait3A_612 = tpu.memref_slice %arg6[%add3A_585, %dma_wait3A_611] : memref<10000x80xf32, #tpu.memory_space<vmem_shared>> -> memref<25x80xf32, #tpu.memory_space<vmem_shared>>
      tpu.wait_dma2 semaphore(%run_scoped3A : memref<!tpu.dma_semaphore, #tpu.memory_space<semaphore_mem>>) src(%arg11 : memref<25x80xf32, #tpu.memory_space<vmem>>) dst(%dma_wait3A_612 : memref<25x80xf32, #tpu.memory_space<vmem_shared>>)
      tpu.yield
    }) : () -> ()
    %mul3A_586 = arith.constant 625 : i32
    %mul3A_587 = arith.muli %arg1, %mul3A_586 : i32
    %add3A_588 = arith.constant 550 : i32
    %add3A_589 = arith.addi %mul3A_587, %add3A_588 : i32
    "tpu.region"() ({
      %run_scoped3A = tpu.sem_alloc : memref<!tpu.dma_semaphore, #tpu.memory_space<semaphore_mem>>
      %dma_start3A = arith.constant 0 : i32
      %dma_start3A_607 = tpu.memref_slice %arg6[%add3A_589, %dma_start3A] : memref<10000x80xf32, #tpu.memory_space<vmem_shared>> -> memref<25x80xf32, #tpu.memory_space<vmem_shared>>
      %dma_start3A_608 = arith.constant 0 : i32
      %dma_start3A_609 = tpu.memref_slice %arg6[%add3A_589, %dma_start3A_608] : memref<10000x80xf32, #tpu.memory_space<vmem_shared>> -> memref<25x80xf32, #tpu.memory_space<vmem_shared>>
      tpu.enqueue_dma source(%arg11 : memref<25x80xf32, #tpu.memory_space<vmem>>) target(%dma_start3A_609 : memref<25x80xf32, #tpu.memory_space<vmem_shared>>) target_semaphore(%run_scoped3A : memref<!tpu.dma_semaphore, #tpu.memory_space<semaphore_mem>>)
      %dma_wait3A = arith.constant 0 : i32
      %dma_wait3A_610 = tpu.memref_slice %arg6[%add3A_589, %dma_wait3A] : memref<10000x80xf32, #tpu.memory_space<vmem_shared>> -> memref<25x80xf32, #tpu.memory_space<vmem_shared>>
      %dma_wait3A_611 = arith.constant 0 : i32
      %dma_wait3A_612 = tpu.memref_slice %arg6[%add3A_589, %dma_wait3A_611] : memref<10000x80xf32, #tpu.memory_space<vmem_shared>> -> memref<25x80xf32, #tpu.memory_space<vmem_shared>>
      tpu.wait_dma2 semaphore(%run_scoped3A : memref<!tpu.dma_semaphore, #tpu.memory_space<semaphore_mem>>) src(%arg11 : memref<25x80xf32, #tpu.memory_space<vmem>>) dst(%dma_wait3A_612 : memref<25x80xf32, #tpu.memory_space<vmem_shared>>)
      tpu.yield
    }) : () -> ()
    %mul3A_590 = arith.constant 625 : i32
    %mul3A_591 = arith.muli %arg1, %mul3A_590 : i32
    %add3A_592 = arith.constant 575 : i32
    %add3A_593 = arith.addi %mul3A_591, %add3A_592 : i32
    "tpu.region"() ({
      %run_scoped3A = tpu.sem_alloc : memref<!tpu.dma_semaphore, #tpu.memory_space<semaphore_mem>>
      %dma_start3A = arith.constant 0 : i32
      %dma_start3A_607 = tpu.memref_slice %arg6[%add3A_593, %dma_start3A] : memref<10000x80xf32, #tpu.memory_space<vmem_shared>> -> memref<25x80xf32, #tpu.memory_space<vmem_shared>>
      %dma_start3A_608 = arith.constant 0 : i32
      %dma_start3A_609 = tpu.memref_slice %arg6[%add3A_593, %dma_start3A_608] : memref<10000x80xf32, #tpu.memory_space<vmem_shared>> -> memref<25x80xf32, #tpu.memory_space<vmem_shared>>
      tpu.enqueue_dma source(%arg11 : memref<25x80xf32, #tpu.memory_space<vmem>>) target(%dma_start3A_609 : memref<25x80xf32, #tpu.memory_space<vmem_shared>>) target_semaphore(%run_scoped3A : memref<!tpu.dma_semaphore, #tpu.memory_space<semaphore_mem>>)
      %dma_wait3A = arith.constant 0 : i32
      %dma_wait3A_610 = tpu.memref_slice %arg6[%add3A_593, %dma_wait3A] : memref<10000x80xf32, #tpu.memory_space<vmem_shared>> -> memref<25x80xf32, #tpu.memory_space<vmem_shared>>
      %dma_wait3A_611 = arith.constant 0 : i32
      %dma_wait3A_612 = tpu.memref_slice %arg6[%add3A_593, %dma_wait3A_611] : memref<10000x80xf32, #tpu.memory_space<vmem_shared>> -> memref<25x80xf32, #tpu.memory_space<vmem_shared>>
      tpu.wait_dma2 semaphore(%run_scoped3A : memref<!tpu.dma_semaphore, #tpu.memory_space<semaphore_mem>>) src(%arg11 : memref<25x80xf32, #tpu.memory_space<vmem>>) dst(%dma_wait3A_612 : memref<25x80xf32, #tpu.memory_space<vmem_shared>>)
      tpu.yield
    }) : () -> ()
    %mul3A_594 = arith.constant 625 : i32
    %mul3A_595 = arith.muli %arg1, %mul3A_594 : i32
    %add3A_596 = arith.constant 600 : i32
    %add3A_597 = arith.addi %mul3A_595, %add3A_596 : i32
    "tpu.region"() ({
      %run_scoped3A = tpu.sem_alloc : memref<!tpu.dma_semaphore, #tpu.memory_space<semaphore_mem>>
      %dma_start3A = arith.constant 0 : i32
      %dma_start3A_607 = tpu.memref_slice %arg6[%add3A_597, %dma_start3A] : memref<10000x80xf32, #tpu.memory_space<vmem_shared>> -> memref<25x80xf32, #tpu.memory_space<vmem_shared>>
      %dma_start3A_608 = arith.constant 0 : i32
      %dma_start3A_609 = tpu.memref_slice %arg6[%add3A_597, %dma_start3A_608] : memref<10000x80xf32, #tpu.memory_space<vmem_shared>> -> memref<25x80xf32, #tpu.memory_space<vmem_shared>>
      tpu.enqueue_dma source(%arg11 : memref<25x80xf32, #tpu.memory_space<vmem>>) target(%dma_start3A_609 : memref<25x80xf32, #tpu.memory_space<vmem_shared>>) target_semaphore(%run_scoped3A : memref<!tpu.dma_semaphore, #tpu.memory_space<semaphore_mem>>)
      %dma_wait3A = arith.constant 0 : i32
      %dma_wait3A_610 = tpu.memref_slice %arg6[%add3A_597, %dma_wait3A] : memref<10000x80xf32, #tpu.memory_space<vmem_shared>> -> memref<25x80xf32, #tpu.memory_space<vmem_shared>>
      %dma_wait3A_611 = arith.constant 0 : i32
      %dma_wait3A_612 = tpu.memref_slice %arg6[%add3A_597, %dma_wait3A_611] : memref<10000x80xf32, #tpu.memory_space<vmem_shared>> -> memref<25x80xf32, #tpu.memory_space<vmem_shared>>
      tpu.wait_dma2 semaphore(%run_scoped3A : memref<!tpu.dma_semaphore, #tpu.memory_space<semaphore_mem>>) src(%arg11 : memref<25x80xf32, #tpu.memory_space<vmem>>) dst(%dma_wait3A_612 : memref<25x80xf32, #tpu.memory_space<vmem_shared>>)
      tpu.yield
    }) : () -> ()
    %barrier3A = arith.constant 0 : index
    tpu.barrier barrier_id(%barrier3A)
    %iota3A = tpu.iota {dimensions = array<i32: 0>} : vector<16xi32>
    %scan3A = arith.constant 0 : i32
    %scan3A_598 = arith.constant 125 : i32
    %scan3A_599 = arith.addi %scan3A, %scan3A_598 : i32
    %scan3A_600 = arith.constant 1 : i32
    scf.for %scan3A_607 = %scan3A to %scan3A_599 step %scan3A_600  : i32 {
      "tpu.region"() ({
        %run_scoped3A = tpu.sem_alloc : memref<!tpu.dma_semaphore, #tpu.memory_space<semaphore_mem>>
        %dma_start3A_621 = arith.constant 0 : i32
        %dma_start3A_622 = tpu.memref_slice %arg2[%arg0, %arg1, %scan3A_607, %dma_start3A_621] : memref<2x16x125x160xi32, #tpu.memory_space<hbm>> -> memref<1x1x1x160xi32, #tpu.memory_space<hbm>>
        %dma_start3A_623 = tpu.memref_squeeze %dma_start3A_622 : memref<1x1x1x160xi32, #tpu.memory_space<hbm>> -> memref<160xi32, #tpu.memory_space<hbm>>
        %dma_start3A_624 = arith.constant 0 : i32
        %dma_start3A_625 = tpu.memref_slice %arg2[%arg0, %arg1, %scan3A_607, %dma_start3A_624] : memref<2x16x125x160xi32, #tpu.memory_space<hbm>> -> memref<1x1x1x160xi32, #tpu.memory_space<hbm>>
        %dma_start3A_626 = tpu.memref_squeeze %dma_start3A_625 : memref<1x1x1x160xi32, #tpu.memory_space<hbm>> -> memref<160xi32, #tpu.memory_space<hbm>>
        tpu.enqueue_dma source(%dma_start3A_626 : memref<160xi32, #tpu.memory_space<hbm>>) target(%arg7 : memref<160xi32, #tpu.memory_space<vmem>>) target_semaphore(%run_scoped3A : memref<!tpu.dma_semaphore, #tpu.memory_space<semaphore_mem>>)
        %dma_wait3A_627 = arith.constant 0 : i32
        %dma_wait3A_628 = tpu.memref_slice %arg2[%arg0, %arg1, %scan3A_607, %dma_wait3A_627] : memref<2x16x125x160xi32, #tpu.memory_space<hbm>> -> memref<1x1x1x160xi32, #tpu.memory_space<hbm>>
        %dma_wait3A_629 = tpu.memref_squeeze %dma_wait3A_628 : memref<1x1x1x160xi32, #tpu.memory_space<hbm>> -> memref<160xi32, #tpu.memory_space<hbm>>
        %dma_wait3A_630 = arith.constant 0 : i32
        %dma_wait3A_631 = tpu.memref_slice %arg2[%arg0, %arg1, %scan3A_607, %dma_wait3A_630] : memref<2x16x125x160xi32, #tpu.memory_space<hbm>> -> memref<1x1x1x160xi32, #tpu.memory_space<hbm>>
        %dma_wait3A_632 = tpu.memref_squeeze %dma_wait3A_631 : memref<1x1x1x160xi32, #tpu.memory_space<hbm>> -> memref<160xi32, #tpu.memory_space<hbm>>
        tpu.wait_dma2 semaphore(%run_scoped3A : memref<!tpu.dma_semaphore, #tpu.memory_space<semaphore_mem>>) src(%dma_wait3A_632 : memref<160xi32, #tpu.memory_space<hbm>>) dst(%arg7 : memref<160xi32, #tpu.memory_space<vmem>>)
        tpu.yield
      }) : () -> ()
      "tpu.region"() ({
        %run_scoped3A = tpu.sem_alloc : memref<!tpu.dma_semaphore, #tpu.memory_space<semaphore_mem>>
        %dma_start3A_621 = arith.constant 0 : i32
        %dma_start3A_622 = tpu.memref_slice %arg3[%arg0, %arg1, %scan3A_607, %dma_start3A_621] : memref<2x16x125x80xi32, #tpu.memory_space<hbm>> -> memref<1x1x1x80xi32, #tpu.memory_space<hbm>>
        %dma_start3A_623 = tpu.memref_squeeze %dma_start3A_622 : memref<1x1x1x80xi32, #tpu.memory_space<hbm>> -> memref<80xi32, #tpu.memory_space<hbm>>
        %dma_start3A_624 = arith.constant 0 : i32
        %dma_start3A_625 = tpu.memref_slice %arg3[%arg0, %arg1, %scan3A_607, %dma_start3A_624] : memref<2x16x125x80xi32, #tpu.memory_space<hbm>> -> memref<1x1x1x80xi32, #tpu.memory_space<hbm>>
        %dma_start3A_626 = tpu.memref_squeeze %dma_start3A_625 : memref<1x1x1x80xi32, #tpu.memory_space<hbm>> -> memref<80xi32, #tpu.memory_space<hbm>>
        tpu.enqueue_dma source(%dma_start3A_626 : memref<80xi32, #tpu.memory_space<hbm>>) target(%arg8 : memref<80xi32, #tpu.memory_space<vmem>>) target_semaphore(%run_scoped3A : memref<!tpu.dma_semaphore, #tpu.memory_space<semaphore_mem>>)
        %dma_wait3A_627 = arith.constant 0 : i32
        %dma_wait3A_628 = tpu.memref_slice %arg3[%arg0, %arg1, %scan3A_607, %dma_wait3A_627] : memref<2x16x125x80xi32, #tpu.memory_space<hbm>> -> memref<1x1x1x80xi32, #tpu.memory_space<hbm>>
        %dma_wait3A_629 = tpu.memref_squeeze %dma_wait3A_628 : memref<1x1x1x80xi32, #tpu.memory_space<hbm>> -> memref<80xi32, #tpu.memory_space<hbm>>
        %dma_wait3A_630 = arith.constant 0 : i32
        %dma_wait3A_631 = tpu.memref_slice %arg3[%arg0, %arg1, %scan3A_607, %dma_wait3A_630] : memref<2x16x125x80xi32, #tpu.memory_space<hbm>> -> memref<1x1x1x80xi32, #tpu.memory_space<hbm>>
        %dma_wait3A_632 = tpu.memref_squeeze %dma_wait3A_631 : memref<1x1x1x80xi32, #tpu.memory_space<hbm>> -> memref<80xi32, #tpu.memory_space<hbm>>
        tpu.wait_dma2 semaphore(%run_scoped3A : memref<!tpu.dma_semaphore, #tpu.memory_space<semaphore_mem>>) src(%dma_wait3A_632 : memref<80xi32, #tpu.memory_space<hbm>>) dst(%arg8 : memref<80xi32, #tpu.memory_space<vmem>>)
        tpu.yield
      }) : () -> ()
      %dma_start3A = arith.constant 0 : i32
      %dma_start3A_608 = tpu.memref_slice %arg7[%dma_start3A] : memref<160xi32, #tpu.memory_space<vmem>> -> memref<80xi32, #tpu.memory_space<vmem>>
      %dma_start3A_609 = arith.constant 0 : i32
      %dma_start3A_610 = arith.constant 0 : i32
      %dma_start3A_611 = tpu.memref_slice %arg4[%dma_start3A_609, %dma_start3A_610] : memref<10000x64xf32, #tpu.memory_space<hbm>> -> memref<10000x64xf32, #tpu.memory_space<hbm>>
      tpu.enqueue_indirect_dma source(%dma_start3A_611 : memref<10000x64xf32, #tpu.memory_space<hbm>>) target(%arg9 : memref<80x64xf32, #tpu.memory_space<vmem>>) offsets(%dma_start3A_608 : memref<80xi32, #tpu.memory_space<vmem>>) semaphore(%arg12 : memref<!tpu.dma_semaphore, #tpu.memory_space<semaphore_mem>>)
      %dma_wait3A = arith.constant 0 : i32
      %dma_wait3A_612 = tpu.memref_slice %arg7[%dma_wait3A] : memref<160xi32, #tpu.memory_space<vmem>> -> memref<80xi32, #tpu.memory_space<vmem>>
      %dma_wait3A_613 = arith.constant 0 : i32
      %dma_wait3A_614 = arith.constant 0 : i32
      %dma_wait3A_615 = tpu.memref_slice %arg4[%dma_wait3A_613, %dma_wait3A_614] : memref<10000x64xf32, #tpu.memory_space<hbm>> -> memref<10000x64xf32, #tpu.memory_space<hbm>>
      tpu.wait_indirect_dma semaphore(%arg12 : memref<!tpu.dma_semaphore, #tpu.memory_space<semaphore_mem>>) src(%dma_wait3A_615 : memref<10000x64xf32, #tpu.memory_space<hbm>>) dst(%arg9 : memref<80x64xf32, #tpu.memory_space<vmem>>)
      %scan3A_616 = arith.constant 0 : i32
      %scan3A_617 = arith.constant 80 : i32
      %scan3A_618 = arith.addi %scan3A_616, %scan3A_617 : i32
      %scan3A_619 = arith.constant 1 : i32
      scf.for %scan3A_621 = %scan3A_616 to %scan3A_618 step %scan3A_619  : i32 {
        %broadcast_in_dim3A_622 = arith.constant 80 : i32
        %broadcast_in_dim3A_623 = vector.broadcast %broadcast_in_dim3A_622 : i32 to vector<16xi32>
        %add3A_624 = vector.broadcast %scan3A_621 : i32 to vector<16xi32>
        %add3A_625 = arith.addi %broadcast_in_dim3A_623, %add3A_624 : vector<16xi32>
        %gather3A = tpu.vector_load_idx %arg7[%add3A_625] : memref<160xi32, #tpu.memory_space<vmem>>[vector<16xi32>], vector<16xi32>,
        %bitcast3A = vector.bitcast %gather3A : vector<16xi32> to vector<16xf32>
        %eq3A = arith.constant 0 : i32
        %eq3A_626 = vector.broadcast %eq3A : i32 to vector<16xi32>
        %eq3A_627 = arith.cmpi eq, %iota3A, %eq3A_626 : vector<16xi32>
        %jit3A = arith.constant 0.000000e+00 : f32
        %broadcast_in_dim3A_628 = vector.broadcast %jit3A : f32 to vector<16xf32>
        %select_n3A = arith.select %eq3A_627, %bitcast3A, %broadcast_in_dim3A_628 : vector<16xi1>, vector<16xf32>
        %add3A_629 = arith.addf %broadcast_in_dim3A_0, %select_n3A : vector<16xf32>
        %get3A = arith.index_cast %scan3A_621 : i32 to index
        %get3A_630 = arith.constant 0 : index
        %get3A_631 = tpu.vector_load %arg9[%get3A, %get3A_630] {strides = array<i32>} : memref<80x64xf32, #tpu.memory_space<vmem>>, vector<16xf32>,
        %mul3A_632 = arith.mulf %get3A_631, %bitcast3A : vector<16xf32>
        %swap3A_633 = arith.index_cast %scan3A_621 : i32 to index
        %swap3A_634 = arith.constant 0 : index
        %swap3A_635 = tpu.vector_load %arg10[%swap3A_633, %swap3A_634] {strides = array<i32>} : memref<80x80xf32, #tpu.memory_space<vmem>>, vector<16xf32>,
        tpu.vector_store %arg10[%swap3A_633, %swap3A_634], %mul3A_632 {strides = array<i32>} : memref<80x80xf32, #tpu.memory_space<vmem>>, vector<16xf32>,
        %get3A_636 = arith.index_cast %scan3A_621 : i32 to index
        %get3A_637 = arith.constant 16 : index
        %get3A_638 = tpu.vector_load %arg9[%get3A_636, %get3A_637] {strides = array<i32>} : memref<80x64xf32, #tpu.memory_space<vmem>>, vector<16xf32>,
        %mul3A_639 = arith.mulf %get3A_638, %bitcast3A : vector<16xf32>
        %swap3A_640 = arith.index_cast %scan3A_621 : i32 to index
        %swap3A_641 = arith.constant 16 : index
        %swap3A_642 = tpu.vector_load %arg10[%swap3A_640, %swap3A_641] {strides = array<i32>} : memref<80x80xf32, #tpu.memory_space<vmem>>, vector<16xf32>,
        tpu.vector_store %arg10[%swap3A_640, %swap3A_641], %mul3A_639 {strides = array<i32>} : memref<80x80xf32, #tpu.memory_space<vmem>>, vector<16xf32>,
        %get3A_643 = arith.index_cast %scan3A_621 : i32 to index
        %get3A_644 = arith.constant 32 : index
        %get3A_645 = tpu.vector_load %arg9[%get3A_643, %get3A_644] {strides = array<i32>} : memref<80x64xf32, #tpu.memory_space<vmem>>, vector<16xf32>,
        %mul3A_646 = arith.mulf %get3A_645, %bitcast3A : vector<16xf32>
        %swap3A_647 = arith.index_cast %scan3A_621 : i32 to index
        %swap3A_648 = arith.constant 32 : index
        %swap3A_649 = tpu.vector_load %arg10[%swap3A_647, %swap3A_648] {strides = array<i32>} : memref<80x80xf32, #tpu.memory_space<vmem>>, vector<16xf32>,
        tpu.vector_store %arg10[%swap3A_647, %swap3A_648], %mul3A_646 {strides = array<i32>} : memref<80x80xf32, #tpu.memory_space<vmem>>, vector<16xf32>,
        %get3A_650 = arith.index_cast %scan3A_621 : i32 to index
        %get3A_651 = arith.constant 48 : index
        %get3A_652 = tpu.vector_load %arg9[%get3A_650, %get3A_651] {strides = array<i32>} : memref<80x64xf32, #tpu.memory_space<vmem>>, vector<16xf32>,
        %mul3A_653 = arith.mulf %get3A_652, %bitcast3A : vector<16xf32>
        %swap3A_654 = arith.index_cast %scan3A_621 : i32 to index
        %swap3A_655 = arith.constant 48 : index
        %swap3A_656 = tpu.vector_load %arg10[%swap3A_654, %swap3A_655] {strides = array<i32>} : memref<80x80xf32, #tpu.memory_space<vmem>>, vector<16xf32>,
        tpu.vector_store %arg10[%swap3A_654, %swap3A_655], %mul3A_653 {strides = array<i32>} : memref<80x80xf32, #tpu.memory_space<vmem>>, vector<16xf32>,
        %swap3A_657 = arith.index_cast %scan3A_621 : i32 to index
        %swap3A_658 = arith.constant 64 : index
        %swap3A_659 = tpu.vector_load %arg10[%swap3A_657, %swap3A_658] {strides = array<i32>} : memref<80x80xf32, #tpu.memory_space<vmem>>, vector<16xf32>,
        tpu.vector_store %arg10[%swap3A_657, %swap3A_658], %add3A_629 {strides = array<i32>} : memref<80x80xf32, #tpu.memory_space<vmem>>, vector<16xf32>,
      }
      %scan3A_620 = arith.constant 80 : i32
      "tpu.region"() ({
        %run_scoped3A = tpu.sem_alloc : memref<!tpu.dma_semaphore, #tpu.memory_space<semaphore_mem>>
        %dma_start3A_621 = arith.constant 0 : i32
        %dma_start3A_622 = arith.constant 0 : i32
        %dma_start3A_623 = tpu.memref_slice %arg6[%dma_start3A_621, %dma_start3A_622] : memref<10000x80xf32, #tpu.memory_space<vmem_shared>> -> memref<10000x80xf32, #tpu.memory_space<vmem_shared>>
        tpu.enqueue_indirect_dma source(%arg10 : memref<80x80xf32, #tpu.memory_space<vmem>>) target(%dma_start3A_623 : memref<10000x80xf32, #tpu.memory_space<vmem_shared>>) offsets(%arg8 : memref<80xi32, #tpu.memory_space<vmem>>) semaphore(%run_scoped3A : memref<!tpu.dma_semaphore, #tpu.memory_space<semaphore_mem>>) {add = true}
        %dma_wait3A_624 = arith.constant 0 : i32
        %dma_wait3A_625 = arith.constant 0 : i32
        %dma_wait3A_626 = tpu.memref_slice %arg6[%dma_wait3A_624, %dma_wait3A_625] : memref<10000x80xf32, #tpu.memory_space<vmem_shared>> -> memref<10000x80xf32, #tpu.memory_space<vmem_shared>>
        tpu.wait_indirect_dma semaphore(%run_scoped3A : memref<!tpu.dma_semaphore, #tpu.memory_space<semaphore_mem>>) src(%arg10 : memref<80x80xf32, #tpu.memory_space<vmem>>) dst(%dma_wait3A_626 : memref<10000x80xf32, #tpu.memory_space<vmem_shared>>)
        tpu.yield
      }) : () -> ()
    }
    %scan3A_601 = arith.constant 125 : i32
    %barrier3A_602 = arith.constant 0 : index
    tpu.barrier barrier_id(%barrier3A_602)
    %mul3A_603 = arith.constant 625 : i32
    %mul3A_604 = arith.muli %arg1, %mul3A_603 : i32
    %mul3A_605 = arith.constant 625 : i32
    %mul3A_606 = arith.muli %arg1, %mul3A_605 : i32
    "tpu.region"() ({
      %run_scoped3A = tpu.sem_alloc : memref<!tpu.dma_semaphore, #tpu.memory_space<semaphore_mem>>
      %dma_start3A = arith.constant 0 : i32
      %dma_start3A_607 = tpu.memref_slice %arg5[%arg0, %mul3A_606, %dma_start3A] : memref<2x10000x80xf32, #tpu.memory_space<hbm>> -> memref<1x625x80xf32, #tpu.memory_space<hbm>>
      %dma_start3A_608 = tpu.memref_squeeze %dma_start3A_607 : memref<1x625x80xf32, #tpu.memory_space<hbm>> -> memref<625x80xf32, #tpu.memory_space<hbm>>
      %dma_start3A_609 = arith.constant 0 : i32
      %dma_start3A_610 = tpu.memref_slice %arg6[%mul3A_604, %dma_start3A_609] : memref<10000x80xf32, #tpu.memory_space<vmem_shared>> -> memref<625x80xf32, #tpu.memory_space<vmem_shared>>
      tpu.enqueue_dma source(%dma_start3A_610 : memref<625x80xf32, #tpu.memory_space<vmem_shared>>) target(%dma_start3A_608 : memref<625x80xf32, #tpu.memory_space<hbm>>) target_semaphore(%run_scoped3A : memref<!tpu.dma_semaphore, #tpu.memory_space<semaphore_mem>>)
      %dma_wait3A = arith.constant 0 : i32
      %dma_wait3A_611 = tpu.memref_slice %arg5[%arg0, %mul3A_606, %dma_wait3A] : memref<2x10000x80xf32, #tpu.memory_space<hbm>> -> memref<1x625x80xf32, #tpu.memory_space<hbm>>
      %dma_wait3A_612 = tpu.memref_squeeze %dma_wait3A_611 : memref<1x625x80xf32, #tpu.memory_space<hbm>> -> memref<625x80xf32, #tpu.memory_space<hbm>>
      %dma_wait3A_613 = arith.constant 0 : i32
      %dma_wait3A_614 = tpu.memref_slice %arg6[%mul3A_604, %dma_wait3A_613] : memref<10000x80xf32, #tpu.memory_space<vmem_shared>> -> memref<625x80xf32, #tpu.memory_space<vmem_shared>>
      tpu.wait_dma2 semaphore(%run_scoped3A : memref<!tpu.dma_semaphore, #tpu.memory_space<semaphore_mem>>) src(%dma_wait3A_614 : memref<625x80xf32, #tpu.memory_space<vmem_shared>>) dst(%dma_wait3A_612 : memref<625x80xf32, #tpu.memory_space<hbm>>)
      tpu.yield
    }) : () -> ()
    return
  }
}

#map = affine_map<(d0, d1) -> (0, 0, 0)>
#map1 = affine_map<(d0, d1) -> (0, 0)>
module attributes {stable_mosaic.version = 14 : i64} {
  func.func @body(%arg0: i32, %arg1: i32, %arg2: memref<2x16x10000xi32, #tpu.memory_space<hbm>>, %arg3: memref<2x16x10000xi32, #tpu.memory_space<hbm>>, %arg4: memref<2x10000xf32, #tpu.memory_space<hbm>>, %arg5: memref<2x10000xf32, #tpu.memory_space<hbm>>, %arg6: memref<2x16x10000xf32, #tpu.memory_space<hbm>>, %arg7: memref<10000xi32, #tpu.memory_space<vmem>>, %arg8: memref<10000xi32, #tpu.memory_space<vmem>>, %arg9: memref<10000xf32, #tpu.memory_space<vmem>>, %arg10: memref<10000xf32, #tpu.memory_space<vmem>>, %arg11: memref<10000xf32, #tpu.memory_space<vmem>>) attributes {dimension_semantics = [#tpu.dimension_semantics<core_parallel>, #tpu.dimension_semantics<subcore_parallel>], iteration_bounds = array<i64: 2, 16>, scalar_prefetch = 0 : i64, scratch_operands = 5 : i64, tpu.core_type = #tpu.core_type<sc_vector_subcore>, window_params = [{transform_indices = #map}, {transform_indices = #map}, {transform_indices = #map1}, {transform_indices = #map1}, {transform_indices = #map}]} {
    "tpu.region"() ({
      %run_scoped3A = tpu.sem_alloc : memref<!tpu.dma_semaphore, #tpu.memory_space<semaphore_mem>>
      %dma_start3A = arith.constant 0 : i32
      %dma_start3A_4 = tpu.memref_slice %arg2[%arg0, %arg1, %dma_start3A] : memref<2x16x10000xi32, #tpu.memory_space<hbm>> -> memref<1x1x10000xi32, #tpu.memory_space<hbm>>
      %dma_start3A_5 = tpu.memref_squeeze %dma_start3A_4 : memref<1x1x10000xi32, #tpu.memory_space<hbm>> -> memref<10000xi32, #tpu.memory_space<hbm>>
      %dma_start3A_6 = arith.constant 0 : i32
      %dma_start3A_7 = tpu.memref_slice %arg2[%arg0, %arg1, %dma_start3A_6] : memref<2x16x10000xi32, #tpu.memory_space<hbm>> -> memref<1x1x10000xi32, #tpu.memory_space<hbm>>
      %dma_start3A_8 = tpu.memref_squeeze %dma_start3A_7 : memref<1x1x10000xi32, #tpu.memory_space<hbm>> -> memref<10000xi32, #tpu.memory_space<hbm>>
      tpu.enqueue_dma source(%dma_start3A_8 : memref<10000xi32, #tpu.memory_space<hbm>>) target(%arg7 : memref<10000xi32, #tpu.memory_space<vmem>>) target_semaphore(%run_scoped3A : memref<!tpu.dma_semaphore, #tpu.memory_space<semaphore_mem>>)
      %dma_wait3A = arith.constant 0 : i32
      %dma_wait3A_9 = tpu.memref_slice %arg2[%arg0, %arg1, %dma_wait3A] : memref<2x16x10000xi32, #tpu.memory_space<hbm>> -> memref<1x1x10000xi32, #tpu.memory_space<hbm>>
      %dma_wait3A_10 = tpu.memref_squeeze %dma_wait3A_9 : memref<1x1x10000xi32, #tpu.memory_space<hbm>> -> memref<10000xi32, #tpu.memory_space<hbm>>
      %dma_wait3A_11 = arith.constant 0 : i32
      %dma_wait3A_12 = tpu.memref_slice %arg2[%arg0, %arg1, %dma_wait3A_11] : memref<2x16x10000xi32, #tpu.memory_space<hbm>> -> memref<1x1x10000xi32, #tpu.memory_space<hbm>>
      %dma_wait3A_13 = tpu.memref_squeeze %dma_wait3A_12 : memref<1x1x10000xi32, #tpu.memory_space<hbm>> -> memref<10000xi32, #tpu.memory_space<hbm>>
      tpu.wait_dma2 semaphore(%run_scoped3A : memref<!tpu.dma_semaphore, #tpu.memory_space<semaphore_mem>>) src(%dma_wait3A_13 : memref<10000xi32, #tpu.memory_space<hbm>>) dst(%arg7 : memref<10000xi32, #tpu.memory_space<vmem>>)
      tpu.yield
    }) : () -> ()
    "tpu.region"() ({
      %run_scoped3A = tpu.sem_alloc : memref<!tpu.dma_semaphore, #tpu.memory_space<semaphore_mem>>
      %dma_start3A = arith.constant 0 : i32
      %dma_start3A_4 = tpu.memref_slice %arg3[%arg0, %arg1, %dma_start3A] : memref<2x16x10000xi32, #tpu.memory_space<hbm>> -> memref<1x1x10000xi32, #tpu.memory_space<hbm>>
      %dma_start3A_5 = tpu.memref_squeeze %dma_start3A_4 : memref<1x1x10000xi32, #tpu.memory_space<hbm>> -> memref<10000xi32, #tpu.memory_space<hbm>>
      %dma_start3A_6 = arith.constant 0 : i32
      %dma_start3A_7 = tpu.memref_slice %arg3[%arg0, %arg1, %dma_start3A_6] : memref<2x16x10000xi32, #tpu.memory_space<hbm>> -> memref<1x1x10000xi32, #tpu.memory_space<hbm>>
      %dma_start3A_8 = tpu.memref_squeeze %dma_start3A_7 : memref<1x1x10000xi32, #tpu.memory_space<hbm>> -> memref<10000xi32, #tpu.memory_space<hbm>>
      tpu.enqueue_dma source(%dma_start3A_8 : memref<10000xi32, #tpu.memory_space<hbm>>) target(%arg8 : memref<10000xi32, #tpu.memory_space<vmem>>) target_semaphore(%run_scoped3A : memref<!tpu.dma_semaphore, #tpu.memory_space<semaphore_mem>>)
      %dma_wait3A = arith.constant 0 : i32
      %dma_wait3A_9 = tpu.memref_slice %arg3[%arg0, %arg1, %dma_wait3A] : memref<2x16x10000xi32, #tpu.memory_space<hbm>> -> memref<1x1x10000xi32, #tpu.memory_space<hbm>>
      %dma_wait3A_10 = tpu.memref_squeeze %dma_wait3A_9 : memref<1x1x10000xi32, #tpu.memory_space<hbm>> -> memref<10000xi32, #tpu.memory_space<hbm>>
      %dma_wait3A_11 = arith.constant 0 : i32
      %dma_wait3A_12 = tpu.memref_slice %arg3[%arg0, %arg1, %dma_wait3A_11] : memref<2x16x10000xi32, #tpu.memory_space<hbm>> -> memref<1x1x10000xi32, #tpu.memory_space<hbm>>
      %dma_wait3A_13 = tpu.memref_squeeze %dma_wait3A_12 : memref<1x1x10000xi32, #tpu.memory_space<hbm>> -> memref<10000xi32, #tpu.memory_space<hbm>>
      tpu.wait_dma2 semaphore(%run_scoped3A : memref<!tpu.dma_semaphore, #tpu.memory_space<semaphore_mem>>) src(%dma_wait3A_13 : memref<10000xi32, #tpu.memory_space<hbm>>) dst(%arg8 : memref<10000xi32, #tpu.memory_space<vmem>>)
      tpu.yield
    }) : () -> ()
    "tpu.region"() ({
      %run_scoped3A = tpu.sem_alloc : memref<!tpu.dma_semaphore, #tpu.memory_space<semaphore_mem>>
      %dma_start3A = arith.constant 0 : i32
      %dma_start3A_4 = tpu.memref_slice %arg4[%arg0, %dma_start3A] : memref<2x10000xf32, #tpu.memory_space<hbm>> -> memref<1x10000xf32, #tpu.memory_space<hbm>>
      %dma_start3A_5 = tpu.memref_squeeze %dma_start3A_4 : memref<1x10000xf32, #tpu.memory_space<hbm>> -> memref<10000xf32, #tpu.memory_space<hbm>>
      %dma_start3A_6 = arith.constant 0 : i32
      %dma_start3A_7 = tpu.memref_slice %arg4[%arg0, %dma_start3A_6] : memref<2x10000xf32, #tpu.memory_space<hbm>> -> memref<1x10000xf32, #tpu.memory_space<hbm>>
      %dma_start3A_8 = tpu.memref_squeeze %dma_start3A_7 : memref<1x10000xf32, #tpu.memory_space<hbm>> -> memref<10000xf32, #tpu.memory_space<hbm>>
      tpu.enqueue_dma source(%dma_start3A_8 : memref<10000xf32, #tpu.memory_space<hbm>>) target(%arg9 : memref<10000xf32, #tpu.memory_space<vmem>>) target_semaphore(%run_scoped3A : memref<!tpu.dma_semaphore, #tpu.memory_space<semaphore_mem>>)
      %dma_wait3A = arith.constant 0 : i32
      %dma_wait3A_9 = tpu.memref_slice %arg4[%arg0, %dma_wait3A] : memref<2x10000xf32, #tpu.memory_space<hbm>> -> memref<1x10000xf32, #tpu.memory_space<hbm>>
      %dma_wait3A_10 = tpu.memref_squeeze %dma_wait3A_9 : memref<1x10000xf32, #tpu.memory_space<hbm>> -> memref<10000xf32, #tpu.memory_space<hbm>>
      %dma_wait3A_11 = arith.constant 0 : i32
      %dma_wait3A_12 = tpu.memref_slice %arg4[%arg0, %dma_wait3A_11] : memref<2x10000xf32, #tpu.memory_space<hbm>> -> memref<1x10000xf32, #tpu.memory_space<hbm>>
      %dma_wait3A_13 = tpu.memref_squeeze %dma_wait3A_12 : memref<1x10000xf32, #tpu.memory_space<hbm>> -> memref<10000xf32, #tpu.memory_space<hbm>>
      tpu.wait_dma2 semaphore(%run_scoped3A : memref<!tpu.dma_semaphore, #tpu.memory_space<semaphore_mem>>) src(%dma_wait3A_13 : memref<10000xf32, #tpu.memory_space<hbm>>) dst(%arg9 : memref<10000xf32, #tpu.memory_space<vmem>>)
      tpu.yield
    }) : () -> ()
    "tpu.region"() ({
      %run_scoped3A = tpu.sem_alloc : memref<!tpu.dma_semaphore, #tpu.memory_space<semaphore_mem>>
      %dma_start3A = arith.constant 0 : i32
      %dma_start3A_4 = tpu.memref_slice %arg5[%arg0, %dma_start3A] : memref<2x10000xf32, #tpu.memory_space<hbm>> -> memref<1x10000xf32, #tpu.memory_space<hbm>>
      %dma_start3A_5 = tpu.memref_squeeze %dma_start3A_4 : memref<1x10000xf32, #tpu.memory_space<hbm>> -> memref<10000xf32, #tpu.memory_space<hbm>>
      %dma_start3A_6 = arith.constant 0 : i32
      %dma_start3A_7 = tpu.memref_slice %arg5[%arg0, %dma_start3A_6] : memref<2x10000xf32, #tpu.memory_space<hbm>> -> memref<1x10000xf32, #tpu.memory_space<hbm>>
      %dma_start3A_8 = tpu.memref_squeeze %dma_start3A_7 : memref<1x10000xf32, #tpu.memory_space<hbm>> -> memref<10000xf32, #tpu.memory_space<hbm>>
      tpu.enqueue_dma source(%dma_start3A_8 : memref<10000xf32, #tpu.memory_space<hbm>>) target(%arg10 : memref<10000xf32, #tpu.memory_space<vmem>>) target_semaphore(%run_scoped3A : memref<!tpu.dma_semaphore, #tpu.memory_space<semaphore_mem>>)
      %dma_wait3A = arith.constant 0 : i32
      %dma_wait3A_9 = tpu.memref_slice %arg5[%arg0, %dma_wait3A] : memref<2x10000xf32, #tpu.memory_space<hbm>> -> memref<1x10000xf32, #tpu.memory_space<hbm>>
      %dma_wait3A_10 = tpu.memref_squeeze %dma_wait3A_9 : memref<1x10000xf32, #tpu.memory_space<hbm>> -> memref<10000xf32, #tpu.memory_space<hbm>>
      %dma_wait3A_11 = arith.constant 0 : i32
      %dma_wait3A_12 = tpu.memref_slice %arg5[%arg0, %dma_wait3A_11] : memref<2x10000xf32, #tpu.memory_space<hbm>> -> memref<1x10000xf32, #tpu.memory_space<hbm>>
      %dma_wait3A_13 = tpu.memref_squeeze %dma_wait3A_12 : memref<1x10000xf32, #tpu.memory_space<hbm>> -> memref<10000xf32, #tpu.memory_space<hbm>>
      tpu.wait_dma2 semaphore(%run_scoped3A : memref<!tpu.dma_semaphore, #tpu.memory_space<semaphore_mem>>) src(%dma_wait3A_13 : memref<10000xf32, #tpu.memory_space<hbm>>) dst(%arg10 : memref<10000xf32, #tpu.memory_space<vmem>>)
      tpu.yield
    }) : () -> ()
    %scan3A = arith.constant 0 : i32
    %scan3A_0 = arith.constant 125 : i32
    %scan3A_1 = arith.addi %scan3A, %scan3A_0 : i32
    %scan3A_2 = arith.constant 1 : i32
    scf.for %scan3A_4 = %scan3A to %scan3A_1 step %scan3A_2  : i32 {
      %mul3A = arith.constant 80 : i32
      %mul3A_5 = arith.muli %scan3A_4, %mul3A : i32
      %add3A = arith.constant 0 : i32
      %add3A_6 = arith.addi %mul3A_5, %add3A : i32
      %get3A = arith.index_cast %add3A_6 : i32 to index
      %get3A_7 = tpu.vector_load %arg7[%get3A] {strides = array<i32>} : memref<10000xi32, #tpu.memory_space<vmem>>, vector<16xi32>,
      %add3A_8 = arith.constant 0 : i32
      %add3A_9 = arith.addi %mul3A_5, %add3A_8 : i32
      %get3A_10 = arith.index_cast %add3A_9 : i32 to index
      %get3A_11 = tpu.vector_load %arg8[%get3A_10] {strides = array<i32>} : memref<10000xi32, #tpu.memory_space<vmem>>, vector<16xi32>,
      %broadcast_in_dim3A = arith.constant 0 : i32
      %broadcast_in_dim3A_12 = vector.broadcast %broadcast_in_dim3A : i32 to vector<16xi32>
      %mul3A_13 = arith.constant 1 : i32
      %mul3A_14 = vector.broadcast %mul3A_13 : i32 to vector<16xi32>
      %mul3A_15 = arith.muli %get3A_7, %mul3A_14 : vector<16xi32>
      %add3A_16 = arith.addi %mul3A_15, %broadcast_in_dim3A_12 : vector<16xi32>
      %gather3A = tpu.vector_load_idx %arg9[%add3A_16] : memref<10000xf32, #tpu.memory_space<vmem>>[vector<16xi32>], vector<16xf32>,
      %mul3A_17 = arith.constant 1 : i32
      %mul3A_18 = vector.broadcast %mul3A_17 : i32 to vector<16xi32>
      %mul3A_19 = arith.muli %get3A_11, %mul3A_18 : vector<16xi32>
      %add3A_20 = arith.addi %mul3A_19, %broadcast_in_dim3A_12 : vector<16xi32>
      %gather3A_21 = tpu.vector_load_idx %arg10[%add3A_20] : memref<10000xf32, #tpu.memory_space<vmem>>[vector<16xi32>], vector<16xf32>,
      %add3A_22 = arith.addf %gather3A, %gather3A_21 : vector<16xf32>
      %mul3A_23 = arith.constant 2.000000e-01 : f32
      %mul3A_24 = vector.broadcast %mul3A_23 : f32 to vector<16xf32>
      %mul3A_25 = arith.mulf %mul3A_24, %add3A_22 : vector<16xf32>
      %max3A = arith.maximumf %add3A_22, %mul3A_25 : vector<16xf32>
      %exp3A = math.exp %max3A : vector<16xf32>
      %mul3A_26 = arith.constant 1 : i32
      %mul3A_27 = arith.muli %mul3A_5, %mul3A_26 : i32
      %add3A_28 = arith.constant 0 : i32
      %add3A_29 = arith.addi %mul3A_27, %add3A_28 : i32
      %add3A_30 = arith.constant 0 : i32
      %add3A_31 = arith.addi %add3A_29, %add3A_30 : i32
      %swap3A = arith.index_cast %add3A_31 : i32 to index
      %swap3A_32 = tpu.vector_load %arg11[%swap3A] {strides = array<i32>} : memref<10000xf32, #tpu.memory_space<vmem>>, vector<16xf32>,
      tpu.vector_store %arg11[%swap3A], %exp3A {strides = array<i32>} : memref<10000xf32, #tpu.memory_space<vmem>>, vector<16xf32>,
      %add3A_33 = arith.constant 16 : i32
      %add3A_34 = arith.addi %mul3A_5, %add3A_33 : i32
      %get3A_35 = arith.index_cast %add3A_34 : i32 to index
      %get3A_36 = tpu.vector_load %arg7[%get3A_35] {strides = array<i32>} : memref<10000xi32, #tpu.memory_space<vmem>>, vector<16xi32>,
      %add3A_37 = arith.constant 16 : i32
      %add3A_38 = arith.addi %mul3A_5, %add3A_37 : i32
      %get3A_39 = arith.index_cast %add3A_38 : i32 to index
      %get3A_40 = tpu.vector_load %arg8[%get3A_39] {strides = array<i32>} : memref<10000xi32, #tpu.memory_space<vmem>>, vector<16xi32>,
      %broadcast_in_dim3A_41 = arith.constant 0 : i32
      %broadcast_in_dim3A_42 = vector.broadcast %broadcast_in_dim3A_41 : i32 to vector<16xi32>
      %mul3A_43 = arith.constant 1 : i32
      %mul3A_44 = vector.broadcast %mul3A_43 : i32 to vector<16xi32>
      %mul3A_45 = arith.muli %get3A_36, %mul3A_44 : vector<16xi32>
      %add3A_46 = arith.addi %mul3A_45, %broadcast_in_dim3A_42 : vector<16xi32>
      %gather3A_47 = tpu.vector_load_idx %arg9[%add3A_46] : memref<10000xf32, #tpu.memory_space<vmem>>[vector<16xi32>], vector<16xf32>,
      %mul3A_48 = arith.constant 1 : i32
      %mul3A_49 = vector.broadcast %mul3A_48 : i32 to vector<16xi32>
      %mul3A_50 = arith.muli %get3A_40, %mul3A_49 : vector<16xi32>
      %add3A_51 = arith.addi %mul3A_50, %broadcast_in_dim3A_42 : vector<16xi32>
      %gather3A_52 = tpu.vector_load_idx %arg10[%add3A_51] : memref<10000xf32, #tpu.memory_space<vmem>>[vector<16xi32>], vector<16xf32>,
      %add3A_53 = arith.addf %gather3A_47, %gather3A_52 : vector<16xf32>
      %mul3A_54 = arith.constant 2.000000e-01 : f32
      %mul3A_55 = vector.broadcast %mul3A_54 : f32 to vector<16xf32>
      %mul3A_56 = arith.mulf %mul3A_55, %add3A_53 : vector<16xf32>
      %max3A_57 = arith.maximumf %add3A_53, %mul3A_56 : vector<16xf32>
      %exp3A_58 = math.exp %max3A_57 : vector<16xf32>
      %mul3A_59 = arith.constant 1 : i32
      %mul3A_60 = arith.muli %mul3A_5, %mul3A_59 : i32
      %add3A_61 = arith.constant 0 : i32
      %add3A_62 = arith.addi %mul3A_60, %add3A_61 : i32
      %add3A_63 = arith.constant 16 : i32
      %add3A_64 = arith.addi %add3A_62, %add3A_63 : i32
      %swap3A_65 = arith.index_cast %add3A_64 : i32 to index
      %swap3A_66 = tpu.vector_load %arg11[%swap3A_65] {strides = array<i32>} : memref<10000xf32, #tpu.memory_space<vmem>>, vector<16xf32>,
      tpu.vector_store %arg11[%swap3A_65], %exp3A_58 {strides = array<i32>} : memref<10000xf32, #tpu.memory_space<vmem>>, vector<16xf32>,
      %add3A_67 = arith.constant 32 : i32
      %add3A_68 = arith.addi %mul3A_5, %add3A_67 : i32
      %get3A_69 = arith.index_cast %add3A_68 : i32 to index
      %get3A_70 = tpu.vector_load %arg7[%get3A_69] {strides = array<i32>} : memref<10000xi32, #tpu.memory_space<vmem>>, vector<16xi32>,
      %add3A_71 = arith.constant 32 : i32
      %add3A_72 = arith.addi %mul3A_5, %add3A_71 : i32
      %get3A_73 = arith.index_cast %add3A_72 : i32 to index
      %get3A_74 = tpu.vector_load %arg8[%get3A_73] {strides = array<i32>} : memref<10000xi32, #tpu.memory_space<vmem>>, vector<16xi32>,
      %broadcast_in_dim3A_75 = arith.constant 0 : i32
      %broadcast_in_dim3A_76 = vector.broadcast %broadcast_in_dim3A_75 : i32 to vector<16xi32>
      %mul3A_77 = arith.constant 1 : i32
      %mul3A_78 = vector.broadcast %mul3A_77 : i32 to vector<16xi32>
      %mul3A_79 = arith.muli %get3A_70, %mul3A_78 : vector<16xi32>
      %add3A_80 = arith.addi %mul3A_79, %broadcast_in_dim3A_76 : vector<16xi32>
      %gather3A_81 = tpu.vector_load_idx %arg9[%add3A_80] : memref<10000xf32, #tpu.memory_space<vmem>>[vector<16xi32>], vector<16xf32>,
      %mul3A_82 = arith.constant 1 : i32
      %mul3A_83 = vector.broadcast %mul3A_82 : i32 to vector<16xi32>
      %mul3A_84 = arith.muli %get3A_74, %mul3A_83 : vector<16xi32>
      %add3A_85 = arith.addi %mul3A_84, %broadcast_in_dim3A_76 : vector<16xi32>
      %gather3A_86 = tpu.vector_load_idx %arg10[%add3A_85] : memref<10000xf32, #tpu.memory_space<vmem>>[vector<16xi32>], vector<16xf32>,
      %add3A_87 = arith.addf %gather3A_81, %gather3A_86 : vector<16xf32>
      %mul3A_88 = arith.constant 2.000000e-01 : f32
      %mul3A_89 = vector.broadcast %mul3A_88 : f32 to vector<16xf32>
      %mul3A_90 = arith.mulf %mul3A_89, %add3A_87 : vector<16xf32>
      %max3A_91 = arith.maximumf %add3A_87, %mul3A_90 : vector<16xf32>
      %exp3A_92 = math.exp %max3A_91 : vector<16xf32>
      %mul3A_93 = arith.constant 1 : i32
      %mul3A_94 = arith.muli %mul3A_5, %mul3A_93 : i32
      %add3A_95 = arith.constant 0 : i32
      %add3A_96 = arith.addi %mul3A_94, %add3A_95 : i32
      %add3A_97 = arith.constant 32 : i32
      %add3A_98 = arith.addi %add3A_96, %add3A_97 : i32
      %swap3A_99 = arith.index_cast %add3A_98 : i32 to index
      %swap3A_100 = tpu.vector_load %arg11[%swap3A_99] {strides = array<i32>} : memref<10000xf32, #tpu.memory_space<vmem>>, vector<16xf32>,
      tpu.vector_store %arg11[%swap3A_99], %exp3A_92 {strides = array<i32>} : memref<10000xf32, #tpu.memory_space<vmem>>, vector<16xf32>,
      %add3A_101 = arith.constant 48 : i32
      %add3A_102 = arith.addi %mul3A_5, %add3A_101 : i32
      %get3A_103 = arith.index_cast %add3A_102 : i32 to index
      %get3A_104 = tpu.vector_load %arg7[%get3A_103] {strides = array<i32>} : memref<10000xi32, #tpu.memory_space<vmem>>, vector<16xi32>,
      %add3A_105 = arith.constant 48 : i32
      %add3A_106 = arith.addi %mul3A_5, %add3A_105 : i32
      %get3A_107 = arith.index_cast %add3A_106 : i32 to index
      %get3A_108 = tpu.vector_load %arg8[%get3A_107] {strides = array<i32>} : memref<10000xi32, #tpu.memory_space<vmem>>, vector<16xi32>,
      %broadcast_in_dim3A_109 = arith.constant 0 : i32
      %broadcast_in_dim3A_110 = vector.broadcast %broadcast_in_dim3A_109 : i32 to vector<16xi32>
      %mul3A_111 = arith.constant 1 : i32
      %mul3A_112 = vector.broadcast %mul3A_111 : i32 to vector<16xi32>
      %mul3A_113 = arith.muli %get3A_104, %mul3A_112 : vector<16xi32>
      %add3A_114 = arith.addi %mul3A_113, %broadcast_in_dim3A_110 : vector<16xi32>
      %gather3A_115 = tpu.vector_load_idx %arg9[%add3A_114] : memref<10000xf32, #tpu.memory_space<vmem>>[vector<16xi32>], vector<16xf32>,
      %mul3A_116 = arith.constant 1 : i32
      %mul3A_117 = vector.broadcast %mul3A_116 : i32 to vector<16xi32>
      %mul3A_118 = arith.muli %get3A_108, %mul3A_117 : vector<16xi32>
      %add3A_119 = arith.addi %mul3A_118, %broadcast_in_dim3A_110 : vector<16xi32>
      %gather3A_120 = tpu.vector_load_idx %arg10[%add3A_119] : memref<10000xf32, #tpu.memory_space<vmem>>[vector<16xi32>], vector<16xf32>,
      %add3A_121 = arith.addf %gather3A_115, %gather3A_120 : vector<16xf32>
      %mul3A_122 = arith.constant 2.000000e-01 : f32
      %mul3A_123 = vector.broadcast %mul3A_122 : f32 to vector<16xf32>
      %mul3A_124 = arith.mulf %mul3A_123, %add3A_121 : vector<16xf32>
      %max3A_125 = arith.maximumf %add3A_121, %mul3A_124 : vector<16xf32>
      %exp3A_126 = math.exp %max3A_125 : vector<16xf32>
      %mul3A_127 = arith.constant 1 : i32
      %mul3A_128 = arith.muli %mul3A_5, %mul3A_127 : i32
      %add3A_129 = arith.constant 0 : i32
      %add3A_130 = arith.addi %mul3A_128, %add3A_129 : i32
      %add3A_131 = arith.constant 48 : i32
      %add3A_132 = arith.addi %add3A_130, %add3A_131 : i32
      %swap3A_133 = arith.index_cast %add3A_132 : i32 to index
      %swap3A_134 = tpu.vector_load %arg11[%swap3A_133] {strides = array<i32>} : memref<10000xf32, #tpu.memory_space<vmem>>, vector<16xf32>,
      tpu.vector_store %arg11[%swap3A_133], %exp3A_126 {strides = array<i32>} : memref<10000xf32, #tpu.memory_space<vmem>>, vector<16xf32>,
      %add3A_135 = arith.constant 64 : i32
      %add3A_136 = arith.addi %mul3A_5, %add3A_135 : i32
      %get3A_137 = arith.index_cast %add3A_136 : i32 to index
      %get3A_138 = tpu.vector_load %arg7[%get3A_137] {strides = array<i32>} : memref<10000xi32, #tpu.memory_space<vmem>>, vector<16xi32>,
      %add3A_139 = arith.constant 64 : i32
      %add3A_140 = arith.addi %mul3A_5, %add3A_139 : i32
      %get3A_141 = arith.index_cast %add3A_140 : i32 to index
      %get3A_142 = tpu.vector_load %arg8[%get3A_141] {strides = array<i32>} : memref<10000xi32, #tpu.memory_space<vmem>>, vector<16xi32>,
      %broadcast_in_dim3A_143 = arith.constant 0 : i32
      %broadcast_in_dim3A_144 = vector.broadcast %broadcast_in_dim3A_143 : i32 to vector<16xi32>
      %mul3A_145 = arith.constant 1 : i32
      %mul3A_146 = vector.broadcast %mul3A_145 : i32 to vector<16xi32>
      %mul3A_147 = arith.muli %get3A_138, %mul3A_146 : vector<16xi32>
      %add3A_148 = arith.addi %mul3A_147, %broadcast_in_dim3A_144 : vector<16xi32>
      %gather3A_149 = tpu.vector_load_idx %arg9[%add3A_148] : memref<10000xf32, #tpu.memory_space<vmem>>[vector<16xi32>], vector<16xf32>,
      %mul3A_150 = arith.constant 1 : i32
      %mul3A_151 = vector.broadcast %mul3A_150 : i32 to vector<16xi32>
      %mul3A_152 = arith.muli %get3A_142, %mul3A_151 : vector<16xi32>
      %add3A_153 = arith.addi %mul3A_152, %broadcast_in_dim3A_144 : vector<16xi32>
      %gather3A_154 = tpu.vector_load_idx %arg10[%add3A_153] : memref<10000xf32, #tpu.memory_space<vmem>>[vector<16xi32>], vector<16xf32>,
      %add3A_155 = arith.addf %gather3A_149, %gather3A_154 : vector<16xf32>
      %mul3A_156 = arith.constant 2.000000e-01 : f32
      %mul3A_157 = vector.broadcast %mul3A_156 : f32 to vector<16xf32>
      %mul3A_158 = arith.mulf %mul3A_157, %add3A_155 : vector<16xf32>
      %max3A_159 = arith.maximumf %add3A_155, %mul3A_158 : vector<16xf32>
      %exp3A_160 = math.exp %max3A_159 : vector<16xf32>
      %mul3A_161 = arith.constant 1 : i32
      %mul3A_162 = arith.muli %mul3A_5, %mul3A_161 : i32
      %add3A_163 = arith.constant 0 : i32
      %add3A_164 = arith.addi %mul3A_162, %add3A_163 : i32
      %add3A_165 = arith.constant 64 : i32
      %add3A_166 = arith.addi %add3A_164, %add3A_165 : i32
      %swap3A_167 = arith.index_cast %add3A_166 : i32 to index
      %swap3A_168 = tpu.vector_load %arg11[%swap3A_167] {strides = array<i32>} : memref<10000xf32, #tpu.memory_space<vmem>>, vector<16xf32>,
      tpu.vector_store %arg11[%swap3A_167], %exp3A_160 {strides = array<i32>} : memref<10000xf32, #tpu.memory_space<vmem>>, vector<16xf32>,
    }
    %scan3A_3 = arith.constant 125 : i32
    "tpu.region"() ({
      %run_scoped3A = tpu.sem_alloc : memref<!tpu.dma_semaphore, #tpu.memory_space<semaphore_mem>>
      %dma_start3A = arith.constant 0 : i32
      %dma_start3A_4 = tpu.memref_slice %arg6[%arg0, %arg1, %dma_start3A] : memref<2x16x10000xf32, #tpu.memory_space<hbm>> -> memref<1x1x10000xf32, #tpu.memory_space<hbm>>
      %dma_start3A_5 = tpu.memref_squeeze %dma_start3A_4 : memref<1x1x10000xf32, #tpu.memory_space<hbm>> -> memref<10000xf32, #tpu.memory_space<hbm>>
      %dma_start3A_6 = arith.constant 0 : i32
      %dma_start3A_7 = tpu.memref_slice %arg6[%arg0, %arg1, %dma_start3A_6] : memref<2x16x10000xf32, #tpu.memory_space<hbm>> -> memref<1x1x10000xf32, #tpu.memory_space<hbm>>
      %dma_start3A_8 = tpu.memref_squeeze %dma_start3A_7 : memref<1x1x10000xf32, #tpu.memory_space<hbm>> -> memref<10000xf32, #tpu.memory_space<hbm>>
      tpu.enqueue_dma source(%arg11 : memref<10000xf32, #tpu.memory_space<vmem>>) target(%dma_start3A_8 : memref<10000xf32, #tpu.memory_space<hbm>>) target_semaphore(%run_scoped3A : memref<!tpu.dma_semaphore, #tpu.memory_space<semaphore_mem>>)
      %dma_wait3A = arith.constant 0 : i32
      %dma_wait3A_9 = tpu.memref_slice %arg6[%arg0, %arg1, %dma_wait3A] : memref<2x16x10000xf32, #tpu.memory_space<hbm>> -> memref<1x1x10000xf32, #tpu.memory_space<hbm>>
      %dma_wait3A_10 = tpu.memref_squeeze %dma_wait3A_9 : memref<1x1x10000xf32, #tpu.memory_space<hbm>> -> memref<10000xf32, #tpu.memory_space<hbm>>
      %dma_wait3A_11 = arith.constant 0 : i32
      %dma_wait3A_12 = tpu.memref_slice %arg6[%arg0, %arg1, %dma_wait3A_11] : memref<2x16x10000xf32, #tpu.memory_space<hbm>> -> memref<1x1x10000xf32, #tpu.memory_space<hbm>>
      %dma_wait3A_13 = tpu.memref_squeeze %dma_wait3A_12 : memref<1x1x10000xf32, #tpu.memory_space<hbm>> -> memref<10000xf32, #tpu.memory_space<hbm>>
      tpu.wait_dma2 semaphore(%run_scoped3A : memref<!tpu.dma_semaphore, #tpu.memory_space<semaphore_mem>>) src(%arg11 : memref<10000xf32, #tpu.memory_space<vmem>>) dst(%dma_wait3A_13 : memref<10000xf32, #tpu.memory_space<hbm>>)
      tpu.yield
    }) : () -> ()
    return
  }
}

module attributes {stable_mosaic.version = 14 : i64} {
  func.func @_tc_pre(%arg0: i32, %arg1: memref<1000x128xf32, #tpu.memory_space<vmem>>, %arg2: memref<128x256xf32, #tpu.memory_space<vmem>>, %arg3: memref<256x8xf32, #tpu.memory_space<vmem>>, %arg4: memref<1000x256xf32, #tpu.memory_space<vmem>>, %arg5: memref<1000x8xf32, #tpu.memory_space<vmem>>) attributes {dimension_semantics = [#tpu.dimension_semantics<arbitrary>], iteration_bounds = array<i64: 10>, scalar_prefetch = 0 : i64, scratch_operands = 0 : i64, tpu.core_type = #tpu.core_type<tc>, window_params = [{transform_indices = @transform_0, window_bounds = array<i64: 1000, 128>}, {pipeline_mode = #tpu.pipeline_mode<synchronous>, transform_indices = @transform_1, window_bounds = array<i64: 128, 256>}, {pipeline_mode = #tpu.pipeline_mode<synchronous>, transform_indices = @transform_2, window_bounds = array<i64: 256, 8>}, {transform_indices = @transform_3, window_bounds = array<i64: 1000, 256>}, {transform_indices = @transform_4, window_bounds = array<i64: 1000, 8>}]} {
    %get3A = arith.constant 0 : index
    %get3A_0 = arith.constant 0 : index
    %get3A_1 = vector.load %arg1[%get3A, %get3A_0] : memref<1000x128xf32, #tpu.memory_space<vmem>>, vector<1000x128xf32>
    %get3A_2 = arith.constant 0 : index
    %get3A_3 = arith.constant 0 : index
    %get3A_4 = vector.load %arg2[%get3A_2, %get3A_3] : memref<128x256xf32, #tpu.memory_space<vmem>>, vector<128x256xf32>
    %dot_general3A = arith.constant dense<0.000000e+00> : vector<1000x256xf32>
    %dot_general3A_5 = tpu.matmul %get3A_1, %get3A_4, %dot_general3A {dimension_numbers = #tpu.dot_dimension_numbers<[1], [0], [0], [1], [0, 0, 1, 1], [], []>, transpose_lhs_hint = false} : vector<1000x128xf32>, vector<128x256xf32>, vector<1000x256xf32> -> vector<1000x256xf32>
    %swap3A = arith.constant 0 : index
    %swap3A_6 = arith.constant 0 : index
    %swap3A_7 = vector.load %arg4[%swap3A, %swap3A_6] : memref<1000x256xf32, #tpu.memory_space<vmem>>, vector<1000x256xf32>
    tpu.vector_store %arg4[%swap3A, %swap3A_6], %dot_general3A_5 {strides = array<i32>} : memref<1000x256xf32, #tpu.memory_space<vmem>>, vector<1000x256xf32>,
    %get3A_8 = arith.constant 0 : index
    %get3A_9 = arith.constant 0 : index
    %get3A_10 = vector.load %arg3[%get3A_8, %get3A_9] : memref<256x8xf32, #tpu.memory_space<vmem>>, vector<256x8xf32>
    %dot_general3A_11 = arith.constant dense<0.000000e+00> : vector<1000x8xf32>
    %dot_general3A_12 = tpu.matmul %dot_general3A_5, %get3A_10, %dot_general3A_11 {dimension_numbers = #tpu.dot_dimension_numbers<[1], [0], [0], [1], [0, 0, 1, 1], [], []>, transpose_lhs_hint = false} : vector<1000x256xf32>, vector<256x8xf32>, vector<1000x8xf32> -> vector<1000x8xf32>
    %swap3A_13 = arith.constant 0 : index
    %swap3A_14 = arith.constant 0 : index
    %swap3A_15 = vector.load %arg5[%swap3A_13, %swap3A_14] : memref<1000x8xf32, #tpu.memory_space<vmem>>, vector<1000x8xf32>
    tpu.vector_store %arg5[%swap3A_13, %swap3A_14], %dot_general3A_12 {strides = array<i32>} : memref<1000x8xf32, #tpu.memory_space<vmem>>, vector<1000x8xf32>,
    return
  }
  func.func @transform_0(%arg0: i32) -> (i32, i32) {
    %c0_i32 = arith.constant 0 : i32
    %c0_i32_0 = arith.constant 0 : i32
    return %arg0, %c0_i32 : i32, i32
  }
  func.func @transform_1(%arg0: i32) -> (i32, i32) {
    %c0_i32 = arith.constant 0 : i32
    %c0_i32_0 = arith.constant 0 : i32
    %c0_i32_1 = arith.constant 0 : i32
    return %c0_i32, %c0_i32_0 : i32, i32
  }
  func.func @transform_2(%arg0: i32) -> (i32, i32) {
    %c0_i32 = arith.constant 0 : i32
    %c0_i32_0 = arith.constant 0 : i32
    %c0_i32_1 = arith.constant 0 : i32
    return %c0_i32, %c0_i32_0 : i32, i32
  }
  func.func @transform_3(%arg0: i32) -> (i32, i32) {
    %c0_i32 = arith.constant 0 : i32
    %c0_i32_0 = arith.constant 0 : i32
    return %arg0, %c0_i32 : i32, i32
  }
  func.func @transform_4(%arg0: i32) -> (i32, i32) {
    %c0_i32 = arith.constant 0 : i32
    %c0_i32_0 = arith.constant 0 : i32
    return %arg0, %c0_i32 : i32, i32
  }
}

module attributes {stable_mosaic.version = 14 : i64} {
  func.func @_tc_mid(%arg0: i32, %arg1: memref<1000x144xf32, #tpu.memory_space<vmem>>, %arg2: memref<1000x144xf32, #tpu.memory_space<vmem>>, %arg3: memref<1000x256xf32, #tpu.memory_space<vmem>>, %arg4: memref<1000x8xf32, #tpu.memory_space<vmem>>, %arg5: memref<256x64xf32, #tpu.memory_space<vmem>>, %arg6: memref<64x2xf32, #tpu.memory_space<vmem>>, %arg7: memref<1x256xf32, #tpu.memory_space<vmem>>, %arg8: memref<1000x64xf32, #tpu.memory_space<vmem>>, %arg9: memref<1000x2xf32, #tpu.memory_space<vmem>>) attributes {dimension_semantics = [#tpu.dimension_semantics<arbitrary>], iteration_bounds = array<i64: 10>, scalar_prefetch = 0 : i64, scratch_operands = 0 : i64, tpu.core_type = #tpu.core_type<tc>, window_params = [{transform_indices = @transform_0, window_bounds = array<i64: 1000, 144>}, {transform_indices = @transform_1, window_bounds = array<i64: 1000, 144>}, {transform_indices = @transform_2, window_bounds = array<i64: 1000, 256>}, {transform_indices = @transform_3, window_bounds = array<i64: 1000, 8>}, {pipeline_mode = #tpu.pipeline_mode<synchronous>, transform_indices = @transform_4, window_bounds = array<i64: 256, 64>}, {pipeline_mode = #tpu.pipeline_mode<synchronous>, transform_indices = @transform_5, window_bounds = array<i64: 64, 2>}, {pipeline_mode = #tpu.pipeline_mode<synchronous>, transform_indices = @transform_6, window_bounds = array<i64: 1, 256>}, {transform_indices = @transform_7, window_bounds = array<i64: 1000, 64>}, {transform_indices = @transform_8, window_bounds = array<i64: 1000, 2>}]} {
    %get3A = arith.constant 0 : index
    %get3A_0 = arith.constant 0 : index
    %get3A_1 = vector.load %arg4[%get3A, %get3A_0] : memref<1000x8xf32, #tpu.memory_space<vmem>>, vector<1000x8xf32>
    %slice3A = vector.extract_strided_slice %get3A_1 {offsets = [0, 0], sizes = [1000, 4], strides = [1, 1]} : vector<1000x8xf32> to vector<1000x4xf32>
    %slice3A_2 = vector.extract_strided_slice %get3A_1 {offsets = [0, 4], sizes = [1000, 4], strides = [1, 1]} : vector<1000x8xf32> to vector<1000x4xf32>
    %add3A = arith.addf %slice3A, %slice3A_2 : vector<1000x4xf32>
    %jit3A = arith.constant 2.000000e-01 : f32
    %ge3A = arith.constant 0.000000e+00 : f32
    %ge3A_3 = vector.broadcast %ge3A : f32 to vector<1000x4xf32>
    %ge3A_4 = arith.cmpf oge, %add3A, %ge3A_3 : vector<1000x4xf32>
    %mul3A = vector.broadcast %jit3A : f32 to vector<1000x4xf32>
    %mul3A_5 = arith.mulf %mul3A, %add3A : vector<1000x4xf32>
    %select_n3A = arith.select %ge3A_4, %add3A, %mul3A_5 : vector<1000x4xi1>, vector<1000x4xf32>
    %exp3A = math.exp %select_n3A : vector<1000x4xf32>
    %get3A_6 = arith.constant 0 : index
    %get3A_7 = arith.constant 0 : index
    %get3A_8 = vector.load %arg3[%get3A_6, %get3A_7] : memref<1000x256xf32, #tpu.memory_space<vmem>>, vector<1000x256xf32>
    %get3A_9 = arith.constant 0 : index
    %get3A_10 = arith.constant 0 : index
    %get3A_11 = vector.load %arg1[%get3A_9, %get3A_10] : memref<1000x144xf32, #tpu.memory_space<vmem>>, vector<1000x144xf32>
    %slice3A_12 = vector.extract_strided_slice %exp3A {offsets = [0, 0], sizes = [1000, 1], strides = [1, 1]} : vector<1000x4xf32> to vector<1000x1xf32>
    %slice3A_13 = vector.extract_strided_slice %get3A_11 {offsets = [0, 0], sizes = [1000, 64], strides = [1, 1]} : vector<1000x144xf32> to vector<1000x64xf32>
    %slice3A_14 = vector.extract_strided_slice %get3A_8 {offsets = [0, 0], sizes = [1000, 64], strides = [1, 1]} : vector<1000x256xf32> to vector<1000x64xf32>
    %mul3A_15 = vector.broadcast %slice3A_12 : vector<1000x1xf32> to vector<1000x64xf32>
    %mul3A_16 = arith.mulf %mul3A_15, %slice3A_14 : vector<1000x64xf32>
    %add3A_17 = arith.addf %slice3A_13, %mul3A_16 : vector<1000x64xf32>
    %slice3A_18 = vector.extract_strided_slice %get3A_11 {offsets = [0, 128], sizes = [1000, 1], strides = [1, 1]} : vector<1000x144xf32> to vector<1000x1xf32>
    %add3A_19 = arith.addf %slice3A_18, %slice3A_12 : vector<1000x1xf32>
    %add3A_20 = arith.constant 1.000000e-16 : f32
    %add3A_21 = vector.broadcast %add3A_20 : f32 to vector<1000x1xf32>
    %add3A_22 = arith.addf %add3A_19, %add3A_21 : vector<1000x1xf32>
    %div3A = vector.broadcast %add3A_22 : vector<1000x1xf32> to vector<1000x64xf32>
    %div3A_23 = arith.divf %add3A_17, %div3A : vector<1000x64xf32>
    %get3A_24 = arith.constant 0 : index
    %get3A_25 = arith.constant 0 : index
    %get3A_26 = vector.load %arg1[%get3A_24, %get3A_25] : memref<1000x144xf32, #tpu.memory_space<vmem>>, vector<1000x144xf32>
    %slice3A_27 = vector.extract_strided_slice %exp3A {offsets = [0, 1], sizes = [1000, 1], strides = [1, 1]} : vector<1000x4xf32> to vector<1000x1xf32>
    %slice3A_28 = vector.extract_strided_slice %get3A_26 {offsets = [0, 64], sizes = [1000, 64], strides = [1, 1]} : vector<1000x144xf32> to vector<1000x64xf32>
    %slice3A_29 = vector.extract_strided_slice %get3A_8 {offsets = [0, 64], sizes = [1000, 64], strides = [1, 1]} : vector<1000x256xf32> to vector<1000x64xf32>
    %mul3A_30 = vector.broadcast %slice3A_27 : vector<1000x1xf32> to vector<1000x64xf32>
    %mul3A_31 = arith.mulf %mul3A_30, %slice3A_29 : vector<1000x64xf32>
    %add3A_32 = arith.addf %slice3A_28, %mul3A_31 : vector<1000x64xf32>
    %slice3A_33 = vector.extract_strided_slice %get3A_26 {offsets = [0, 129], sizes = [1000, 1], strides = [1, 1]} : vector<1000x144xf32> to vector<1000x1xf32>
    %add3A_34 = arith.addf %slice3A_33, %slice3A_27 : vector<1000x1xf32>
    %add3A_35 = arith.constant 1.000000e-16 : f32
    %add3A_36 = vector.broadcast %add3A_35 : f32 to vector<1000x1xf32>
    %add3A_37 = arith.addf %add3A_34, %add3A_36 : vector<1000x1xf32>
    %div3A_38 = vector.broadcast %add3A_37 : vector<1000x1xf32> to vector<1000x64xf32>
    %div3A_39 = arith.divf %add3A_32, %div3A_38 : vector<1000x64xf32>
    %get3A_40 = arith.constant 0 : index
    %get3A_41 = arith.constant 0 : index
    %get3A_42 = vector.load %arg2[%get3A_40, %get3A_41] : memref<1000x144xf32, #tpu.memory_space<vmem>>, vector<1000x144xf32>
    %slice3A_43 = vector.extract_strided_slice %exp3A {offsets = [0, 2], sizes = [1000, 1], strides = [1, 1]} : vector<1000x4xf32> to vector<1000x1xf32>
    %slice3A_44 = vector.extract_strided_slice %get3A_42 {offsets = [0, 0], sizes = [1000, 64], strides = [1, 1]} : vector<1000x144xf32> to vector<1000x64xf32>
    %slice3A_45 = vector.extract_strided_slice %get3A_8 {offsets = [0, 128], sizes = [1000, 64], strides = [1, 1]} : vector<1000x256xf32> to vector<1000x64xf32>
    %mul3A_46 = vector.broadcast %slice3A_43 : vector<1000x1xf32> to vector<1000x64xf32>
    %mul3A_47 = arith.mulf %mul3A_46, %slice3A_45 : vector<1000x64xf32>
    %add3A_48 = arith.addf %slice3A_44, %mul3A_47 : vector<1000x64xf32>
    %slice3A_49 = vector.extract_strided_slice %get3A_42 {offsets = [0, 128], sizes = [1000, 1], strides = [1, 1]} : vector<1000x144xf32> to vector<1000x1xf32>
    %add3A_50 = arith.addf %slice3A_49, %slice3A_43 : vector<1000x1xf32>
    %add3A_51 = arith.constant 1.000000e-16 : f32
    %add3A_52 = vector.broadcast %add3A_51 : f32 to vector<1000x1xf32>
    %add3A_53 = arith.addf %add3A_50, %add3A_52 : vector<1000x1xf32>
    %div3A_54 = vector.broadcast %add3A_53 : vector<1000x1xf32> to vector<1000x64xf32>
    %div3A_55 = arith.divf %add3A_48, %div3A_54 : vector<1000x64xf32>
    %get3A_56 = arith.constant 0 : index
    %get3A_57 = arith.constant 0 : index
    %get3A_58 = vector.load %arg2[%get3A_56, %get3A_57] : memref<1000x144xf32, #tpu.memory_space<vmem>>, vector<1000x144xf32>
    %slice3A_59 = vector.extract_strided_slice %exp3A {offsets = [0, 3], sizes = [1000, 1], strides = [1, 1]} : vector<1000x4xf32> to vector<1000x1xf32>
    %slice3A_60 = vector.extract_strided_slice %get3A_58 {offsets = [0, 64], sizes = [1000, 64], strides = [1, 1]} : vector<1000x144xf32> to vector<1000x64xf32>
    %slice3A_61 = vector.extract_strided_slice %get3A_8 {offsets = [0, 192], sizes = [1000, 64], strides = [1, 1]} : vector<1000x256xf32> to vector<1000x64xf32>
    %mul3A_62 = vector.broadcast %slice3A_59 : vector<1000x1xf32> to vector<1000x64xf32>
    %mul3A_63 = arith.mulf %mul3A_62, %slice3A_61 : vector<1000x64xf32>
    %add3A_64 = arith.addf %slice3A_60, %mul3A_63 : vector<1000x64xf32>
    %slice3A_65 = vector.extract_strided_slice %get3A_58 {offsets = [0, 129], sizes = [1000, 1], strides = [1, 1]} : vector<1000x144xf32> to vector<1000x1xf32>
    %add3A_66 = arith.addf %slice3A_65, %slice3A_59 : vector<1000x1xf32>
    %add3A_67 = arith.constant 1.000000e-16 : f32
    %add3A_68 = vector.broadcast %add3A_67 : f32 to vector<1000x1xf32>
    %add3A_69 = arith.addf %add3A_66, %add3A_68 : vector<1000x1xf32>
    %div3A_70 = vector.broadcast %add3A_69 : vector<1000x1xf32> to vector<1000x64xf32>
    %div3A_71 = arith.divf %add3A_64, %div3A_70 : vector<1000x64xf32>
    %concatenate3A = tpu.concatenate %div3A_23, %div3A_39, %div3A_55, %div3A_71 in 1 : vector<1000x64xf32>, vector<1000x64xf32>, vector<1000x64xf32>, vector<1000x64xf32> -> vector<1000x256xf32>
    %get3A_72 = arith.constant 0 : index
    %get3A_73 = arith.constant 0 : index
    %get3A_74 = vector.load %arg7[%get3A_72, %get3A_73] : memref<1x256xf32, #tpu.memory_space<vmem>>, vector<1x256xf32>
    %add3A_75 = vector.broadcast %get3A_74 : vector<1x256xf32> to vector<1000x256xf32>
    %add3A_76 = arith.addf %concatenate3A, %add3A_75 : vector<1000x256xf32>
    %gt3A = arith.constant 0.000000e+00 : f32
    %gt3A_77 = vector.broadcast %gt3A : f32 to vector<1000x256xf32>
    %gt3A_78 = arith.cmpf ogt, %add3A_76, %gt3A_77 : vector<1000x256xf32>
    %min3A = arith.constant 0.000000e+00 : f32
    %min3A_79 = vector.broadcast %min3A : f32 to vector<1000x256xf32>
    %min3A_80 = arith.minimumf %add3A_76, %min3A_79 : vector<1000x256xf32>
    %exp3A_81 = math.exp %min3A_80 : vector<1000x256xf32>
    %sub3A = arith.constant 1.000000e+00 : f32
    %sub3A_82 = vector.broadcast %sub3A : f32 to vector<1000x256xf32>
    %sub3A_83 = arith.subf %exp3A_81, %sub3A_82 : vector<1000x256xf32>
    %select_n3A_84 = arith.select %gt3A_78, %add3A_76, %sub3A_83 : vector<1000x256xi1>, vector<1000x256xf32>
    %get3A_85 = arith.constant 0 : index
    %get3A_86 = arith.constant 0 : index
    %get3A_87 = vector.load %arg5[%get3A_85, %get3A_86] : memref<256x64xf32, #tpu.memory_space<vmem>>, vector<256x64xf32>
    %dot_general3A = arith.constant dense<0.000000e+00> : vector<1000x64xf32>
    %dot_general3A_88 = tpu.matmul %select_n3A_84, %get3A_87, %dot_general3A {dimension_numbers = #tpu.dot_dimension_numbers<[1], [0], [0], [1], [0, 0, 1, 1], [], []>, transpose_lhs_hint = false} : vector<1000x256xf32>, vector<256x64xf32>, vector<1000x64xf32> -> vector<1000x64xf32>
    %swap3A = arith.constant 0 : index
    %swap3A_89 = arith.constant 0 : index
    %swap3A_90 = vector.load %arg8[%swap3A, %swap3A_89] : memref<1000x64xf32, #tpu.memory_space<vmem>>, vector<1000x64xf32>
    tpu.vector_store %arg8[%swap3A, %swap3A_89], %dot_general3A_88 {strides = array<i32>} : memref<1000x64xf32, #tpu.memory_space<vmem>>, vector<1000x64xf32>,
    %get3A_91 = arith.constant 0 : index
    %get3A_92 = arith.constant 0 : index
    %get3A_93 = vector.load %arg6[%get3A_91, %get3A_92] : memref<64x2xf32, #tpu.memory_space<vmem>>, vector<64x2xf32>
    %dot_general3A_94 = arith.constant dense<0.000000e+00> : vector<1000x2xf32>
    %dot_general3A_95 = tpu.matmul %dot_general3A_88, %get3A_93, %dot_general3A_94 {dimension_numbers = #tpu.dot_dimension_numbers<[1], [0], [0], [1], [0, 0, 1, 1], [], []>, transpose_lhs_hint = false} : vector<1000x64xf32>, vector<64x2xf32>, vector<1000x2xf32> -> vector<1000x2xf32>
    %swap3A_96 = arith.constant 0 : index
    %swap3A_97 = arith.constant 0 : index
    %swap3A_98 = vector.load %arg9[%swap3A_96, %swap3A_97] : memref<1000x2xf32, #tpu.memory_space<vmem>>, vector<1000x2xf32>
    tpu.vector_store %arg9[%swap3A_96, %swap3A_97], %dot_general3A_95 {strides = array<i32>} : memref<1000x2xf32, #tpu.memory_space<vmem>>, vector<1000x2xf32>,
    return
  }
  func.func @transform_0(%arg0: i32) -> (i32, i32) {
    %c0_i32 = arith.constant 0 : i32
    %c0_i32_0 = arith.constant 0 : i32
    return %arg0, %c0_i32 : i32, i32
  }
  func.func @transform_1(%arg0: i32) -> (i32, i32) {
    %c0_i32 = arith.constant 0 : i32
    %c0_i32_0 = arith.constant 0 : i32
    return %arg0, %c0_i32 : i32, i32
  }
  func.func @transform_2(%arg0: i32) -> (i32, i32) {
    %c0_i32 = arith.constant 0 : i32
    %c0_i32_0 = arith.constant 0 : i32
    return %arg0, %c0_i32 : i32, i32
  }
  func.func @transform_3(%arg0: i32) -> (i32, i32) {
    %c0_i32 = arith.constant 0 : i32
    %c0_i32_0 = arith.constant 0 : i32
    return %arg0, %c0_i32 : i32, i32
  }
  func.func @transform_4(%arg0: i32) -> (i32, i32) {
    %c0_i32 = arith.constant 0 : i32
    %c0_i32_0 = arith.constant 0 : i32
    %c0_i32_1 = arith.constant 0 : i32
    return %c0_i32, %c0_i32_0 : i32, i32
  }
  func.func @transform_5(%arg0: i32) -> (i32, i32) {
    %c0_i32 = arith.constant 0 : i32
    %c0_i32_0 = arith.constant 0 : i32
    %c0_i32_1 = arith.constant 0 : i32
    return %c0_i32, %c0_i32_0 : i32, i32
  }
  func.func @transform_6(%arg0: i32) -> (i32, i32) {
    %c0_i32 = arith.constant 0 : i32
    %c0_i32_0 = arith.constant 0 : i32
    %c0_i32_1 = arith.constant 0 : i32
    return %c0_i32, %c0_i32_0 : i32, i32
  }
  func.func @transform_7(%arg0: i32) -> (i32, i32) {
    %c0_i32 = arith.constant 0 : i32
    %c0_i32_0 = arith.constant 0 : i32
    return %arg0, %c0_i32 : i32, i32
  }
  func.func @transform_8(%arg0: i32) -> (i32, i32) {
    %c0_i32 = arith.constant 0 : i32
    %c0_i32_0 = arith.constant 0 : i32
    return %arg0, %c0_i32 : i32, i32
  }
}

module attributes {stable_mosaic.version = 14 : i64} {
  func.func @_tc_fin(%arg0: i32, %arg1: memref<1000x80xf32, #tpu.memory_space<vmem>>, %arg2: memref<1000x80xf32, #tpu.memory_space<vmem>>, %arg3: memref<1000x64xf32, #tpu.memory_space<vmem>>, %arg4: memref<1000x2xf32, #tpu.memory_space<vmem>>, %arg5: memref<1x64xf32, #tpu.memory_space<vmem>>, %arg6: memref<1000x64xf32, #tpu.memory_space<vmem>>) attributes {dimension_semantics = [#tpu.dimension_semantics<arbitrary>], iteration_bounds = array<i64: 10>, scalar_prefetch = 0 : i64, scratch_operands = 0 : i64, tpu.core_type = #tpu.core_type<tc>, window_params = [{transform_indices = @transform_0, window_bounds = array<i64: 1000, 80>}, {transform_indices = @transform_1, window_bounds = array<i64: 1000, 80>}, {transform_indices = @transform_2, window_bounds = array<i64: 1000, 64>}, {transform_indices = @transform_3, window_bounds = array<i64: 1000, 2>}, {pipeline_mode = #tpu.pipeline_mode<synchronous>, transform_indices = @transform_4, window_bounds = array<i64: 1, 64>}, {transform_indices = @transform_5, window_bounds = array<i64: 1000, 64>}]} {
    %get3A = arith.constant 0 : index
    %get3A_0 = arith.constant 0 : index
    %get3A_1 = vector.load %arg4[%get3A, %get3A_0] : memref<1000x2xf32, #tpu.memory_space<vmem>>, vector<1000x2xf32>
    %slice3A = vector.extract_strided_slice %get3A_1 {offsets = [0, 0], sizes = [1000, 1], strides = [1, 1]} : vector<1000x2xf32> to vector<1000x1xf32>
    %slice3A_2 = vector.extract_strided_slice %get3A_1 {offsets = [0, 1], sizes = [1000, 1], strides = [1, 1]} : vector<1000x2xf32> to vector<1000x1xf32>
    %add3A = arith.addf %slice3A, %slice3A_2 : vector<1000x1xf32>
    %jit3A = arith.constant 2.000000e-01 : f32
    %ge3A = arith.constant 0.000000e+00 : f32
    %ge3A_3 = vector.broadcast %ge3A : f32 to vector<1000x1xf32>
    %ge3A_4 = arith.cmpf oge, %add3A, %ge3A_3 : vector<1000x1xf32>
    %mul3A = vector.broadcast %jit3A : f32 to vector<1000x1xf32>
    %mul3A_5 = arith.mulf %mul3A, %add3A : vector<1000x1xf32>
    %select_n3A = arith.select %ge3A_4, %add3A, %mul3A_5 : vector<1000x1xi1>, vector<1000x1xf32>
    %exp3A = math.exp %select_n3A : vector<1000x1xf32>
    %get3A_6 = arith.constant 0 : index
    %get3A_7 = arith.constant 0 : index
    %get3A_8 = vector.load %arg1[%get3A_6, %get3A_7] : memref<1000x80xf32, #tpu.memory_space<vmem>>, vector<1000x64xf32>
    %get3A_9 = arith.constant 0 : index
    %get3A_10 = arith.constant 0 : index
    %get3A_11 = vector.load %arg2[%get3A_9, %get3A_10] : memref<1000x80xf32, #tpu.memory_space<vmem>>, vector<1000x64xf32>
    %add3A_12 = arith.addf %get3A_8, %get3A_11 : vector<1000x64xf32>
    %get3A_13 = arith.constant 0 : index
    %get3A_14 = arith.constant 0 : index
    %get3A_15 = vector.load %arg3[%get3A_13, %get3A_14] : memref<1000x64xf32, #tpu.memory_space<vmem>>, vector<1000x64xf32>
    %mul3A_16 = vector.broadcast %exp3A : vector<1000x1xf32> to vector<1000x64xf32>
    %mul3A_17 = arith.mulf %mul3A_16, %get3A_15 : vector<1000x64xf32>
    %add3A_18 = arith.addf %add3A_12, %mul3A_17 : vector<1000x64xf32>
    %get3A_19 = arith.constant 0 : index
    %get3A_20 = arith.constant 64 : index
    %get3A_21 = vector.load %arg1[%get3A_19, %get3A_20] : memref<1000x80xf32, #tpu.memory_space<vmem>>, vector<1000x1xf32>
    %get3A_22 = arith.constant 0 : index
    %get3A_23 = arith.constant 64 : index
    %get3A_24 = vector.load %arg2[%get3A_22, %get3A_23] : memref<1000x80xf32, #tpu.memory_space<vmem>>, vector<1000x1xf32>
    %add3A_25 = arith.addf %get3A_21, %get3A_24 : vector<1000x1xf32>
    %add3A_26 = arith.addf %add3A_25, %exp3A : vector<1000x1xf32>
    %add3A_27 = arith.constant 1.000000e-16 : f32
    %add3A_28 = vector.broadcast %add3A_27 : f32 to vector<1000x1xf32>
    %add3A_29 = arith.addf %add3A_26, %add3A_28 : vector<1000x1xf32>
    %div3A = vector.broadcast %add3A_29 : vector<1000x1xf32> to vector<1000x64xf32>
    %div3A_30 = arith.divf %add3A_18, %div3A : vector<1000x64xf32>
    %get3A_31 = arith.constant 0 : index
    %get3A_32 = arith.constant 0 : index
    %get3A_33 = vector.load %arg5[%get3A_31, %get3A_32] : memref<1x64xf32, #tpu.memory_space<vmem>>, vector<1x64xf32>
    %add3A_34 = vector.broadcast %get3A_33 : vector<1x64xf32> to vector<1000x64xf32>
    %add3A_35 = arith.addf %div3A_30, %add3A_34 : vector<1000x64xf32>
    %swap3A = arith.constant 0 : index
    %swap3A_36 = arith.constant 0 : index
    %swap3A_37 = vector.load %arg6[%swap3A, %swap3A_36] : memref<1000x64xf32, #tpu.memory_space<vmem>>, vector<1000x64xf32>
    tpu.vector_store %arg6[%swap3A, %swap3A_36], %add3A_35 {strides = array<i32>} : memref<1000x64xf32, #tpu.memory_space<vmem>>, vector<1000x64xf32>,
    return
  }
  func.func @transform_0(%arg0: i32) -> (i32, i32) {
    %c0_i32 = arith.constant 0 : i32
    %c0_i32_0 = arith.constant 0 : i32
    return %arg0, %c0_i32 : i32, i32
  }
  func.func @transform_1(%arg0: i32) -> (i32, i32) {
    %c0_i32 = arith.constant 0 : i32
    %c0_i32_0 = arith.constant 0 : i32
    return %arg0, %c0_i32 : i32, i32
  }
  func.func @transform_2(%arg0: i32) -> (i32, i32) {
    %c0_i32 = arith.constant 0 : i32
    %c0_i32_0 = arith.constant 0 : i32
    return %arg0, %c0_i32 : i32, i32
  }
  func.func @transform_3(%arg0: i32) -> (i32, i32) {
    %c0_i32 = arith.constant 0 : i32
    %c0_i32_0 = arith.constant 0 : i32
    return %arg0, %c0_i32 : i32, i32
  }
  func.func @transform_4(%arg0: i32) -> (i32, i32) {
    %c0_i32 = arith.constant 0 : i32
    %c0_i32_0 = arith.constant 0 : i32
    %c0_i32_1 = arith.constant 0 : i32
    return %c0_i32, %c0_i32_0 : i32, i32
  }
  func.func @transform_5(%arg0: i32) -> (i32, i32) {
    %c0_i32 = arith.constant 0 : i32
    %c0_i32_0 = arith.constant 0 : i32
    return %arg0, %c0_i32 : i32, i32
  }
}

</mosaic_0001>

<sc_bundles>
// kernel: kernel.12.cloned.1.call-start
scs
__scs_entry_jumppad:
0x0: {  	(pc) =	sbr.rel $0x88, $3  }
0x1: {  	(tag) =	ssettag $0x0;
	lr =	simm.s32 $0x1  }
0x2: {  	[smem:$0x3F97] =	sst lr;
	_ =	strace $0xD0000000  }
0x3: {  	_ = 	snop  }
0x4: {  	_ = 	snop  }
0x5: {  	_ = 	snop  }
0x6: {  	_ = 	snop  }
0x7: {  	_ = 	snop  }
__scs_overlays_trampoline_lowered:
0x8: {  	[smem:$0x3FA6] =	sst s0  }
0x9: {  	[smem:$0x3FA7] =	sst s1  }
0xa: {  	[smem:$0x3FA8] =	sst s2  }
0xb: {  	[smem:$0x3FA9] =	sst s3  }
0xc: {  	[smem:$0x3FAA] =	sst s4  }
0xd: {  	[smem:$0x3FAB] =	sst s5  }
0xe: {  	[smem:$0x3FAC] =	sst s6  }
0xf: {  	[smem:$0x3FAD] =	sst s7  }
0x10: {  	[smem:$0x3FAE] =	sst s8  }
0x11: {  	[smem:$0x3FAF] =	sst s9;
	s0 =	simm.s32 @!p0 $0x0  }
0x12: {  	s1 =	sld [smem:$0x3F95];
	s0 =	simm.s32 @p0 $0x1  }
0x13: {  	[smem:$0x3FB0] =	sst s0;
	s0 =	simm.s32 @!p1 $0x0  }
0x14: {  	s2 =	sld [smem:$0x3F94];
	s0 =	simm.s32 @p1 $0x1  }
0x15: {  	[smem:$0x3FB1] =	sst s0;
	s0 =	simm.s32 @!p2 $0x0  }
0x16: {  	s3 =	sld [smem:$0x3FDB];
	s0 =	simm.s32 @p2 $0x1  }
0x17: {  	s4 =	simm.s32 $0x1BF5;
	[smem:$0x3FB3] =	sst s0  }
0x18: {  	s0 =	sld [smem:$0x3F96];
	_ =	swait.ge [sflag:s4], $0x0  }
0x19: {  	s7 =	sld [smem:$0x3F97]  }
0x1a: {  	s8 =	sadd.s32 $0xFFFFE003, lr  }
0x1b: {  	s9 =	sadd.s32 $0xFFFFFEF7, lr;
	s5 =	simm.s32 $0xFFFFFFFF;
	p2 =	slt.u32 s8, $0xFFFFF086  }
0x1c: {  	p1 =	slt.u32 s9, $0xF7A;
	s5 =	simm.s32 @!p2 $0x0  }
0x1d: {  	s5 =	simm.s32 @p1 $0x1;
	p0 =	seq.s32 s7, s2  }
0x1e: {  	s7 =	smul.u32 @!p0 $0xF7A, s2;
	p2 =	seq.s32 @!p0 s5, $0x0  }
0x1f: {  	s9 =	smul.u32 $0xF7A, s1;
	s8 =	simm.s32 @!p0 $0x1BF5;
	p2 =	por !p2, p0  }
0x20: {  	[sflag:s8] =	ssyncset.s32 @!p0 $0xFFFFF086;
	s6 =	sadd.s32 @!p0 s3, s7;
	s7 =	simm.s32 @!p0 $0x108  }
0x21: {  	s3 =	sadd.s32 s3, s9;
	s6 =	sadd.s32 @!p0 $0x88, s6;
	s7 =	simm.s32 @p2 $0x1082  }
0x22: {  	[simem:s7], [sflag:s8] =	dma.local @!p0 [hbm:s6], $0xF7A  }
0x23: {  	s9 =	sor.u32 $0xD0000000, s2;
	s6 =	simm.s32 $0x108;
	_ =	swait.ge @!p0 [sflag:s8], $0x0  }
0x24: {  	s3 =	sadd.s32 $0x88, s3;
	s6 =	simm.s32 @!p1 $0x1082;
	[sflag:s4] =	ssyncset.s32 $0xFFFFF086  }
0x25: {  	[simem:s6], [sflag:s4] =	dma.local [hbm:s3], $0xF7A  }
0x26: {  	[smem:$0x3F97] =	sst s1;
	(tag) =	ssettag s2;
	_ =	strace s9  }
0x27: {  	s1 =	sld [smem:$0x3FA7]  }
0x28: {  	s2 =	sld [smem:$0x3FA8]  }
0x29: {  	s4 =	sld [smem:$0x3FAA]  }
0x2a: {  	p0 =	seq.s32 s5, $0x0;
	s5 =	sld [smem:$0x3FAB]  }
0x2b: {  	s6 =	sld [smem:$0x3FAC]  }
0x2c: {  	s7 =	sld [smem:$0x3FAD]  }
0x2d: {  	s3 =	simm.s32 $0x108;
	s8 =	sld [smem:$0x3FAE]  }
0x2e: {  	s3 =	simm.s32 @!p0 $0x1082;
	s9 =	sld [smem:$0x3FAF]  }
0x2f: {  	lr =	sadd.s32 s0, s3;
	s0 =	sld [smem:$0x3FA6]  }
0x30: {  	s3 =	sld [smem:$0x3FA9]  }
0x31: {  	[smem:$0x3FB2] =	sst s10  }
0x32: {  	s10 =	sld [smem:$0x3FB0];
	_ =	sdelay $0x3  }
0x33: {  	p0 =	seq.s32 s10, $0x1;
	s10 =	sld [smem:$0x3FB2];
	_ =	sdelay $0x3  }
0x34: {  	[smem:$0x3FB2] =	sst s10  }
0x35: {  	s10 =	sld [smem:$0x3FB1];
	_ =	sdelay $0x3  }
0x36: {  	p1 =	seq.s32 s10, $0x1;
	s10 =	sld [smem:$0x3FB2];
	_ =	sdelay $0x3  }
0x37: {  	[smem:$0x3FB2] =	sst s10  }
0x38: {  	s10 =	sld [smem:$0x3FB3]  }
0x39: {  	_ = 	snop;
	(pc) =	sbr.ind lr, $3  }
0x3a: {  	_ = 	snop  }
0x3b: {  	_ = 	snop  }
0x3c: {  	p2 =	seq.s32 s10, $0x1;
	s10 =	sld [smem:$0x3FB2]  }
0x3d: {  	_ =	shalt  }
0x3e: {  	_ =	shalt  }
0x3f: {  	_ =	shalt  }
0x40: {  	_ =	shalt  }
0x41: {  	_ =	shalt  }
0x42: {  	_ =	shalt  }
0x43: {  	_ =	shalt  }
0x44: {  	_ =	shalt  }
0x45: {  	_ =	shalt  }
0x46: {  	_ =	shalt  }
0x47: {  	_ =	shalt  }
0x48: {  	_ =	shalt  }
0x49: {  	_ =	shalt  }
0x4a: {  	_ =	shalt  }
0x4b: {  	_ =	shalt  }
0x4c: {  	_ =	shalt  }
0x4d: {  	_ =	shalt  }
0x4e: {  	_ =	shalt  }
0x4f: {  	_ =	shalt  }
0x50: {  	_ =	shalt  }
0x51: {  	_ =	shalt  }
0x52: {  	_ =	shalt  }
0x53: {  	_ =	shalt  }
0x54: {  	_ =	shalt  }
0x55: {  	_ =	shalt  }
0x56: {  	_ =	shalt  }
0x57: {  	_ =	shalt  }
0x58: {  	_ =	shalt  }
0x59: {  	_ =	shalt  }
0x5a: {  	_ =	shalt  }
0x5b: {  	_ =	shalt  }
0x5c: {  	_ =	shalt  }
0x5d: {  	_ =	shalt  }
0x5e: {  	_ =	shalt  }
0x5f: {  	_ =	shalt  }
0x60: {  	_ =	shalt  }
0x61: {  	_ =	shalt  }
0x62: {  	_ =	shalt  }
0x63: {  	_ =	shalt  }
0x64: {  	_ =	shalt  }
0x65: {  	_ =	shalt  }
0x66: {  	_ =	shalt  }
0x67: {  	_ =	shalt  }
0x68: {  	_ =	shalt  }
0x69: {  	_ =	shalt  }
0x6a: {  	_ =	shalt  }
0x6b: {  	_ =	shalt  }
0x6c: {  	_ =	shalt  }
0x6d: {  	_ =	shalt  }
0x6e: {  	_ =	shalt  }
0x6f: {  	_ =	shalt  }
0x70: {  	_ =	shalt  }
0x71: {  	_ =	shalt  }
0x72: {  	_ =	shalt  }
0x73: {  	_ =	shalt  }
0x74: {  	_ =	shalt  }
0x75: {  	_ =	shalt  }
0x76: {  	_ =	shalt  }
0x77: {  	_ =	shalt  }
0x78: {  	_ =	shalt  }
0x79: {  	_ =	shalt  }
0x7a: {  	_ =	shalt  }
0x7b: {  	_ =	shalt  }
0x7c: {  	_ =	shalt  }
0x7d: {  	_ =	shalt  }
0x7e: {  	_ =	shalt  }
0x7f: {  	_ =	shalt  }
0x80: {  	_ =	shalt  }
0x81: {  	_ =	shalt  }
0x82: {  	_ =	shalt  }
0x83: {  	_ =	shalt  }
0x84: {  	_ =	shalt  }
0x85: {  	_ =	shalt  }
0x86: {  	_ =	shalt  }
0x87: {  	_ =	shalt  }
.Lfunc_end0:
.L_simem_size_0:
called_computation.1_lowered:
.L_overlay_start_0:
0x88: {  	s2 =	sld [smem:$0x3FD9]  }
0x89: {  	s3 =	sld [smem:$0x3FFE];
	_ =	sdelay $0x1  }
0x8a: {  	s1 =	srdreg.scid  }
0x8b: {  	s0 =	sand.u32 $0x1, s1  }
0x8c: {  	s16 =	sshll.u32 s0, $0xA;
	s2 =	sadd.s32 s3, s2  }
0x8d: {  	s2 =	sadd.s32 s2, s16  }
0x8e: {  	[smem:$0x3FBE] =	sst s2  }
0x8f: {  	_ = 	snop  }
0x90: {  	(tm) =	ssettm $0x1  }
0x91: {  	s17 =	sld [smem:$0x3FFB];
	_ =	sdelay $0x3  }
0x92: {  	_ =	strace s17  }
0x93: {  	s2 =	sld [smem:$0x3FFC];
	_ =	sdelay $0x3  }
0x94: {  	_ =	strace s2  }
0x95: {  	s2 =	sld [smem:$0x3FFD];
	_ =	sdelay $0x3  }
0x96: {  	_ =	strace s2  }
0x97: {  	_ =	strace $0x8FFFFFFF  }
0x98: {  	s18 =	sld [smem:$0x3FDB];
	_ =	sdelay $0x1  }
0x99: {  	s19 =	simm.s32 $_scs_section_size  }
0x9a: {  	s4 =	simm.s32 $_size__tile_overlayer_lowered;
	s5 =	simm.s32 $_tile_overlayer_lowered  }
0x9b: {  	s22 =	simm.s32 $0x1BFF;
	s21 =	sshll.u32 s5, $0x1;
	s2 =	sadd.s32 s19, s18  }
0x9c: {  	s6 =	simm.s32 $0x0;
	s20 =	sshll.u32 s4, $0x1;
	s4 =	sadd.s32 s21, s2  }
0x9d: {  	[timem:s6], [sflag:s22] =	dma.local [hbm:s4], s20  }
0x9e: {  	_ =	swait.ge [sflag:s22], s20  }
0x9f: {  	s3 =	ssub.s32 $0x0, s20;
	[sflag:s22] =	ssyncset.done $0x0  }
0xa0: {  	[sflag:s22] =	ssyncadd.s32 s3;
	_ =	sdelay $0x1  }
0xa1: {  	s23 =	simm.s32 $0x1B8B  }
0xa2: {  	_ =	swait.ge [sflag:s23], $0x1  }
0xa3: {  	[sflag:s23] =	ssyncset.done $0x0  }
0xa4: {  	s25 =	simm.s32 $0x1B8E;
	s24 =	sld [smem:$0x3FFE];
	[sflag:s23] =	ssyncadd.s32 $0xFFFFFFFF  }
0xa5: {  	s26 =	simm.s32 $execute0_lowered;
	[smem:$0x3FD2] =	sst s25  }
0xa6: {  	s4 =	sshll.u32 s26, $0x1;
	_ =	strace $0x80000049;
	[dreg:$0x1] =	wrdreg $0xFFFFFFFF  }
0xa7: {  	s28 =	simm.s32 $_size_execute0_lowered;
	s2 =	sadd.s32 s2, s4;
	[dreg:$0x0] =	wrdreg $0x0  }
0xa8: {  	s4 =	sshll.u32 s28, $0x1;
	[dreg:$0x2] =	wrdreg s2  }
0xa9: {  	[dreg:$0x3] =	wrdreg s4  }
0xaa: {  	[dreg:$0x4] =	wrdreg $0xC0  }
0xab: {  	_ =	task [dreg:s6], $0x5FFFF  }
0xac: {  	[dreg:$0x1] =	wrdreg $0xFFFFFFFF  }
0xad: {  	[dreg:$0x0] =	wrdreg $0x60  }
0xae: {  	[dreg:$0x2] =	wrdreg s24  }
0xaf: {  	[dreg:$0x3] =	wrdreg $0x0  }
0xb0: {  	[dreg:$0x4] =	wrdreg $0x9  }
0xb1: {  	_ =	task.clear_ibuf [dreg:s6], $0x5FFFF;
	_ =	strace $0x90000049  }
0xb2: {  	s29 =	simm.s32 $0x9;
	_ =	strace $0x8000004B  }
0xb3: {  	_ =	swait.ge [sflag:s29], $0x1  }
0xb4: {  	[sflag:s29] =	ssyncadd.s32 $0xFFFFFFFF  }
0xb5: {  	_ =	strace $0x9000004B  }
0xb6: {  	_ =	sfence  }
0xb7: {  	s30 =	sld [smem:$0x0];
	_ =	sdelay $0x2  }
0xb8: {  	s31 =	sshll.u32 s1, $0xD;
	s1 =	sshrl.u32 s1, $0x2  }
0xb9: {  	s3 =	sand.u32 $0x4000, s31;
	s1 =	sadd.s32 s1, s30  }
0xba: {  	s0 =	sor.u32 s3, s0;
	s1 =	sshll.u32 s1, $0x11  }
0xbb: {  	s0 =	sor.u32 s1, s0  }
0xbc: {  	s0 =	sadd.s32 $0x8F2B, s0  }
0xbd: {  	[sflag:s0] =	ssyncadd.remote.s32 $0x1  }
0xbe: {  	_ =	sfence.sel $0xFFFF  }
0xbf: {  	[dreg:$0x0] =	wrdreg $0xFFFFFFFF;
	(pc) =	sbr.abs _section_cstart, $3  }
0xc0: {  	[dreg:$0x1] =	wrdreg $0xFFFFFFFF  }
0xc1: {  	_ =	task.clear_ibuf [dreg:s6], $0x2FFFF;
	_ =	strace $0x9FFFFFFF  }
0xc2: {  	(tm) =	ssettm $0x7FFFFFFF  }
0xc3: {  	_ =	shalt  }
tec
execute0_lowered:
.L_overlay_start_1:
0x0: {  	(tag) =	ssettag $0x1  }
0x1: {  	s0 =	rddreg [dreg:$0x0]  }
0x2: {  	s2 =	rddreg [dreg:$0x1]  }
0x3: {  	s1 =	srdreg.scid;
	s12 =	stileid.u32  }
0x4: {  	s3 =	simm.s32 $0x0;
	s1 =	sand.u32 $0x1, s1;
	s7 =	smul.u32 $0x15F90, s12  }
0x5: {  	[smem:$0x7FF] =	sst s3;
	s8 =	smul.u32 $0x15F900, s1  }
0x6: {  	s4 =	sadd.s32 $0x66A00, s0;
	s9 =	smul.u32 $0x57E40, s12;
	s5 =	sadd.s32 $0xA1600, s0  }
0x7: {  	s6 =	sadd.s32 $0xB5000, s0;
	s17 =	smul.u32 $0xEA60, s12;
	s8 =	sadd.s32 s7, s8  }
0x8: {  	s12 =	smul.u32 $0x4E20, s12;
	s9 =	sshrl.u32 s9, $0x2;
	s8 =	sshrl.u32 s8, $0x3  }
0x9: {  	_ =	strace $0x8000004A;
	s11 =	sadd.s32 s8, s0;
	s8 =	sadd.s32 s9, s2  }
0xa: {  	s10 =	ssub.s32 $0x2, s1;
	s15 =	smul.u32 $0xEA600, s1;
	s9 =	sadd.s32 $0xE10, s8  }
0xb: {  	s1 =	smul.u32 $0x4E200, s1;
	s13 =	sadd.s32 $0x1C20, s8;
	[dreg:$0x3] =	wrdreg s9  }
0xc: {  	s26 =	sshrl.u32 s10, $0x1;
	s14 =	sadd.s32 $0x2A30, s8;
	[dreg:$0x4] =	wrdreg s13  }
0xd: {  	s10 =	ssub.s32 s10, s26;
	s16 =	sadd.s32 $0x4650, s8;
	[dreg:$0x5] =	wrdreg s14  }
0xe: {  	s7 =	sadd.s32 s7, s2;
	s18 =	sadd.s32 $0x6270, s8;
	[dreg:$0x7] =	wrdreg s16  }
0xf: {  	s10 =	smax.u32 s10, $0x1;
	s19 =	sadd.s32 $0x7080, s8;
	[dreg:$0x9] =	wrdreg s18  }
0x10: {  	s20 =	sadd.s32 $0x7E90, s8;
	s21 =	sadd.s32 $0x8CA0, s8;
	[dreg:$0xa] =	wrdreg s19  }
0x11: {  	s22 =	sadd.s32 $0x9AB0, s8;
	s23 =	sadd.s32 $0xA8C0, s8;
	[dreg:$0xb] =	wrdreg s20  }
0x12: {  	s24 =	sadd.s32 $0xB6D0, s8;
	s25 =	sadd.s32 $0xC4E0, s8;
	[dreg:$0xc] =	wrdreg s21  }
0x13: {  	s26 =	sadd.s32 $0xD2F0, s8;
	s28 =	sadd.s32 $0xFD20, s8;
	[dreg:$0xd] =	wrdreg s22  }
0x14: {  	s29 =	sadd.s32 $0x10B30, s8;
	s30 =	sadd.s32 $0x11940, s8;
	[dreg:$0xe] =	wrdreg s23  }
0x15: {  	s31 =	sadd.s32 $0x12750, s8;
	s0 =	sadd.s32 $0x13560, s8;
	[dreg:$0xf] =	wrdreg s24  }
0x16: {  	s9 =	sadd.s32 $0x3840, s8;
	s13 =	sadd.s32 $0x5460, s8;
	[dreg:$0x10] =	wrdreg s25  }
0x17: {  	s19 =	sadd.s32 s17, s15;
	s21 =	sadd.s32 s12, s1;
	[dreg:$0x11] =	wrdreg s26  }
0x18: {  	s25 =	sadd.s32 $0xE100, s8;
	s26 =	sadd.s32 $0xEF10, s8;
	s1 =	sadd.s32 $0x14370, s8  }
0x19: {  	s8 =	sadd.s32 $0x15180, s8;
	s12 =	simm.s32 $0x2;
	s14 =	simm.s32 $0x16080  }
0x1a: {  	s15 =	simm.s32 $0x50;
	s16 =	simm.s32 $0x160D0;
	[dreg:$0x6] =	wrdreg s9  }
0x1b: {  	s17 =	simm.s32 $0x1;
	s18 =	simm.s32 $0x188D0;
	[dreg:$0x8] =	wrdreg s13  }
0x1c: {  	v0 =	vimm.f32 $0.0e+00;
	vm0 =	vmmov $0x1;
	vm1 =	vcmask $0x308;
	s9 =	sadd.s32 $0x103200, s11;
	s11 =	simm.s32 $0x1B5D0;
	s13 =	simm.s32 $0x15F90  }
.LBB2_1:
0x1d: {  	[tilespmem:$0x1B5D0] =	vst v0  }
0x1e: {  	[tilespmem:$0x1B5E0] =	vst v0  }
0x1f: {  	[tilespmem:$0x1B5F0] =	vst v0  }
0x20: {  	[tilespmem:$0x1B600] =	vst v0  }
0x21: {  	[tilespmem:$0x1B610] =	vst v0  }
0x22: {  	[tilespmem:$0x1B620] =	vst v0  }
0x23: {  	[tilespmem:$0x1B630] =	vst v0  }
0x24: {  	[tilespmem:$0x1B640] =	vst v0  }
0x25: {  	[tilespmem:$0x1B650] =	vst v0  }
0x26: {  	[tilespmem:$0x1B660] =	vst v0  }
0x27: {  	[tilespmem:$0x1B670] =	vst v0  }
0x28: {  	[tilespmem:$0x1B680] =	vst v0  }
0x29: {  	[tilespmem:$0x1B690] =	vst v0  }
0x2a: {  	[tilespmem:$0x1B6A0] =	vst v0  }
0x2b: {  	[tilespmem:$0x1B6B0] =	vst v0  }
0x2c: {  	[tilespmem:$0x1B6C0] =	vst v0  }
0x2d: {  	[tilespmem:$0x1B6D0] =	vst v0  }
0x2e: {  	[tilespmem:$0x1B6E0] =	vst v0  }
0x2f: {  	[tilespmem:$0x1B6F0] =	vst v0  }
0x30: {  	[tilespmem:$0x1B700] =	vst v0  }
0x31: {  	[tilespmem:$0x1B710] =	vst v0  }
0x32: {  	[tilespmem:$0x1B720] =	vst v0  }
0x33: {  	[tilespmem:$0x1B730] =	vst v0  }
0x34: {  	[tilespmem:$0x1B740] =	vst v0  }
0x35: {  	[tilespmem:$0x1B750] =	vst v0  }
0x36: {  	[tilespmem:$0x1B760] =	vst v0  }
0x37: {  	[tilespmem:$0x1B770] =	vst v0  }
0x38: {  	[tilespmem:$0x1B780] =	vst v0  }
0x39: {  	[tilespmem:$0x1B790] =	vst v0  }
0x3a: {  	[tilespmem:$0x1B7A0] =	vst v0  }
0x3b: {  	[tilespmem:$0x1B7B0] =	vst v0  }
0x3c: {  	[tilespmem:$0x1B7C0] =	vst v0  }
0x3d: {  	[tilespmem:$0x1B7D0] =	vst v0  }
0x3e: {  	[tilespmem:$0x1B7E0] =	vst v0  }
0x3f: {  	[tilespmem:$0x1B7F0] =	vst v0  }
0x40: {  	[tilespmem:$0x1B800] =	vst v0  }
0x41: {  	[tilespmem:$0x1B810] =	vst v0  }
0x42: {  	[tilespmem:$0x1B820] =	vst v0  }
0x43: {  	[tilespmem:$0x1B830] =	vst v0  }
0x44: {  	[tilespmem:$0x1B840] =	vst v0  }
0x45: {  	[tilespmem:$0x1B850] =	vst v0  }
0x46: {  	[tilespmem:$0x1B860] =	vst v0  }
0x47: {  	[tilespmem:$0x1B870] =	vst v0  }
0x48: {  	[tilespmem:$0x1B880] =	vst v0  }
0x49: {  	[tilespmem:$0x1B890] =	vst v0  }
0x4a: {  	[tilespmem:$0x1B8A0] =	vst v0  }
0x4b: {  	[tilespmem:$0x1B8B0] =	vst v0  }
0x4c: {  	[tilespmem:$0x1B8C0] =	vst v0  }
0x4d: {  	[tilespmem:$0x1B8D0] =	vst v0  }
0x4e: {  	[tilespmem:$0x1B8E0] =	vst v0  }
0x4f: {  	[tilespmem:$0x1B8F0] =	vst v0  }
0x50: {  	[tilespmem:$0x1B900] =	vst v0  }
0x51: {  	[tilespmem:$0x1B910] =	vst v0  }
0x52: {  	[tilespmem:$0x1B920] =	vst v0  }
0x53: {  	[tilespmem:$0x1B930] =	vst v0  }
0x54: {  	[tilespmem:$0x1B940] =	vst v0  }
0x55: {  	[tilespmem:$0x1B950] =	vst v0  }
0x56: {  	[tilespmem:$0x1B960] =	vst v0  }
0x57: {  	[tilespmem:$0x1B970] =	vst v0  }
0x58: {  	[tilespmem:$0x1B980] =	vst v0  }
0x59: {  	[tilespmem:$0x1B990] =	vst v0  }
0x5a: {  	[tilespmem:$0x1B9A0] =	vst v0  }
0x5b: {  	[tilespmem:$0x1B9B0] =	vst v0  }
0x5c: {  	[tilespmem:$0x1B9C0] =	vst v0  }
0x5d: {  	[tilespmem:$0x1B9D0] =	vst v0  }
0x5e: {  	[tilespmem:$0x1B9E0] =	vst v0  }
0x5f: {  	[tilespmem:$0x1B9F0] =	vst v0  }
0x60: {  	[tilespmem:$0x1BA00] =	vst v0  }
0x61: {  	[tilespmem:$0x1BA10] =	vst v0  }
0x62: {  	[tilespmem:$0x1BA20] =	vst v0  }
0x63: {  	[tilespmem:$0x1BA30] =	vst v0  }
0x64: {  	[tilespmem:$0x1BA40] =	vst v0  }
0x65: {  	[tilespmem:$0x1BA50] =	vst v0  }
0x66: {  	[tilespmem:$0x1BA60] =	vst v0  }
0x67: {  	[tilespmem:$0x1BA70] =	vst v0  }
0x68: {  	[tilespmem:$0x1BA80] =	vst v0  }
0x69: {  	[tilespmem:$0x1BA90] =	vst v0  }
0x6a: {  	[tilespmem:$0x1BAA0] =	vst v0  }
0x6b: {  	[tilespmem:$0x1BAB0] =	vst v0  }
0x6c: {  	[tilespmem:$0x1BAC0] =	vst v0  }
0x6d: {  	[tilespmem:$0x1BAD0] =	vst v0  }
0x6e: {  	[tilespmem:$0x1BAE0] =	vst v0  }
0x6f: {  	[tilespmem:$0x1BAF0] =	vst v0  }
0x70: {  	[tilespmem:$0x1BB00] =	vst v0  }
0x71: {  	[tilespmem:$0x1BB10] =	vst v0  }
0x72: {  	[tilespmem:$0x1BB20] =	vst v0  }
0x73: {  	[tilespmem:$0x1BB30] =	vst v0  }
0x74: {  	[tilespmem:$0x1BB40] =	vst v0  }
0x75: {  	[tilespmem:$0x1BB50] =	vst v0  }
0x76: {  	[tilespmem:$0x1BB60] =	vst v0  }
0x77: {  	[tilespmem:$0x1BB70] =	vst v0  }
0x78: {  	[tilespmem:$0x1BB80] =	vst v0  }
0x79: {  	[tilespmem:$0x1BB90] =	vst v0  }
0x7a: {  	[tilespmem:$0x1BBA0] =	vst v0  }
0x7b: {  	[tilespmem:$0x1BBB0] =	vst v0  }
0x7c: {  	[tilespmem:$0x1BBC0] =	vst v0  }
0x7d: {  	[tilespmem:$0x1BBD0] =	vst v0  }
0x7e: {  	[tilespmem:$0x1BBE0] =	vst v0  }
0x7f: {  	[tilespmem:$0x1BBF0] =	vst v0  }
0x80: {  	[tilespmem:$0x1BC00] =	vst v0  }
0x81: {  	[tilespmem:$0x1BC10] =	vst v0  }
0x82: {  	[tilespmem:$0x1BC20] =	vst v0  }
0x83: {  	[tilespmem:$0x1BC30] =	vst v0  }
0x84: {  	[tilespmem:$0x1BC40] =	vst v0  }
0x85: {  	[tilespmem:$0x1BC50] =	vst v0  }
0x86: {  	[tilespmem:$0x1BC60] =	vst v0  }
0x87: {  	[tilespmem:$0x1BC70] =	vst v0  }
0x88: {  	[tilespmem:$0x1BC80] =	vst v0  }
0x89: {  	[tilespmem:$0x1BC90] =	vst v0  }
0x8a: {  	[tilespmem:$0x1BCA0] =	vst v0  }
0x8b: {  	[tilespmem:$0x1BCB0] =	vst v0  }
0x8c: {  	[tilespmem:$0x1BCC0] =	vst v0  }
0x8d: {  	[tilespmem:$0x1BCD0] =	vst v0  }
0x8e: {  	[tilespmem:$0x1BCE0] =	vst v0  }
0x8f: {  	[tilespmem:$0x1BCF0] =	vst v0  }
0x90: {  	[tilespmem:$0x1BD00] =	vst v0  }
0x91: {  	[tilespmem:$0x1BD10] =	vst v0  }
0x92: {  	[tilespmem:$0x1BD20] =	vst v0  }
0x93: {  	[tilespmem:$0x1BD30] =	vst v0  }
0x94: {  	[tilespmem:$0x1BD40] =	vst v0  }
0x95: {  	[tilespmem:$0x1BD50] =	vst v0  }
0x96: {  	[tilespmem:$0x1BD60] =	vst v0  }
0x97: {  	[tilespmem:$0x1BD70] =	vst v0  }
0x98: {  	[tilespmem:$0x1BD80] =	vst v0  }
0x99: {  	[tilespmem:$0x1BD90] =	vst v0  }
0x9a: {  	[tilespmem:$0x1BDA0] =	vst v0  }
0x9b: {  	[tilespmem:$0x1BDB0] =	vst v0  }
0x9c: {  	[tilespmem:$0x1BDC0] =	vst v0  }
0x9d: {  	[tilespmem:$0x1BDD0] =	vst v0  }
0x9e: {  	[tilespmem:$0x1BDE0] =	vst v0  }
0x9f: {  	[tilespmem:$0x1BDF0] =	vst v0  }
0xa0: {  	[tilespmem:$0x1BE00] =	vst v0  }
0xa1: {  	[tilespmem:$0x1BE10] =	vst v0  }
0xa2: {  	[tilespmem:$0x1BE20] =	vst v0  }
0xa3: {  	[tilespmem:$0x1BE30] =	vst v0  }
0xa4: {  	[tilespmem:$0x1BE40] =	vst v0  }
0xa5: {  	[tilespmem:$0x1BE50] =	vst v0  }
0xa6: {  	[tilespmem:$0x1BE60] =	vst v0  }
0xa7: {  	[tilespmem:$0x1BE70] =	vst v0  }
0xa8: {  	[tilespmem:$0x1BE80] =	vst v0  }
0xa9: {  	[tilespmem:$0x1BE90] =	vst v0  }
0xaa: {  	[tilespmem:$0x1BEA0] =	vst v0  }
0xab: {  	[tilespmem:$0x1BEB0] =	vst v0  }
0xac: {  	[tilespmem:$0x1BEC0] =	vst v0  }
0xad: {  	[tilespmem:$0x1BED0] =	vst v0  }
0xae: {  	[tilespmem:$0x1BEE0] =	vst v0  }
0xaf: {  	[tilespmem:$0x1BEF0] =	vst v0  }
0xb0: {  	[tilespmem:$0x1BF00] =	vst v0  }
0xb1: {  	[tilespmem:$0x1BF10] =	vst v0  }
0xb2: {  	[tilespmem:$0x1BF20] =	vst v0  }
0xb3: {  	[tilespmem:$0x1BF30] =	vst v0  }
0xb4: {  	[tilespmem:$0x1BF40] =	vst v0  }
0xb5: {  	[tilespmem:$0x1BF50] =	vst v0  }
0xb6: {  	[tilespmem:$0x1BF60] =	vst v0  }
0xb7: {  	[tilespmem:$0x1BF70] =	vst v0  }
0xb8: {  	[tilespmem:$0x1BF80] =	vst v0  }
0xb9: {  	[tilespmem:$0x1BF90] =	vst v0  }
0xba: {  	[tilespmem:$0x1BFA0] =	vst v0  }
0xbb: {  	[tilespmem:$0x1BFB0] =	vst v0  }
0xbc: {  	[tilespmem:$0x1BFC0] =	vst v0  }
0xbd: {  	[tilespmem:$0x1BFD0] =	vst v0  }
0xbe: {  	[tilespmem:$0x1BFE0] =	vst v0  }
0xbf: {  	[tilespmem:$0x1BFF0] =	vst v0  }
0xc0: {  	[tilespmem:$0x1C000] =	vst v0  }
0xc1: {  	[tilespmem:$0x1C010] =	vst v0  }
0xc2: {  	[tilespmem:$0x1C020] =	vst v0  }
0xc3: {  	[tilespmem:$0x1C030] =	vst v0  }
0xc4: {  	[tilespmem:$0x1C040] =	vst v0  }
0xc5: {  	[tilespmem:$0x1C050] =	vst v0  }
0xc6: {  	[tilespmem:$0x1C060] =	vst v0  }
0xc7: {  	[tilespmem:$0x1C070] =	vst v0  }
0xc8: {  	[tilespmem:$0x1C080] =	vst v0  }
0xc9: {  	[tilespmem:$0x1C090] =	vst v0  }
0xca: {  	[tilespmem:$0x1C0A0] =	vst v0  }
0xcb: {  	[tilespmem:$0x1C0B0] =	vst v0  }
0xcc: {  	[tilespmem:$0x1C0C0] =	vst v0  }
0xcd: {  	[tilespmem:$0x1C0D0] =	vst v0  }
0xce: {  	[tilespmem:$0x1C0E0] =	vst v0  }
0xcf: {  	[tilespmem:$0x1C0F0] =	vst v0  }
0xd0: {  	[tilespmem:$0x1C100] =	vst v0  }
0xd1: {  	[tilespmem:$0x1C110] =	vst v0  }
0xd2: {  	[tilespmem:$0x1C120] =	vst v0  }
0xd3: {  	[tilespmem:$0x1C130] =	vst v0  }
0xd4: {  	[tilespmem:$0x1C140] =	vst v0  }
0xd5: {  	[tilespmem:$0x1C150] =	vst v0  }
0xd6: {  	[tilespmem:$0x1C160] =	vst v0  }
0xd7: {  	[tilespmem:$0x1C170] =	vst v0  }
0xd8: {  	[tilespmem:$0x1C180] =	vst v0  }
0xd9: {  	[tilespmem:$0x1C190] =	vst v0  }
0xda: {  	[tilespmem:$0x1C1A0] =	vst v0  }
0xdb: {  	[tilespmem:$0x1C1B0] =	vst v0  }
0xdc: {  	[tilespmem:$0x1C1C0] =	vst v0  }
0xdd: {  	[tilespmem:$0x1C1D0] =	vst v0  }
0xde: {  	[tilespmem:$0x1C1E0] =	vst v0  }
0xdf: {  	[tilespmem:$0x1C1F0] =	vst v0  }
0xe0: {  	[tilespmem:$0x1C200] =	vst v0  }
0xe1: {  	[tilespmem:$0x1C210] =	vst v0  }
0xe2: {  	[tilespmem:$0x1C220] =	vst v0  }
0xe3: {  	[tilespmem:$0x1C230] =	vst v0  }
0xe4: {  	[tilespmem:$0x1C240] =	vst v0  }
0xe5: {  	[tilespmem:$0x1C250] =	vst v0  }
0xe6: {  	[tilespmem:$0x1C260] =	vst v0  }
0xe7: {  	[tilespmem:$0x1C270] =	vst v0  }
0xe8: {  	[tilespmem:$0x1C280] =	vst v0  }
0xe9: {  	[tilespmem:$0x1C290] =	vst v0  }
0xea: {  	[tilespmem:$0x1C2A0] =	vst v0  }
0xeb: {  	[tilespmem:$0x1C2B0] =	vst v0  }
0xec: {  	[tilespmem:$0x1C2C0] =	vst v0  }
0xed: {  	[tilespmem:$0x1C2D0] =	vst v0  }
0xee: {  	[tilespmem:$0x1C2E0] =	vst v0  }
0xef: {  	[tilespmem:$0x1C2F0] =	vst v0  }
0xf0: {  	[tilespmem:$0x1C300] =	vst v0  }
0xf1: {  	[tilespmem:$0x1C310] =	vst v0  }
0xf2: {  	[tilespmem:$0x1C320] =	vst v0  }
0xf3: {  	[tilespmem:$0x1C330] =	vst v0  }
0xf4: {  	[tilespmem:$0x1C340] =	vst v0  }
0xf5: {  	[tilespmem:$0x1C350] =	vst v0  }
0xf6: {  	[tilespmem:$0x1C360] =	vst v0  }
0xf7: {  	[tilespmem:$0x1C370] =	vst v0  }
0xf8: {  	[tilespmem:$0x1C380] =	vst v0  }
0xf9: {  	[tilespmem:$0x1C390] =	vst v0  }
0xfa: {  	[tilespmem:$0x1C3A0] =	vst v0  }
0xfb: {  	[tilespmem:$0x1C3B0] =	vst v0  }
0xfc: {  	[tilespmem:$0x1C3C0] =	vst v0  }
0xfd: {  	[tilespmem:$0x1C3D0] =	vst v0  }
0xfe: {  	[spmem:s7] =	stream.linear.scatter [tilespmem:s11], [sflag:$0x2], $0xE10, $0x38;
	[tilespmem:$0x1C3E0] =	vst v63  }
0xff: {  	_ =	swait.ge [sflag:s12], $0xE10  }
0x100: {  	[sflag:s12] =	ssyncset.done $0x0  }
0x101: {  	s20 =	rddreg [dreg:$0x3];
	[sflag:s12] =	ssyncadd.s32 $0xFFFFF1F0  }
0x102: {  	[spmem:s20] =	stream.linear.scatter [tilespmem:s11], [sflag:$0x2], $0xE10, $0x38;
	[tilespmem:$0x1C3E0] =	vst v63  }
0x103: {  	_ =	swait.ge [sflag:s12], $0xE10  }
0x104: {  	[sflag:s12] =	ssyncset.done $0x0  }
0x105: {  	s23 =	rddreg [dreg:$0x4];
	[sflag:s12] =	ssyncadd.s32 $0xFFFFF1F0  }
0x106: {  	[spmem:s23] =	stream.linear.scatter [tilespmem:s11], [sflag:$0x2], $0xE10, $0x38;
	[tilespmem:$0x1C3E0] =	vst v63  }
0x107: {  	_ =	swait.ge [sflag:s12], $0xE10  }
0x108: {  	[sflag:s12] =	ssyncset.done $0x0  }
0x109: {  	s24 =	rddreg [dreg:$0x5];
	[sflag:s12] =	ssyncadd.s32 $0xFFFFF1F0  }
0x10a: {  	[spmem:s24] =	stream.linear.scatter [tilespmem:s11], [sflag:$0x2], $0xE10, $0x38;
	[tilespmem:$0x1C3E0] =	vst v63  }
0x10b: {  	_ =	swait.ge [sflag:s12], $0xE10  }
0x10c: {  	[sflag:s12] =	ssyncset.done $0x0  }
0x10d: {  	s22 =	rddreg [dreg:$0x6];
	[sflag:s12] =	ssyncadd.s32 $0xFFFFF1F0  }
0x10e: {  	[spmem:s22] =	stream.linear.scatter [tilespmem:s11], [sflag:$0x2], $0xE10, $0x38;
	[tilespmem:$0x1C3E0] =	vst v63  }
0x10f: {  	_ =	swait.ge [sflag:s12], $0xE10  }
0x110: {  	[sflag:s12] =	ssyncset.done $0x0  }
0x111: {  	s23 =	rddreg [dreg:$0x7];
	[sflag:s12] =	ssyncadd.s32 $0xFFFFF1F0  }
0x112: {  	[spmem:s23] =	stream.linear.scatter [tilespmem:s11], [sflag:$0x2], $0xE10, $0x38;
	[tilespmem:$0x1C3E0] =	vst v63  }
0x113: {  	_ =	swait.ge [sflag:s12], $0xE10  }
0x114: {  	[sflag:s12] =	ssyncset.done $0x0  }
0x115: {  	s24 =	rddreg [dreg:$0x8];
	[sflag:s12] =	ssyncadd.s32 $0xFFFFF1F0  }
0x116: {  	[spmem:s24] =	stream.linear.scatter [tilespmem:s11], [sflag:$0x2], $0xE10, $0x38;
	[tilespmem:$0x1C3E0] =	vst v63  }
0x117: {  	_ =	swait.ge [sflag:s12], $0xE10  }
0x118: {  	[sflag:s12] =	ssyncset.done $0x0  }
0x119: {  	s22 =	rddreg [dreg:$0x9];
	[sflag:s12] =	ssyncadd.s32 $0xFFFFF1F0  }
0x11a: {  	[spmem:s22] =	stream.linear.scatter [tilespmem:s11], [sflag:$0x2], $0xE10, $0x38;
	[tilespmem:$0x1C3E0] =	vst v63  }
0x11b: {  	_ =	swait.ge [sflag:s12], $0xE10  }
0x11c: {  	[sflag:s12] =	ssyncset.done $0x0  }
0x11d: {  	s23 =	rddreg [dreg:$0xa];
	[sflag:s12] =	ssyncadd.s32 $0xFFFFF1F0  }
0x11e: {  	[spmem:s23] =	stream.linear.scatter [tilespmem:s11], [sflag:$0x2], $0xE10, $0x38;
	[tilespmem:$0x1C3E0] =	vst v63  }
0x11f: {  	_ =	swait.ge [sflag:s12], $0xE10  }
0x120: {  	[sflag:s12] =	ssyncset.done $0x0  }
0x121: {  	s24 =	rddreg [dreg:$0xb];
	[sflag:s12] =	ssyncadd.s32 $0xFFFFF1F0  }
0x122: {  	[spmem:s24] =	stream.linear.scatter [tilespmem:s11], [sflag:$0x2], $0xE10, $0x38;
	[tilespmem:$0x1C3E0] =	vst v63  }
0x123: {  	_ =	swait.ge [sflag:s12], $0xE10  }
0x124: {  	[sflag:s12] =	ssyncset.done $0x0  }
0x125: {  	s22 =	rddreg [dreg:$0xc];
	[sflag:s12] =	ssyncadd.s32 $0xFFFFF1F0  }
0x126: {  	[spmem:s22] =	stream.linear.scatter [tilespmem:s11], [sflag:$0x2], $0xE10, $0x38;
	[tilespmem:$0x1C3E0] =	vst v63  }
0x127: {  	_ =	swait.ge [sflag:s12], $0xE10  }
0x128: {  	[sflag:s12] =	ssyncset.done $0x0  }
0x129: {  	s23 =	rddreg [dreg:$0xd];
	[sflag:s12] =	ssyncadd.s32 $0xFFFFF1F0  }
0x12a: {  	[spmem:s23] =	stream.linear.scatter [tilespmem:s11], [sflag:$0x2], $0xE10, $0x38;
	[tilespmem:$0x1C3E0] =	vst v63  }
0x12b: {  	_ =	swait.ge [sflag:s12], $0xE10  }
0x12c: {  	[sflag:s12] =	ssyncset.done $0x0  }
0x12d: {  	s24 =	rddreg [dreg:$0xe];
	[sflag:s12] =	ssyncadd.s32 $0xFFFFF1F0  }
0x12e: {  	[spmem:s24] =	stream.linear.scatter [tilespmem:s11], [sflag:$0x2], $0xE10, $0x38;
	[tilespmem:$0x1C3E0] =	vst v63  }
0x12f: {  	_ =	swait.ge [sflag:s12], $0xE10  }
0x130: {  	[sflag:s12] =	ssyncset.done $0x0  }
0x131: {  	s22 =	rddreg [dreg:$0xf];
	[sflag:s12] =	ssyncadd.s32 $0xFFFFF1F0  }
0x132: {  	[spmem:s22] =	stream.linear.scatter [tilespmem:s11], [sflag:$0x2], $0xE10, $0x38;
	[tilespmem:$0x1C3E0] =	vst v63  }
0x133: {  	_ =	swait.ge [sflag:s12], $0xE10  }
0x134: {  	[sflag:s12] =	ssyncset.done $0x0  }
0x135: {  	s23 =	rddreg [dreg:$0x10];
	[sflag:s12] =	ssyncadd.s32 $0xFFFFF1F0  }
0x136: {  	[spmem:s23] =	stream.linear.scatter [tilespmem:s11], [sflag:$0x2], $0xE10, $0x38;
	[tilespmem:$0x1C3E0] =	vst v63  }
0x137: {  	_ =	swait.ge [sflag:s12], $0xE10  }
0x138: {  	[sflag:s12] =	ssyncset.done $0x0  }
0x139: {  	s24 =	rddreg [dreg:$0x11];
	[sflag:s12] =	ssyncadd.s32 $0xFFFFF1F0  }
0x13a: {  	[spmem:s24] =	stream.linear.scatter [tilespmem:s11], [sflag:$0x2], $0xE10, $0x38;
	[tilespmem:$0x1C3E0] =	vst v63  }
0x13b: {  	_ =	swait.ge [sflag:s12], $0xE10  }
0x13c: {  	[sflag:s12] =	ssyncset.done $0x0  }
0x13d: {  	[sflag:s12] =	ssyncadd.s32 $0xFFFFF1F0  }
0x13e: {  	[spmem:s25] =	stream.linear.scatter [tilespmem:s11], [sflag:$0x2], $0xE10, $0x38;
	[tilespmem:$0x1C3E0] =	vst v63  }
0x13f: {  	_ =	swait.ge [sflag:s12], $0xE10  }
0x140: {  	[sflag:s12] =	ssyncset.done $0x0  }
0x141: {  	[sflag:s12] =	ssyncadd.s32 $0xFFFFF1F0  }
0x142: {  	[spmem:s26] =	stream.linear.scatter [tilespmem:s11], [sflag:$0x2], $0xE10, $0x38;
	[tilespmem:$0x1C3E0] =	vst v63  }
0x143: {  	_ =	swait.ge [sflag:s12], $0xE10  }
0x144: {  	[sflag:s12] =	ssyncset.done $0x0  }
0x145: {  	[sflag:s12] =	ssyncadd.s32 $0xFFFFF1F0  }
0x146: {  	[spmem:s28] =	stream.linear.scatter [tilespmem:s11], [sflag:$0x2], $0xE10, $0x38;
	[tilespmem:$0x1C3E0] =	vst v63  }
0x147: {  	_ =	swait.ge [sflag:s12], $0xE10  }
0x148: {  	[sflag:s12] =	ssyncset.done $0x0  }
0x149: {  	[sflag:s12] =	ssyncadd.s32 $0xFFFFF1F0  }
0x14a: {  	[spmem:s29] =	stream.linear.scatter [tilespmem:s11], [sflag:$0x2], $0xE10, $0x38;
	[tilespmem:$0x1C3E0] =	vst v63  }
0x14b: {  	_ =	swait.ge [sflag:s12], $0xE10  }
0x14c: {  	[sflag:s12] =	ssyncset.done $0x0  }
0x14d: {  	[sflag:s12] =	ssyncadd.s32 $0xFFFFF1F0  }
0x14e: {  	[spmem:s30] =	stream.linear.scatter [tilespmem:s11], [sflag:$0x2], $0xE10, $0x38;
	[tilespmem:$0x1C3E0] =	vst v63  }
0x14f: {  	_ =	swait.ge [sflag:s12], $0xE10  }
0x150: {  	[sflag:s12] =	ssyncset.done $0x0  }
0x151: {  	[sflag:s12] =	ssyncadd.s32 $0xFFFFF1F0  }
0x152: {  	[spmem:s31] =	stream.linear.scatter [tilespmem:s11], [sflag:$0x2], $0xE10, $0x38;
	[tilespmem:$0x1C3E0] =	vst v63  }
0x153: {  	_ =	swait.ge [sflag:s12], $0xE10  }
0x154: {  	[sflag:s12] =	ssyncset.done $0x0  }
0x155: {  	[sflag:s12] =	ssyncadd.s32 $0xFFFFF1F0  }
0x156: {  	[spmem:s0] =	stream.linear.scatter [tilespmem:s11], [sflag:$0x2], $0xE10, $0x38;
	[tilespmem:$0x1C3E0] =	vst v63  }
0x157: {  	_ =	swait.ge [sflag:s12], $0xE10  }
0x158: {  	[sflag:s12] =	ssyncset.done $0x0  }
0x159: {  	[sflag:s12] =	ssyncadd.s32 $0xFFFFF1F0  }
0x15a: {  	[spmem:s1] =	stream.linear.scatter [tilespmem:s11], [sflag:$0x2], $0xE10, $0x38;
	[tilespmem:$0x1C3E0] =	vst v63  }
0x15b: {  	_ =	swait.ge [sflag:s12], $0xE10  }
0x15c: {  	[sflag:s12] =	ssyncset.done $0x0  }
0x15d: {  	[sflag:s12] =	ssyncadd.s32 $0xFFFFF1F0  }
0x15e: {  	[spmem:s8] =	stream.linear.scatter [tilespmem:s11], [sflag:$0x2], $0xE10, $0x38;
	[tilespmem:$0x1C3E0] =	vst v63  }
0x15f: {  	_ =	swait.ge [sflag:s12], $0xE10  }
0x160: {  	[sflag:s12] =	ssyncset.done $0x0  }
0x161: {  	[sflag:s12] =	ssyncadd.s32 $0xFFFFF1F0  }
0x162: {  	s20 =	simm.s32 $0x0;
	[bflag:$0x0] =	sbarrier.arrive $0xFFFF  }
.LBB2_2:
0x163: {  	s22 =	smul.u32 $0xF0, s20;
	_ =	sdelay $0x1  }
0x164: {  	s22 =	sadd.s32 s22, s19  }
0x165: {  	s22 =	sshrl.u32 s22, $0x3  }
0x166: {  	s23 =	simm.s32 $0x0;
	s24 =	smul.u32 $0x50, s20;
	s22 =	sadd.s32 s4, s22  }
0x167: {  	[tilespmem:s13], [sflag:$0x2] =	stream.linear.gather [hbm4b:s22+s23], $0xF0, $0x38;
	[tilespmem:$0x1C3E0] =	vst v63  }
0x168: {  	s24 =	sadd.s32 s24, s21;
	_ =	swait.ge [sflag:s12], $0xF0  }
0x169: {  	s22 =	sshrl.u32 s24, $0x3;
	[sflag:s12] =	ssyncset.done $0x0  }
0x16a: {  	s22 =	sadd.s32 s5, s22;
	[sflag:s12] =	ssyncadd.s32 $0xFFFFFF10  }
0x16b: {  	[tilespmem:s14], [sflag:$0x2] =	stream.linear.gather [hbm4b:s22+s23], $0x50, $0x38;
	[tilespmem:$0x1C3E0] =	vst v63  }
0x16c: {  	v1 =	vmov s23;
	_ =	swait.ge [sflag:s12], $0x50  }
0x16d: {  	v1 =	vand.u32 $0x7F, v1;
	[sflag:s12] =	ssyncset.done $0x0  }
0x16e: {  	v2 =	vadd.s32 $0x50, v1;
	[sflag:s12] =	ssyncadd.s32 $0xFFFFFFB0  }
0x16f: {  	[tilespmem:s16], [sflag:$0x1] =	stream.indirect.gather [hbm4b:s6+s15], $0x80, s13, s15, $0xb8;
	[tilespmem:$0x1C3E0] =	vst v63  }
0x170: {  	_ =	swait.ge [sflag:s17], $0x2800  }
0x171: {  	[sflag:s17] =	ssyncset.done $0x0  }
0x172: {  	[sflag:s17] =	ssyncadd.s32 $0xFFFFD800  }
0x173: {  	s22 =	simm.s32 $0x16110;
	v2 =	vld.idx.msk [tilespmem:v2+s13+$0x0], $0xffff  }
0x174: {  	v3 =	vld [tilespmem:s22+$0xFFFFFFC0];
	_ =	sdelay $0x4  }
0x175: {  	v3 =	vmul.f32 v2, v3  }
0x176: {  	s23 =	simm.s32 $0x18910  }
0x177: {  	[tilespmem:s23+$0xFFFFFFC0] =	vst v3  }
0x178: {  	v3 =	vld [tilespmem:s22+$0xFFFFFFD0];
	_ =	sdelay $0x4  }
0x179: {  	v3 =	vmul.f32 v2, v3;
	_ =	sdelay $0x1  }
0x17a: {  	[tilespmem:s23+$0xFFFFFFD0] =	vst v3  }
0x17b: {  	v3 =	vld [tilespmem:s22+$0xFFFFFFE0];
	_ =	sdelay $0x4  }
0x17c: {  	v3 =	vmul.f32 v2, v3;
	_ =	sdelay $0x1  }
0x17d: {  	[tilespmem:s23+$0xFFFFFFE0] =	vst v3  }
0x17e: {  	v3 =	vld [tilespmem:s22+$0xFFFFFFF0];
	_ =	sdelay $0x2  }
0x17f: {  	v1 =	vadd.s32 $0xA0, v1;
	_ =	sdelay $0x1  }
0x180: {  	v3 =	vmul.f32 v2, v3;
	_ =	sdelay $0x1  }
0x181: {  	[tilespmem:s23+$0xFFFFFFF0] =	vst v3  }
0x182: {  	v1 =	vld.idx.msk [tilespmem:v1+s13+$0x0], $0xffff  }
0x183: {  	v3 =	vld [tilespmem:s22+$0x0];
	_ =	sdelay $0x4  }
0x184: {  	v3 =	vmul.f32 v1, v3;
	_ =	sdelay $0x1  }
0x185: {  	[tilespmem:s23+$0x0] =	vst v3  }
0x186: {  	v3 =	vld [tilespmem:s22+$0x10];
	_ =	sdelay $0x4  }
0x187: {  	v3 =	vmul.f32 v1, v3;
	_ =	sdelay $0x1  }
0x188: {  	[tilespmem:s23+$0x10] =	vst v3  }
0x189: {  	v3 =	vld [tilespmem:s22+$0x20];
	_ =	sdelay $0x3  }
0x18a: {  	v2 =	vnsel vm0, $0x0, v2  }
0x18b: {  	v2 =	vadd.f32 $0.0e+00, v2;
	v3 =	vmul.f32 v1, v3  }
0x18c: {  	v4 =	vsel vm1, $0x0, v1  }
0x18d: {  	v4 =	vadd.f32 v4, v2;
	[tilespmem:s23+$0x20] =	vst v3  }
0x18e: {  	s24 =	simm.s32 $0x1;
	v2 =	vld [tilespmem:s22+$0x30]  }
0x18f: {  	v3 =	vmov s24;
	s24 =	simm.s32 $0x2;
	[tilespmem:s23+$0x40] =	vst v4  }
.LBB2_3:
0x190: {  	p0 =	sne.s32 s24, $0x4F;
	v3 =	vand.u32 $0x7F, v3  }
0x191: {  	v4 =	vadd.s32 $0x50, v3;
	_ =	sdelay $0x1  }
0x192: {  	v1 =	vmul.f32 v1, v2;
	_ =	sdelay $0x1  }
0x193: {  	[tilespmem:s23+$0x30] =	vst v1  }
0x194: {  	s22 =	sadd.s32 $0x80, s22;
	v1 =	vld.idx.msk [tilespmem:v4+s13+$0x0], $0xffff  }
0x195: {  	v2 =	vld [tilespmem:s22+$0xFFFFFFC0];
	_ =	sdelay $0x4  }
0x196: {  	v4 =	vnsel vm0, $0x0, v1;
	v2 =	vmul.f32 v1, v2  }
0x197: {  	s23 =	sadd.s32 $0x90, s23;
	v4 =	vadd.f32 $0.0e+00, v4  }
0x198: {  	[tilespmem:s23+$0xFFFFFFC0] =	vst v2  }
0x199: {  	v2 =	vld [tilespmem:s22+$0xFFFFFFD0];
	_ =	sdelay $0x4  }
0x19a: {  	v2 =	vmul.f32 v1, v2;
	_ =	sdelay $0x1  }
0x19b: {  	[tilespmem:s23+$0xFFFFFFD0] =	vst v2  }
0x19c: {  	v2 =	vld [tilespmem:s22+$0xFFFFFFE0];
	_ =	sdelay $0x4  }
0x19d: {  	v2 =	vmul.f32 v1, v2;
	_ =	sdelay $0x1  }
0x19e: {  	[tilespmem:s23+$0xFFFFFFE0] =	vst v2  }
0x19f: {  	v2 =	vld [tilespmem:s22+$0xFFFFFFF0];
	_ =	sdelay $0x2  }
0x1a0: {  	v3 =	vadd.s32 $0xA0, v3;
	_ =	sdelay $0x1  }
0x1a1: {  	v1 =	vmul.f32 v1, v2;
	_ =	sdelay $0x1  }
0x1a2: {  	[tilespmem:s23+$0xFFFFFFF0] =	vst v1  }
0x1a3: {  	v1 =	vld.idx.msk [tilespmem:v3+s13+$0x0], $0xffff  }
0x1a4: {  	v2 =	vld [tilespmem:s22+$0x0];
	_ =	sdelay $0x4  }
0x1a5: {  	v3 =	vsel vm1, $0x0, v1;
	v2 =	vmul.f32 v1, v2  }
0x1a6: {  	v3 =	vadd.f32 v3, v4  }
0x1a7: {  	[tilespmem:s23+$0x0] =	vst v2  }
0x1a8: {  	v2 =	vld [tilespmem:s22+$0x10];
	_ =	sdelay $0x4  }
0x1a9: {  	v2 =	vmul.f32 v1, v2;
	_ =	sdelay $0x1  }
0x1aa: {  	[tilespmem:s23+$0x10] =	vst v2  }
0x1ab: {  	v2 =	vld [tilespmem:s22+$0x20];
	_ =	sdelay $0x4  }
.Ltmp0:
0x1ac: {  	v2 =	vmul.f32 v1, v2;
	(pc) =	sbr.rel @p0 .LBB2_3-.Ltmp0, $4  }
0x1ad: {  	_ = 	snop  }
0x1ae: {  	[tilespmem:s23+$0x20] =	vst v2  }
0x1af: {  	v2 =	vld [tilespmem:s22+$0x30];
	[tilespmem:s23+$0x40] =	vst v3  }
0x1b0: {  	v3 =	vmov s24;
	s24 =	sadd.s32 $0x1, s24  }
0x1b1: {  	v3 =	vand.u32 $0x7F, v3  }
0x1b2: {  	v4 =	vadd.s32 $0x50, v3;
	_ =	sdelay $0x1  }
0x1b3: {  	v1 =	vmul.f32 v1, v2;
	_ =	sdelay $0x1  }
0x1b4: {  	[tilespmem:s23+$0x30] =	vst v1  }
0x1b5: {  	s22 =	sadd.s32 $0x80, s22;
	v1 =	vld.idx.msk [tilespmem:v4+s13+$0x0], $0xffff  }
0x1b6: {  	v2 =	vld [tilespmem:s22+$0xFFFFFFC0];
	_ =	sdelay $0x4  }
0x1b7: {  	v2 =	vmul.f32 v1, v2  }
0x1b8: {  	s24 =	sadd.s32 $0x90, s23  }
0x1b9: {  	[tilespmem:s24+$0xFFFFFFC0] =	vst v2  }
0x1ba: {  	v2 =	vld [tilespmem:s22+$0xFFFFFFD0];
	_ =	sdelay $0x4  }
0x1bb: {  	v2 =	vmul.f32 v1, v2;
	_ =	sdelay $0x1  }
0x1bc: {  	[tilespmem:s24+$0xFFFFFFD0] =	vst v2  }
0x1bd: {  	v2 =	vld [tilespmem:s22+$0xFFFFFFE0];
	_ =	sdelay $0x4  }
0x1be: {  	v2 =	vmul.f32 v1, v2;
	_ =	sdelay $0x1  }
0x1bf: {  	[tilespmem:s24+$0xFFFFFFE0] =	vst v2  }
0x1c0: {  	v2 =	vld [tilespmem:s22+$0xFFFFFFF0];
	_ =	sdelay $0x2  }
0x1c1: {  	v3 =	vadd.s32 $0xA0, v3;
	_ =	sdelay $0x1  }
0x1c2: {  	v2 =	vmul.f32 v1, v2;
	_ =	sdelay $0x1  }
0x1c3: {  	[tilespmem:s24+$0xFFFFFFF0] =	vst v2  }
0x1c4: {  	v2 =	vld.idx.msk [tilespmem:v3+s13+$0x0], $0xffff  }
0x1c5: {  	v3 =	vld [tilespmem:s22+$0x0];
	_ =	sdelay $0x4  }
0x1c6: {  	v3 =	vmul.f32 v2, v3;
	_ =	sdelay $0x1  }
0x1c7: {  	[tilespmem:s24+$0x0] =	vst v3  }
0x1c8: {  	v3 =	vld [tilespmem:s22+$0x10];
	_ =	sdelay $0x4  }
0x1c9: {  	v3 =	vmul.f32 v2, v3;
	_ =	sdelay $0x1  }
0x1ca: {  	[tilespmem:s24+$0x10] =	vst v3  }
0x1cb: {  	v3 =	vld [tilespmem:s22+$0x20];
	_ =	sdelay $0x4  }
0x1cc: {  	v3 =	vmul.f32 v2, v3;
	_ =	sdelay $0x1  }
0x1cd: {  	[tilespmem:s24+$0x20] =	vst v3  }
0x1ce: {  	v3 =	vld [tilespmem:s22+$0x30]  }
0x1cf: {  	v1 =	vnsel vm0, $0x0, v1  }
0x1d0: {  	v1 =	vadd.f32 $0.0e+00, v1  }
0x1d1: {  	v63 =	vsel vm1, $0x0, v2  }
0x1d2: {  	v1 =	vadd.f32 v63, v1  }
0x1d3: {  	s20 =	sadd.s32 $0x1, s20;
	v2 =	vmul.f32 v2, v3  }
0x1d4: {  	p0 =	sne.s32 s20, $0xFA;
	[tilespmem:s24+$0x40] =	vst v1  }
.Ltmp1:
0x1d5: {  	[tilespmem:s24+$0x30] =	vst v2;
	(pc) =	sbr.rel @p0 .LBB2_2-.Ltmp1, $4  }
0x1d6: {  	[spmem:s2] =	stream.indirect.scatter.add.f32 [tilespmem:s18], [sflag:$0x2], $0x90, s14, s15, $0xb8;
	[tilespmem:$0x1C3E0] =	vst v63  }
0x1d7: {  	_ =	swait.ge [sflag:s12], $0x2D00  }
0x1d8: {  	[sflag:s12] =	ssyncset.done $0x0  }
0x1d9: {  	[sflag:s12] =	ssyncadd.s32 $0xFFFFD300  }
0x1da: {  	s20 =	stileid.u32;
	s3 =	sadd.s32 $0x1, s3  }
0x1db: {  	[bflag:$0x0] =	sbarrier.arrive $0xFFFF;
	s20 =	sshll.u32 s20, $0x6;
	p0 =	sne.s32 s3, s10  }
.Ltmp2:
0x1dc: {  	s22 =	sshrl.u32 s7, $0x3;
	s20 =	sor.u32 $0x1C02, s20;
	(pc) =	sbr.rel @p0 .LBB2_1-.Ltmp2, $4  }
0x1dd: {  	[hbm:s9], [sflag:s20] =	dma.local [spmem:s22], $0x2BF2  }
0x1de: {  	_ =	swait.ge [sflag:s12], $0x2BF2  }
0x1df: {  	[sflag:s12] =	ssyncset.done $0x0  }
0x1e0: {  	[sflag:s12] =	ssyncadd.s32 $0xFFFFD40E  }
0x1e1: {  	_ =	sfence.sel $0x180000  }
0x1e2: {  	[bflag:$0x0] =	sbarrier.arrive $0xFFFF  }
0x1e3: {  	_ =	strace $0x9000004A  }
0x1e4: {  	s0 =	stileid.u32;
	[bflag:$0x2] =	sbarrier.arrive $0xFFFF  }
0x1e5: {  	p0 =	sne.s32 s0, $0x0;
	s0 =	rddreg [dreg:$0x2]  }
0x1e6: {  	s0 =	sadd.s32 @!p0 $0x100000, s0  }
0x1e7: {  	[sflag:s0] =	ssyncadd.tile.s32 @!p0 $0x1;
	_ =	shalt  }
.Lfunc_end2:
_tile_overlayer_lowered:
.L_overlay_start_2:
0x1e8: {  	(tag) =	ssettag $0x2  }
0x1e9: {  	s0 =	rddreg [dreg:$0x0];
	s2 =	stileid.u32  }
0x1ea: {  	s1 =	rddreg [dreg:$0x1];
	p0 =	sne.s32 s2, $0x0  }
0x1eb: {  	s3 =	rddreg [dreg:$0x2];
	[bflag:$0x3] =	sbarrier.arrive $0xFFFF;
	s2 =	simm.s32 @!p0 $0x1C02  }
0x1ec: {  	[timem:s3], [sflag:s2] =	dma.local @!p0 [hbm:s0], s1  }
0x1ed: {  	s0 =	simm.s32 @!p0 $0x2  }
0x1ee: {  	_ =	swait.ge @!p0 [sflag:s0], s1  }
0x1ef: {  	s1 =	ssub.s32 @!p0 $0x0, s1;
	[sflag:s0] =	ssyncset.done @!p0 $0x0  }
0x1f0: {  	[sflag:s0] =	ssyncadd.s32 @!p0 s1  }
0x1f1: {  	[bflag:$0x3] =	sbarrier.arrive $0xFFFF  }
0x1f2: {  	_ =	shalt  }

// kernel: kernel.15.cloned.1.call-start
scs
__scs_entry_jumppad:
0x0: {  	(pc) =	sbr.rel $0x88, $3  }
0x1: {  	(tag) =	ssettag $0x0;
	lr =	simm.s32 $0x1  }
0x2: {  	[smem:$0x3F97] =	sst lr;
	_ =	strace $0xD0000000  }
0x3: {  	_ = 	snop  }
0x4: {  	_ = 	snop  }
0x5: {  	_ = 	snop  }
0x6: {  	_ = 	snop  }
0x7: {  	_ = 	snop  }
__scs_overlays_trampoline_lowered:
0x8: {  	[smem:$0x3FA6] =	sst s0  }
0x9: {  	[smem:$0x3FA7] =	sst s1  }
0xa: {  	[smem:$0x3FA8] =	sst s2  }
0xb: {  	[smem:$0x3FA9] =	sst s3  }
0xc: {  	[smem:$0x3FAA] =	sst s4  }
0xd: {  	[smem:$0x3FAB] =	sst s5  }
0xe: {  	[smem:$0x3FAC] =	sst s6  }
0xf: {  	[smem:$0x3FAD] =	sst s7  }
0x10: {  	[smem:$0x3FAE] =	sst s8  }
0x11: {  	[smem:$0x3FAF] =	sst s9;
	s0 =	simm.s32 @!p0 $0x0  }
0x12: {  	s1 =	sld [smem:$0x3F95];
	s0 =	simm.s32 @p0 $0x1  }
0x13: {  	[smem:$0x3FB0] =	sst s0;
	s0 =	simm.s32 @!p1 $0x0  }
0x14: {  	s2 =	sld [smem:$0x3F94];
	s0 =	simm.s32 @p1 $0x1  }
0x15: {  	[smem:$0x3FB1] =	sst s0;
	s0 =	simm.s32 @!p2 $0x0  }
0x16: {  	s3 =	sld [smem:$0x3FDB];
	s0 =	simm.s32 @p2 $0x1  }
0x17: {  	s4 =	simm.s32 $0x1BF5;
	[smem:$0x3FB3] =	sst s0  }
0x18: {  	s0 =	sld [smem:$0x3F96];
	_ =	swait.ge [sflag:s4], $0x0  }
0x19: {  	s7 =	sld [smem:$0x3F97]  }
0x1a: {  	s8 =	sadd.s32 $0xFFFFE003, lr  }
0x1b: {  	s9 =	sadd.s32 $0xFFFFFEF7, lr;
	s5 =	simm.s32 $0xFFFFFFFF;
	p2 =	slt.u32 s8, $0xFFFFF086  }
0x1c: {  	p1 =	slt.u32 s9, $0xF7A;
	s5 =	simm.s32 @!p2 $0x0  }
0x1d: {  	s5 =	simm.s32 @p1 $0x1;
	p0 =	seq.s32 s7, s2  }
0x1e: {  	s7 =	smul.u32 @!p0 $0xF7A, s2;
	p2 =	seq.s32 @!p0 s5, $0x0  }
0x1f: {  	s9 =	smul.u32 $0xF7A, s1;
	s8 =	simm.s32 @!p0 $0x1BF5;
	p2 =	por !p2, p0  }
0x20: {  	[sflag:s8] =	ssyncset.s32 @!p0 $0xFFFFF086;
	s6 =	sadd.s32 @!p0 s3, s7;
	s7 =	simm.s32 @!p0 $0x108  }
0x21: {  	s3 =	sadd.s32 s3, s9;
	s6 =	sadd.s32 @!p0 $0x88, s6;
	s7 =	simm.s32 @p2 $0x1082  }
0x22: {  	[simem:s7], [sflag:s8] =	dma.local @!p0 [hbm:s6], $0xF7A  }
0x23: {  	s9 =	sor.u32 $0xD0000000, s2;
	s6 =	simm.s32 $0x108;
	_ =	swait.ge @!p0 [sflag:s8], $0x0  }
0x24: {  	s3 =	sadd.s32 $0x88, s3;
	s6 =	simm.s32 @!p1 $0x1082;
	[sflag:s4] =	ssyncset.s32 $0xFFFFF086  }
0x25: {  	[simem:s6], [sflag:s4] =	dma.local [hbm:s3], $0xF7A  }
0x26: {  	[smem:$0x3F97] =	sst s1;
	(tag) =	ssettag s2;
	_ =	strace s9  }
0x27: {  	s1 =	sld [smem:$0x3FA7]  }
0x28: {  	s2 =	sld [smem:$0x3FA8]  }
0x29: {  	s4 =	sld [smem:$0x3FAA]  }
0x2a: {  	p0 =	seq.s32 s5, $0x0;
	s5 =	sld [smem:$0x3FAB]  }
0x2b: {  	s6 =	sld [smem:$0x3FAC]  }
0x2c: {  	s7 =	sld [smem:$0x3FAD]  }
0x2d: {  	s3 =	simm.s32 $0x108;
	s8 =	sld [smem:$0x3FAE]  }
0x2e: {  	s3 =	simm.s32 @!p0 $0x1082;
	s9 =	sld [smem:$0x3FAF]  }
0x2f: {  	lr =	sadd.s32 s0, s3;
	s0 =	sld [smem:$0x3FA6]  }
0x30: {  	s3 =	sld [smem:$0x3FA9]  }
0x31: {  	[smem:$0x3FB2] =	sst s10  }
0x32: {  	s10 =	sld [smem:$0x3FB0];
	_ =	sdelay $0x3  }
0x33: {  	p0 =	seq.s32 s10, $0x1;
	s10 =	sld [smem:$0x3FB2];
	_ =	sdelay $0x3  }
0x34: {  	[smem:$0x3FB2] =	sst s10  }
0x35: {  	s10 =	sld [smem:$0x3FB1];
	_ =	sdelay $0x3  }
0x36: {  	p1 =	seq.s32 s10, $0x1;
	s10 =	sld [smem:$0x3FB2];
	_ =	sdelay $0x3  }
0x37: {  	[smem:$0x3FB2] =	sst s10  }
0x38: {  	s10 =	sld [smem:$0x3FB3]  }
0x39: {  	_ = 	snop;
	(pc) =	sbr.ind lr, $3  }
0x3a: {  	_ = 	snop  }
0x3b: {  	_ = 	snop  }
0x3c: {  	p2 =	seq.s32 s10, $0x1;
	s10 =	sld [smem:$0x3FB2]  }
0x3d: {  	_ =	shalt  }
0x3e: {  	_ =	shalt  }
0x3f: {  	_ =	shalt  }
0x40: {  	_ =	shalt  }
0x41: {  	_ =	shalt  }
0x42: {  	_ =	shalt  }
0x43: {  	_ =	shalt  }
0x44: {  	_ =	shalt  }
0x45: {  	_ =	shalt  }
0x46: {  	_ =	shalt  }
0x47: {  	_ =	shalt  }
0x48: {  	_ =	shalt  }
0x49: {  	_ =	shalt  }
0x4a: {  	_ =	shalt  }
0x4b: {  	_ =	shalt  }
0x4c: {  	_ =	shalt  }
0x4d: {  	_ =	shalt  }
0x4e: {  	_ =	shalt  }
0x4f: {  	_ =	shalt  }
0x50: {  	_ =	shalt  }
0x51: {  	_ =	shalt  }
0x52: {  	_ =	shalt  }
0x53: {  	_ =	shalt  }
0x54: {  	_ =	shalt  }
0x55: {  	_ =	shalt  }
0x56: {  	_ =	shalt  }
0x57: {  	_ =	shalt  }
0x58: {  	_ =	shalt  }
0x59: {  	_ =	shalt  }
0x5a: {  	_ =	shalt  }
0x5b: {  	_ =	shalt  }
0x5c: {  	_ =	shalt  }
0x5d: {  	_ =	shalt  }
0x5e: {  	_ =	shalt  }
0x5f: {  	_ =	shalt  }
0x60: {  	_ =	shalt  }
0x61: {  	_ =	shalt  }
0x62: {  	_ =	shalt  }
0x63: {  	_ =	shalt  }
0x64: {  	_ =	shalt  }
0x65: {  	_ =	shalt  }
0x66: {  	_ =	shalt  }
0x67: {  	_ =	shalt  }
0x68: {  	_ =	shalt  }
0x69: {  	_ =	shalt  }
0x6a: {  	_ =	shalt  }
0x6b: {  	_ =	shalt  }
0x6c: {  	_ =	shalt  }
0x6d: {  	_ =	shalt  }
0x6e: {  	_ =	shalt  }
0x6f: {  	_ =	shalt  }
0x70: {  	_ =	shalt  }
0x71: {  	_ =	shalt  }
0x72: {  	_ =	shalt  }
0x73: {  	_ =	shalt  }
0x74: {  	_ =	shalt  }
0x75: {  	_ =	shalt  }
0x76: {  	_ =	shalt  }
0x77: {  	_ =	shalt  }
0x78: {  	_ =	shalt  }
0x79: {  	_ =	shalt  }
0x7a: {  	_ =	shalt  }
0x7b: {  	_ =	shalt  }
0x7c: {  	_ =	shalt  }
0x7d: {  	_ =	shalt  }
0x7e: {  	_ =	shalt  }
0x7f: {  	_ =	shalt  }
0x80: {  	_ =	shalt  }
0x81: {  	_ =	shalt  }
0x82: {  	_ =	shalt  }
0x83: {  	_ =	shalt  }
0x84: {  	_ =	shalt  }
0x85: {  	_ =	shalt  }
0x86: {  	_ =	shalt  }
0x87: {  	_ =	shalt  }
.Lfunc_end0:
.L_simem_size_0:
called_computation.2_lowered:
.L_overlay_start_0:
0x88: {  	s2 =	sld [smem:$0x3FD9]  }
0x89: {  	s3 =	sld [smem:$0x3FFE];
	_ =	sdelay $0x1  }
0x8a: {  	s1 =	srdreg.scid  }
0x8b: {  	s0 =	sand.u32 $0x1, s1  }
0x8c: {  	s17 =	sshll.u32 s0, $0xA;
	s2 =	sadd.s32 s3, s2  }
0x8d: {  	s2 =	sadd.s32 s2, s17  }
0x8e: {  	[smem:$0x3FBE] =	sst s2  }
0x8f: {  	_ = 	snop  }
0x90: {  	s2 =	sld [smem:$0x3FD0];
	(tm) =	ssettm $0x1  }
0x91: {  	s18 =	sld [smem:$0x3FFB];
	_ =	sdelay $0x3  }
0x92: {  	_ =	strace s18  }
0x93: {  	s3 =	sld [smem:$0x3FFC];
	_ =	sdelay $0x3  }
0x94: {  	_ =	strace s3  }
0x95: {  	s3 =	sld [smem:$0x3FFD];
	_ =	sdelay $0x3  }
0x96: {  	_ =	strace s3  }
0x97: {  	_ =	strace $0x8FFFFFFF  }
0x98: {  	s19 =	sld [smem:$0x3FDB];
	_ =	sdelay $0x1  }
0x99: {  	s4 =	simm.s32 $_scs_section_size  }
0x9a: {  	s5 =	simm.s32 $_size__tile_overlayer_lowered;
	s6 =	simm.s32 $_tile_overlayer_lowered  }
0x9b: {  	s22 =	simm.s32 $0x1BFF;
	s21 =	sshll.u32 s6, $0x1;
	s3 =	sadd.s32 s4, s19  }
0x9c: {  	s7 =	simm.s32 $0x0;
	s20 =	sshll.u32 s5, $0x1;
	s5 =	sadd.s32 s21, s3  }
0x9d: {  	[timem:s7], [sflag:s22] =	dma.local [hbm:s5], s20  }
0x9e: {  	_ =	swait.ge [sflag:s22], s20  }
0x9f: {  	s4 =	ssub.s32 $0x0, s20;
	[sflag:s22] =	ssyncset.done $0x0  }
0xa0: {  	[sflag:s22] =	ssyncadd.s32 s4;
	_ =	sdelay $0x1  }
0xa1: {  	s23 =	simm.s32 $0x1B8B  }
0xa2: {  	_ =	swait.ge [sflag:s23], $0x1  }
0xa3: {  	[sflag:s23] =	ssyncset.done $0x0  }
0xa4: {  	s25 =	simm.s32 $0x1B8E;
	s24 =	sld [smem:$0x3FFE];
	[sflag:s23] =	ssyncadd.s32 $0xFFFFFFFF  }
0xa5: {  	s26 =	simm.s32 $execute0_lowered;
	[smem:$0x3FD2] =	sst s25  }
0xa6: {  	s5 =	sshll.u32 s26, $0x1;
	_ =	strace $0x8000004C;
	[dreg:$0x1] =	wrdreg $0xFFFFFFFF  }
0xa7: {  	s28 =	simm.s32 $_size_execute0_lowered;
	s3 =	sadd.s32 s3, s5;
	[dreg:$0x0] =	wrdreg $0x0  }
0xa8: {  	s5 =	sshll.u32 s28, $0x1;
	[dreg:$0x2] =	wrdreg s3  }
0xa9: {  	[dreg:$0x3] =	wrdreg s5  }
0xaa: {  	[dreg:$0x4] =	wrdreg $0xC0  }
0xab: {  	_ =	task [dreg:s7], $0x5FFFF  }
0xac: {  	[dreg:$0x1] =	wrdreg $0xFFFFFFFF  }
0xad: {  	[dreg:$0x0] =	wrdreg $0x60  }
0xae: {  	[dreg:$0x2] =	wrdreg s24  }
0xaf: {  	[dreg:$0x3] =	wrdreg s2  }
0xb0: {  	[dreg:$0x4] =	wrdreg $0x9  }
0xb1: {  	_ =	task.clear_ibuf [dreg:s7], $0x5FFFF;
	_ =	strace $0x9000004C  }
0xb2: {  	s29 =	simm.s32 $0x9;
	_ =	strace $0x8000004E  }
0xb3: {  	_ =	swait.ge [sflag:s29], $0x1  }
0xb4: {  	[sflag:s29] =	ssyncadd.s32 $0xFFFFFFFF  }
0xb5: {  	_ =	strace $0x9000004E  }
0xb6: {  	_ =	sfence  }
0xb7: {  	s30 =	sld [smem:$0x0];
	_ =	sdelay $0x2  }
0xb8: {  	s31 =	sshll.u32 s1, $0xD;
	s1 =	sshrl.u32 s1, $0x2  }
0xb9: {  	s3 =	sand.u32 $0x4000, s31;
	s1 =	sadd.s32 s1, s30  }
0xba: {  	s0 =	sor.u32 s3, s0;
	s1 =	sshll.u32 s1, $0x11  }
0xbb: {  	s0 =	sor.u32 s1, s0  }
0xbc: {  	s0 =	sadd.s32 $0x8F2B, s0  }
0xbd: {  	[sflag:s0] =	ssyncadd.remote.s32 $0x1  }
0xbe: {  	_ =	sfence.sel $0xFFFF  }
0xbf: {  	[dreg:$0x0] =	wrdreg $0xFFFFFFFF;
	(pc) =	sbr.abs _section_cstart, $3  }
0xc0: {  	[dreg:$0x1] =	wrdreg $0xFFFFFFFF  }
0xc1: {  	_ =	task.clear_ibuf [dreg:s7], $0x2FFFF;
	_ =	strace $0x9FFFFFFF  }
0xc2: {  	(tm) =	ssettm $0x7FFFFFFF  }
0xc3: {  	_ =	shalt  }
tec
execute0_lowered:
.L_overlay_start_1:
0x0: {  	(tag) =	ssettag $0x1  }
0x1: {  	s3 =	rddreg [dreg:$0x0];
	s0 =	srdreg.scid  }
0x2: {  	s7 =	rddreg [dreg:$0x1];
	s1 =	stileid.u32  }
0x3: {  	s2 =	simm.s32 $0x0;
	s11 =	simm.s32 $0x4E20;
	s12 =	simm.s32 $0x7530  }
0x4: {  	s13 =	simm.s32 $0x9C40;
	s4 =	sand.u32 $0x1, s0;
	s6 =	smul.u32 $0x2710, s1  }
0x5: {  	s14 =	simm.s32 $0x0;
	s0 =	rddreg [dreg:$0x2];
	s5 =	smul.u32 $0x27100, s4  }
0x6: {  	[smem:$0x7FF] =	sst s2;
	s30 =	smul.u32 $0x4E2, s4;
	s4 =	ssub.s32 $0x2, s4  }
0x7: {  	_ =	strace $0x8000004D;
	s31 =	sshrl.u32 s4, $0x1;
	s5 =	sadd.s32 s6, s5  }
0x8: {  	s6 =	sadd.s32 s30, s3;
	s10 =	ssub.s32 s4, s31;
	s8 =	sshrl.u32 s5, $0x3  }
0x9: {  	s5 =	sadd.s32 $0x2A000, s6;
	s6 =	sadd.s32 $0x29600, s6;
	s9 =	sadd.s32 s8, s3  }
0xa: {  	s7 =	sadd.s32 s7, s8;
	s8 =	smax.u32 s10, $0x1;
	s10 =	simm.s32 $0x2710  }
0xb: {  	s3 =	sadd.s32 $0x52E00, s9;
	s4 =	sadd.s32 $0x5CC00, s9;
	s9 =	simm.s32 $0x1  }
.LBB2_1:
0xc: {  	[tilespmem:s2], [sflag:$0x1] =	stream.linear.gather [hbm4b:s3+s2], $0x2710, $0x38;
	[tilespmem:$0xC350] =	vst v63  }
0xd: {  	_ =	swait.ge [sflag:s9], $0x2710  }
0xe: {  	[sflag:s9] =	ssyncset.done $0x0  }
0xf: {  	[sflag:s9] =	ssyncadd.s32 $0xFFFFD8F0  }
0x10: {  	[tilespmem:s10], [sflag:$0x1] =	stream.linear.gather [hbm4b:s4+s2], $0x2710, $0x38;
	[tilespmem:$0xC350] =	vst v63  }
0x11: {  	_ =	swait.ge [sflag:s9], $0x2710  }
0x12: {  	[sflag:s9] =	ssyncset.done $0x0  }
0x13: {  	[sflag:s9] =	ssyncadd.s32 $0xFFFFD8F0  }
0x14: {  	[tilespmem:s11], [sflag:$0x1] =	stream.linear.gather [hbm4b:s5+s2], $0x2710, $0x38;
	[tilespmem:$0xC350] =	vst v63  }
0x15: {  	_ =	swait.ge [sflag:s9], $0x2710  }
0x16: {  	[sflag:s9] =	ssyncset.done $0x0  }
0x17: {  	[sflag:s9] =	ssyncadd.s32 $0xFFFFD8F0  }
0x18: {  	[tilespmem:s12], [sflag:$0x1] =	stream.linear.gather [hbm4b:s6+s2], $0x2710, $0x38;
	[tilespmem:$0xC350] =	vst v63  }
0x19: {  	_ =	swait.ge [sflag:s9], $0x2710  }
0x1a: {  	[sflag:s9] =	ssyncset.done $0x0  }
0x1b: {  	s15 =	simm.s32 $0x0;
	[sflag:s9] =	ssyncadd.s32 $0xFFFFD8F0  }
0x1c: {  	v0 =	vld [tilespmem:s15+$0x0]  }
0x1d: {  	v1 =	vld [tilespmem:s15+$0x2710];
	_ =	sdelay $0x6  }
0x1e: {  	v0 =	vld.idx.msk [tilespmem:v0+s11+$0x0], $0xffff  }
0x1f: {  	v1 =	vld.idx.msk [tilespmem:v1+s12+$0x0], $0xffff;
	_ =	sdelay $0x4  }
0x20: {  	v0 =	vadd.f32 v1, v0;
	_ =	sdelay $0x1  }
0x21: {  	v1 =	vmul.f32 $2.000000030e-01, v0;
	_ =	sdelay $0x1  }
0x22: {  	v0 =	vmax.f32 v0, v1  }
0x23: {  	v0 =	vmul.f32 $1.442695020e+00, v0;
	_ =	sdelay $0x1  }
0x24: {  	(erf) = vpow2.f32 v0;
	_ =	sdelay $0x2  }
0x25: {  	v0 =	vld [tilespmem:s15+$0x10]  }
0x26: {  	v1 =	vld [tilespmem:s15+$0x2720];
	_ =	sdelay $0x4  }
0x27: {  	v2 =	vpop (erf)  }
0x28: {  	[tilespmem:s15+$0x9C40] =	vst v2  }
0x29: {  	v0 =	vld.idx.msk [tilespmem:v0+s11+$0x0], $0xffff  }
0x2a: {  	v1 =	vld.idx.msk [tilespmem:v1+s12+$0x0], $0xffff;
	_ =	sdelay $0x4  }
0x2b: {  	v0 =	vadd.f32 v1, v0;
	_ =	sdelay $0x1  }
0x2c: {  	v1 =	vmul.f32 $2.000000030e-01, v0;
	_ =	sdelay $0x1  }
0x2d: {  	v0 =	vmax.f32 v0, v1  }
0x2e: {  	v0 =	vmul.f32 $1.442695020e+00, v0;
	_ =	sdelay $0x1  }
0x2f: {  	(erf) = vpow2.f32 v0;
	_ =	sdelay $0x2  }
0x30: {  	v0 =	vld [tilespmem:s15+$0x20]  }
0x31: {  	v1 =	vld [tilespmem:s15+$0x2730];
	_ =	sdelay $0x4  }
0x32: {  	v2 =	vpop (erf)  }
0x33: {  	[tilespmem:s15+$0x9C50] =	vst v2  }
0x34: {  	v0 =	vld.idx.msk [tilespmem:v0+s11+$0x0], $0xffff  }
0x35: {  	v1 =	vld.idx.msk [tilespmem:v1+s12+$0x0], $0xffff;
	_ =	sdelay $0x4  }
0x36: {  	v0 =	vadd.f32 v1, v0;
	_ =	sdelay $0x1  }
0x37: {  	v1 =	vmul.f32 $2.000000030e-01, v0;
	_ =	sdelay $0x1  }
0x38: {  	v0 =	vmax.f32 v0, v1  }
0x39: {  	v0 =	vmul.f32 $1.442695020e+00, v0;
	_ =	sdelay $0x1  }
0x3a: {  	(erf) = vpow2.f32 v0;
	_ =	sdelay $0x2  }
0x3b: {  	v0 =	vld [tilespmem:s15+$0x30]  }
0x3c: {  	v1 =	vld [tilespmem:s15+$0x2740];
	_ =	sdelay $0x4  }
0x3d: {  	v2 =	vpop (erf)  }
0x3e: {  	[tilespmem:s15+$0x9C60] =	vst v2  }
0x3f: {  	v0 =	vld.idx.msk [tilespmem:v0+s11+$0x0], $0xffff  }
0x40: {  	v1 =	vld.idx.msk [tilespmem:v1+s12+$0x0], $0xffff;
	_ =	sdelay $0x4  }
0x41: {  	v0 =	vadd.f32 v1, v0;
	_ =	sdelay $0x1  }
0x42: {  	v1 =	vmul.f32 $2.000000030e-01, v0;
	_ =	sdelay $0x1  }
0x43: {  	v0 =	vmax.f32 v0, v1  }
0x44: {  	v0 =	vmul.f32 $1.442695020e+00, v0;
	_ =	sdelay $0x1  }
0x45: {  	(erf) = vpow2.f32 v0;
	_ =	sdelay $0x2  }
0x46: {  	v0 =	vld [tilespmem:s15+$0x40]  }
0x47: {  	v1 =	vld [tilespmem:s15+$0x2750];
	_ =	sdelay $0x4  }
0x48: {  	v2 =	vpop (erf)  }
0x49: {  	[tilespmem:s15+$0x9C70] =	vst v2  }
0x4a: {  	v0 =	vld.idx.msk [tilespmem:v0+s11+$0x0], $0xffff  }
0x4b: {  	v1 =	vld.idx.msk [tilespmem:v1+s12+$0x0], $0xffff;
	_ =	sdelay $0x4  }
0x4c: {  	v0 =	vadd.f32 v1, v0;
	_ =	sdelay $0x1  }
0x4d: {  	v1 =	vmul.f32 $2.000000030e-01, v0;
	_ =	sdelay $0x1  }
0x4e: {  	v0 =	vmax.f32 v0, v1  }
0x4f: {  	v1 =	vmul.f32 $1.442695020e+00, v0;
	_ =	sdelay $0x1  }
0x50: {  	(erf) = vpow2.f32 v1;
	_ =	sdelay $0x1  }
0x51: {  	s18 =	simm.s32 $0x50  }
0x52: {  	v0 =	vld [tilespmem:s18+$0x0]  }
0x53: {  	s16 =	simm.s32 $0x280;
	v1 =	vld [tilespmem:s18+$0x2710]  }
.LBB2_2:
0x54: {  	p0 =	sne.s32 s16, $0x9B00;
	s17 =	smov.u32 s16;
	s16 =	sadd.s32 $0x140, s16  }
0x55: {  	_ =	sdelay $0x2  }
0x56: {  	v2 =	vpop (erf)  }
0x57: {  	[tilespmem:s15+$0x9C80] =	vst v2;
	s15 =	smov.u32 s18  }
0x58: {  	v0 =	vld.idx.msk [tilespmem:v0+s11+$0x0], $0xffff  }
0x59: {  	v1 =	vld.idx.msk [tilespmem:v1+s12+$0x0], $0xffff;
	_ =	sdelay $0x5  }
0x5a: {  	v0 =	vadd.f32 v1, v0;
	_ =	sdelay $0x1  }
0x5b: {  	v1 =	vmul.f32 $2.000000030e-01, v0;
	_ =	sdelay $0x1  }
0x5c: {  	v0 =	vmax.f32 v0, v1  }
0x5d: {  	v0 =	vmul.f32 $1.442695020e+00, v0;
	_ =	sdelay $0x1  }
0x5e: {  	(erf) = vpow2.f32 v0;
	_ =	sdelay $0x1  }
0x5f: {  	v0 =	vld [tilespmem:s15+$0x2720]  }
0x60: {  	v1 =	vld [tilespmem:s15+$0x10];
	_ =	sdelay $0x5  }
0x61: {  	v2 =	vpop (erf)  }
0x62: {  	[tilespmem:s15+$0x9C40] =	vst v2  }
0x63: {  	v1 =	vld.idx.msk [tilespmem:v1+s11+$0x0], $0xffff  }
0x64: {  	v0 =	vld.idx.msk [tilespmem:v0+s12+$0x0], $0xffff;
	_ =	sdelay $0x5  }
0x65: {  	v0 =	vadd.f32 v0, v1;
	_ =	sdelay $0x1  }
0x66: {  	v1 =	vmul.f32 $2.000000030e-01, v0;
	_ =	sdelay $0x1  }
0x67: {  	v0 =	vmax.f32 v0, v1  }
0x68: {  	v0 =	vmul.f32 $1.442695020e+00, v0;
	_ =	sdelay $0x1  }
0x69: {  	(erf) = vpow2.f32 v0;
	_ =	sdelay $0x1  }
0x6a: {  	v0 =	vld [tilespmem:s15+$0x2730]  }
0x6b: {  	v1 =	vld [tilespmem:s15+$0x20];
	_ =	sdelay $0x5  }
0x6c: {  	v2 =	vpop (erf)  }
0x6d: {  	[tilespmem:s15+$0x9C50] =	vst v2  }
0x6e: {  	v1 =	vld.idx.msk [tilespmem:v1+s11+$0x0], $0xffff  }
0x6f: {  	v0 =	vld.idx.msk [tilespmem:v0+s12+$0x0], $0xffff;
	_ =	sdelay $0x5  }
0x70: {  	v0 =	vadd.f32 v0, v1;
	_ =	sdelay $0x1  }
0x71: {  	v1 =	vmul.f32 $2.000000030e-01, v0;
	_ =	sdelay $0x1  }
0x72: {  	v0 =	vmax.f32 v0, v1  }
0x73: {  	v0 =	vmul.f32 $1.442695020e+00, v0;
	_ =	sdelay $0x1  }
0x74: {  	(erf) = vpow2.f32 v0;
	_ =	sdelay $0x1  }
0x75: {  	v0 =	vld [tilespmem:s15+$0x2740]  }
0x76: {  	v1 =	vld [tilespmem:s15+$0x30];
	_ =	sdelay $0x5  }
0x77: {  	v2 =	vpop (erf)  }
0x78: {  	[tilespmem:s15+$0x9C60] =	vst v2  }
0x79: {  	v1 =	vld.idx.msk [tilespmem:v1+s11+$0x0], $0xffff  }
0x7a: {  	v0 =	vld.idx.msk [tilespmem:v0+s12+$0x0], $0xffff;
	_ =	sdelay $0x5  }
0x7b: {  	v0 =	vadd.f32 v0, v1;
	_ =	sdelay $0x1  }
0x7c: {  	v1 =	vmul.f32 $2.000000030e-01, v0;
	_ =	sdelay $0x1  }
0x7d: {  	v0 =	vmax.f32 v0, v1  }
0x7e: {  	v0 =	vmul.f32 $1.442695020e+00, v0;
	_ =	sdelay $0x1  }
0x7f: {  	(erf) = vpow2.f32 v0;
	_ =	sdelay $0x1  }
0x80: {  	v0 =	vld [tilespmem:s15+$0x2750]  }
0x81: {  	v1 =	vld [tilespmem:s15+$0x40];
	_ =	sdelay $0x5  }
0x82: {  	v2 =	vpop (erf)  }
0x83: {  	[tilespmem:s15+$0x9C70] =	vst v2  }
0x84: {  	v1 =	vld.idx.msk [tilespmem:v1+s11+$0x0], $0xffff  }
0x85: {  	v0 =	vld.idx.msk [tilespmem:v0+s12+$0x0], $0xffff;
	_ =	sdelay $0x5  }
0x86: {  	v0 =	vadd.f32 v0, v1;
	_ =	sdelay $0x1  }
0x87: {  	v1 =	vmul.f32 $2.000000030e-01, v0;
	_ =	sdelay $0x1  }
0x88: {  	v0 =	vmax.f32 v0, v1  }
0x89: {  	v0 =	vmul.f32 $1.442695020e+00, v0;
	_ =	sdelay $0x1  }
.Ltmp0:
0x8a: {  	(erf) = vpow2.f32 v0;
	(pc) =	sbr.rel @p0 .LBB2_2-.Ltmp0, $4  }
0x8b: {  	_ = 	snop  }
0x8c: {  	s18 =	sshra.s32 s17, $0x2  }
0x8d: {  	v0 =	vld [tilespmem:s18+$0x0]  }
0x8e: {  	v1 =	vld [tilespmem:s18+$0x2710]  }
0x8f: {  	_ =	sdelay $0x4  }
0x90: {  	v2 =	vpop (erf)  }
0x91: {  	[tilespmem:s15+$0x9C80] =	vst v2  }
0x92: {  	v0 =	vld.idx.msk [tilespmem:v0+s11+$0x0], $0xffff  }
0x93: {  	v1 =	vld.idx.msk [tilespmem:v1+s12+$0x0], $0xffff;
	_ =	sdelay $0x4  }
0x94: {  	v0 =	vadd.f32 v1, v0;
	_ =	sdelay $0x1  }
0x95: {  	v1 =	vmul.f32 $2.000000030e-01, v0;
	_ =	sdelay $0x1  }
0x96: {  	v0 =	vmax.f32 v0, v1  }
0x97: {  	v0 =	vmul.f32 $1.442695020e+00, v0;
	_ =	sdelay $0x1  }
0x98: {  	(erf) = vpow2.f32 v0;
	_ =	sdelay $0x2  }
0x99: {  	v52 =	vld [tilespmem:s18+$0x10]  }
0x9a: {  	v53 =	vld [tilespmem:s18+$0x2720];
	_ =	sdelay $0x4  }
0x9b: {  	v54 =	vpop (erf)  }
0x9c: {  	[tilespmem:s18+$0x9C40] =	vst v54  }
0x9d: {  	v0 =	vld.idx.msk [tilespmem:v52+s11+$0x0], $0xffff  }
0x9e: {  	v1 =	vld.idx.msk [tilespmem:v53+s12+$0x0], $0xffff;
	_ =	sdelay $0x4  }
0x9f: {  	v0 =	vadd.f32 v1, v0;
	_ =	sdelay $0x1  }
0xa0: {  	v1 =	vmul.f32 $2.000000030e-01, v0;
	_ =	sdelay $0x1  }
0xa1: {  	v0 =	vmax.f32 v0, v1  }
0xa2: {  	v0 =	vmul.f32 $1.442695020e+00, v0;
	_ =	sdelay $0x1  }
0xa3: {  	(erf) = vpow2.f32 v0;
	_ =	sdelay $0x2  }
0xa4: {  	v55 =	vld [tilespmem:s18+$0x20]  }
0xa5: {  	v56 =	vld [tilespmem:s18+$0x2730];
	_ =	sdelay $0x4  }
0xa6: {  	v57 =	vpop (erf)  }
0xa7: {  	[tilespmem:s18+$0x9C50] =	vst v57  }
0xa8: {  	v0 =	vld.idx.msk [tilespmem:v55+s11+$0x0], $0xffff  }
0xa9: {  	v1 =	vld.idx.msk [tilespmem:v56+s12+$0x0], $0xffff;
	_ =	sdelay $0x4  }
0xaa: {  	v0 =	vadd.f32 v1, v0;
	_ =	sdelay $0x1  }
0xab: {  	v1 =	vmul.f32 $2.000000030e-01, v0;
	_ =	sdelay $0x1  }
0xac: {  	v0 =	vmax.f32 v0, v1  }
0xad: {  	v0 =	vmul.f32 $1.442695020e+00, v0;
	_ =	sdelay $0x1  }
0xae: {  	(erf) = vpow2.f32 v0;
	_ =	sdelay $0x2  }
0xaf: {  	v58 =	vld [tilespmem:s18+$0x30]  }
0xb0: {  	v59 =	vld [tilespmem:s18+$0x2740];
	_ =	sdelay $0x4  }
0xb1: {  	v60 =	vpop (erf)  }
0xb2: {  	[tilespmem:s18+$0x9C60] =	vst v60  }
0xb3: {  	v0 =	vld.idx.msk [tilespmem:v58+s11+$0x0], $0xffff  }
0xb4: {  	v1 =	vld.idx.msk [tilespmem:v59+s12+$0x0], $0xffff;
	_ =	sdelay $0x4  }
0xb5: {  	v0 =	vadd.f32 v1, v0;
	_ =	sdelay $0x1  }
0xb6: {  	v1 =	vmul.f32 $2.000000030e-01, v0;
	_ =	sdelay $0x1  }
0xb7: {  	v0 =	vmax.f32 v0, v1  }
0xb8: {  	v0 =	vmul.f32 $1.442695020e+00, v0;
	_ =	sdelay $0x1  }
0xb9: {  	(erf) = vpow2.f32 v0;
	_ =	sdelay $0x2  }
0xba: {  	v61 =	vld [tilespmem:s18+$0x40]  }
0xbb: {  	v62 =	vld [tilespmem:s18+$0x2750];
	_ =	sdelay $0x4  }
0xbc: {  	v63 =	vpop (erf)  }
0xbd: {  	[tilespmem:s18+$0x9C70] =	vst v63  }
0xbe: {  	v0 =	vld.idx.msk [tilespmem:v61+s11+$0x0], $0xffff  }
0xbf: {  	v1 =	vld.idx.msk [tilespmem:v62+s12+$0x0], $0xffff;
	_ =	sdelay $0x4  }
0xc0: {  	v0 =	vadd.f32 v1, v0;
	_ =	sdelay $0x1  }
0xc1: {  	v1 =	vmul.f32 $2.000000030e-01, v0;
	_ =	sdelay $0x1  }
0xc2: {  	v0 =	vmax.f32 v0, v1  }
0xc3: {  	v0 =	vmul.f32 $1.442695020e+00, v0;
	_ =	sdelay $0x1  }
0xc4: {  	(erf) = vpow2.f32 v0;
	_ =	sdelay $0x7  }
0xc5: {  	s14 =	sadd.s32 $0x1, s14  }
0xc6: {  	p0 =	sne.s32 s14, s8;
	v0 =	vpop (erf)  }
.Ltmp1:
0xc7: {  	[tilespmem:s18+$0x9C80] =	vst v0;
	(pc) =	sbr.rel @p0 .LBB2_1-.Ltmp1, $4  }
0xc8: {  	[hbm4b:s7+s2] =	stream.linear.scatter [tilespmem:s13], [sflag:$0x1], $0x2710, $0x38;
	[tilespmem:$0xC350] =	vst v63  }
0xc9: {  	_ =	swait.ge [sflag:s9], $0x2710  }
0xca: {  	[sflag:s9] =	ssyncset.done $0x0  }
0xcb: {  	[sflag:s9] =	ssyncadd.s32 $0xFFFFD8F0  }
0xcc: {  	_ =	sfence.sel $0x180000  }
0xcd: {  	[bflag:$0x0] =	sbarrier.arrive $0xFFFF  }
0xce: {  	p0 =	sne.s32 s1, $0x0;
	_ =	strace $0x9000004D  }
0xcf: {  	s0 =	sadd.s32 @!p0 $0x100000, s0;
	[bflag:$0x2] =	sbarrier.arrive $0xFFFF  }
0xd0: {  	[sflag:s0] =	ssyncadd.tile.s32 @!p0 $0x1;
	_ =	shalt  }
.Lfunc_end2:
_tile_overlayer_lowered:
.L_overlay_start_2:
0xd1: {  	(tag) =	ssettag $0x2  }
0xd2: {  	s0 =	rddreg [dreg:$0x0];
	s2 =	stileid.u32  }
0xd3: {  	s1 =	rddreg [dreg:$0x1];
	p0 =	sne.s32 s2, $0x0  }
0xd4: {  	s3 =	rddreg [dreg:$0x2];
	[bflag:$0x3] =	sbarrier.arrive $0xFFFF;
	s2 =	simm.s32 @!p0 $0x1C01  }
0xd5: {  	[timem:s3], [sflag:s2] =	dma.local @!p0 [hbm:s0], s1  }
0xd6: {  	s0 =	simm.s32 @!p0 $0x1  }
0xd7: {  	_ =	swait.ge @!p0 [sflag:s0], s1  }
0xd8: {  	s1 =	ssub.s32 @!p0 $0x0, s1;
	[sflag:s0] =	ssyncset.done @!p0 $0x0  }
0xd9: {  	[sflag:s0] =	ssyncadd.s32 @!p0 s1  }
0xda: {  	[bflag:$0x3] =	sbarrier.arrive $0xFFFF  }
0xdb: {  	_ =	shalt  }

// kernel: kernel.18.cloned.1.call-start
scs
__scs_entry_jumppad:
0x0: {  	(pc) =	sbr.rel $0x88, $3  }
0x1: {  	(tag) =	ssettag $0x0;
	lr =	simm.s32 $0x1  }
0x2: {  	[smem:$0x3F97] =	sst lr;
	_ =	strace $0xD0000000  }
0x3: {  	_ = 	snop  }
0x4: {  	_ = 	snop  }
0x5: {  	_ = 	snop  }
0x6: {  	_ = 	snop  }
0x7: {  	_ = 	snop  }
__scs_overlays_trampoline_lowered:
0x8: {  	[smem:$0x3FA6] =	sst s0  }
0x9: {  	[smem:$0x3FA7] =	sst s1  }
0xa: {  	[smem:$0x3FA8] =	sst s2  }
0xb: {  	[smem:$0x3FA9] =	sst s3  }
0xc: {  	[smem:$0x3FAA] =	sst s4  }
0xd: {  	[smem:$0x3FAB] =	sst s5  }
0xe: {  	[smem:$0x3FAC] =	sst s6  }
0xf: {  	[smem:$0x3FAD] =	sst s7  }
0x10: {  	[smem:$0x3FAE] =	sst s8  }
0x11: {  	[smem:$0x3FAF] =	sst s9;
	s0 =	simm.s32 @!p0 $0x0  }
0x12: {  	s1 =	sld [smem:$0x3F95];
	s0 =	simm.s32 @p0 $0x1  }
0x13: {  	[smem:$0x3FB0] =	sst s0;
	s0 =	simm.s32 @!p1 $0x0  }
0x14: {  	s2 =	sld [smem:$0x3F94];
	s0 =	simm.s32 @p1 $0x1  }
0x15: {  	[smem:$0x3FB1] =	sst s0;
	s0 =	simm.s32 @!p2 $0x0  }
0x16: {  	s3 =	sld [smem:$0x3FDB];
	s0 =	simm.s32 @p2 $0x1  }
0x17: {  	s4 =	simm.s32 $0x1BF5;
	[smem:$0x3FB3] =	sst s0  }
0x18: {  	s0 =	sld [smem:$0x3F96];
	_ =	swait.ge [sflag:s4], $0x0  }
0x19: {  	s7 =	sld [smem:$0x3F97]  }
0x1a: {  	s8 =	sadd.s32 $0xFFFFE003, lr  }
0x1b: {  	s9 =	sadd.s32 $0xFFFFFEF7, lr;
	s5 =	simm.s32 $0xFFFFFFFF;
	p2 =	slt.u32 s8, $0xFFFFF086  }
0x1c: {  	p1 =	slt.u32 s9, $0xF7A;
	s5 =	simm.s32 @!p2 $0x0  }
0x1d: {  	s5 =	simm.s32 @p1 $0x1;
	p0 =	seq.s32 s7, s2  }
0x1e: {  	s7 =	smul.u32 @!p0 $0xF7A, s2;
	p2 =	seq.s32 @!p0 s5, $0x0  }
0x1f: {  	s9 =	smul.u32 $0xF7A, s1;
	s8 =	simm.s32 @!p0 $0x1BF5;
	p2 =	por !p2, p0  }
0x20: {  	[sflag:s8] =	ssyncset.s32 @!p0 $0xFFFFF086;
	s6 =	sadd.s32 @!p0 s3, s7;
	s7 =	simm.s32 @!p0 $0x108  }
0x21: {  	s3 =	sadd.s32 s3, s9;
	s6 =	sadd.s32 @!p0 $0x88, s6;
	s7 =	simm.s32 @p2 $0x1082  }
0x22: {  	[simem:s7], [sflag:s8] =	dma.local @!p0 [hbm:s6], $0xF7A  }
0x23: {  	s9 =	sor.u32 $0xD0000000, s2;
	s6 =	simm.s32 $0x108;
	_ =	swait.ge @!p0 [sflag:s8], $0x0  }
0x24: {  	s3 =	sadd.s32 $0x88, s3;
	s6 =	simm.s32 @!p1 $0x1082;
	[sflag:s4] =	ssyncset.s32 $0xFFFFF086  }
0x25: {  	[simem:s6], [sflag:s4] =	dma.local [hbm:s3], $0xF7A  }
0x26: {  	[smem:$0x3F97] =	sst s1;
	(tag) =	ssettag s2;
	_ =	strace s9  }
0x27: {  	s1 =	sld [smem:$0x3FA7]  }
0x28: {  	s2 =	sld [smem:$0x3FA8]  }
0x29: {  	s4 =	sld [smem:$0x3FAA]  }
0x2a: {  	p0 =	seq.s32 s5, $0x0;
	s5 =	sld [smem:$0x3FAB]  }
0x2b: {  	s6 =	sld [smem:$0x3FAC]  }
0x2c: {  	s7 =	sld [smem:$0x3FAD]  }
0x2d: {  	s3 =	simm.s32 $0x108;
	s8 =	sld [smem:$0x3FAE]  }
0x2e: {  	s3 =	simm.s32 @!p0 $0x1082;
	s9 =	sld [smem:$0x3FAF]  }
0x2f: {  	lr =	sadd.s32 s0, s3;
	s0 =	sld [smem:$0x3FA6]  }
0x30: {  	s3 =	sld [smem:$0x3FA9]  }
0x31: {  	[smem:$0x3FB2] =	sst s10  }
0x32: {  	s10 =	sld [smem:$0x3FB0];
	_ =	sdelay $0x3  }
0x33: {  	p0 =	seq.s32 s10, $0x1;
	s10 =	sld [smem:$0x3FB2];
	_ =	sdelay $0x3  }
0x34: {  	[smem:$0x3FB2] =	sst s10  }
0x35: {  	s10 =	sld [smem:$0x3FB1];
	_ =	sdelay $0x3  }
0x36: {  	p1 =	seq.s32 s10, $0x1;
	s10 =	sld [smem:$0x3FB2];
	_ =	sdelay $0x3  }
0x37: {  	[smem:$0x3FB2] =	sst s10  }
0x38: {  	s10 =	sld [smem:$0x3FB3]  }
0x39: {  	_ = 	snop;
	(pc) =	sbr.ind lr, $3  }
0x3a: {  	_ = 	snop  }
0x3b: {  	_ = 	snop  }
0x3c: {  	p2 =	seq.s32 s10, $0x1;
	s10 =	sld [smem:$0x3FB2]  }
0x3d: {  	_ =	shalt  }
0x3e: {  	_ =	shalt  }
0x3f: {  	_ =	shalt  }
0x40: {  	_ =	shalt  }
0x41: {  	_ =	shalt  }
0x42: {  	_ =	shalt  }
0x43: {  	_ =	shalt  }
0x44: {  	_ =	shalt  }
0x45: {  	_ =	shalt  }
0x46: {  	_ =	shalt  }
0x47: {  	_ =	shalt  }
0x48: {  	_ =	shalt  }
0x49: {  	_ =	shalt  }
0x4a: {  	_ =	shalt  }
0x4b: {  	_ =	shalt  }
0x4c: {  	_ =	shalt  }
0x4d: {  	_ =	shalt  }
0x4e: {  	_ =	shalt  }
0x4f: {  	_ =	shalt  }
0x50: {  	_ =	shalt  }
0x51: {  	_ =	shalt  }
0x52: {  	_ =	shalt  }
0x53: {  	_ =	shalt  }
0x54: {  	_ =	shalt  }
0x55: {  	_ =	shalt  }
0x56: {  	_ =	shalt  }
0x57: {  	_ =	shalt  }
0x58: {  	_ =	shalt  }
0x59: {  	_ =	shalt  }
0x5a: {  	_ =	shalt  }
0x5b: {  	_ =	shalt  }
0x5c: {  	_ =	shalt  }
0x5d: {  	_ =	shalt  }
0x5e: {  	_ =	shalt  }
0x5f: {  	_ =	shalt  }
0x60: {  	_ =	shalt  }
0x61: {  	_ =	shalt  }
0x62: {  	_ =	shalt  }
0x63: {  	_ =	shalt  }
0x64: {  	_ =	shalt  }
0x65: {  	_ =	shalt  }
0x66: {  	_ =	shalt  }
0x67: {  	_ =	shalt  }
0x68: {  	_ =	shalt  }
0x69: {  	_ =	shalt  }
0x6a: {  	_ =	shalt  }
0x6b: {  	_ =	shalt  }
0x6c: {  	_ =	shalt  }
0x6d: {  	_ =	shalt  }
0x6e: {  	_ =	shalt  }
0x6f: {  	_ =	shalt  }
0x70: {  	_ =	shalt  }
0x71: {  	_ =	shalt  }
0x72: {  	_ =	shalt  }
0x73: {  	_ =	shalt  }
0x74: {  	_ =	shalt  }
0x75: {  	_ =	shalt  }
0x76: {  	_ =	shalt  }
0x77: {  	_ =	shalt  }
0x78: {  	_ =	shalt  }
0x79: {  	_ =	shalt  }
0x7a: {  	_ =	shalt  }
0x7b: {  	_ =	shalt  }
0x7c: {  	_ =	shalt  }
0x7d: {  	_ =	shalt  }
0x7e: {  	_ =	shalt  }
0x7f: {  	_ =	shalt  }
0x80: {  	_ =	shalt  }
0x81: {  	_ =	shalt  }
0x82: {  	_ =	shalt  }
0x83: {  	_ =	shalt  }
0x84: {  	_ =	shalt  }
0x85: {  	_ =	shalt  }
0x86: {  	_ =	shalt  }
0x87: {  	_ =	shalt  }
.Lfunc_end0:
.L_simem_size_0:
called_computation.3_lowered:
.L_overlay_start_0:
0x88: {  	s2 =	sld [smem:$0x3FD9]  }
0x89: {  	s3 =	sld [smem:$0x3FFE];
	_ =	sdelay $0x1  }
0x8a: {  	s1 =	srdreg.scid  }
0x8b: {  	s0 =	sand.u32 $0x1, s1  }
0x8c: {  	s17 =	sshll.u32 s0, $0xA;
	s2 =	sadd.s32 s3, s2  }
0x8d: {  	s2 =	sadd.s32 s2, s17  }
0x8e: {  	[smem:$0x3FBE] =	sst s2  }
0x8f: {  	_ = 	snop  }
0x90: {  	s2 =	sld [smem:$0x3FD0];
	(tm) =	ssettm $0x1  }
0x91: {  	s18 =	sld [smem:$0x3FFB];
	_ =	sdelay $0x3  }
0x92: {  	_ =	strace s18  }
0x93: {  	s3 =	sld [smem:$0x3FFC];
	_ =	sdelay $0x3  }
0x94: {  	_ =	strace s3  }
0x95: {  	s3 =	sld [smem:$0x3FFD];
	_ =	sdelay $0x3  }
0x96: {  	_ =	strace s3  }
0x97: {  	_ =	strace $0x8FFFFFFF  }
0x98: {  	s19 =	sld [smem:$0x3FDB];
	_ =	sdelay $0x1  }
0x99: {  	s4 =	simm.s32 $_scs_section_size  }
0x9a: {  	s5 =	simm.s32 $_size__tile_overlayer_lowered;
	s6 =	simm.s32 $_tile_overlayer_lowered  }
0x9b: {  	s22 =	simm.s32 $0x1BFF;
	s21 =	sshll.u32 s6, $0x1;
	s3 =	sadd.s32 s4, s19  }
0x9c: {  	s7 =	simm.s32 $0x0;
	s20 =	sshll.u32 s5, $0x1;
	s5 =	sadd.s32 s21, s3  }
0x9d: {  	[timem:s7], [sflag:s22] =	dma.local [hbm:s5], s20  }
0x9e: {  	_ =	swait.ge [sflag:s22], s20  }
0x9f: {  	s4 =	ssub.s32 $0x0, s20;
	[sflag:s22] =	ssyncset.done $0x0  }
0xa0: {  	[sflag:s22] =	ssyncadd.s32 s4;
	_ =	sdelay $0x1  }
0xa1: {  	s23 =	simm.s32 $0x1B8B  }
0xa2: {  	_ =	swait.ge [sflag:s23], $0x1  }
0xa3: {  	[sflag:s23] =	ssyncset.done $0x0  }
0xa4: {  	s25 =	simm.s32 $0x1B8E;
	s24 =	sld [smem:$0x3FFE];
	[sflag:s23] =	ssyncadd.s32 $0xFFFFFFFF  }
0xa5: {  	s26 =	simm.s32 $execute0_lowered;
	[smem:$0x3FD2] =	sst s25  }
0xa6: {  	s5 =	sshll.u32 s26, $0x1;
	_ =	strace $0x8000004F;
	[dreg:$0x1] =	wrdreg $0xFFFFFFFF  }
0xa7: {  	s28 =	simm.s32 $_size_execute0_lowered;
	s3 =	sadd.s32 s3, s5;
	[dreg:$0x0] =	wrdreg $0x0  }
0xa8: {  	s5 =	sshll.u32 s28, $0x1;
	[dreg:$0x2] =	wrdreg s3  }
0xa9: {  	[dreg:$0x3] =	wrdreg s5  }
0xaa: {  	[dreg:$0x4] =	wrdreg $0xC0  }
0xab: {  	_ =	task [dreg:s7], $0x5FFFF  }
0xac: {  	[dreg:$0x1] =	wrdreg $0xFFFFFFFF  }
0xad: {  	[dreg:$0x0] =	wrdreg $0x60  }
0xae: {  	[dreg:$0x2] =	wrdreg s2  }
0xaf: {  	[dreg:$0x3] =	wrdreg s24  }
0xb0: {  	[dreg:$0x4] =	wrdreg $0x0  }
0xb1: {  	[dreg:$0x5] =	wrdreg $0x9  }
0xb2: {  	_ =	task.clear_ibuf [dreg:s7], $0x6FFFF;
	_ =	strace $0x9000004F  }
0xb3: {  	s29 =	simm.s32 $0x9;
	_ =	strace $0x80000051  }
0xb4: {  	_ =	swait.ge [sflag:s29], $0x1  }
0xb5: {  	[sflag:s29] =	ssyncadd.s32 $0xFFFFFFFF  }
0xb6: {  	_ =	strace $0x90000051  }
0xb7: {  	_ =	sfence  }
0xb8: {  	s30 =	sld [smem:$0x0];
	_ =	sdelay $0x2  }
0xb9: {  	s31 =	sshll.u32 s1, $0xD;
	s1 =	sshrl.u32 s1, $0x2  }
0xba: {  	s3 =	sand.u32 $0x4000, s31;
	s1 =	sadd.s32 s1, s30  }
0xbb: {  	s0 =	sor.u32 s3, s0;
	s1 =	sshll.u32 s1, $0x11  }
0xbc: {  	s0 =	sor.u32 s1, s0  }
0xbd: {  	s0 =	sadd.s32 $0x8F2B, s0  }
0xbe: {  	[sflag:s0] =	ssyncadd.remote.s32 $0x1  }
0xbf: {  	_ =	sfence.sel $0xFFFF  }
0xc0: {  	[dreg:$0x0] =	wrdreg $0xFFFFFFFF;
	(pc) =	sbr.abs _section_cstart, $3  }
0xc1: {  	[dreg:$0x1] =	wrdreg $0xFFFFFFFF  }
0xc2: {  	_ =	task.clear_ibuf [dreg:s7], $0x2FFFF;
	_ =	strace $0x9FFFFFFF  }
0xc3: {  	(tm) =	ssettm $0x7FFFFFFF  }
tec
execute0_lowered:
.L_overlay_start_1:
0x0: {  	(tag) =	ssettag $0x1  }
0x1: {  	s1 =	rddreg [dreg:$0x0]  }
0x2: {  	s2 =	srdreg.scid;
	s12 =	stileid.u32  }
0x3: {  	s0 =	rddreg [dreg:$0x1];
	s2 =	sand.u32 $0x1, s2;
	s7 =	smul.u32 $0xC350, s12  }
0x4: {  	s3 =	rddreg [dreg:$0x2];
	s4 =	simm.s32 $0x0;
	s8 =	smul.u32 $0xC3500, s2  }
0x5: {  	[smem:$0x7FF] =	sst s4;
	s9 =	smul.u32 $0x30D40, s12;
	s5 =	sadd.s32 $0x5CC00, s0  }
0x6: {  	s6 =	sadd.s32 $0x2AA00, s0;
	s17 =	smul.u32 $0x4E20, s12;
	s8 =	sadd.s32 s7, s8  }
0x7: {  	s12 =	smul.u32 $0x2710, s12;
	s9 =	sshrl.u32 s9, $0x2;
	s8 =	sshrl.u32 s8, $0x3  }
0x8: {  	_ =	strace $0x80000050;
	s11 =	sadd.s32 s8, s0;
	s8 =	sadd.s32 s9, s3  }
0x9: {  	s10 =	ssub.s32 $0x2, s2;
	s15 =	smul.u32 $0x4E200, s2;
	s9 =	sadd.s32 $0x7D0, s8  }
0xa: {  	s2 =	smul.u32 $0x27100, s2;
	s13 =	sadd.s32 $0xFA0, s8;
	[dreg:$0x4] =	wrdreg s9  }
0xb: {  	s26 =	sshrl.u32 s10, $0x1;
	s14 =	sadd.s32 $0x1770, s8;
	[dreg:$0x5] =	wrdreg s13  }
0xc: {  	s10 =	ssub.s32 s10, s26;
	s16 =	sadd.s32 $0x2710, s8;
	[dreg:$0x6] =	wrdreg s14  }
0xd: {  	s7 =	sadd.s32 s7, s3;
	s18 =	sadd.s32 $0x36B0, s8;
	[dreg:$0x8] =	wrdreg s16  }
0xe: {  	s10 =	smax.u32 s10, $0x1;
	s19 =	sadd.s32 $0x3E80, s8;
	[dreg:$0xa] =	wrdreg s18  }
0xf: {  	s20 =	sadd.s32 $0x4650, s8;
	s21 =	sadd.s32 $0x4E20, s8;
	[dreg:$0xb] =	wrdreg s19  }
0x10: {  	s22 =	sadd.s32 $0x55F0, s8;
	s23 =	sadd.s32 $0x5DC0, s8;
	[dreg:$0xc] =	wrdreg s20  }
0x11: {  	s24 =	sadd.s32 $0x6590, s8;
	s25 =	sadd.s32 $0x6D60, s8;
	[dreg:$0xd] =	wrdreg s21  }
0x12: {  	s26 =	sadd.s32 $0x7530, s8;
	s28 =	sadd.s32 $0x8CA0, s8;
	[dreg:$0xe] =	wrdreg s22  }
0x13: {  	s29 =	sadd.s32 $0x9470, s8;
	s30 =	sadd.s32 $0x9C40, s8;
	[dreg:$0xf] =	wrdreg s23  }
0x14: {  	s31 =	sadd.s32 $0xA410, s8;
	s0 =	sadd.s32 $0xABE0, s8;
	[dreg:$0x10] =	wrdreg s24  }
0x15: {  	s9 =	sadd.s32 $0x1F40, s8;
	s13 =	sadd.s32 $0x2EE0, s8;
	[dreg:$0x11] =	wrdreg s25  }
0x16: {  	s19 =	sadd.s32 s17, s15;
	s21 =	sadd.s32 s12, s2;
	[dreg:$0x12] =	wrdreg s26  }
0x17: {  	s25 =	sadd.s32 $0x7D00, s8;
	s26 =	sadd.s32 $0x84D0, s8;
	s2 =	sadd.s32 $0xB3B0, s8  }
0x18: {  	s8 =	sadd.s32 $0xBB80, s8;
	s12 =	simm.s32 $0x2;
	s14 =	simm.s32 $0xC3F0  }
0x19: {  	s15 =	simm.s32 $0x50;
	s16 =	simm.s32 $0xC440;
	[dreg:$0x7] =	wrdreg s9  }
0x1a: {  	s17 =	simm.s32 $0x1;
	s18 =	simm.s32 $0xD840;
	[dreg:$0x9] =	wrdreg s13  }
0x1b: {  	v0 =	vimm.f32 $0.0e+00;
	vm0 =	vmmov $0x1;
	s9 =	sadd.s32 $0x66A00, s11;
	s11 =	simm.s32 $0xF140;
	s13 =	simm.s32 $0xC350  }
.LBB2_1:
0x1c: {  	[tilespmem:$0xF140] =	vst v0  }
0x1d: {  	[tilespmem:$0xF150] =	vst v0  }
0x1e: {  	[tilespmem:$0xF160] =	vst v0  }
0x1f: {  	[tilespmem:$0xF170] =	vst v0  }
0x20: {  	[tilespmem:$0xF180] =	vst v0  }
0x21: {  	[tilespmem:$0xF190] =	vst v0  }
0x22: {  	[tilespmem:$0xF1A0] =	vst v0  }
0x23: {  	[tilespmem:$0xF1B0] =	vst v0  }
0x24: {  	[tilespmem:$0xF1C0] =	vst v0  }
0x25: {  	[tilespmem:$0xF1D0] =	vst v0  }
0x26: {  	[tilespmem:$0xF1E0] =	vst v0  }
0x27: {  	[tilespmem:$0xF1F0] =	vst v0  }
0x28: {  	[tilespmem:$0xF200] =	vst v0  }
0x29: {  	[tilespmem:$0xF210] =	vst v0  }
0x2a: {  	[tilespmem:$0xF220] =	vst v0  }
0x2b: {  	[tilespmem:$0xF230] =	vst v0  }
0x2c: {  	[tilespmem:$0xF240] =	vst v0  }
0x2d: {  	[tilespmem:$0xF250] =	vst v0  }
0x2e: {  	[tilespmem:$0xF260] =	vst v0  }
0x2f: {  	[tilespmem:$0xF270] =	vst v0  }
0x30: {  	[tilespmem:$0xF280] =	vst v0  }
0x31: {  	[tilespmem:$0xF290] =	vst v0  }
0x32: {  	[tilespmem:$0xF2A0] =	vst v0  }
0x33: {  	[tilespmem:$0xF2B0] =	vst v0  }
0x34: {  	[tilespmem:$0xF2C0] =	vst v0  }
0x35: {  	[tilespmem:$0xF2D0] =	vst v0  }
0x36: {  	[tilespmem:$0xF2E0] =	vst v0  }
0x37: {  	[tilespmem:$0xF2F0] =	vst v0  }
0x38: {  	[tilespmem:$0xF300] =	vst v0  }
0x39: {  	[tilespmem:$0xF310] =	vst v0  }
0x3a: {  	[tilespmem:$0xF320] =	vst v0  }
0x3b: {  	[tilespmem:$0xF330] =	vst v0  }
0x3c: {  	[tilespmem:$0xF340] =	vst v0  }
0x3d: {  	[tilespmem:$0xF350] =	vst v0  }
0x3e: {  	[tilespmem:$0xF360] =	vst v0  }
0x3f: {  	[tilespmem:$0xF370] =	vst v0  }
0x40: {  	[tilespmem:$0xF380] =	vst v0  }
0x41: {  	[tilespmem:$0xF390] =	vst v0  }
0x42: {  	[tilespmem:$0xF3A0] =	vst v0  }
0x43: {  	[tilespmem:$0xF3B0] =	vst v0  }
0x44: {  	[tilespmem:$0xF3C0] =	vst v0  }
0x45: {  	[tilespmem:$0xF3D0] =	vst v0  }
0x46: {  	[tilespmem:$0xF3E0] =	vst v0  }
0x47: {  	[tilespmem:$0xF3F0] =	vst v0  }
0x48: {  	[tilespmem:$0xF400] =	vst v0  }
0x49: {  	[tilespmem:$0xF410] =	vst v0  }
0x4a: {  	[tilespmem:$0xF420] =	vst v0  }
0x4b: {  	[tilespmem:$0xF430] =	vst v0  }
0x4c: {  	[tilespmem:$0xF440] =	vst v0  }
0x4d: {  	[tilespmem:$0xF450] =	vst v0  }
0x4e: {  	[tilespmem:$0xF460] =	vst v0  }
0x4f: {  	[tilespmem:$0xF470] =	vst v0  }
0x50: {  	[tilespmem:$0xF480] =	vst v0  }
0x51: {  	[tilespmem:$0xF490] =	vst v0  }
0x52: {  	[tilespmem:$0xF4A0] =	vst v0  }
0x53: {  	[tilespmem:$0xF4B0] =	vst v0  }
0x54: {  	[tilespmem:$0xF4C0] =	vst v0  }
0x55: {  	[tilespmem:$0xF4D0] =	vst v0  }
0x56: {  	[tilespmem:$0xF4E0] =	vst v0  }
0x57: {  	[tilespmem:$0xF4F0] =	vst v0  }
0x58: {  	[tilespmem:$0xF500] =	vst v0  }
0x59: {  	[tilespmem:$0xF510] =	vst v0  }
0x5a: {  	[tilespmem:$0xF520] =	vst v0  }
0x5b: {  	[tilespmem:$0xF530] =	vst v0  }
0x5c: {  	[tilespmem:$0xF540] =	vst v0  }
0x5d: {  	[tilespmem:$0xF550] =	vst v0  }
0x5e: {  	[tilespmem:$0xF560] =	vst v0  }
0x5f: {  	[tilespmem:$0xF570] =	vst v0  }
0x60: {  	[tilespmem:$0xF580] =	vst v0  }
0x61: {  	[tilespmem:$0xF590] =	vst v0  }
0x62: {  	[tilespmem:$0xF5A0] =	vst v0  }
0x63: {  	[tilespmem:$0xF5B0] =	vst v0  }
0x64: {  	[tilespmem:$0xF5C0] =	vst v0  }
0x65: {  	[tilespmem:$0xF5D0] =	vst v0  }
0x66: {  	[tilespmem:$0xF5E0] =	vst v0  }
0x67: {  	[tilespmem:$0xF5F0] =	vst v0  }
0x68: {  	[tilespmem:$0xF600] =	vst v0  }
0x69: {  	[tilespmem:$0xF610] =	vst v0  }
0x6a: {  	[tilespmem:$0xF620] =	vst v0  }
0x6b: {  	[tilespmem:$0xF630] =	vst v0  }
0x6c: {  	[tilespmem:$0xF640] =	vst v0  }
0x6d: {  	[tilespmem:$0xF650] =	vst v0  }
0x6e: {  	[tilespmem:$0xF660] =	vst v0  }
0x6f: {  	[tilespmem:$0xF670] =	vst v0  }
0x70: {  	[tilespmem:$0xF680] =	vst v0  }
0x71: {  	[tilespmem:$0xF690] =	vst v0  }
0x72: {  	[tilespmem:$0xF6A0] =	vst v0  }
0x73: {  	[tilespmem:$0xF6B0] =	vst v0  }
0x74: {  	[tilespmem:$0xF6C0] =	vst v0  }
0x75: {  	[tilespmem:$0xF6D0] =	vst v0  }
0x76: {  	[tilespmem:$0xF6E0] =	vst v0  }
0x77: {  	[tilespmem:$0xF6F0] =	vst v0  }
0x78: {  	[tilespmem:$0xF700] =	vst v0  }
0x79: {  	[tilespmem:$0xF710] =	vst v0  }
0x7a: {  	[tilespmem:$0xF720] =	vst v0  }
0x7b: {  	[tilespmem:$0xF730] =	vst v0  }
0x7c: {  	[tilespmem:$0xF740] =	vst v0  }
0x7d: {  	[tilespmem:$0xF750] =	vst v0  }
0x7e: {  	[tilespmem:$0xF760] =	vst v0  }
0x7f: {  	[tilespmem:$0xF770] =	vst v0  }
0x80: {  	[tilespmem:$0xF780] =	vst v0  }
0x81: {  	[tilespmem:$0xF790] =	vst v0  }
0x82: {  	[tilespmem:$0xF7A0] =	vst v0  }
0x83: {  	[tilespmem:$0xF7B0] =	vst v0  }
0x84: {  	[tilespmem:$0xF7C0] =	vst v0  }
0x85: {  	[tilespmem:$0xF7D0] =	vst v0  }
0x86: {  	[tilespmem:$0xF7E0] =	vst v0  }
0x87: {  	[tilespmem:$0xF7F0] =	vst v0  }
0x88: {  	[tilespmem:$0xF800] =	vst v0  }
0x89: {  	[tilespmem:$0xF810] =	vst v0  }
0x8a: {  	[tilespmem:$0xF820] =	vst v0  }
0x8b: {  	[tilespmem:$0xF830] =	vst v0  }
0x8c: {  	[tilespmem:$0xF840] =	vst v0  }
0x8d: {  	[tilespmem:$0xF850] =	vst v0  }
0x8e: {  	[tilespmem:$0xF860] =	vst v0  }
0x8f: {  	[tilespmem:$0xF870] =	vst v0  }
0x90: {  	[tilespmem:$0xF880] =	vst v0  }
0x91: {  	[tilespmem:$0xF890] =	vst v0  }
0x92: {  	[tilespmem:$0xF8A0] =	vst v0  }
0x93: {  	[tilespmem:$0xF8B0] =	vst v0  }
0x94: {  	[tilespmem:$0xF8C0] =	vst v0  }
0x95: {  	[tilespmem:$0xF8D0] =	vst v0  }
0x96: {  	[tilespmem:$0xF8E0] =	vst v0  }
0x97: {  	[tilespmem:$0xF8F0] =	vst v0  }
0x98: {  	[tilespmem:$0xF900] =	vst v0  }
0x99: {  	[spmem:s7] =	stream.linear.scatter [tilespmem:s11], [sflag:$0x2], $0x7D0, $0x38;
	[tilespmem:$0xF910] =	vst v63  }
0x9a: {  	_ =	swait.ge [sflag:s12], $0x7D0  }
0x9b: {  	[sflag:s12] =	ssyncset.done $0x0  }
0x9c: {  	s20 =	rddreg [dreg:$0x4];
	[sflag:s12] =	ssyncadd.s32 $0xFFFFF830  }
0x9d: {  	[spmem:s20] =	stream.linear.scatter [tilespmem:s11], [sflag:$0x2], $0x7D0, $0x38;
	[tilespmem:$0xF910] =	vst v63  }
0x9e: {  	_ =	swait.ge [sflag:s12], $0x7D0  }
0x9f: {  	[sflag:s12] =	ssyncset.done $0x0  }
0xa0: {  	s23 =	rddreg [dreg:$0x5];
	[sflag:s12] =	ssyncadd.s32 $0xFFFFF830  }
0xa1: {  	[spmem:s23] =	stream.linear.scatter [tilespmem:s11], [sflag:$0x2], $0x7D0, $0x38;
	[tilespmem:$0xF910] =	vst v63  }
0xa2: {  	_ =	swait.ge [sflag:s12], $0x7D0  }
0xa3: {  	[sflag:s12] =	ssyncset.done $0x0  }
0xa4: {  	s24 =	rddreg [dreg:$0x6];
	[sflag:s12] =	ssyncadd.s32 $0xFFFFF830  }
0xa5: {  	[spmem:s24] =	stream.linear.scatter [tilespmem:s11], [sflag:$0x2], $0x7D0, $0x38;
	[tilespmem:$0xF910] =	vst v63  }
0xa6: {  	_ =	swait.ge [sflag:s12], $0x7D0  }
0xa7: {  	[sflag:s12] =	ssyncset.done $0x0  }
0xa8: {  	s22 =	rddreg [dreg:$0x7];
	[sflag:s12] =	ssyncadd.s32 $0xFFFFF830  }
0xa9: {  	[spmem:s22] =	stream.linear.scatter [tilespmem:s11], [sflag:$0x2], $0x7D0, $0x38;
	[tilespmem:$0xF910] =	vst v63  }
0xaa: {  	_ =	swait.ge [sflag:s12], $0x7D0  }
0xab: {  	[sflag:s12] =	ssyncset.done $0x0  }
0xac: {  	s23 =	rddreg [dreg:$0x8];
	[sflag:s12] =	ssyncadd.s32 $0xFFFFF830  }
0xad: {  	[spmem:s23] =	stream.linear.scatter [tilespmem:s11], [sflag:$0x2], $0x7D0, $0x38;
	[tilespmem:$0xF910] =	vst v63  }
0xae: {  	_ =	swait.ge [sflag:s12], $0x7D0  }
0xaf: {  	[sflag:s12] =	ssyncset.done $0x0  }
0xb0: {  	s24 =	rddreg [dreg:$0x9];
	[sflag:s12] =	ssyncadd.s32 $0xFFFFF830  }
0xb1: {  	[spmem:s24] =	stream.linear.scatter [tilespmem:s11], [sflag:$0x2], $0x7D0, $0x38;
	[tilespmem:$0xF910] =	vst v63  }
0xb2: {  	_ =	swait.ge [sflag:s12], $0x7D0  }
0xb3: {  	[sflag:s12] =	ssyncset.done $0x0  }
0xb4: {  	s22 =	rddreg [dreg:$0xa];
	[sflag:s12] =	ssyncadd.s32 $0xFFFFF830  }
0xb5: {  	[spmem:s22] =	stream.linear.scatter [tilespmem:s11], [sflag:$0x2], $0x7D0, $0x38;
	[tilespmem:$0xF910] =	vst v63  }
0xb6: {  	_ =	swait.ge [sflag:s12], $0x7D0  }
0xb7: {  	[sflag:s12] =	ssyncset.done $0x0  }
0xb8: {  	s23 =	rddreg [dreg:$0xb];
	[sflag:s12] =	ssyncadd.s32 $0xFFFFF830  }
0xb9: {  	[spmem:s23] =	stream.linear.scatter [tilespmem:s11], [sflag:$0x2], $0x7D0, $0x38;
	[tilespmem:$0xF910] =	vst v63  }
0xba: {  	_ =	swait.ge [sflag:s12], $0x7D0  }
0xbb: {  	[sflag:s12] =	ssyncset.done $0x0  }
0xbc: {  	s24 =	rddreg [dreg:$0xc];
	[sflag:s12] =	ssyncadd.s32 $0xFFFFF830  }
0xbd: {  	[spmem:s24] =	stream.linear.scatter [tilespmem:s11], [sflag:$0x2], $0x7D0, $0x38;
	[tilespmem:$0xF910] =	vst v63  }
0xbe: {  	_ =	swait.ge [sflag:s12], $0x7D0  }
0xbf: {  	[sflag:s12] =	ssyncset.done $0x0  }
0xc0: {  	s22 =	rddreg [dreg:$0xd];
	[sflag:s12] =	ssyncadd.s32 $0xFFFFF830  }
0xc1: {  	[spmem:s22] =	stream.linear.scatter [tilespmem:s11], [sflag:$0x2], $0x7D0, $0x38;
	[tilespmem:$0xF910] =	vst v63  }
0xc2: {  	_ =	swait.ge [sflag:s12], $0x7D0  }
0xc3: {  	[sflag:s12] =	ssyncset.done $0x0  }
0xc4: {  	s23 =	rddreg [dreg:$0xe];
	[sflag:s12] =	ssyncadd.s32 $0xFFFFF830  }
0xc5: {  	[spmem:s23] =	stream.linear.scatter [tilespmem:s11], [sflag:$0x2], $0x7D0, $0x38;
	[tilespmem:$0xF910] =	vst v63  }
0xc6: {  	_ =	swait.ge [sflag:s12], $0x7D0  }
0xc7: {  	[sflag:s12] =	ssyncset.done $0x0  }
0xc8: {  	s24 =	rddreg [dreg:$0xf];
	[sflag:s12] =	ssyncadd.s32 $0xFFFFF830  }
0xc9: {  	[spmem:s24] =	stream.linear.scatter [tilespmem:s11], [sflag:$0x2], $0x7D0, $0x38;
	[tilespmem:$0xF910] =	vst v63  }
0xca: {  	_ =	swait.ge [sflag:s12], $0x7D0  }
0xcb: {  	[sflag:s12] =	ssyncset.done $0x0  }
0xcc: {  	s22 =	rddreg [dreg:$0x10];
	[sflag:s12] =	ssyncadd.s32 $0xFFFFF830  }
0xcd: {  	[spmem:s22] =	stream.linear.scatter [tilespmem:s11], [sflag:$0x2], $0x7D0, $0x38;
	[tilespmem:$0xF910] =	vst v63  }
0xce: {  	_ =	swait.ge [sflag:s12], $0x7D0  }
0xcf: {  	[sflag:s12] =	ssyncset.done $0x0  }
0xd0: {  	s23 =	rddreg [dreg:$0x11];
	[sflag:s12] =	ssyncadd.s32 $0xFFFFF830  }
0xd1: {  	[spmem:s23] =	stream.linear.scatter [tilespmem:s11], [sflag:$0x2], $0x7D0, $0x38;
	[tilespmem:$0xF910] =	vst v63  }
0xd2: {  	_ =	swait.ge [sflag:s12], $0x7D0  }
0xd3: {  	[sflag:s12] =	ssyncset.done $0x0  }
0xd4: {  	s24 =	rddreg [dreg:$0x12];
	[sflag:s12] =	ssyncadd.s32 $0xFFFFF830  }
0xd5: {  	[spmem:s24] =	stream.linear.scatter [tilespmem:s11], [sflag:$0x2], $0x7D0, $0x38;
	[tilespmem:$0xF910] =	vst v63  }
0xd6: {  	_ =	swait.ge [sflag:s12], $0x7D0  }
0xd7: {  	[sflag:s12] =	ssyncset.done $0x0  }
0xd8: {  	[sflag:s12] =	ssyncadd.s32 $0xFFFFF830  }
0xd9: {  	[spmem:s25] =	stream.linear.scatter [tilespmem:s11], [sflag:$0x2], $0x7D0, $0x38;
	[tilespmem:$0xF910] =	vst v63  }
0xda: {  	_ =	swait.ge [sflag:s12], $0x7D0  }
0xdb: {  	[sflag:s12] =	ssyncset.done $0x0  }
0xdc: {  	[sflag:s12] =	ssyncadd.s32 $0xFFFFF830  }
0xdd: {  	[spmem:s26] =	stream.linear.scatter [tilespmem:s11], [sflag:$0x2], $0x7D0, $0x38;
	[tilespmem:$0xF910] =	vst v63  }
0xde: {  	_ =	swait.ge [sflag:s12], $0x7D0  }
0xdf: {  	[sflag:s12] =	ssyncset.done $0x0  }
0xe0: {  	[sflag:s12] =	ssyncadd.s32 $0xFFFFF830  }
0xe1: {  	[spmem:s28] =	stream.linear.scatter [tilespmem:s11], [sflag:$0x2], $0x7D0, $0x38;
	[tilespmem:$0xF910] =	vst v63  }
0xe2: {  	_ =	swait.ge [sflag:s12], $0x7D0  }
0xe3: {  	[sflag:s12] =	ssyncset.done $0x0  }
0xe4: {  	[sflag:s12] =	ssyncadd.s32 $0xFFFFF830  }
0xe5: {  	[spmem:s29] =	stream.linear.scatter [tilespmem:s11], [sflag:$0x2], $0x7D0, $0x38;
	[tilespmem:$0xF910] =	vst v63  }
0xe6: {  	_ =	swait.ge [sflag:s12], $0x7D0  }
0xe7: {  	[sflag:s12] =	ssyncset.done $0x0  }
0xe8: {  	[sflag:s12] =	ssyncadd.s32 $0xFFFFF830  }
0xe9: {  	[spmem:s30] =	stream.linear.scatter [tilespmem:s11], [sflag:$0x2], $0x7D0, $0x38;
	[tilespmem:$0xF910] =	vst v63  }
0xea: {  	_ =	swait.ge [sflag:s12], $0x7D0  }
0xeb: {  	[sflag:s12] =	ssyncset.done $0x0  }
0xec: {  	[sflag:s12] =	ssyncadd.s32 $0xFFFFF830  }
0xed: {  	[spmem:s31] =	stream.linear.scatter [tilespmem:s11], [sflag:$0x2], $0x7D0, $0x38;
	[tilespmem:$0xF910] =	vst v63  }
0xee: {  	_ =	swait.ge [sflag:s12], $0x7D0  }
0xef: {  	[sflag:s12] =	ssyncset.done $0x0  }
0xf0: {  	[sflag:s12] =	ssyncadd.s32 $0xFFFFF830  }
0xf1: {  	[spmem:s0] =	stream.linear.scatter [tilespmem:s11], [sflag:$0x2], $0x7D0, $0x38;
	[tilespmem:$0xF910] =	vst v63  }
0xf2: {  	_ =	swait.ge [sflag:s12], $0x7D0  }
0xf3: {  	[sflag:s12] =	ssyncset.done $0x0  }
0xf4: {  	[sflag:s12] =	ssyncadd.s32 $0xFFFFF830  }
0xf5: {  	[spmem:s2] =	stream.linear.scatter [tilespmem:s11], [sflag:$0x2], $0x7D0, $0x38;
	[tilespmem:$0xF910] =	vst v63  }
0xf6: {  	_ =	swait.ge [sflag:s12], $0x7D0  }
0xf7: {  	[sflag:s12] =	ssyncset.done $0x0  }
0xf8: {  	[sflag:s12] =	ssyncadd.s32 $0xFFFFF830  }
0xf9: {  	[spmem:s8] =	stream.linear.scatter [tilespmem:s11], [sflag:$0x2], $0x7D0, $0x38;
	[tilespmem:$0xF910] =	vst v63  }
0xfa: {  	_ =	swait.ge [sflag:s12], $0x7D0  }
0xfb: {  	[sflag:s12] =	ssyncset.done $0x0  }
0xfc: {  	[sflag:s12] =	ssyncadd.s32 $0xFFFFF830  }
0xfd: {  	s20 =	simm.s32 $0x0;
	[bflag:$0x0] =	sbarrier.arrive $0xFFFF  }
.LBB2_2:
0xfe: {  	s22 =	smul.u32 $0xA0, s20;
	_ =	sdelay $0x1  }
0xff: {  	s22 =	sadd.s32 s22, s19  }
0x100: {  	s22 =	sshrl.u32 s22, $0x3  }
0x101: {  	s23 =	simm.s32 $0x0;
	s24 =	smul.u32 $0x50, s20;
	s22 =	sadd.s32 s1, s22  }
0x102: {  	[tilespmem:s13], [sflag:$0x2] =	stream.linear.gather [hbm4b:s22+s23], $0xA0, $0x38;
	[tilespmem:$0xF910] =	vst v63  }
0x103: {  	s24 =	sadd.s32 s24, s21;
	_ =	swait.ge [sflag:s12], $0xA0  }
0x104: {  	s22 =	sshrl.u32 s24, $0x3;
	[sflag:s12] =	ssyncset.done $0x0  }
0x105: {  	s22 =	sadd.s32 s5, s22;
	[sflag:s12] =	ssyncadd.s32 $0xFFFFFF60  }
0x106: {  	v1 =	vmov s23;
	[tilespmem:s14], [sflag:$0x2] =	stream.linear.gather [hbm4b:s22+s23], $0x50, $0x38;
	[tilespmem:$0xF910] =	vst v63  }
0x107: {  	v1 =	vadd.s32 $0x50, v1;
	_ =	swait.ge [sflag:s12], $0x50  }
0x108: {  	v1 =	vbroadcast v1, $0x0;
	[sflag:s12] =	ssyncset.done $0x0  }
0x109: {  	[sflag:s12] =	ssyncadd.s32 $0xFFFFFFB0  }
0x10a: {  	[tilespmem:s16], [sflag:$0x1] =	stream.indirect.gather [hbm4b:s6+s15], $0x40, s13, s15, $0xb8;
	[tilespmem:$0xF910] =	vst v63  }
0x10b: {  	_ =	swait.ge [sflag:s17], $0x1400  }
0x10c: {  	[sflag:s17] =	ssyncset.done $0x0  }
0x10d: {  	[sflag:s17] =	ssyncadd.s32 $0xFFFFEC00  }
0x10e: {  	s22 =	simm.s32 $0xC460;
	v1 =	vld.idx.msk [tilespmem:v1+s13+$0x0], $0xffff  }
0x10f: {  	v2 =	vld [tilespmem:s22+$0xFFFFFFE0];
	_ =	sdelay $0x4  }
0x110: {  	v2 =	vmul.f32 v1, v2  }
0x111: {  	s23 =	simm.s32 $0xD860  }
0x112: {  	[tilespmem:s23+$0xFFFFFFE0] =	vst v2  }
0x113: {  	v2 =	vld [tilespmem:s22+$0xFFFFFFF0];
	_ =	sdelay $0x4  }
0x114: {  	v2 =	vmul.f32 v1, v2;
	_ =	sdelay $0x1  }
0x115: {  	[tilespmem:s23+$0xFFFFFFF0] =	vst v2  }
0x116: {  	v2 =	vld [tilespmem:s22+$0x0];
	_ =	sdelay $0x4  }
0x117: {  	v3 =	vnsel vm0, $0x0, v1;
	v2 =	vmul.f32 v1, v2  }
0x118: {  	v4 =	vadd.f32 $0.0e+00, v3  }
0x119: {  	s24 =	simm.s32 $0x1;
	[tilespmem:s23+$0x0] =	vst v2  }
0x11a: {  	v3 =	vmov s24;
	s24 =	simm.s32 $0x2;
	v2 =	vld [tilespmem:s22+$0x10];
	[tilespmem:s23+$0x20] =	vst v4  }
.LBB2_3:
0x11b: {  	p0 =	sne.s32 s24, $0x4F;
	v3 =	vadd.s32 $0x50, v3  }
0x11c: {  	v3 =	vbroadcast v3, $0x0;
	_ =	sdelay $0x2  }
0x11d: {  	v1 =	vmul.f32 v1, v2;
	_ =	sdelay $0x1  }
0x11e: {  	[tilespmem:s23+$0x10] =	vst v1  }
0x11f: {  	s22 =	sadd.s32 $0x40, s22;
	v1 =	vld.idx.msk [tilespmem:v3+s13+$0x0], $0xffff  }
0x120: {  	v2 =	vld [tilespmem:s22+$0xFFFFFFE0];
	_ =	sdelay $0x4  }
0x121: {  	v3 =	vnsel vm0, $0x0, v1;
	v2 =	vmul.f32 v1, v2  }
0x122: {  	s23 =	sadd.s32 $0x50, s23;
	v4 =	vadd.f32 $0.0e+00, v3  }
0x123: {  	[tilespmem:s23+$0xFFFFFFE0] =	vst v2  }
0x124: {  	v2 =	vld [tilespmem:s22+$0xFFFFFFF0];
	_ =	sdelay $0x4  }
0x125: {  	v2 =	vmul.f32 v1, v2;
	_ =	sdelay $0x1  }
0x126: {  	[tilespmem:s23+$0xFFFFFFF0] =	vst v2  }
0x127: {  	v2 =	vld [tilespmem:s22+$0x0];
	_ =	sdelay $0x3  }
.Ltmp0:
0x128: {  	(pc) =	sbr.rel @p0 .LBB2_3-.Ltmp0, $3  }
0x129: {  	v2 =	vmul.f32 v1, v2;
	_ =	sdelay $0x1  }
0x12a: {  	[tilespmem:s23+$0x0] =	vst v2  }
0x12b: {  	v3 =	vmov s24;
	s24 =	sadd.s32 $0x1, s24;
	v2 =	vld [tilespmem:s22+$0x10];
	[tilespmem:s23+$0x20] =	vst v4  }
0x12c: {  	v3 =	vadd.s32 $0x50, v3  }
0x12d: {  	v3 =	vbroadcast v3, $0x0;
	_ =	sdelay $0x2  }
0x12e: {  	v1 =	vmul.f32 v1, v2;
	_ =	sdelay $0x1  }
0x12f: {  	[tilespmem:s23+$0x10] =	vst v1  }
0x130: {  	s22 =	sadd.s32 $0x40, s22;
	v1 =	vld.idx.msk [tilespmem:v3+s13+$0x0], $0xffff  }
0x131: {  	v2 =	vld [tilespmem:s22+$0xFFFFFFE0];
	_ =	sdelay $0x4  }
0x132: {  	v2 =	vmul.f32 v1, v2  }
0x133: {  	s24 =	sadd.s32 $0x50, s23  }
0x134: {  	[tilespmem:s24+$0xFFFFFFE0] =	vst v2  }
0x135: {  	v2 =	vld [tilespmem:s22+$0xFFFFFFF0];
	_ =	sdelay $0x4  }
0x136: {  	v2 =	vmul.f32 v1, v2;
	_ =	sdelay $0x1  }
0x137: {  	[tilespmem:s24+$0xFFFFFFF0] =	vst v2  }
0x138: {  	v2 =	vld [tilespmem:s22+$0x0];
	_ =	sdelay $0x4  }
0x139: {  	v2 =	vmul.f32 v1, v2;
	_ =	sdelay $0x1  }
0x13a: {  	[tilespmem:s24+$0x0] =	vst v2  }
0x13b: {  	v2 =	vld [tilespmem:s22+$0x10];
	_ =	sdelay $0x2  }
0x13c: {  	v3 =	vnsel vm0, $0x0, v1  }
0x13d: {  	v3 =	vadd.f32 $0.0e+00, v3  }
0x13e: {  	s20 =	sadd.s32 $0x1, s20;
	v1 =	vmul.f32 v1, v2  }
0x13f: {  	p0 =	sne.s32 s20, $0x7D;
	[tilespmem:s24+$0x20] =	vst v3  }
.Ltmp1:
0x140: {  	[tilespmem:s24+$0x10] =	vst v1;
	(pc) =	sbr.rel @p0 .LBB2_2-.Ltmp1, $4  }
0x141: {  	[spmem:s3] =	stream.indirect.scatter.add.f32 [tilespmem:s18], [sflag:$0x2], $0x50, s14, s15, $0xb8;
	[tilespmem:$0xF910] =	vst v63  }
0x142: {  	_ =	swait.ge [sflag:s12], $0x1900  }
0x143: {  	[sflag:s12] =	ssyncset.done $0x0  }
0x144: {  	[sflag:s12] =	ssyncadd.s32 $0xFFFFE700  }
0x145: {  	s20 =	stileid.u32;
	s4 =	sadd.s32 $0x1, s4  }
0x146: {  	[bflag:$0x0] =	sbarrier.arrive $0xFFFF;
	s20 =	sshll.u32 s20, $0x6;
	p0 =	sne.s32 s4, s10  }
.Ltmp2:
0x147: {  	s22 =	sshrl.u32 s7, $0x3;
	s20 =	sor.u32 $0x1C02, s20;
	(pc) =	sbr.rel @p0 .LBB2_1-.Ltmp2, $4  }
0x148: {  	[hbm:s9], [sflag:s20] =	dma.local [spmem:s22], $0x186A  }
0x149: {  	_ =	swait.ge [sflag:s12], $0x186A  }
0x14a: {  	[sflag:s12] =	ssyncset.done $0x0  }
0x14b: {  	[sflag:s12] =	ssyncadd.s32 $0xFFFFE796  }
0x14c: {  	_ =	sfence.sel $0x180000  }
0x14d: {  	[bflag:$0x0] =	sbarrier.arrive $0xFFFF  }
0x14e: {  	_ =	strace $0x90000050  }
0x14f: {  	s0 =	stileid.u32;
	[bflag:$0x2] =	sbarrier.arrive $0xFFFF  }
0x150: {  	p0 =	sne.s32 s0, $0x0;
	s0 =	rddreg [dreg:$0x3]  }
0x151: {  	s0 =	sadd.s32 @!p0 $0x100000, s0  }
0x152: {  	[sflag:s0] =	ssyncadd.tile.s32 @!p0 $0x1;
	_ =	shalt  }
.Lfunc_end2:
_tile_overlayer_lowered:
.L_overlay_start_2:
0x153: {  	(tag) =	ssettag $0x2  }
0x154: {  	s0 =	rddreg [dreg:$0x0];
	s2 =	stileid.u32  }
0x155: {  	s1 =	rddreg [dreg:$0x1];
	p0 =	sne.s32 s2, $0x0  }
0x156: {  	s3 =	rddreg [dreg:$0x2];
	[bflag:$0x3] =	sbarrier.arrive $0xFFFF;
	s2 =	simm.s32 @!p0 $0x1C02  }
0x157: {  	[timem:s3], [sflag:s2] =	dma.local @!p0 [hbm:s0], s1  }
0x158: {  	s0 =	simm.s32 @!p0 $0x2  }
0x159: {  	_ =	swait.ge @!p0 [sflag:s0], s1  }
0x15a: {  	s1 =	ssub.s32 @!p0 $0x0, s1;
	[sflag:s0] =	ssyncset.done @!p0 $0x0  }
0x15b: {  	[sflag:s0] =	ssyncadd.s32 @!p0 s1  }
0x15c: {  	[bflag:$0x3] =	sbarrier.arrive $0xFFFF  }
0x15d: {  	_ =	shalt  }

// kernel: kernel.9.cloned.1.call-start
scs
__scs_entry_jumppad:
0x0: {  	(pc) =	sbr.rel $0x88, $3  }
0x1: {  	(tag) =	ssettag $0x0;
	lr =	simm.s32 $0x1  }
0x2: {  	[smem:$0x3F97] =	sst lr;
	_ =	strace $0xD0000000  }
0x3: {  	_ = 	snop  }
0x4: {  	_ = 	snop  }
0x5: {  	_ = 	snop  }
0x6: {  	_ = 	snop  }
0x7: {  	_ = 	snop  }
__scs_overlays_trampoline_lowered:
0x8: {  	[smem:$0x3FA6] =	sst s0  }
0x9: {  	[smem:$0x3FA7] =	sst s1  }
0xa: {  	[smem:$0x3FA8] =	sst s2  }
0xb: {  	[smem:$0x3FA9] =	sst s3  }
0xc: {  	[smem:$0x3FAA] =	sst s4  }
0xd: {  	[smem:$0x3FAB] =	sst s5  }
0xe: {  	[smem:$0x3FAC] =	sst s6  }
0xf: {  	[smem:$0x3FAD] =	sst s7  }
0x10: {  	[smem:$0x3FAE] =	sst s8  }
0x11: {  	[smem:$0x3FAF] =	sst s9;
	s0 =	simm.s32 @!p0 $0x0  }
0x12: {  	s1 =	sld [smem:$0x3F95];
	s0 =	simm.s32 @p0 $0x1  }
0x13: {  	[smem:$0x3FB0] =	sst s0;
	s0 =	simm.s32 @!p1 $0x0  }
0x14: {  	s2 =	sld [smem:$0x3F94];
	s0 =	simm.s32 @p1 $0x1  }
0x15: {  	[smem:$0x3FB1] =	sst s0;
	s0 =	simm.s32 @!p2 $0x0  }
0x16: {  	s3 =	sld [smem:$0x3FDB];
	s0 =	simm.s32 @p2 $0x1  }
0x17: {  	s4 =	simm.s32 $0x1BF5;
	[smem:$0x3FB3] =	sst s0  }
0x18: {  	s0 =	sld [smem:$0x3F96];
	_ =	swait.ge [sflag:s4], $0x0  }
0x19: {  	s7 =	sld [smem:$0x3F97]  }
0x1a: {  	s8 =	sadd.s32 $0xFFFFE003, lr  }
0x1b: {  	s9 =	sadd.s32 $0xFFFFFEF7, lr;
	s5 =	simm.s32 $0xFFFFFFFF;
	p2 =	slt.u32 s8, $0xFFFFF086  }
0x1c: {  	p1 =	slt.u32 s9, $0xF7A;
	s5 =	simm.s32 @!p2 $0x0  }
0x1d: {  	s5 =	simm.s32 @p1 $0x1;
	p0 =	seq.s32 s7, s2  }
0x1e: {  	s7 =	smul.u32 @!p0 $0xF7A, s2;
	p2 =	seq.s32 @!p0 s5, $0x0  }
0x1f: {  	s9 =	smul.u32 $0xF7A, s1;
	s8 =	simm.s32 @!p0 $0x1BF5;
	p2 =	por !p2, p0  }
0x20: {  	[sflag:s8] =	ssyncset.s32 @!p0 $0xFFFFF086;
	s6 =	sadd.s32 @!p0 s3, s7;
	s7 =	simm.s32 @!p0 $0x108  }
0x21: {  	s3 =	sadd.s32 s3, s9;
	s6 =	sadd.s32 @!p0 $0x88, s6;
	s7 =	simm.s32 @p2 $0x1082  }
0x22: {  	[simem:s7], [sflag:s8] =	dma.local @!p0 [hbm:s6], $0xF7A  }
0x23: {  	s9 =	sor.u32 $0xD0000000, s2;
	s6 =	simm.s32 $0x108;
	_ =	swait.ge @!p0 [sflag:s8], $0x0  }
0x24: {  	s3 =	sadd.s32 $0x88, s3;
	s6 =	simm.s32 @!p1 $0x1082;
	[sflag:s4] =	ssyncset.s32 $0xFFFFF086  }
0x25: {  	[simem:s6], [sflag:s4] =	dma.local [hbm:s3], $0xF7A  }
0x26: {  	[smem:$0x3F97] =	sst s1;
	(tag) =	ssettag s2;
	_ =	strace s9  }
0x27: {  	s1 =	sld [smem:$0x3FA7]  }
0x28: {  	s2 =	sld [smem:$0x3FA8]  }
0x29: {  	s4 =	sld [smem:$0x3FAA]  }
0x2a: {  	p0 =	seq.s32 s5, $0x0;
	s5 =	sld [smem:$0x3FAB]  }
0x2b: {  	s6 =	sld [smem:$0x3FAC]  }
0x2c: {  	s7 =	sld [smem:$0x3FAD]  }
0x2d: {  	s3 =	simm.s32 $0x108;
	s8 =	sld [smem:$0x3FAE]  }
0x2e: {  	s3 =	simm.s32 @!p0 $0x1082;
	s9 =	sld [smem:$0x3FAF]  }
0x2f: {  	lr =	sadd.s32 s0, s3;
	s0 =	sld [smem:$0x3FA6]  }
0x30: {  	s3 =	sld [smem:$0x3FA9]  }
0x31: {  	[smem:$0x3FB2] =	sst s10  }
0x32: {  	s10 =	sld [smem:$0x3FB0];
	_ =	sdelay $0x3  }
0x33: {  	p0 =	seq.s32 s10, $0x1;
	s10 =	sld [smem:$0x3FB2];
	_ =	sdelay $0x3  }
0x34: {  	[smem:$0x3FB2] =	sst s10  }
0x35: {  	s10 =	sld [smem:$0x3FB1];
	_ =	sdelay $0x3  }
0x36: {  	p1 =	seq.s32 s10, $0x1;
	s10 =	sld [smem:$0x3FB2];
	_ =	sdelay $0x3  }
0x37: {  	[smem:$0x3FB2] =	sst s10  }
0x38: {  	s10 =	sld [smem:$0x3FB3]  }
0x39: {  	_ = 	snop;
	(pc) =	sbr.ind lr, $3  }
0x3a: {  	_ = 	snop  }
0x3b: {  	_ = 	snop  }
0x3c: {  	p2 =	seq.s32 s10, $0x1;
	s10 =	sld [smem:$0x3FB2]  }
0x3d: {  	_ =	shalt  }
0x3e: {  	_ =	shalt  }
0x3f: {  	_ =	shalt  }
0x40: {  	_ =	shalt  }
0x41: {  	_ =	shalt  }
0x42: {  	_ =	shalt  }
0x43: {  	_ =	shalt  }
0x44: {  	_ =	shalt  }
0x45: {  	_ =	shalt  }
0x46: {  	_ =	shalt  }
0x47: {  	_ =	shalt  }
0x48: {  	_ =	shalt  }
0x49: {  	_ =	shalt  }
0x4a: {  	_ =	shalt  }
0x4b: {  	_ =	shalt  }
0x4c: {  	_ =	shalt  }
0x4d: {  	_ =	shalt  }
0x4e: {  	_ =	shalt  }
0x4f: {  	_ =	shalt  }
0x50: {  	_ =	shalt  }
0x51: {  	_ =	shalt  }
0x52: {  	_ =	shalt  }
0x53: {  	_ =	shalt  }
0x54: {  	_ =	shalt  }
0x55: {  	_ =	shalt  }
0x56: {  	_ =	shalt  }
0x57: {  	_ =	shalt  }
0x58: {  	_ =	shalt  }
0x59: {  	_ =	shalt  }
0x5a: {  	_ =	shalt  }
0x5b: {  	_ =	shalt  }
0x5c: {  	_ =	shalt  }
0x5d: {  	_ =	shalt  }
0x5e: {  	_ =	shalt  }
0x5f: {  	_ =	shalt  }
0x60: {  	_ =	shalt  }
0x61: {  	_ =	shalt  }
0x62: {  	_ =	shalt  }
0x63: {  	_ =	shalt  }
0x64: {  	_ =	shalt  }
0x65: {  	_ =	shalt  }
0x66: {  	_ =	shalt  }
0x67: {  	_ =	shalt  }
0x68: {  	_ =	shalt  }
0x69: {  	_ =	shalt  }
0x6a: {  	_ =	shalt  }
0x6b: {  	_ =	shalt  }
0x6c: {  	_ =	shalt  }
0x6d: {  	_ =	shalt  }
0x6e: {  	_ =	shalt  }
0x6f: {  	_ =	shalt  }
0x70: {  	_ =	shalt  }
0x71: {  	_ =	shalt  }
0x72: {  	_ =	shalt  }
0x73: {  	_ =	shalt  }
0x74: {  	_ =	shalt  }
0x75: {  	_ =	shalt  }
0x76: {  	_ =	shalt  }
0x77: {  	_ =	shalt  }
0x78: {  	_ =	shalt  }
0x79: {  	_ =	shalt  }
0x7a: {  	_ =	shalt  }
0x7b: {  	_ =	shalt  }
0x7c: {  	_ =	shalt  }
0x7d: {  	_ =	shalt  }
0x7e: {  	_ =	shalt  }
0x7f: {  	_ =	shalt  }
0x80: {  	_ =	shalt  }
0x81: {  	_ =	shalt  }
0x82: {  	_ =	shalt  }
0x83: {  	_ =	shalt  }
0x84: {  	_ =	shalt  }
0x85: {  	_ =	shalt  }
0x86: {  	_ =	shalt  }
0x87: {  	_ =	shalt  }
.Lfunc_end0:
.L_simem_size_0:
called_computation_lowered:
.L_overlay_start_0:
0x88: {  	s2 =	sld [smem:$0x3FD9]  }
0x89: {  	s3 =	sld [smem:$0x3FFE];
	_ =	sdelay $0x1  }
0x8a: {  	s1 =	srdreg.scid  }
0x8b: {  	s0 =	sand.u32 $0x1, s1  }
0x8c: {  	s17 =	sshll.u32 s0, $0xA;
	s2 =	sadd.s32 s3, s2  }
0x8d: {  	s2 =	sadd.s32 s2, s17  }
0x8e: {  	[smem:$0x3FBE] =	sst s2  }
0x8f: {  	_ = 	snop  }
0x90: {  	s2 =	sld [smem:$0x3FD0];
	(tm) =	ssettm $0x1  }
0x91: {  	s18 =	sld [smem:$0x3FFB];
	_ =	sdelay $0x3  }
0x92: {  	_ =	strace s18  }
0x93: {  	s3 =	sld [smem:$0x3FFC];
	_ =	sdelay $0x3  }
0x94: {  	_ =	strace s3  }
0x95: {  	s3 =	sld [smem:$0x3FFD];
	_ =	sdelay $0x3  }
0x96: {  	_ =	strace s3  }
0x97: {  	_ =	strace $0x8FFFFFFF  }
0x98: {  	s19 =	sld [smem:$0x3FDB];
	_ =	sdelay $0x1  }
0x99: {  	s4 =	simm.s32 $_scs_section_size  }
0x9a: {  	s5 =	simm.s32 $_size__tile_overlayer_lowered;
	s6 =	simm.s32 $_tile_overlayer_lowered  }
0x9b: {  	s22 =	simm.s32 $0x1BFF;
	s21 =	sshll.u32 s6, $0x1;
	s3 =	sadd.s32 s4, s19  }
0x9c: {  	s7 =	simm.s32 $0x0;
	s20 =	sshll.u32 s5, $0x1;
	s5 =	sadd.s32 s21, s3  }
0x9d: {  	[timem:s7], [sflag:s22] =	dma.local [hbm:s5], s20  }
0x9e: {  	_ =	swait.ge [sflag:s22], s20  }
0x9f: {  	s4 =	ssub.s32 $0x0, s20;
	[sflag:s22] =	ssyncset.done $0x0  }
0xa0: {  	[sflag:s22] =	ssyncadd.s32 s4;
	_ =	sdelay $0x1  }
0xa1: {  	s23 =	simm.s32 $0x1B8B  }
0xa2: {  	_ =	swait.ge [sflag:s23], $0x1  }
0xa3: {  	[sflag:s23] =	ssyncset.done $0x0  }
0xa4: {  	s25 =	simm.s32 $0x1B8E;
	s24 =	sld [smem:$0x3FFE];
	[sflag:s23] =	ssyncadd.s32 $0xFFFFFFFF  }
0xa5: {  	s26 =	simm.s32 $execute0_lowered;
	[smem:$0x3FD2] =	sst s25  }
0xa6: {  	s5 =	sshll.u32 s26, $0x1;
	_ =	strace $0x80000046;
	[dreg:$0x1] =	wrdreg $0xFFFFFFFF  }
0xa7: {  	s28 =	simm.s32 $_size_execute0_lowered;
	s3 =	sadd.s32 s3, s5;
	[dreg:$0x0] =	wrdreg $0x0  }
0xa8: {  	s5 =	sshll.u32 s28, $0x1;
	[dreg:$0x2] =	wrdreg s3  }
0xa9: {  	[dreg:$0x3] =	wrdreg s5  }
0xaa: {  	[dreg:$0x4] =	wrdreg $0xC0  }
0xab: {  	_ =	task [dreg:s7], $0x5FFFF  }
0xac: {  	[dreg:$0x1] =	wrdreg $0xFFFFFFFF  }
0xad: {  	[dreg:$0x0] =	wrdreg $0x60  }
0xae: {  	[dreg:$0x2] =	wrdreg s2  }
0xaf: {  	[dreg:$0x3] =	wrdreg s24  }
0xb0: {  	[dreg:$0x4] =	wrdreg $0x9  }
0xb1: {  	_ =	task.clear_ibuf [dreg:s7], $0x5FFFF;
	_ =	strace $0x90000046  }
0xb2: {  	s29 =	simm.s32 $0x9;
	_ =	strace $0x80000048  }
0xb3: {  	_ =	swait.ge [sflag:s29], $0x1  }
0xb4: {  	[sflag:s29] =	ssyncadd.s32 $0xFFFFFFFF  }
0xb5: {  	_ =	strace $0x90000048  }
0xb6: {  	_ =	sfence  }
0xb7: {  	s30 =	sld [smem:$0x0];
	_ =	sdelay $0x2  }
0xb8: {  	s31 =	sshll.u32 s1, $0xD;
	s1 =	sshrl.u32 s1, $0x2  }
0xb9: {  	s3 =	sand.u32 $0x4000, s31;
	s1 =	sadd.s32 s1, s30  }
0xba: {  	s0 =	sor.u32 s3, s0;
	s1 =	sshll.u32 s1, $0x11  }
0xbb: {  	s0 =	sor.u32 s1, s0  }
0xbc: {  	s0 =	sadd.s32 $0x8F2B, s0  }
0xbd: {  	[sflag:s0] =	ssyncadd.remote.s32 $0x1  }
0xbe: {  	_ =	sfence.sel $0xFFFF  }
0xbf: {  	[dreg:$0x0] =	wrdreg $0xFFFFFFFF;
	(pc) =	sbr.abs _section_cstart, $3  }
0xc0: {  	[dreg:$0x1] =	wrdreg $0xFFFFFFFF  }
0xc1: {  	_ =	task.clear_ibuf [dreg:s7], $0x2FFFF;
	_ =	strace $0x9FFFFFFF  }
0xc2: {  	(tm) =	ssettm $0x7FFFFFFF  }
0xc3: {  	_ =	shalt  }
tec
execute0_lowered:
.L_overlay_start_1:
0x0: {  	(tag) =	ssettag $0x1  }
0x1: {  	s0 =	srdreg.scid;
	s3 =	rddreg [dreg:$0x0]  }
0x2: {  	s6 =	rddreg [dreg:$0x1];
	s4 =	sand.u32 $0x1, s0  }
0x3: {  	s0 =	stileid.u32;
	s5 =	smul.u32 $0x4E200, s4  }
0x4: {  	s1 =	rddreg [dreg:$0x2];
	s2 =	simm.s32 $0x0;
	s7 =	smul.u32 $0x4E20, s0  }
0x5: {  	s11 =	simm.s32 $0x9C40;
	s12 =	simm.s32 $0xEA60;
	s8 =	smul.u32 $0x9C400, s4  }
0x6: {  	s13 =	simm.s32 $0x13880;
	s14 =	simm.s32 $0x0;
	s30 =	smul.u32 $0x9C40, s0  }
0x7: {  	[smem:$0x7FF] =	sst s2;
	s9 =	smul.u32 $0x9C4, s4;
	s4 =	ssub.s32 $0x2, s4  }
0x8: {  	_ =	strace $0x80000047;
	s10 =	sshrl.u32 s4, $0x1;
	s5 =	sadd.s32 s7, s5  }
0x9: {  	s7 =	sadd.s32 s30, s8;
	s9 =	sadd.s32 s9, s6;
	s10 =	ssub.s32 s4, s10  }
0xa: {  	s5 =	sshrl.u32 s5, $0x3;
	s7 =	sshrl.u32 s7, $0x3;
	s8 =	smax.u32 s10, $0x1  }
0xb: {  	s10 =	simm.s32 $0x4E20;
	s31 =	sadd.s32 s5, s6;
	s7 =	sadd.s32 s7, s6  }
0xc: {  	s3 =	sadd.s32 s3, s5;
	s5 =	sadd.s32 $0x51A00, s9;
	s6 =	sadd.s32 $0x50600, s9  }
0xd: {  	s9 =	simm.s32 $0x1;
	s4 =	sadd.s32 $0x66A00, s31;
	s7 =	sadd.s32 $0x7A400, s7  }
.LBB2_1:
0xe: {  	[tilespmem:s2], [sflag:$0x1] =	stream.linear.gather [hbm4b:s3+s2], $0x4E20, $0x38;
	[tilespmem:$0x1D4C0] =	vst v63  }
0xf: {  	_ =	swait.ge [sflag:s9], $0x4E20  }
0x10: {  	[sflag:s9] =	ssyncset.done $0x0  }
0x11: {  	[sflag:s9] =	ssyncadd.s32 $0xFFFFB1E0  }
0x12: {  	[tilespmem:s10], [sflag:$0x1] =	stream.linear.gather [hbm4b:s4+s2], $0x4E20, $0x38;
	[tilespmem:$0x1D4C0] =	vst v63  }
0x13: {  	_ =	swait.ge [sflag:s9], $0x4E20  }
0x14: {  	[sflag:s9] =	ssyncset.done $0x0  }
0x15: {  	[sflag:s9] =	ssyncadd.s32 $0xFFFFB1E0  }
0x16: {  	[tilespmem:s11], [sflag:$0x1] =	stream.linear.gather [hbm4b:s5+s2], $0x4E20, $0x38;
	[tilespmem:$0x1D4C0] =	vst v63  }
0x17: {  	_ =	swait.ge [sflag:s9], $0x4E20  }
0x18: {  	[sflag:s9] =	ssyncset.done $0x0  }
0x19: {  	[sflag:s9] =	ssyncadd.s32 $0xFFFFB1E0  }
0x1a: {  	[tilespmem:s12], [sflag:$0x1] =	stream.linear.gather [hbm4b:s6+s2], $0x4E20, $0x38;
	[tilespmem:$0x1D4C0] =	vst v63  }
0x1b: {  	_ =	swait.ge [sflag:s9], $0x4E20  }
0x1c: {  	[sflag:s9] =	ssyncset.done $0x0  }
0x1d: {  	s15 =	simm.s32 $0x100;
	s16 =	simm.s32 $0x138D0;
	[sflag:s9] =	ssyncadd.s32 $0xFFFFB1E0  }
.LBB2_2:
0x1e: {  	s17 =	sshra.s32 s15, $0x2  }
0x1f: {  	v0 =	vld [tilespmem:s17+$0xFFFFFFC0]  }
0x20: {  	v1 =	vld [tilespmem:s17+$0x4DE0];
	_ =	sdelay $0x3  }
0x21: {  	v0 =	vshll.u32 v0, $0x1  }
0x22: {  	v1 =	vshll.u32 v1, $0x1;
	_ =	sdelay $0x3  }
0x23: {  	v2 =	vld.idx.msk [tilespmem:v0+s11+$0x0], $0xffff  }
0x24: {  	v3 =	vld.idx.msk [tilespmem:v1+s12+$0x0], $0xffff;
	_ =	sdelay $0x4  }
0x25: {  	v2 =	vadd.f32 v3, v2;
	_ =	sdelay $0x1  }
0x26: {  	v3 =	vmul.f32 $2.000000030e-01, v2;
	_ =	sdelay $0x1  }
0x27: {  	v2 =	vmax.f32 v2, v3  }
0x28: {  	v2 =	vmul.f32 $1.442695020e+00, v2;
	_ =	sdelay $0x1  }
0x29: {  	(erf) = vpow2.f32 v2;
	_ =	sdelay $0x5  }
0x2a: {  	v0 =	vor.u32 $0x1, v0  }
0x2b: {  	v1 =	vor.u32 $0x1, v1;
	_ =	sdelay $0x1  }
0x2c: {  	v2 =	vpop (erf)  }
0x2d: {  	[tilespmem:s16+$0xFFFFFFB0] =	vst v2  }
0x2e: {  	v0 =	vld.idx.msk [tilespmem:v0+s11+$0x0], $0xffff  }
0x2f: {  	v1 =	vld.idx.msk [tilespmem:v1+s12+$0x0], $0xffff;
	_ =	sdelay $0x4  }
0x30: {  	v0 =	vadd.f32 v1, v0;
	_ =	sdelay $0x1  }
0x31: {  	v1 =	vmul.f32 $2.000000030e-01, v0;
	_ =	sdelay $0x1  }
0x32: {  	v0 =	vmax.f32 v0, v1  }
0x33: {  	v0 =	vmul.f32 $1.442695020e+00, v0;
	_ =	sdelay $0x1  }
0x34: {  	(erf) = vpow2.f32 v0;
	_ =	sdelay $0x8  }
0x35: {  	v0 =	vpop (erf)  }
0x36: {  	[tilespmem:s16+$0x0] =	vst v0  }
0x37: {  	v0 =	vld [tilespmem:s17+$0xFFFFFFD0]  }
0x38: {  	v56 =	vld [tilespmem:s17+$0x4DF0];
	_ =	sdelay $0x3  }
0x39: {  	v0 =	vshll.u32 v0, $0x1  }
0x3a: {  	v1 =	vshll.u32 v56, $0x1;
	_ =	sdelay $0x3  }
0x3b: {  	v2 =	vld.idx.msk [tilespmem:v0+s11+$0x0], $0xffff  }
0x3c: {  	v57 =	vld.idx.msk [tilespmem:v1+s12+$0x0], $0xffff;
	_ =	sdelay $0x4  }
0x3d: {  	v2 =	vadd.f32 v57, v2;
	_ =	sdelay $0x1  }
0x3e: {  	v3 =	vmul.f32 $2.000000030e-01, v2;
	_ =	sdelay $0x1  }
0x3f: {  	v2 =	vmax.f32 v2, v3  }
0x40: {  	v2 =	vmul.f32 $1.442695020e+00, v2;
	_ =	sdelay $0x1  }
0x41: {  	(erf) = vpow2.f32 v2;
	_ =	sdelay $0x5  }
0x42: {  	v0 =	vor.u32 $0x1, v0  }
0x43: {  	v1 =	vor.u32 $0x1, v1;
	_ =	sdelay $0x1  }
0x44: {  	v2 =	vpop (erf)  }
0x45: {  	[tilespmem:s16+$0xFFFFFFC0] =	vst v2  }
0x46: {  	v0 =	vld.idx.msk [tilespmem:v0+s11+$0x0], $0xffff  }
0x47: {  	v1 =	vld.idx.msk [tilespmem:v1+s12+$0x0], $0xffff;
	_ =	sdelay $0x4  }
0x48: {  	v0 =	vadd.f32 v1, v0;
	_ =	sdelay $0x1  }
0x49: {  	v1 =	vmul.f32 $2.000000030e-01, v0;
	_ =	sdelay $0x1  }
0x4a: {  	v0 =	vmax.f32 v0, v1  }
0x4b: {  	v0 =	vmul.f32 $1.442695020e+00, v0;
	_ =	sdelay $0x1  }
0x4c: {  	(erf) = vpow2.f32 v0;
	_ =	sdelay $0x8  }
0x4d: {  	v0 =	vpop (erf)  }
0x4e: {  	[tilespmem:s16+$0x10] =	vst v0  }
0x4f: {  	v0 =	vld [tilespmem:s17+$0xFFFFFFE0]  }
0x50: {  	v58 =	vld [tilespmem:s17+$0x4E00];
	_ =	sdelay $0x3  }
0x51: {  	v0 =	vshll.u32 v0, $0x1  }
0x52: {  	v1 =	vshll.u32 v58, $0x1;
	_ =	sdelay $0x3  }
0x53: {  	v2 =	vld.idx.msk [tilespmem:v0+s11+$0x0], $0xffff  }
0x54: {  	v59 =	vld.idx.msk [tilespmem:v1+s12+$0x0], $0xffff;
	_ =	sdelay $0x4  }
0x55: {  	v2 =	vadd.f32 v59, v2;
	_ =	sdelay $0x1  }
0x56: {  	v3 =	vmul.f32 $2.000000030e-01, v2;
	_ =	sdelay $0x1  }
0x57: {  	v2 =	vmax.f32 v2, v3  }
0x58: {  	v2 =	vmul.f32 $1.442695020e+00, v2;
	_ =	sdelay $0x1  }
0x59: {  	(erf) = vpow2.f32 v2;
	_ =	sdelay $0x5  }
0x5a: {  	v0 =	vor.u32 $0x1, v0  }
0x5b: {  	v1 =	vor.u32 $0x1, v1;
	_ =	sdelay $0x1  }
0x5c: {  	v2 =	vpop (erf)  }
0x5d: {  	[tilespmem:s16+$0xFFFFFFD0] =	vst v2  }
0x5e: {  	v0 =	vld.idx.msk [tilespmem:v0+s11+$0x0], $0xffff  }
0x5f: {  	v1 =	vld.idx.msk [tilespmem:v1+s12+$0x0], $0xffff;
	_ =	sdelay $0x4  }
0x60: {  	v0 =	vadd.f32 v1, v0;
	_ =	sdelay $0x1  }
0x61: {  	v1 =	vmul.f32 $2.000000030e-01, v0;
	_ =	sdelay $0x1  }
0x62: {  	v0 =	vmax.f32 v0, v1  }
0x63: {  	v0 =	vmul.f32 $1.442695020e+00, v0;
	_ =	sdelay $0x1  }
0x64: {  	(erf) = vpow2.f32 v0;
	_ =	sdelay $0x8  }
0x65: {  	v0 =	vpop (erf)  }
0x66: {  	[tilespmem:s16+$0x20] =	vst v0  }
0x67: {  	v0 =	vld [tilespmem:s17+$0xFFFFFFF0]  }
0x68: {  	v60 =	vld [tilespmem:s17+$0x4E10];
	_ =	sdelay $0x3  }
0x69: {  	v0 =	vshll.u32 v0, $0x1  }
0x6a: {  	v1 =	vshll.u32 v60, $0x1;
	_ =	sdelay $0x3  }
0x6b: {  	v2 =	vld.idx.msk [tilespmem:v0+s11+$0x0], $0xffff  }
0x6c: {  	v61 =	vld.idx.msk [tilespmem:v1+s12+$0x0], $0xffff;
	_ =	sdelay $0x4  }
0x6d: {  	v2 =	vadd.f32 v61, v2;
	_ =	sdelay $0x1  }
0x6e: {  	v3 =	vmul.f32 $2.000000030e-01, v2;
	_ =	sdelay $0x1  }
0x6f: {  	v2 =	vmax.f32 v2, v3  }
0x70: {  	v2 =	vmul.f32 $1.442695020e+00, v2;
	_ =	sdelay $0x1  }
0x71: {  	(erf) = vpow2.f32 v2;
	_ =	sdelay $0x5  }
0x72: {  	v0 =	vor.u32 $0x1, v0  }
0x73: {  	v1 =	vor.u32 $0x1, v1;
	_ =	sdelay $0x1  }
0x74: {  	v2 =	vpop (erf)  }
0x75: {  	[tilespmem:s16+$0xFFFFFFE0] =	vst v2  }
0x76: {  	v0 =	vld.idx.msk [tilespmem:v0+s11+$0x0], $0xffff  }
0x77: {  	v1 =	vld.idx.msk [tilespmem:v1+s12+$0x0], $0xffff;
	_ =	sdelay $0x4  }
0x78: {  	v0 =	vadd.f32 v1, v0;
	_ =	sdelay $0x1  }
0x79: {  	v1 =	vmul.f32 $2.000000030e-01, v0;
	_ =	sdelay $0x1  }
0x7a: {  	v0 =	vmax.f32 v0, v1  }
0x7b: {  	v0 =	vmul.f32 $1.442695020e+00, v0;
	_ =	sdelay $0x1  }
0x7c: {  	(erf) = vpow2.f32 v0;
	_ =	sdelay $0x8  }
0x7d: {  	v0 =	vpop (erf)  }
0x7e: {  	[tilespmem:s16+$0x30] =	vst v0  }
0x7f: {  	v0 =	vld [tilespmem:s17+$0x0]  }
0x80: {  	v62 =	vld [tilespmem:s17+$0x4E20];
	_ =	sdelay $0x3  }
0x81: {  	v0 =	vshll.u32 v0, $0x1  }
0x82: {  	v1 =	vshll.u32 v62, $0x1;
	_ =	sdelay $0x3  }
0x83: {  	v2 =	vld.idx.msk [tilespmem:v0+s11+$0x0], $0xffff  }
0x84: {  	v63 =	vld.idx.msk [tilespmem:v1+s12+$0x0], $0xffff;
	_ =	sdelay $0x4  }
0x85: {  	v2 =	vadd.f32 v63, v2;
	_ =	sdelay $0x1  }
0x86: {  	v3 =	vmul.f32 $2.000000030e-01, v2;
	_ =	sdelay $0x1  }
0x87: {  	v2 =	vmax.f32 v2, v3  }
0x88: {  	v2 =	vmul.f32 $1.442695020e+00, v2;
	_ =	sdelay $0x1  }
0x89: {  	(erf) = vpow2.f32 v2;
	_ =	sdelay $0x5  }
0x8a: {  	v0 =	vor.u32 $0x1, v0  }
0x8b: {  	v1 =	vor.u32 $0x1, v1;
	_ =	sdelay $0x1  }
0x8c: {  	v2 =	vpop (erf)  }
0x8d: {  	[tilespmem:s16+$0xFFFFFFF0] =	vst v2  }
0x8e: {  	v0 =	vld.idx.msk [tilespmem:v0+s11+$0x0], $0xffff  }
0x8f: {  	v1 =	vld.idx.msk [tilespmem:v1+s12+$0x0], $0xffff;
	_ =	sdelay $0x4  }
0x90: {  	v0 =	vadd.f32 v1, v0;
	_ =	sdelay $0x1  }
0x91: {  	v1 =	vmul.f32 $2.000000030e-01, v0;
	_ =	sdelay $0x1  }
0x92: {  	v0 =	vmax.f32 v0, v1  }
0x93: {  	v0 =	vmul.f32 $1.442695020e+00, v0;
	_ =	sdelay $0x1  }
0x94: {  	(erf) = vpow2.f32 v0;
	_ =	sdelay $0x4  }
0x95: {  	p0 =	sne.s32 s15, $0x13840  }
.Ltmp0:
0x96: {  	_ = 	snop;
	(pc) =	sbr.rel @p0 .LBB2_2-.Ltmp0, $3  }
0x97: {  	_ =	sdelay $0x1  }
0x98: {  	v0 =	vpop (erf)  }
0x99: {  	s15 =	sadd.s32 $0x140, s15;
	[tilespmem:s16+$0x40] =	vst v0;
	s16 =	sadd.s32 $0xA0, s16  }
0x9a: {  	s14 =	sadd.s32 $0x1, s14  }
0x9b: {  	p0 =	sne.s32 s14, s8  }
.Ltmp1:
0x9c: {  	_ = 	snop;
	(pc) =	sbr.rel @p0 .LBB2_1-.Ltmp1, $4  }
0x9d: {  	[hbm4b:s7+s2] =	stream.linear.scatter [tilespmem:s13], [sflag:$0x1], $0x9C40, $0x38;
	[tilespmem:$0x1D4C0] =	vst v63  }
0x9e: {  	_ =	swait.ge [sflag:s9], $0x9C40  }
0x9f: {  	[sflag:s9] =	ssyncset.done $0x0  }
0xa0: {  	[sflag:s9] =	ssyncadd.s32 $0xFFFF63C0  }
0xa1: {  	_ =	sfence.sel $0x180000  }
0xa2: {  	[bflag:$0x0] =	sbarrier.arrive $0xFFFF  }
0xa3: {  	p0 =	sne.s32 s0, $0x0;
	_ =	strace $0x90000047  }
0xa4: {  	s0 =	sadd.s32 @!p0 $0x100000, s1;
	[bflag:$0x2] =	sbarrier.arrive $0xFFFF  }
0xa5: {  	[sflag:s0] =	ssyncadd.tile.s32 @!p0 $0x1;
	_ =	shalt  }
.Lfunc_end2:
_tile_overlayer_lowered:
.L_overlay_start_2:
0xa6: {  	(tag) =	ssettag $0x2  }
0xa7: {  	s0 =	rddreg [dreg:$0x0];
	s2 =	stileid.u32  }
0xa8: {  	s1 =	rddreg [dreg:$0x1];
	p0 =	sne.s32 s2, $0x0  }
0xa9: {  	s3 =	rddreg [dreg:$0x2];
	[bflag:$0x3] =	sbarrier.arrive $0xFFFF;
	s2 =	simm.s32 @!p0 $0x1C01  }
0xaa: {  	[timem:s3], [sflag:s2] =	dma.local @!p0 [hbm:s0], s1  }
0xab: {  	s0 =	simm.s32 @!p0 $0x1  }
0xac: {  	_ =	swait.ge @!p0 [sflag:s0], s1  }
0xad: {  	s1 =	ssub.s32 @!p0 $0x0, s1;
	[sflag:s0] =	ssyncset.done @!p0 $0x0  }
0xae: {  	[sflag:s0] =	ssyncadd.s32 @!p0 s1  }
0xaf: {  	[bflag:$0x3] =	sbarrier.arrive $0xFFFF  }
0xb0: {  	_ =	shalt  }

</sc_bundles>
